<compile_context>
chip_gen: v7x
topology: tpu7x:2x2x1
jax: 0.10.2.dev20260603
libtpu: 0.0.44.dev20260713+nightly
codegen_flags: <defaults>
</compile_context>

<pallas_src>
import functools

import jax
import jax.numpy as jnp
from jax import lax
from jax.experimental import pallas as pl
from jax.experimental.pallas import tpu as pltpu
from jax.experimental.pallas import tpu_sc as plsc

B, S, D = 4096, 200, 64
NC, NS, L = 2, 16, 16
NW = NC * NS
BPW = B // NW
R = 8
SLOTS = R + 1

_mesh = plsc.VectorSubcoreMesh(core_axis_name="c", subcore_axis_name="s")


@functools.partial(
    pl.kernel,
    mesh=_mesh,
    out_type=jax.ShapeDtypeStruct((D, B), jnp.float32),
    scratch_types=[
        pltpu.VMEM((BPW,), jnp.int32),
        pltpu.VMEM((SLOTS, D, BPW), jnp.float32),
        pltpu.VMEM((D, BPW), jnp.float32),
        pltpu.SMEM((BPW,), jnp.int32),
        pltpu.SMEM((S,), jnp.int32),
        pltpu.SMEM((BPW,), jnp.int32),
        pltpu.SMEM((BPW,), jnp.int32),
        pltpu.SMEM((BPW,), jnp.int32),
        pltpu.SemaphoreType.DMA((SLOTS,)),
    ],
    compiler_params=pltpu.CompilerParams(needs_layout_passes=False),
)
def _fetch(seq_t_hbm, idx_hbm, out_hbm, idx_v, stage_v, cols_v,
           sidx, pres, fs, heads, nxt, sems):
    wid = lax.axis_index("s") * NC + lax.axis_index("c")
    base = wid * BPW
    pltpu.sync_copy(idx_hbm.at[pl.ds(base, BPW)], idx_v)

    lane = lax.iota(jnp.int32, L)

    def fire(k):
        slot = lax.rem(k, SLOTS)
        pltpu.async_copy(
            seq_t_hbm.at[fs[k], :, pl.ds(base, BPW)],
            stage_v.at[slot],
            sems.at[slot],
        )
        return 0

    def initp(t, carry):
        pres[t] = -1
        return carry

    lax.fori_loop(0, S, initp, 0)

    def claim(s, i, nf):
        pres[s] = nf
        fs[nf] = s
        heads[nf] = i
        nxt[i] = -1
        lax.cond(nf < R, lambda: fire(nf), lambda: 0)
        return nf + 1

    def chain(p, i, nf):
        nxt[i] = heads[p]
        heads[p] = i
        return nf

    def dedup(i, nf):
        s = sidx[i]
        p = pres[s]
        return lax.cond(p < 0, lambda: claim(s, i, nf), lambda: chain(p, i, nf))

    nf = 0
    for c in range(BPW // L):
        vobj = idx_v[pl.ds(c * L, L)]
        for k in range(L):
            sidx[c * L + k] = jnp.max(jnp.where(lane == k, vobj, 0))
        nf = lax.fori_loop(c * L, (c + 1) * L, dedup, nf)


    rows = [q * L + lane for q in range(D // L)]

    def extract(slot, i):
        col = jnp.full((L,), i, jnp.int32)
        for q in range(D // L):
            vals = plsc.load_gather(stage_v.at[slot], [rows[q], col])
            plsc.store_scatter(cols_v, [rows[q], col], vals)

    def process(k, carry):
        slot = lax.rem(k, SLOTS)
        pltpu.make_async_copy(
            seq_t_hbm.at[0, :, pl.ds(base, BPW)],
            stage_v.at[slot],
            sems.at[slot],
        ).wait()

        lax.cond(k + R < nf, lambda: fire(k + R), lambda: 0)

        def body(i):
            extract(slot, i)
            return nxt[i]

        lax.while_loop(lambda i: i >= 0, body, heads[k])
        return carry

    lax.fori_loop(0, nf, process, 0)

    pltpu.sync_copy(cols_v, out_hbm.at[:, pl.ds(base, BPW)])


def kernel(seq, obj_idx):
    seq_t = jnp.transpose(seq, (1, 2, 0))
    idx = obj_idx.astype(jnp.int32)
    out_t = _fetch(seq_t, idx)
    return jnp.transpose(out_t, (1, 0))

# --- scband reference (transcript-rebuilt; emitter-appended) ---
"""Pipeline reference for scband-fetcher-69999376990306 (READ-ONLY COPY).

The authoritative reference and input builder live on the scoring server;
editing this copy changes nothing except your own understanding.
"""

import jax, jax.numpy as jnp
import numpy as np


def setup_inputs(seed: int = 0) -> dict:
    key = jax.random.key(seed)
    k1, k2 = jax.random.split(key)
    seq = jax.random.normal(k1, (4096, 200, 64), dtype=jnp.float32)
    obj_idx = jax.random.randint(k2, (4096,), 0, 200, dtype=jnp.int64 if jax.config.read('jax_enable_x64') else jnp.int32)
    return {"seq": seq, "obj_idx": obj_idx}


def reference(seq, obj_idx):
    # Faithful translation of: seq[torch.arange(0, seq.shape[0], 1), obj_idx]
    batch_idx = jnp.arange(seq.shape[0])
    return seq[batch_idx, obj_idx]

if __name__ == "__main__":
    import jax
    _d = setup_inputs()
    print(jax.jit(kernel)(*tuple(_d.values())))

</pallas_src>

<mosaic_0001>
#map = affine_map<(d0, d1) -> (0, 0, 0)>
#map1 = affine_map<(d0, d1) -> (0)>
#map2 = affine_map<(d0, d1) -> (0, 0)>
module attributes {stable_mosaic.version = 14 : i64} {
  func.func @_fetch(%arg0: i32, %arg1: i32, %arg2: memref<200x64x4096xf32, #tpu.memory_space<hbm>>, %arg3: memref<4096xi32, #tpu.memory_space<hbm>>, %arg4: memref<64x4096xf32, #tpu.memory_space<hbm>>, %arg5: memref<128xi32, #tpu.memory_space<vmem>>, %arg6: memref<9x64x128xf32, #tpu.memory_space<vmem>>, %arg7: memref<64x128xf32, #tpu.memory_space<vmem>>, %arg8: memref<128xi32, #tpu.memory_space<smem>>, %arg9: memref<200xi32, #tpu.memory_space<smem>>, %arg10: memref<128xi32, #tpu.memory_space<smem>>, %arg11: memref<128xi32, #tpu.memory_space<smem>>, %arg12: memref<128xi32, #tpu.memory_space<smem>>, %arg13: memref<9x!tpu.dma_semaphore, #tpu.memory_space<semaphore_mem>>) attributes {dimension_semantics = [#tpu.dimension_semantics<core_parallel>, #tpu.dimension_semantics<subcore_parallel>], iteration_bounds = array<i64: 2, 16>, scalar_prefetch = 0 : i64, scratch_operands = 9 : i64, tpu.core_type = #tpu.core_type<sc_vector_subcore>, window_params = [{transform_indices = #map}, {transform_indices = #map1}, {transform_indices = #map2}]} {
    %mul3A = arith.constant 2 : i32
    %mul3A_0 = arith.muli %arg1, %mul3A : i32
    %add3A = arith.addi %mul3A_0, %arg0 : i32
    %mul3A_1 = arith.constant 128 : i32
    %mul3A_2 = arith.muli %add3A, %mul3A_1 : i32
    "tpu.region"() ({
      %run_scoped3A = tpu.sem_alloc : memref<!tpu.dma_semaphore, #tpu.memory_space<semaphore_mem>>
      %dma_start3A = tpu.memref_slice %arg3[%mul3A_2] : memref<4096xi32, #tpu.memory_space<hbm>> -> memref<128xi32, #tpu.memory_space<hbm>>
      %dma_start3A_2263 = tpu.memref_slice %arg3[%mul3A_2] : memref<4096xi32, #tpu.memory_space<hbm>> -> memref<128xi32, #tpu.memory_space<hbm>>
      tpu.enqueue_dma source(%dma_start3A_2263 : memref<128xi32, #tpu.memory_space<hbm>>) target(%arg5 : memref<128xi32, #tpu.memory_space<vmem>>) target_semaphore(%run_scoped3A : memref<!tpu.dma_semaphore, #tpu.memory_space<semaphore_mem>>)
      %dma_wait3A = tpu.memref_slice %arg3[%mul3A_2] : memref<4096xi32, #tpu.memory_space<hbm>> -> memref<128xi32, #tpu.memory_space<hbm>>
      %dma_wait3A_2264 = tpu.memref_slice %arg3[%mul3A_2] : memref<4096xi32, #tpu.memory_space<hbm>> -> memref<128xi32, #tpu.memory_space<hbm>>
      tpu.wait_dma2 semaphore(%run_scoped3A : memref<!tpu.dma_semaphore, #tpu.memory_space<semaphore_mem>>) src(%dma_wait3A_2264 : memref<128xi32, #tpu.memory_space<hbm>>) dst(%arg5 : memref<128xi32, #tpu.memory_space<vmem>>)
      tpu.yield
    }) : () -> ()
    %iota3A = tpu.iota {dimensions = array<i32: 0>} : vector<16xi32>
    %scan3A = arith.constant 0 : i32
    %scan3A_3 = arith.constant 0 : i32
    %scan3A_4 = arith.constant 200 : i32
    %scan3A_5 = arith.addi %scan3A_3, %scan3A_4 : i32
    %scan3A_6 = arith.constant 1 : i32
    scf.for %scan3A_2263 = %scan3A_3 to %scan3A_5 step %scan3A_6  : i32 {
      %swap3A_2264 = arith.constant -1 : i32
      %swap3A_2265 = arith.index_cast %scan3A_2263 : i32 to index
      %swap3A_2266 = memref.load %arg9[%swap3A_2265] : memref<200xi32, #tpu.memory_space<smem>>
      memref.store %swap3A_2264, %arg9[%swap3A_2265] : memref<200xi32, #tpu.memory_space<smem>>
    }
    %scan3A_7 = arith.constant 200 : i32
    %get3A = arith.constant 0 : index
    %get3A_8 = tpu.vector_load %arg5[%get3A] {strides = array<i32>} : memref<128xi32, #tpu.memory_space<vmem>>, vector<16xi32>,
    %eq3A = arith.constant 0 : i32
    %eq3A_9 = vector.broadcast %eq3A : i32 to vector<16xi32>
    %eq3A_10 = arith.cmpi eq, %iota3A, %eq3A_9 : vector<16xi32>
    %jit3A = arith.constant 0 : i32
    %broadcast_in_dim3A = vector.broadcast %jit3A : i32 to vector<16xi32>
    %select_n3A = arith.select %eq3A_10, %get3A_8, %broadcast_in_dim3A : vector<16xi1>, vector<16xi32>
    %reduce_max3A = arith.constant true
    %reduce_max3A_11 = vector.broadcast %reduce_max3A : i1 to vector<16xi1>
    %reduce_max3A_12 = arith.constant -2147483648 : i32
    %reduce_max3A_13 = vector.broadcast %reduce_max3A_12 : i32 to vector<16xi32>
    %reduce_max3A_14 = arith.xori %select_n3A, %reduce_max3A_13 : vector<16xi32>
    %reduce_max3A_15 = tpu.scan <max>, %reduce_max3A_14 masked %reduce_max3A_11 : vector<16xi32>, vector<16xi1> -> vector<16xi32>
    %reduce_max3A_16 = arith.xori %reduce_max3A_15, %reduce_max3A_13 : vector<16xi32>
    %reduce_max3A_17 = vector.extract %reduce_max3A_16[15] : i32 from vector<16xi32>
    %swap3A = arith.constant 0 : i32
    %swap3A_18 = arith.index_cast %swap3A : i32 to index
    %swap3A_19 = memref.load %arg8[%swap3A_18] : memref<128xi32, #tpu.memory_space<smem>>
    memref.store %reduce_max3A_17, %arg8[%swap3A_18] : memref<128xi32, #tpu.memory_space<smem>>
    %eq3A_20 = arith.constant 1 : i32
    %eq3A_21 = vector.broadcast %eq3A_20 : i32 to vector<16xi32>
    %eq3A_22 = arith.cmpi eq, %iota3A, %eq3A_21 : vector<16xi32>
    %jit3A_23 = arith.constant 0 : i32
    %broadcast_in_dim3A_24 = vector.broadcast %jit3A_23 : i32 to vector<16xi32>
    %select_n3A_25 = arith.select %eq3A_22, %get3A_8, %broadcast_in_dim3A_24 : vector<16xi1>, vector<16xi32>
    %reduce_max3A_26 = arith.constant true
    %reduce_max3A_27 = vector.broadcast %reduce_max3A_26 : i1 to vector<16xi1>
    %reduce_max3A_28 = arith.constant -2147483648 : i32
    %reduce_max3A_29 = vector.broadcast %reduce_max3A_28 : i32 to vector<16xi32>
    %reduce_max3A_30 = arith.xori %select_n3A_25, %reduce_max3A_29 : vector<16xi32>
    %reduce_max3A_31 = tpu.scan <max>, %reduce_max3A_30 masked %reduce_max3A_27 : vector<16xi32>, vector<16xi1> -> vector<16xi32>
    %reduce_max3A_32 = arith.xori %reduce_max3A_31, %reduce_max3A_29 : vector<16xi32>
    %reduce_max3A_33 = vector.extract %reduce_max3A_32[15] : i32 from vector<16xi32>
    %swap3A_34 = arith.constant 1 : i32
    %swap3A_35 = arith.index_cast %swap3A_34 : i32 to index
    %swap3A_36 = memref.load %arg8[%swap3A_35] : memref<128xi32, #tpu.memory_space<smem>>
    memref.store %reduce_max3A_33, %arg8[%swap3A_35] : memref<128xi32, #tpu.memory_space<smem>>
    %eq3A_37 = arith.constant 2 : i32
    %eq3A_38 = vector.broadcast %eq3A_37 : i32 to vector<16xi32>
    %eq3A_39 = arith.cmpi eq, %iota3A, %eq3A_38 : vector<16xi32>
    %jit3A_40 = arith.constant 0 : i32
    %broadcast_in_dim3A_41 = vector.broadcast %jit3A_40 : i32 to vector<16xi32>
    %select_n3A_42 = arith.select %eq3A_39, %get3A_8, %broadcast_in_dim3A_41 : vector<16xi1>, vector<16xi32>
    %reduce_max3A_43 = arith.constant true
    %reduce_max3A_44 = vector.broadcast %reduce_max3A_43 : i1 to vector<16xi1>
    %reduce_max3A_45 = arith.constant -2147483648 : i32
    %reduce_max3A_46 = vector.broadcast %reduce_max3A_45 : i32 to vector<16xi32>
    %reduce_max3A_47 = arith.xori %select_n3A_42, %reduce_max3A_46 : vector<16xi32>
    %reduce_max3A_48 = tpu.scan <max>, %reduce_max3A_47 masked %reduce_max3A_44 : vector<16xi32>, vector<16xi1> -> vector<16xi32>
    %reduce_max3A_49 = arith.xori %reduce_max3A_48, %reduce_max3A_46 : vector<16xi32>
    %reduce_max3A_50 = vector.extract %reduce_max3A_49[15] : i32 from vector<16xi32>
    %swap3A_51 = arith.constant 2 : i32
    %swap3A_52 = arith.index_cast %swap3A_51 : i32 to index
    %swap3A_53 = memref.load %arg8[%swap3A_52] : memref<128xi32, #tpu.memory_space<smem>>
    memref.store %reduce_max3A_50, %arg8[%swap3A_52] : memref<128xi32, #tpu.memory_space<smem>>
    %eq3A_54 = arith.constant 3 : i32
    %eq3A_55 = vector.broadcast %eq3A_54 : i32 to vector<16xi32>
    %eq3A_56 = arith.cmpi eq, %iota3A, %eq3A_55 : vector<16xi32>
    %jit3A_57 = arith.constant 0 : i32
    %broadcast_in_dim3A_58 = vector.broadcast %jit3A_57 : i32 to vector<16xi32>
    %select_n3A_59 = arith.select %eq3A_56, %get3A_8, %broadcast_in_dim3A_58 : vector<16xi1>, vector<16xi32>
    %reduce_max3A_60 = arith.constant true
    %reduce_max3A_61 = vector.broadcast %reduce_max3A_60 : i1 to vector<16xi1>
    %reduce_max3A_62 = arith.constant -2147483648 : i32
    %reduce_max3A_63 = vector.broadcast %reduce_max3A_62 : i32 to vector<16xi32>
    %reduce_max3A_64 = arith.xori %select_n3A_59, %reduce_max3A_63 : vector<16xi32>
    %reduce_max3A_65 = tpu.scan <max>, %reduce_max3A_64 masked %reduce_max3A_61 : vector<16xi32>, vector<16xi1> -> vector<16xi32>
    %reduce_max3A_66 = arith.xori %reduce_max3A_65, %reduce_max3A_63 : vector<16xi32>
    %reduce_max3A_67 = vector.extract %reduce_max3A_66[15] : i32 from vector<16xi32>
    %swap3A_68 = arith.constant 3 : i32
    %swap3A_69 = arith.index_cast %swap3A_68 : i32 to index
    %swap3A_70 = memref.load %arg8[%swap3A_69] : memref<128xi32, #tpu.memory_space<smem>>
    memref.store %reduce_max3A_67, %arg8[%swap3A_69] : memref<128xi32, #tpu.memory_space<smem>>
    %eq3A_71 = arith.constant 4 : i32
    %eq3A_72 = vector.broadcast %eq3A_71 : i32 to vector<16xi32>
    %eq3A_73 = arith.cmpi eq, %iota3A, %eq3A_72 : vector<16xi32>
    %jit3A_74 = arith.constant 0 : i32
    %broadcast_in_dim3A_75 = vector.broadcast %jit3A_74 : i32 to vector<16xi32>
    %select_n3A_76 = arith.select %eq3A_73, %get3A_8, %broadcast_in_dim3A_75 : vector<16xi1>, vector<16xi32>
    %reduce_max3A_77 = arith.constant true
    %reduce_max3A_78 = vector.broadcast %reduce_max3A_77 : i1 to vector<16xi1>
    %reduce_max3A_79 = arith.constant -2147483648 : i32
    %reduce_max3A_80 = vector.broadcast %reduce_max3A_79 : i32 to vector<16xi32>
    %reduce_max3A_81 = arith.xori %select_n3A_76, %reduce_max3A_80 : vector<16xi32>
    %reduce_max3A_82 = tpu.scan <max>, %reduce_max3A_81 masked %reduce_max3A_78 : vector<16xi32>, vector<16xi1> -> vector<16xi32>
    %reduce_max3A_83 = arith.xori %reduce_max3A_82, %reduce_max3A_80 : vector<16xi32>
    %reduce_max3A_84 = vector.extract %reduce_max3A_83[15] : i32 from vector<16xi32>
    %swap3A_85 = arith.constant 4 : i32
    %swap3A_86 = arith.index_cast %swap3A_85 : i32 to index
    %swap3A_87 = memref.load %arg8[%swap3A_86] : memref<128xi32, #tpu.memory_space<smem>>
    memref.store %reduce_max3A_84, %arg8[%swap3A_86] : memref<128xi32, #tpu.memory_space<smem>>
    %eq3A_88 = arith.constant 5 : i32
    %eq3A_89 = vector.broadcast %eq3A_88 : i32 to vector<16xi32>
    %eq3A_90 = arith.cmpi eq, %iota3A, %eq3A_89 : vector<16xi32>
    %jit3A_91 = arith.constant 0 : i32
    %broadcast_in_dim3A_92 = vector.broadcast %jit3A_91 : i32 to vector<16xi32>
    %select_n3A_93 = arith.select %eq3A_90, %get3A_8, %broadcast_in_dim3A_92 : vector<16xi1>, vector<16xi32>
    %reduce_max3A_94 = arith.constant true
    %reduce_max3A_95 = vector.broadcast %reduce_max3A_94 : i1 to vector<16xi1>
    %reduce_max3A_96 = arith.constant -2147483648 : i32
    %reduce_max3A_97 = vector.broadcast %reduce_max3A_96 : i32 to vector<16xi32>
    %reduce_max3A_98 = arith.xori %select_n3A_93, %reduce_max3A_97 : vector<16xi32>
    %reduce_max3A_99 = tpu.scan <max>, %reduce_max3A_98 masked %reduce_max3A_95 : vector<16xi32>, vector<16xi1> -> vector<16xi32>
    %reduce_max3A_100 = arith.xori %reduce_max3A_99, %reduce_max3A_97 : vector<16xi32>
    %reduce_max3A_101 = vector.extract %reduce_max3A_100[15] : i32 from vector<16xi32>
    %swap3A_102 = arith.constant 5 : i32
    %swap3A_103 = arith.index_cast %swap3A_102 : i32 to index
    %swap3A_104 = memref.load %arg8[%swap3A_103] : memref<128xi32, #tpu.memory_space<smem>>
    memref.store %reduce_max3A_101, %arg8[%swap3A_103] : memref<128xi32, #tpu.memory_space<smem>>
    %eq3A_105 = arith.constant 6 : i32
    %eq3A_106 = vector.broadcast %eq3A_105 : i32 to vector<16xi32>
    %eq3A_107 = arith.cmpi eq, %iota3A, %eq3A_106 : vector<16xi32>
    %jit3A_108 = arith.constant 0 : i32
    %broadcast_in_dim3A_109 = vector.broadcast %jit3A_108 : i32 to vector<16xi32>
    %select_n3A_110 = arith.select %eq3A_107, %get3A_8, %broadcast_in_dim3A_109 : vector<16xi1>, vector<16xi32>
    %reduce_max3A_111 = arith.constant true
    %reduce_max3A_112 = vector.broadcast %reduce_max3A_111 : i1 to vector<16xi1>
    %reduce_max3A_113 = arith.constant -2147483648 : i32
    %reduce_max3A_114 = vector.broadcast %reduce_max3A_113 : i32 to vector<16xi32>
    %reduce_max3A_115 = arith.xori %select_n3A_110, %reduce_max3A_114 : vector<16xi32>
    %reduce_max3A_116 = tpu.scan <max>, %reduce_max3A_115 masked %reduce_max3A_112 : vector<16xi32>, vector<16xi1> -> vector<16xi32>
    %reduce_max3A_117 = arith.xori %reduce_max3A_116, %reduce_max3A_114 : vector<16xi32>
    %reduce_max3A_118 = vector.extract %reduce_max3A_117[15] : i32 from vector<16xi32>
    %swap3A_119 = arith.constant 6 : i32
    %swap3A_120 = arith.index_cast %swap3A_119 : i32 to index
    %swap3A_121 = memref.load %arg8[%swap3A_120] : memref<128xi32, #tpu.memory_space<smem>>
    memref.store %reduce_max3A_118, %arg8[%swap3A_120] : memref<128xi32, #tpu.memory_space<smem>>
    %eq3A_122 = arith.constant 7 : i32
    %eq3A_123 = vector.broadcast %eq3A_122 : i32 to vector<16xi32>
    %eq3A_124 = arith.cmpi eq, %iota3A, %eq3A_123 : vector<16xi32>
    %jit3A_125 = arith.constant 0 : i32
    %broadcast_in_dim3A_126 = vector.broadcast %jit3A_125 : i32 to vector<16xi32>
    %select_n3A_127 = arith.select %eq3A_124, %get3A_8, %broadcast_in_dim3A_126 : vector<16xi1>, vector<16xi32>
    %reduce_max3A_128 = arith.constant true
    %reduce_max3A_129 = vector.broadcast %reduce_max3A_128 : i1 to vector<16xi1>
    %reduce_max3A_130 = arith.constant -2147483648 : i32
    %reduce_max3A_131 = vector.broadcast %reduce_max3A_130 : i32 to vector<16xi32>
    %reduce_max3A_132 = arith.xori %select_n3A_127, %reduce_max3A_131 : vector<16xi32>
    %reduce_max3A_133 = tpu.scan <max>, %reduce_max3A_132 masked %reduce_max3A_129 : vector<16xi32>, vector<16xi1> -> vector<16xi32>
    %reduce_max3A_134 = arith.xori %reduce_max3A_133, %reduce_max3A_131 : vector<16xi32>
    %reduce_max3A_135 = vector.extract %reduce_max3A_134[15] : i32 from vector<16xi32>
    %swap3A_136 = arith.constant 7 : i32
    %swap3A_137 = arith.index_cast %swap3A_136 : i32 to index
    %swap3A_138 = memref.load %arg8[%swap3A_137] : memref<128xi32, #tpu.memory_space<smem>>
    memref.store %reduce_max3A_135, %arg8[%swap3A_137] : memref<128xi32, #tpu.memory_space<smem>>
    %eq3A_139 = arith.constant 8 : i32
    %eq3A_140 = vector.broadcast %eq3A_139 : i32 to vector<16xi32>
    %eq3A_141 = arith.cmpi eq, %iota3A, %eq3A_140 : vector<16xi32>
    %jit3A_142 = arith.constant 0 : i32
    %broadcast_in_dim3A_143 = vector.broadcast %jit3A_142 : i32 to vector<16xi32>
    %select_n3A_144 = arith.select %eq3A_141, %get3A_8, %broadcast_in_dim3A_143 : vector<16xi1>, vector<16xi32>
    %reduce_max3A_145 = arith.constant true
    %reduce_max3A_146 = vector.broadcast %reduce_max3A_145 : i1 to vector<16xi1>
    %reduce_max3A_147 = arith.constant -2147483648 : i32
    %reduce_max3A_148 = vector.broadcast %reduce_max3A_147 : i32 to vector<16xi32>
    %reduce_max3A_149 = arith.xori %select_n3A_144, %reduce_max3A_148 : vector<16xi32>
    %reduce_max3A_150 = tpu.scan <max>, %reduce_max3A_149 masked %reduce_max3A_146 : vector<16xi32>, vector<16xi1> -> vector<16xi32>
    %reduce_max3A_151 = arith.xori %reduce_max3A_150, %reduce_max3A_148 : vector<16xi32>
    %reduce_max3A_152 = vector.extract %reduce_max3A_151[15] : i32 from vector<16xi32>
    %swap3A_153 = arith.constant 8 : i32
    %swap3A_154 = arith.index_cast %swap3A_153 : i32 to index
    %swap3A_155 = memref.load %arg8[%swap3A_154] : memref<128xi32, #tpu.memory_space<smem>>
    memref.store %reduce_max3A_152, %arg8[%swap3A_154] : memref<128xi32, #tpu.memory_space<smem>>
    %eq3A_156 = arith.constant 9 : i32
    %eq3A_157 = vector.broadcast %eq3A_156 : i32 to vector<16xi32>
    %eq3A_158 = arith.cmpi eq, %iota3A, %eq3A_157 : vector<16xi32>
    %jit3A_159 = arith.constant 0 : i32
    %broadcast_in_dim3A_160 = vector.broadcast %jit3A_159 : i32 to vector<16xi32>
    %select_n3A_161 = arith.select %eq3A_158, %get3A_8, %broadcast_in_dim3A_160 : vector<16xi1>, vector<16xi32>
    %reduce_max3A_162 = arith.constant true
    %reduce_max3A_163 = vector.broadcast %reduce_max3A_162 : i1 to vector<16xi1>
    %reduce_max3A_164 = arith.constant -2147483648 : i32
    %reduce_max3A_165 = vector.broadcast %reduce_max3A_164 : i32 to vector<16xi32>
    %reduce_max3A_166 = arith.xori %select_n3A_161, %reduce_max3A_165 : vector<16xi32>
    %reduce_max3A_167 = tpu.scan <max>, %reduce_max3A_166 masked %reduce_max3A_163 : vector<16xi32>, vector<16xi1> -> vector<16xi32>
    %reduce_max3A_168 = arith.xori %reduce_max3A_167, %reduce_max3A_165 : vector<16xi32>
    %reduce_max3A_169 = vector.extract %reduce_max3A_168[15] : i32 from vector<16xi32>
    %swap3A_170 = arith.constant 9 : i32
    %swap3A_171 = arith.index_cast %swap3A_170 : i32 to index
    %swap3A_172 = memref.load %arg8[%swap3A_171] : memref<128xi32, #tpu.memory_space<smem>>
    memref.store %reduce_max3A_169, %arg8[%swap3A_171] : memref<128xi32, #tpu.memory_space<smem>>
    %eq3A_173 = arith.constant 10 : i32
    %eq3A_174 = vector.broadcast %eq3A_173 : i32 to vector<16xi32>
    %eq3A_175 = arith.cmpi eq, %iota3A, %eq3A_174 : vector<16xi32>
    %jit3A_176 = arith.constant 0 : i32
    %broadcast_in_dim3A_177 = vector.broadcast %jit3A_176 : i32 to vector<16xi32>
    %select_n3A_178 = arith.select %eq3A_175, %get3A_8, %broadcast_in_dim3A_177 : vector<16xi1>, vector<16xi32>
    %reduce_max3A_179 = arith.constant true
    %reduce_max3A_180 = vector.broadcast %reduce_max3A_179 : i1 to vector<16xi1>
    %reduce_max3A_181 = arith.constant -2147483648 : i32
    %reduce_max3A_182 = vector.broadcast %reduce_max3A_181 : i32 to vector<16xi32>
    %reduce_max3A_183 = arith.xori %select_n3A_178, %reduce_max3A_182 : vector<16xi32>
    %reduce_max3A_184 = tpu.scan <max>, %reduce_max3A_183 masked %reduce_max3A_180 : vector<16xi32>, vector<16xi1> -> vector<16xi32>
    %reduce_max3A_185 = arith.xori %reduce_max3A_184, %reduce_max3A_182 : vector<16xi32>
    %reduce_max3A_186 = vector.extract %reduce_max3A_185[15] : i32 from vector<16xi32>
    %swap3A_187 = arith.constant 10 : i32
    %swap3A_188 = arith.index_cast %swap3A_187 : i32 to index
    %swap3A_189 = memref.load %arg8[%swap3A_188] : memref<128xi32, #tpu.memory_space<smem>>
    memref.store %reduce_max3A_186, %arg8[%swap3A_188] : memref<128xi32, #tpu.memory_space<smem>>
    %eq3A_190 = arith.constant 11 : i32
    %eq3A_191 = vector.broadcast %eq3A_190 : i32 to vector<16xi32>
    %eq3A_192 = arith.cmpi eq, %iota3A, %eq3A_191 : vector<16xi32>
    %jit3A_193 = arith.constant 0 : i32
    %broadcast_in_dim3A_194 = vector.broadcast %jit3A_193 : i32 to vector<16xi32>
    %select_n3A_195 = arith.select %eq3A_192, %get3A_8, %broadcast_in_dim3A_194 : vector<16xi1>, vector<16xi32>
    %reduce_max3A_196 = arith.constant true
    %reduce_max3A_197 = vector.broadcast %reduce_max3A_196 : i1 to vector<16xi1>
    %reduce_max3A_198 = arith.constant -2147483648 : i32
    %reduce_max3A_199 = vector.broadcast %reduce_max3A_198 : i32 to vector<16xi32>
    %reduce_max3A_200 = arith.xori %select_n3A_195, %reduce_max3A_199 : vector<16xi32>
    %reduce_max3A_201 = tpu.scan <max>, %reduce_max3A_200 masked %reduce_max3A_197 : vector<16xi32>, vector<16xi1> -> vector<16xi32>
    %reduce_max3A_202 = arith.xori %reduce_max3A_201, %reduce_max3A_199 : vector<16xi32>
    %reduce_max3A_203 = vector.extract %reduce_max3A_202[15] : i32 from vector<16xi32>
    %swap3A_204 = arith.constant 11 : i32
    %swap3A_205 = arith.index_cast %swap3A_204 : i32 to index
    %swap3A_206 = memref.load %arg8[%swap3A_205] : memref<128xi32, #tpu.memory_space<smem>>
    memref.store %reduce_max3A_203, %arg8[%swap3A_205] : memref<128xi32, #tpu.memory_space<smem>>
    %eq3A_207 = arith.constant 12 : i32
    %eq3A_208 = vector.broadcast %eq3A_207 : i32 to vector<16xi32>
    %eq3A_209 = arith.cmpi eq, %iota3A, %eq3A_208 : vector<16xi32>
    %jit3A_210 = arith.constant 0 : i32
    %broadcast_in_dim3A_211 = vector.broadcast %jit3A_210 : i32 to vector<16xi32>
    %select_n3A_212 = arith.select %eq3A_209, %get3A_8, %broadcast_in_dim3A_211 : vector<16xi1>, vector<16xi32>
    %reduce_max3A_213 = arith.constant true
    %reduce_max3A_214 = vector.broadcast %reduce_max3A_213 : i1 to vector<16xi1>
    %reduce_max3A_215 = arith.constant -2147483648 : i32
    %reduce_max3A_216 = vector.broadcast %reduce_max3A_215 : i32 to vector<16xi32>
    %reduce_max3A_217 = arith.xori %select_n3A_212, %reduce_max3A_216 : vector<16xi32>
    %reduce_max3A_218 = tpu.scan <max>, %reduce_max3A_217 masked %reduce_max3A_214 : vector<16xi32>, vector<16xi1> -> vector<16xi32>
    %reduce_max3A_219 = arith.xori %reduce_max3A_218, %reduce_max3A_216 : vector<16xi32>
    %reduce_max3A_220 = vector.extract %reduce_max3A_219[15] : i32 from vector<16xi32>
    %swap3A_221 = arith.constant 12 : i32
    %swap3A_222 = arith.index_cast %swap3A_221 : i32 to index
    %swap3A_223 = memref.load %arg8[%swap3A_222] : memref<128xi32, #tpu.memory_space<smem>>
    memref.store %reduce_max3A_220, %arg8[%swap3A_222] : memref<128xi32, #tpu.memory_space<smem>>
    %eq3A_224 = arith.constant 13 : i32
    %eq3A_225 = vector.broadcast %eq3A_224 : i32 to vector<16xi32>
    %eq3A_226 = arith.cmpi eq, %iota3A, %eq3A_225 : vector<16xi32>
    %jit3A_227 = arith.constant 0 : i32
    %broadcast_in_dim3A_228 = vector.broadcast %jit3A_227 : i32 to vector<16xi32>
    %select_n3A_229 = arith.select %eq3A_226, %get3A_8, %broadcast_in_dim3A_228 : vector<16xi1>, vector<16xi32>
    %reduce_max3A_230 = arith.constant true
    %reduce_max3A_231 = vector.broadcast %reduce_max3A_230 : i1 to vector<16xi1>
    %reduce_max3A_232 = arith.constant -2147483648 : i32
    %reduce_max3A_233 = vector.broadcast %reduce_max3A_232 : i32 to vector<16xi32>
    %reduce_max3A_234 = arith.xori %select_n3A_229, %reduce_max3A_233 : vector<16xi32>
    %reduce_max3A_235 = tpu.scan <max>, %reduce_max3A_234 masked %reduce_max3A_231 : vector<16xi32>, vector<16xi1> -> vector<16xi32>
    %reduce_max3A_236 = arith.xori %reduce_max3A_235, %reduce_max3A_233 : vector<16xi32>
    %reduce_max3A_237 = vector.extract %reduce_max3A_236[15] : i32 from vector<16xi32>
    %swap3A_238 = arith.constant 13 : i32
    %swap3A_239 = arith.index_cast %swap3A_238 : i32 to index
    %swap3A_240 = memref.load %arg8[%swap3A_239] : memref<128xi32, #tpu.memory_space<smem>>
    memref.store %reduce_max3A_237, %arg8[%swap3A_239] : memref<128xi32, #tpu.memory_space<smem>>
    %eq3A_241 = arith.constant 14 : i32
    %eq3A_242 = vector.broadcast %eq3A_241 : i32 to vector<16xi32>
    %eq3A_243 = arith.cmpi eq, %iota3A, %eq3A_242 : vector<16xi32>
    %jit3A_244 = arith.constant 0 : i32
    %broadcast_in_dim3A_245 = vector.broadcast %jit3A_244 : i32 to vector<16xi32>
    %select_n3A_246 = arith.select %eq3A_243, %get3A_8, %broadcast_in_dim3A_245 : vector<16xi1>, vector<16xi32>
    %reduce_max3A_247 = arith.constant true
    %reduce_max3A_248 = vector.broadcast %reduce_max3A_247 : i1 to vector<16xi1>
    %reduce_max3A_249 = arith.constant -2147483648 : i32
    %reduce_max3A_250 = vector.broadcast %reduce_max3A_249 : i32 to vector<16xi32>
    %reduce_max3A_251 = arith.xori %select_n3A_246, %reduce_max3A_250 : vector<16xi32>
    %reduce_max3A_252 = tpu.scan <max>, %reduce_max3A_251 masked %reduce_max3A_248 : vector<16xi32>, vector<16xi1> -> vector<16xi32>
    %reduce_max3A_253 = arith.xori %reduce_max3A_252, %reduce_max3A_250 : vector<16xi32>
    %reduce_max3A_254 = vector.extract %reduce_max3A_253[15] : i32 from vector<16xi32>
    %swap3A_255 = arith.constant 14 : i32
    %swap3A_256 = arith.index_cast %swap3A_255 : i32 to index
    %swap3A_257 = memref.load %arg8[%swap3A_256] : memref<128xi32, #tpu.memory_space<smem>>
    memref.store %reduce_max3A_254, %arg8[%swap3A_256] : memref<128xi32, #tpu.memory_space<smem>>
    %eq3A_258 = arith.constant 15 : i32
    %eq3A_259 = vector.broadcast %eq3A_258 : i32 to vector<16xi32>
    %eq3A_260 = arith.cmpi eq, %iota3A, %eq3A_259 : vector<16xi32>
    %jit3A_261 = arith.constant 0 : i32
    %broadcast_in_dim3A_262 = vector.broadcast %jit3A_261 : i32 to vector<16xi32>
    %select_n3A_263 = arith.select %eq3A_260, %get3A_8, %broadcast_in_dim3A_262 : vector<16xi1>, vector<16xi32>
    %reduce_max3A_264 = arith.constant true
    %reduce_max3A_265 = vector.broadcast %reduce_max3A_264 : i1 to vector<16xi1>
    %reduce_max3A_266 = arith.constant -2147483648 : i32
    %reduce_max3A_267 = vector.broadcast %reduce_max3A_266 : i32 to vector<16xi32>
    %reduce_max3A_268 = arith.xori %select_n3A_263, %reduce_max3A_267 : vector<16xi32>
    %reduce_max3A_269 = tpu.scan <max>, %reduce_max3A_268 masked %reduce_max3A_265 : vector<16xi32>, vector<16xi1> -> vector<16xi32>
    %reduce_max3A_270 = arith.xori %reduce_max3A_269, %reduce_max3A_267 : vector<16xi32>
    %reduce_max3A_271 = vector.extract %reduce_max3A_270[15] : i32 from vector<16xi32>
    %swap3A_272 = arith.constant 15 : i32
    %swap3A_273 = arith.index_cast %swap3A_272 : i32 to index
    %swap3A_274 = memref.load %arg8[%swap3A_273] : memref<128xi32, #tpu.memory_space<smem>>
    memref.store %reduce_max3A_271, %arg8[%swap3A_273] : memref<128xi32, #tpu.memory_space<smem>>
    %scan3A_275 = arith.constant 0 : i32
    %scan3A_276 = arith.constant 0 : i32
    %scan3A_277 = arith.constant 16 : i32
    %scan3A_278 = arith.addi %scan3A_276, %scan3A_277 : i32
    %scan3A_279 = arith.constant 1 : i32
    %scan3A_280 = scf.for %scan3A_2263 = %scan3A_276 to %scan3A_278 step %scan3A_279 iter_args(%scan3A_2264 = %scan3A_275) -> (i32)  : i32 {
      %get3A_2265 = arith.index_cast %scan3A_2263 : i32 to index
      %get3A_2266 = memref.load %arg8[%get3A_2265] : memref<128xi32, #tpu.memory_space<smem>>
      %get3A_2267 = arith.index_cast %get3A_2266 : i32 to index
      %get3A_2268 = memref.load %arg9[%get3A_2267] : memref<200xi32, #tpu.memory_space<smem>>
      %lt3A = arith.constant 0 : i32
      %lt3A_2269 = arith.cmpi slt, %get3A_2268, %lt3A : i32
      %convert_element_type3A = arith.extui %lt3A_2269 : i1 to i32
      %cond3A = arith.constant 0 : i32
      %cond3A_2270 = arith.cmpi ne, %convert_element_type3A, %cond3A : i32
      %cond3A_2271 = scf.if %cond3A_2270 -> (i32) {
        %swap3A_2272 = arith.index_cast %get3A_2266 : i32 to index
        %swap3A_2273 = memref.load %arg9[%swap3A_2272] : memref<200xi32, #tpu.memory_space<smem>>
        memref.store %scan3A_2264, %arg9[%swap3A_2272] : memref<200xi32, #tpu.memory_space<smem>>
        %swap3A_2274 = arith.index_cast %scan3A_2264 : i32 to index
        %swap3A_2275 = memref.load %arg10[%swap3A_2274] : memref<128xi32, #tpu.memory_space<smem>>
        memref.store %get3A_2266, %arg10[%swap3A_2274] : memref<128xi32, #tpu.memory_space<smem>>
        %swap3A_2276 = arith.index_cast %scan3A_2264 : i32 to index
        %swap3A_2277 = memref.load %arg11[%swap3A_2276] : memref<128xi32, #tpu.memory_space<smem>>
        memref.store %scan3A_2263, %arg11[%swap3A_2276] : memref<128xi32, #tpu.memory_space<smem>>
        %swap3A_2278 = arith.constant -1 : i32
        %swap3A_2279 = arith.index_cast %scan3A_2263 : i32 to index
        %swap3A_2280 = memref.load %arg12[%swap3A_2279] : memref<128xi32, #tpu.memory_space<smem>>
        memref.store %swap3A_2278, %arg12[%swap3A_2279] : memref<128xi32, #tpu.memory_space<smem>>
        %lt3A_2281 = arith.constant 8 : i32
        %lt3A_2282 = arith.cmpi slt, %scan3A_2264, %lt3A_2281 : i32
        %convert_element_type3A_2283 = arith.extui %lt3A_2282 : i1 to i32
        %cond3A_2284 = arith.constant 0 : i32
        %cond3A_2285 = arith.cmpi ne, %convert_element_type3A_2283, %cond3A_2284 : i32
        %cond3A_2286 = scf.if %cond3A_2285 -> (i32) {
          %rem3A = arith.constant 9 : i32
          %rem3A_2289 = arith.remsi %scan3A_2264, %rem3A : i32
          %get3A_2290 = arith.index_cast %scan3A_2264 : i32 to index
          %get3A_2291 = memref.load %arg10[%get3A_2290] : memref<128xi32, #tpu.memory_space<smem>>
          %dma_start3A = arith.constant 0 : i32
          %dma_start3A_2292 = arith.constant 0 : i32
          %dma_start3A_2293 = tpu.memref_slice %arg6[%rem3A_2289, %dma_start3A, %dma_start3A_2292] : memref<9x64x128xf32, #tpu.memory_space<vmem>> -> memref<1x64x128xf32, #tpu.memory_space<vmem>>
          %dma_start3A_2294 = tpu.memref_squeeze %dma_start3A_2293 : memref<1x64x128xf32, #tpu.memory_space<vmem>> -> memref<64x128xf32, #tpu.memory_space<vmem>>
          %dma_start3A_2295 = arith.constant 0 : i32
          %dma_start3A_2296 = tpu.memref_slice %arg2[%get3A_2291, %dma_start3A_2295, %mul3A_2] : memref<200x64x4096xf32, #tpu.memory_space<hbm>> -> memref<1x64x128xf32, #tpu.memory_space<hbm>>
          %dma_start3A_2297 = tpu.memref_squeeze %dma_start3A_2296 : memref<1x64x128xf32, #tpu.memory_space<hbm>> -> memref<64x128xf32, #tpu.memory_space<hbm>>
          %dma_start3A_2298 = tpu.memref_slice %arg13[%rem3A_2289] : memref<9x!tpu.dma_semaphore, #tpu.memory_space<semaphore_mem>> -> memref<1x!tpu.dma_semaphore, #tpu.memory_space<semaphore_mem>>
          %dma_start3A_2299 = tpu.memref_squeeze %dma_start3A_2298 : memref<1x!tpu.dma_semaphore, #tpu.memory_space<semaphore_mem>> -> memref<!tpu.dma_semaphore, #tpu.memory_space<semaphore_mem>>
          %dma_start3A_2300 = arith.constant 0 : i32
          %dma_start3A_2301 = arith.constant 0 : i32
          %dma_start3A_2302 = tpu.memref_slice %arg6[%rem3A_2289, %dma_start3A_2300, %dma_start3A_2301] : memref<9x64x128xf32, #tpu.memory_space<vmem>> -> memref<1x64x128xf32, #tpu.memory_space<vmem>>
          %dma_start3A_2303 = tpu.memref_squeeze %dma_start3A_2302 : memref<1x64x128xf32, #tpu.memory_space<vmem>> -> memref<64x128xf32, #tpu.memory_space<vmem>>
          %dma_start3A_2304 = arith.constant 0 : i32
          %dma_start3A_2305 = tpu.memref_slice %arg2[%get3A_2291, %dma_start3A_2304, %mul3A_2] : memref<200x64x4096xf32, #tpu.memory_space<hbm>> -> memref<1x64x128xf32, #tpu.memory_space<hbm>>
          %dma_start3A_2306 = tpu.memref_squeeze %dma_start3A_2305 : memref<1x64x128xf32, #tpu.memory_space<hbm>> -> memref<64x128xf32, #tpu.memory_space<hbm>>
          tpu.enqueue_dma source(%dma_start3A_2306 : memref<64x128xf32, #tpu.memory_space<hbm>>) target(%dma_start3A_2303 : memref<64x128xf32, #tpu.memory_space<vmem>>) target_semaphore(%dma_start3A_2299 : memref<!tpu.dma_semaphore, #tpu.memory_space<semaphore_mem>>)
          %cond3A_2307 = arith.constant 0 : i32
          scf.yield %cond3A_2307 : i32
        } else {
          %cond3A_2289 = arith.constant 0 : i32
          scf.yield %cond3A_2289 : i32
        }
        %add3A_2287 = arith.constant 1 : i32
        %add3A_2288 = arith.addi %scan3A_2264, %add3A_2287 : i32
        scf.yield %add3A_2288 : i32
      } else {
        %get3A_2272 = arith.index_cast %get3A_2268 : i32 to index
        %get3A_2273 = memref.load %arg11[%get3A_2272] : memref<128xi32, #tpu.memory_space<smem>>
        %swap3A_2274 = arith.index_cast %scan3A_2263 : i32 to index
        %swap3A_2275 = memref.load %arg12[%swap3A_2274] : memref<128xi32, #tpu.memory_space<smem>>
        memref.store %get3A_2273, %arg12[%swap3A_2274] : memref<128xi32, #tpu.memory_space<smem>>
        %swap3A_2276 = arith.index_cast %get3A_2268 : i32 to index
        %swap3A_2277 = memref.load %arg11[%swap3A_2276] : memref<128xi32, #tpu.memory_space<smem>>
        memref.store %scan3A_2263, %arg11[%swap3A_2276] : memref<128xi32, #tpu.memory_space<smem>>
        scf.yield %scan3A_2264 : i32
      }
      scf.yield %cond3A_2271 : i32
    }
    %scan3A_281 = arith.constant 16 : i32
    %get3A_282 = arith.constant 16 : index
    %get3A_283 = tpu.vector_load %arg5[%get3A_282] {strides = array<i32>} : memref<128xi32, #tpu.memory_space<vmem>>, vector<16xi32>,
    %eq3A_284 = arith.constant 0 : i32
    %eq3A_285 = vector.broadcast %eq3A_284 : i32 to vector<16xi32>
    %eq3A_286 = arith.cmpi eq, %iota3A, %eq3A_285 : vector<16xi32>
    %jit3A_287 = arith.constant 0 : i32
    %broadcast_in_dim3A_288 = vector.broadcast %jit3A_287 : i32 to vector<16xi32>
    %select_n3A_289 = arith.select %eq3A_286, %get3A_283, %broadcast_in_dim3A_288 : vector<16xi1>, vector<16xi32>
    %reduce_max3A_290 = arith.constant true
    %reduce_max3A_291 = vector.broadcast %reduce_max3A_290 : i1 to vector<16xi1>
    %reduce_max3A_292 = arith.constant -2147483648 : i32
    %reduce_max3A_293 = vector.broadcast %reduce_max3A_292 : i32 to vector<16xi32>
    %reduce_max3A_294 = arith.xori %select_n3A_289, %reduce_max3A_293 : vector<16xi32>
    %reduce_max3A_295 = tpu.scan <max>, %reduce_max3A_294 masked %reduce_max3A_291 : vector<16xi32>, vector<16xi1> -> vector<16xi32>
    %reduce_max3A_296 = arith.xori %reduce_max3A_295, %reduce_max3A_293 : vector<16xi32>
    %reduce_max3A_297 = vector.extract %reduce_max3A_296[15] : i32 from vector<16xi32>
    %swap3A_298 = arith.constant 16 : i32
    %swap3A_299 = arith.index_cast %swap3A_298 : i32 to index
    %swap3A_300 = memref.load %arg8[%swap3A_299] : memref<128xi32, #tpu.memory_space<smem>>
    memref.store %reduce_max3A_297, %arg8[%swap3A_299] : memref<128xi32, #tpu.memory_space<smem>>
    %eq3A_301 = arith.constant 1 : i32
    %eq3A_302 = vector.broadcast %eq3A_301 : i32 to vector<16xi32>
    %eq3A_303 = arith.cmpi eq, %iota3A, %eq3A_302 : vector<16xi32>
    %jit3A_304 = arith.constant 0 : i32
    %broadcast_in_dim3A_305 = vector.broadcast %jit3A_304 : i32 to vector<16xi32>
    %select_n3A_306 = arith.select %eq3A_303, %get3A_283, %broadcast_in_dim3A_305 : vector<16xi1>, vector<16xi32>
    %reduce_max3A_307 = arith.constant true
    %reduce_max3A_308 = vector.broadcast %reduce_max3A_307 : i1 to vector<16xi1>
    %reduce_max3A_309 = arith.constant -2147483648 : i32
    %reduce_max3A_310 = vector.broadcast %reduce_max3A_309 : i32 to vector<16xi32>
    %reduce_max3A_311 = arith.xori %select_n3A_306, %reduce_max3A_310 : vector<16xi32>
    %reduce_max3A_312 = tpu.scan <max>, %reduce_max3A_311 masked %reduce_max3A_308 : vector<16xi32>, vector<16xi1> -> vector<16xi32>
    %reduce_max3A_313 = arith.xori %reduce_max3A_312, %reduce_max3A_310 : vector<16xi32>
    %reduce_max3A_314 = vector.extract %reduce_max3A_313[15] : i32 from vector<16xi32>
    %swap3A_315 = arith.constant 17 : i32
    %swap3A_316 = arith.index_cast %swap3A_315 : i32 to index
    %swap3A_317 = memref.load %arg8[%swap3A_316] : memref<128xi32, #tpu.memory_space<smem>>
    memref.store %reduce_max3A_314, %arg8[%swap3A_316] : memref<128xi32, #tpu.memory_space<smem>>
    %eq3A_318 = arith.constant 2 : i32
    %eq3A_319 = vector.broadcast %eq3A_318 : i32 to vector<16xi32>
    %eq3A_320 = arith.cmpi eq, %iota3A, %eq3A_319 : vector<16xi32>
    %jit3A_321 = arith.constant 0 : i32
    %broadcast_in_dim3A_322 = vector.broadcast %jit3A_321 : i32 to vector<16xi32>
    %select_n3A_323 = arith.select %eq3A_320, %get3A_283, %broadcast_in_dim3A_322 : vector<16xi1>, vector<16xi32>
    %reduce_max3A_324 = arith.constant true
    %reduce_max3A_325 = vector.broadcast %reduce_max3A_324 : i1 to vector<16xi1>
    %reduce_max3A_326 = arith.constant -2147483648 : i32
    %reduce_max3A_327 = vector.broadcast %reduce_max3A_326 : i32 to vector<16xi32>
    %reduce_max3A_328 = arith.xori %select_n3A_323, %reduce_max3A_327 : vector<16xi32>
    %reduce_max3A_329 = tpu.scan <max>, %reduce_max3A_328 masked %reduce_max3A_325 : vector<16xi32>, vector<16xi1> -> vector<16xi32>
    %reduce_max3A_330 = arith.xori %reduce_max3A_329, %reduce_max3A_327 : vector<16xi32>
    %reduce_max3A_331 = vector.extract %reduce_max3A_330[15] : i32 from vector<16xi32>
    %swap3A_332 = arith.constant 18 : i32
    %swap3A_333 = arith.index_cast %swap3A_332 : i32 to index
    %swap3A_334 = memref.load %arg8[%swap3A_333] : memref<128xi32, #tpu.memory_space<smem>>
    memref.store %reduce_max3A_331, %arg8[%swap3A_333] : memref<128xi32, #tpu.memory_space<smem>>
    %eq3A_335 = arith.constant 3 : i32
    %eq3A_336 = vector.broadcast %eq3A_335 : i32 to vector<16xi32>
    %eq3A_337 = arith.cmpi eq, %iota3A, %eq3A_336 : vector<16xi32>
    %jit3A_338 = arith.constant 0 : i32
    %broadcast_in_dim3A_339 = vector.broadcast %jit3A_338 : i32 to vector<16xi32>
    %select_n3A_340 = arith.select %eq3A_337, %get3A_283, %broadcast_in_dim3A_339 : vector<16xi1>, vector<16xi32>
    %reduce_max3A_341 = arith.constant true
    %reduce_max3A_342 = vector.broadcast %reduce_max3A_341 : i1 to vector<16xi1>
    %reduce_max3A_343 = arith.constant -2147483648 : i32
    %reduce_max3A_344 = vector.broadcast %reduce_max3A_343 : i32 to vector<16xi32>
    %reduce_max3A_345 = arith.xori %select_n3A_340, %reduce_max3A_344 : vector<16xi32>
    %reduce_max3A_346 = tpu.scan <max>, %reduce_max3A_345 masked %reduce_max3A_342 : vector<16xi32>, vector<16xi1> -> vector<16xi32>
    %reduce_max3A_347 = arith.xori %reduce_max3A_346, %reduce_max3A_344 : vector<16xi32>
    %reduce_max3A_348 = vector.extract %reduce_max3A_347[15] : i32 from vector<16xi32>
    %swap3A_349 = arith.constant 19 : i32
    %swap3A_350 = arith.index_cast %swap3A_349 : i32 to index
    %swap3A_351 = memref.load %arg8[%swap3A_350] : memref<128xi32, #tpu.memory_space<smem>>
    memref.store %reduce_max3A_348, %arg8[%swap3A_350] : memref<128xi32, #tpu.memory_space<smem>>
    %eq3A_352 = arith.constant 4 : i32
    %eq3A_353 = vector.broadcast %eq3A_352 : i32 to vector<16xi32>
    %eq3A_354 = arith.cmpi eq, %iota3A, %eq3A_353 : vector<16xi32>
    %jit3A_355 = arith.constant 0 : i32
    %broadcast_in_dim3A_356 = vector.broadcast %jit3A_355 : i32 to vector<16xi32>
    %select_n3A_357 = arith.select %eq3A_354, %get3A_283, %broadcast_in_dim3A_356 : vector<16xi1>, vector<16xi32>
    %reduce_max3A_358 = arith.constant true
    %reduce_max3A_359 = vector.broadcast %reduce_max3A_358 : i1 to vector<16xi1>
    %reduce_max3A_360 = arith.constant -2147483648 : i32
    %reduce_max3A_361 = vector.broadcast %reduce_max3A_360 : i32 to vector<16xi32>
    %reduce_max3A_362 = arith.xori %select_n3A_357, %reduce_max3A_361 : vector<16xi32>
    %reduce_max3A_363 = tpu.scan <max>, %reduce_max3A_362 masked %reduce_max3A_359 : vector<16xi32>, vector<16xi1> -> vector<16xi32>
    %reduce_max3A_364 = arith.xori %reduce_max3A_363, %reduce_max3A_361 : vector<16xi32>
    %reduce_max3A_365 = vector.extract %reduce_max3A_364[15] : i32 from vector<16xi32>
    %swap3A_366 = arith.constant 20 : i32
    %swap3A_367 = arith.index_cast %swap3A_366 : i32 to index
    %swap3A_368 = memref.load %arg8[%swap3A_367] : memref<128xi32, #tpu.memory_space<smem>>
    memref.store %reduce_max3A_365, %arg8[%swap3A_367] : memref<128xi32, #tpu.memory_space<smem>>
    %eq3A_369 = arith.constant 5 : i32
    %eq3A_370 = vector.broadcast %eq3A_369 : i32 to vector<16xi32>
    %eq3A_371 = arith.cmpi eq, %iota3A, %eq3A_370 : vector<16xi32>
    %jit3A_372 = arith.constant 0 : i32
    %broadcast_in_dim3A_373 = vector.broadcast %jit3A_372 : i32 to vector<16xi32>
    %select_n3A_374 = arith.select %eq3A_371, %get3A_283, %broadcast_in_dim3A_373 : vector<16xi1>, vector<16xi32>
    %reduce_max3A_375 = arith.constant true
    %reduce_max3A_376 = vector.broadcast %reduce_max3A_375 : i1 to vector<16xi1>
    %reduce_max3A_377 = arith.constant -2147483648 : i32
    %reduce_max3A_378 = vector.broadcast %reduce_max3A_377 : i32 to vector<16xi32>
    %reduce_max3A_379 = arith.xori %select_n3A_374, %reduce_max3A_378 : vector<16xi32>
    %reduce_max3A_380 = tpu.scan <max>, %reduce_max3A_379 masked %reduce_max3A_376 : vector<16xi32>, vector<16xi1> -> vector<16xi32>
    %reduce_max3A_381 = arith.xori %reduce_max3A_380, %reduce_max3A_378 : vector<16xi32>
    %reduce_max3A_382 = vector.extract %reduce_max3A_381[15] : i32 from vector<16xi32>
    %swap3A_383 = arith.constant 21 : i32
    %swap3A_384 = arith.index_cast %swap3A_383 : i32 to index
    %swap3A_385 = memref.load %arg8[%swap3A_384] : memref<128xi32, #tpu.memory_space<smem>>
    memref.store %reduce_max3A_382, %arg8[%swap3A_384] : memref<128xi32, #tpu.memory_space<smem>>
    %eq3A_386 = arith.constant 6 : i32
    %eq3A_387 = vector.broadcast %eq3A_386 : i32 to vector<16xi32>
    %eq3A_388 = arith.cmpi eq, %iota3A, %eq3A_387 : vector<16xi32>
    %jit3A_389 = arith.constant 0 : i32
    %broadcast_in_dim3A_390 = vector.broadcast %jit3A_389 : i32 to vector<16xi32>
    %select_n3A_391 = arith.select %eq3A_388, %get3A_283, %broadcast_in_dim3A_390 : vector<16xi1>, vector<16xi32>
    %reduce_max3A_392 = arith.constant true
    %reduce_max3A_393 = vector.broadcast %reduce_max3A_392 : i1 to vector<16xi1>
    %reduce_max3A_394 = arith.constant -2147483648 : i32
    %reduce_max3A_395 = vector.broadcast %reduce_max3A_394 : i32 to vector<16xi32>
    %reduce_max3A_396 = arith.xori %select_n3A_391, %reduce_max3A_395 : vector<16xi32>
    %reduce_max3A_397 = tpu.scan <max>, %reduce_max3A_396 masked %reduce_max3A_393 : vector<16xi32>, vector<16xi1> -> vector<16xi32>
    %reduce_max3A_398 = arith.xori %reduce_max3A_397, %reduce_max3A_395 : vector<16xi32>
    %reduce_max3A_399 = vector.extract %reduce_max3A_398[15] : i32 from vector<16xi32>
    %swap3A_400 = arith.constant 22 : i32
    %swap3A_401 = arith.index_cast %swap3A_400 : i32 to index
    %swap3A_402 = memref.load %arg8[%swap3A_401] : memref<128xi32, #tpu.memory_space<smem>>
    memref.store %reduce_max3A_399, %arg8[%swap3A_401] : memref<128xi32, #tpu.memory_space<smem>>
    %eq3A_403 = arith.constant 7 : i32
    %eq3A_404 = vector.broadcast %eq3A_403 : i32 to vector<16xi32>
    %eq3A_405 = arith.cmpi eq, %iota3A, %eq3A_404 : vector<16xi32>
    %jit3A_406 = arith.constant 0 : i32
    %broadcast_in_dim3A_407 = vector.broadcast %jit3A_406 : i32 to vector<16xi32>
    %select_n3A_408 = arith.select %eq3A_405, %get3A_283, %broadcast_in_dim3A_407 : vector<16xi1>, vector<16xi32>
    %reduce_max3A_409 = arith.constant true
    %reduce_max3A_410 = vector.broadcast %reduce_max3A_409 : i1 to vector<16xi1>
    %reduce_max3A_411 = arith.constant -2147483648 : i32
    %reduce_max3A_412 = vector.broadcast %reduce_max3A_411 : i32 to vector<16xi32>
    %reduce_max3A_413 = arith.xori %select_n3A_408, %reduce_max3A_412 : vector<16xi32>
    %reduce_max3A_414 = tpu.scan <max>, %reduce_max3A_413 masked %reduce_max3A_410 : vector<16xi32>, vector<16xi1> -> vector<16xi32>
    %reduce_max3A_415 = arith.xori %reduce_max3A_414, %reduce_max3A_412 : vector<16xi32>
    %reduce_max3A_416 = vector.extract %reduce_max3A_415[15] : i32 from vector<16xi32>
    %swap3A_417 = arith.constant 23 : i32
    %swap3A_418 = arith.index_cast %swap3A_417 : i32 to index
    %swap3A_419 = memref.load %arg8[%swap3A_418] : memref<128xi32, #tpu.memory_space<smem>>
    memref.store %reduce_max3A_416, %arg8[%swap3A_418] : memref<128xi32, #tpu.memory_space<smem>>
    %eq3A_420 = arith.constant 8 : i32
    %eq3A_421 = vector.broadcast %eq3A_420 : i32 to vector<16xi32>
    %eq3A_422 = arith.cmpi eq, %iota3A, %eq3A_421 : vector<16xi32>
    %jit3A_423 = arith.constant 0 : i32
    %broadcast_in_dim3A_424 = vector.broadcast %jit3A_423 : i32 to vector<16xi32>
    %select_n3A_425 = arith.select %eq3A_422, %get3A_283, %broadcast_in_dim3A_424 : vector<16xi1>, vector<16xi32>
    %reduce_max3A_426 = arith.constant true
    %reduce_max3A_427 = vector.broadcast %reduce_max3A_426 : i1 to vector<16xi1>
    %reduce_max3A_428 = arith.constant -2147483648 : i32
    %reduce_max3A_429 = vector.broadcast %reduce_max3A_428 : i32 to vector<16xi32>
    %reduce_max3A_430 = arith.xori %select_n3A_425, %reduce_max3A_429 : vector<16xi32>
    %reduce_max3A_431 = tpu.scan <max>, %reduce_max3A_430 masked %reduce_max3A_427 : vector<16xi32>, vector<16xi1> -> vector<16xi32>
    %reduce_max3A_432 = arith.xori %reduce_max3A_431, %reduce_max3A_429 : vector<16xi32>
    %reduce_max3A_433 = vector.extract %reduce_max3A_432[15] : i32 from vector<16xi32>
    %swap3A_434 = arith.constant 24 : i32
    %swap3A_435 = arith.index_cast %swap3A_434 : i32 to index
    %swap3A_436 = memref.load %arg8[%swap3A_435] : memref<128xi32, #tpu.memory_space<smem>>
    memref.store %reduce_max3A_433, %arg8[%swap3A_435] : memref<128xi32, #tpu.memory_space<smem>>
    %eq3A_437 = arith.constant 9 : i32
    %eq3A_438 = vector.broadcast %eq3A_437 : i32 to vector<16xi32>
    %eq3A_439 = arith.cmpi eq, %iota3A, %eq3A_438 : vector<16xi32>
    %jit3A_440 = arith.constant 0 : i32
    %broadcast_in_dim3A_441 = vector.broadcast %jit3A_440 : i32 to vector<16xi32>
    %select_n3A_442 = arith.select %eq3A_439, %get3A_283, %broadcast_in_dim3A_441 : vector<16xi1>, vector<16xi32>
    %reduce_max3A_443 = arith.constant true
    %reduce_max3A_444 = vector.broadcast %reduce_max3A_443 : i1 to vector<16xi1>
    %reduce_max3A_445 = arith.constant -2147483648 : i32
    %reduce_max3A_446 = vector.broadcast %reduce_max3A_445 : i32 to vector<16xi32>
    %reduce_max3A_447 = arith.xori %select_n3A_442, %reduce_max3A_446 : vector<16xi32>
    %reduce_max3A_448 = tpu.scan <max>, %reduce_max3A_447 masked %reduce_max3A_444 : vector<16xi32>, vector<16xi1> -> vector<16xi32>
    %reduce_max3A_449 = arith.xori %reduce_max3A_448, %reduce_max3A_446 : vector<16xi32>
    %reduce_max3A_450 = vector.extract %reduce_max3A_449[15] : i32 from vector<16xi32>
    %swap3A_451 = arith.constant 25 : i32
    %swap3A_452 = arith.index_cast %swap3A_451 : i32 to index
    %swap3A_453 = memref.load %arg8[%swap3A_452] : memref<128xi32, #tpu.memory_space<smem>>
    memref.store %reduce_max3A_450, %arg8[%swap3A_452] : memref<128xi32, #tpu.memory_space<smem>>
    %eq3A_454 = arith.constant 10 : i32
    %eq3A_455 = vector.broadcast %eq3A_454 : i32 to vector<16xi32>
    %eq3A_456 = arith.cmpi eq, %iota3A, %eq3A_455 : vector<16xi32>
    %jit3A_457 = arith.constant 0 : i32
    %broadcast_in_dim3A_458 = vector.broadcast %jit3A_457 : i32 to vector<16xi32>
    %select_n3A_459 = arith.select %eq3A_456, %get3A_283, %broadcast_in_dim3A_458 : vector<16xi1>, vector<16xi32>
    %reduce_max3A_460 = arith.constant true
    %reduce_max3A_461 = vector.broadcast %reduce_max3A_460 : i1 to vector<16xi1>
    %reduce_max3A_462 = arith.constant -2147483648 : i32
    %reduce_max3A_463 = vector.broadcast %reduce_max3A_462 : i32 to vector<16xi32>
    %reduce_max3A_464 = arith.xori %select_n3A_459, %reduce_max3A_463 : vector<16xi32>
    %reduce_max3A_465 = tpu.scan <max>, %reduce_max3A_464 masked %reduce_max3A_461 : vector<16xi32>, vector<16xi1> -> vector<16xi32>
    %reduce_max3A_466 = arith.xori %reduce_max3A_465, %reduce_max3A_463 : vector<16xi32>
    %reduce_max3A_467 = vector.extract %reduce_max3A_466[15] : i32 from vector<16xi32>
    %swap3A_468 = arith.constant 26 : i32
    %swap3A_469 = arith.index_cast %swap3A_468 : i32 to index
    %swap3A_470 = memref.load %arg8[%swap3A_469] : memref<128xi32, #tpu.memory_space<smem>>
    memref.store %reduce_max3A_467, %arg8[%swap3A_469] : memref<128xi32, #tpu.memory_space<smem>>
    %eq3A_471 = arith.constant 11 : i32
    %eq3A_472 = vector.broadcast %eq3A_471 : i32 to vector<16xi32>
    %eq3A_473 = arith.cmpi eq, %iota3A, %eq3A_472 : vector<16xi32>
    %jit3A_474 = arith.constant 0 : i32
    %broadcast_in_dim3A_475 = vector.broadcast %jit3A_474 : i32 to vector<16xi32>
    %select_n3A_476 = arith.select %eq3A_473, %get3A_283, %broadcast_in_dim3A_475 : vector<16xi1>, vector<16xi32>
    %reduce_max3A_477 = arith.constant true
    %reduce_max3A_478 = vector.broadcast %reduce_max3A_477 : i1 to vector<16xi1>
    %reduce_max3A_479 = arith.constant -2147483648 : i32
    %reduce_max3A_480 = vector.broadcast %reduce_max3A_479 : i32 to vector<16xi32>
    %reduce_max3A_481 = arith.xori %select_n3A_476, %reduce_max3A_480 : vector<16xi32>
    %reduce_max3A_482 = tpu.scan <max>, %reduce_max3A_481 masked %reduce_max3A_478 : vector<16xi32>, vector<16xi1> -> vector<16xi32>
    %reduce_max3A_483 = arith.xori %reduce_max3A_482, %reduce_max3A_480 : vector<16xi32>
    %reduce_max3A_484 = vector.extract %reduce_max3A_483[15] : i32 from vector<16xi32>
    %swap3A_485 = arith.constant 27 : i32
    %swap3A_486 = arith.index_cast %swap3A_485 : i32 to index
    %swap3A_487 = memref.load %arg8[%swap3A_486] : memref<128xi32, #tpu.memory_space<smem>>
    memref.store %reduce_max3A_484, %arg8[%swap3A_486] : memref<128xi32, #tpu.memory_space<smem>>
    %eq3A_488 = arith.constant 12 : i32
    %eq3A_489 = vector.broadcast %eq3A_488 : i32 to vector<16xi32>
    %eq3A_490 = arith.cmpi eq, %iota3A, %eq3A_489 : vector<16xi32>
    %jit3A_491 = arith.constant 0 : i32
    %broadcast_in_dim3A_492 = vector.broadcast %jit3A_491 : i32 to vector<16xi32>
    %select_n3A_493 = arith.select %eq3A_490, %get3A_283, %broadcast_in_dim3A_492 : vector<16xi1>, vector<16xi32>
    %reduce_max3A_494 = arith.constant true
    %reduce_max3A_495 = vector.broadcast %reduce_max3A_494 : i1 to vector<16xi1>
    %reduce_max3A_496 = arith.constant -2147483648 : i32
    %reduce_max3A_497 = vector.broadcast %reduce_max3A_496 : i32 to vector<16xi32>
    %reduce_max3A_498 = arith.xori %select_n3A_493, %reduce_max3A_497 : vector<16xi32>
    %reduce_max3A_499 = tpu.scan <max>, %reduce_max3A_498 masked %reduce_max3A_495 : vector<16xi32>, vector<16xi1> -> vector<16xi32>
    %reduce_max3A_500 = arith.xori %reduce_max3A_499, %reduce_max3A_497 : vector<16xi32>
    %reduce_max3A_501 = vector.extract %reduce_max3A_500[15] : i32 from vector<16xi32>
    %swap3A_502 = arith.constant 28 : i32
    %swap3A_503 = arith.index_cast %swap3A_502 : i32 to index
    %swap3A_504 = memref.load %arg8[%swap3A_503] : memref<128xi32, #tpu.memory_space<smem>>
    memref.store %reduce_max3A_501, %arg8[%swap3A_503] : memref<128xi32, #tpu.memory_space<smem>>
    %eq3A_505 = arith.constant 13 : i32
    %eq3A_506 = vector.broadcast %eq3A_505 : i32 to vector<16xi32>
    %eq3A_507 = arith.cmpi eq, %iota3A, %eq3A_506 : vector<16xi32>
    %jit3A_508 = arith.constant 0 : i32
    %broadcast_in_dim3A_509 = vector.broadcast %jit3A_508 : i32 to vector<16xi32>
    %select_n3A_510 = arith.select %eq3A_507, %get3A_283, %broadcast_in_dim3A_509 : vector<16xi1>, vector<16xi32>
    %reduce_max3A_511 = arith.constant true
    %reduce_max3A_512 = vector.broadcast %reduce_max3A_511 : i1 to vector<16xi1>
    %reduce_max3A_513 = arith.constant -2147483648 : i32
    %reduce_max3A_514 = vector.broadcast %reduce_max3A_513 : i32 to vector<16xi32>
    %reduce_max3A_515 = arith.xori %select_n3A_510, %reduce_max3A_514 : vector<16xi32>
    %reduce_max3A_516 = tpu.scan <max>, %reduce_max3A_515 masked %reduce_max3A_512 : vector<16xi32>, vector<16xi1> -> vector<16xi32>
    %reduce_max3A_517 = arith.xori %reduce_max3A_516, %reduce_max3A_514 : vector<16xi32>
    %reduce_max3A_518 = vector.extract %reduce_max3A_517[15] : i32 from vector<16xi32>
    %swap3A_519 = arith.constant 29 : i32
    %swap3A_520 = arith.index_cast %swap3A_519 : i32 to index
    %swap3A_521 = memref.load %arg8[%swap3A_520] : memref<128xi32, #tpu.memory_space<smem>>
    memref.store %reduce_max3A_518, %arg8[%swap3A_520] : memref<128xi32, #tpu.memory_space<smem>>
    %eq3A_522 = arith.constant 14 : i32
    %eq3A_523 = vector.broadcast %eq3A_522 : i32 to vector<16xi32>
    %eq3A_524 = arith.cmpi eq, %iota3A, %eq3A_523 : vector<16xi32>
    %jit3A_525 = arith.constant 0 : i32
    %broadcast_in_dim3A_526 = vector.broadcast %jit3A_525 : i32 to vector<16xi32>
    %select_n3A_527 = arith.select %eq3A_524, %get3A_283, %broadcast_in_dim3A_526 : vector<16xi1>, vector<16xi32>
    %reduce_max3A_528 = arith.constant true
    %reduce_max3A_529 = vector.broadcast %reduce_max3A_528 : i1 to vector<16xi1>
    %reduce_max3A_530 = arith.constant -2147483648 : i32
    %reduce_max3A_531 = vector.broadcast %reduce_max3A_530 : i32 to vector<16xi32>
    %reduce_max3A_532 = arith.xori %select_n3A_527, %reduce_max3A_531 : vector<16xi32>
    %reduce_max3A_533 = tpu.scan <max>, %reduce_max3A_532 masked %reduce_max3A_529 : vector<16xi32>, vector<16xi1> -> vector<16xi32>
    %reduce_max3A_534 = arith.xori %reduce_max3A_533, %reduce_max3A_531 : vector<16xi32>
    %reduce_max3A_535 = vector.extract %reduce_max3A_534[15] : i32 from vector<16xi32>
    %swap3A_536 = arith.constant 30 : i32
    %swap3A_537 = arith.index_cast %swap3A_536 : i32 to index
    %swap3A_538 = memref.load %arg8[%swap3A_537] : memref<128xi32, #tpu.memory_space<smem>>
    memref.store %reduce_max3A_535, %arg8[%swap3A_537] : memref<128xi32, #tpu.memory_space<smem>>
    %eq3A_539 = arith.constant 15 : i32
    %eq3A_540 = vector.broadcast %eq3A_539 : i32 to vector<16xi32>
    %eq3A_541 = arith.cmpi eq, %iota3A, %eq3A_540 : vector<16xi32>
    %jit3A_542 = arith.constant 0 : i32
    %broadcast_in_dim3A_543 = vector.broadcast %jit3A_542 : i32 to vector<16xi32>
    %select_n3A_544 = arith.select %eq3A_541, %get3A_283, %broadcast_in_dim3A_543 : vector<16xi1>, vector<16xi32>
    %reduce_max3A_545 = arith.constant true
    %reduce_max3A_546 = vector.broadcast %reduce_max3A_545 : i1 to vector<16xi1>
    %reduce_max3A_547 = arith.constant -2147483648 : i32
    %reduce_max3A_548 = vector.broadcast %reduce_max3A_547 : i32 to vector<16xi32>
    %reduce_max3A_549 = arith.xori %select_n3A_544, %reduce_max3A_548 : vector<16xi32>
    %reduce_max3A_550 = tpu.scan <max>, %reduce_max3A_549 masked %reduce_max3A_546 : vector<16xi32>, vector<16xi1> -> vector<16xi32>
    %reduce_max3A_551 = arith.xori %reduce_max3A_550, %reduce_max3A_548 : vector<16xi32>
    %reduce_max3A_552 = vector.extract %reduce_max3A_551[15] : i32 from vector<16xi32>
    %swap3A_553 = arith.constant 31 : i32
    %swap3A_554 = arith.index_cast %swap3A_553 : i32 to index
    %swap3A_555 = memref.load %arg8[%swap3A_554] : memref<128xi32, #tpu.memory_space<smem>>
    memref.store %reduce_max3A_552, %arg8[%swap3A_554] : memref<128xi32, #tpu.memory_space<smem>>
    %scan3A_556 = arith.constant 16 : i32
    %scan3A_557 = arith.constant 16 : i32
    %scan3A_558 = arith.addi %scan3A_556, %scan3A_557 : i32
    %scan3A_559 = arith.constant 1 : i32
    %scan3A_560 = scf.for %scan3A_2263 = %scan3A_556 to %scan3A_558 step %scan3A_559 iter_args(%scan3A_2264 = %scan3A_280) -> (i32)  : i32 {
      %get3A_2265 = arith.index_cast %scan3A_2263 : i32 to index
      %get3A_2266 = memref.load %arg8[%get3A_2265] : memref<128xi32, #tpu.memory_space<smem>>
      %get3A_2267 = arith.index_cast %get3A_2266 : i32 to index
      %get3A_2268 = memref.load %arg9[%get3A_2267] : memref<200xi32, #tpu.memory_space<smem>>
      %lt3A = arith.constant 0 : i32
      %lt3A_2269 = arith.cmpi slt, %get3A_2268, %lt3A : i32
      %convert_element_type3A = arith.extui %lt3A_2269 : i1 to i32
      %cond3A = arith.constant 0 : i32
      %cond3A_2270 = arith.cmpi ne, %convert_element_type3A, %cond3A : i32
      %cond3A_2271 = scf.if %cond3A_2270 -> (i32) {
        %swap3A_2272 = arith.index_cast %get3A_2266 : i32 to index
        %swap3A_2273 = memref.load %arg9[%swap3A_2272] : memref<200xi32, #tpu.memory_space<smem>>
        memref.store %scan3A_2264, %arg9[%swap3A_2272] : memref<200xi32, #tpu.memory_space<smem>>
        %swap3A_2274 = arith.index_cast %scan3A_2264 : i32 to index
        %swap3A_2275 = memref.load %arg10[%swap3A_2274] : memref<128xi32, #tpu.memory_space<smem>>
        memref.store %get3A_2266, %arg10[%swap3A_2274] : memref<128xi32, #tpu.memory_space<smem>>
        %swap3A_2276 = arith.index_cast %scan3A_2264 : i32 to index
        %swap3A_2277 = memref.load %arg11[%swap3A_2276] : memref<128xi32, #tpu.memory_space<smem>>
        memref.store %scan3A_2263, %arg11[%swap3A_2276] : memref<128xi32, #tpu.memory_space<smem>>
        %swap3A_2278 = arith.constant -1 : i32
        %swap3A_2279 = arith.index_cast %scan3A_2263 : i32 to index
        %swap3A_2280 = memref.load %arg12[%swap3A_2279] : memref<128xi32, #tpu.memory_space<smem>>
        memref.store %swap3A_2278, %arg12[%swap3A_2279] : memref<128xi32, #tpu.memory_space<smem>>
        %lt3A_2281 = arith.constant 8 : i32
        %lt3A_2282 = arith.cmpi slt, %scan3A_2264, %lt3A_2281 : i32
        %convert_element_type3A_2283 = arith.extui %lt3A_2282 : i1 to i32
        %cond3A_2284 = arith.constant 0 : i32
        %cond3A_2285 = arith.cmpi ne, %convert_element_type3A_2283, %cond3A_2284 : i32
        %cond3A_2286 = scf.if %cond3A_2285 -> (i32) {
          %rem3A = arith.constant 9 : i32
          %rem3A_2289 = arith.remsi %scan3A_2264, %rem3A : i32
          %get3A_2290 = arith.index_cast %scan3A_2264 : i32 to index
          %get3A_2291 = memref.load %arg10[%get3A_2290] : memref<128xi32, #tpu.memory_space<smem>>
          %dma_start3A = arith.constant 0 : i32
          %dma_start3A_2292 = arith.constant 0 : i32
          %dma_start3A_2293 = tpu.memref_slice %arg6[%rem3A_2289, %dma_start3A, %dma_start3A_2292] : memref<9x64x128xf32, #tpu.memory_space<vmem>> -> memref<1x64x128xf32, #tpu.memory_space<vmem>>
          %dma_start3A_2294 = tpu.memref_squeeze %dma_start3A_2293 : memref<1x64x128xf32, #tpu.memory_space<vmem>> -> memref<64x128xf32, #tpu.memory_space<vmem>>
          %dma_start3A_2295 = arith.constant 0 : i32
          %dma_start3A_2296 = tpu.memref_slice %arg2[%get3A_2291, %dma_start3A_2295, %mul3A_2] : memref<200x64x4096xf32, #tpu.memory_space<hbm>> -> memref<1x64x128xf32, #tpu.memory_space<hbm>>
          %dma_start3A_2297 = tpu.memref_squeeze %dma_start3A_2296 : memref<1x64x128xf32, #tpu.memory_space<hbm>> -> memref<64x128xf32, #tpu.memory_space<hbm>>
          %dma_start3A_2298 = tpu.memref_slice %arg13[%rem3A_2289] : memref<9x!tpu.dma_semaphore, #tpu.memory_space<semaphore_mem>> -> memref<1x!tpu.dma_semaphore, #tpu.memory_space<semaphore_mem>>
          %dma_start3A_2299 = tpu.memref_squeeze %dma_start3A_2298 : memref<1x!tpu.dma_semaphore, #tpu.memory_space<semaphore_mem>> -> memref<!tpu.dma_semaphore, #tpu.memory_space<semaphore_mem>>
          %dma_start3A_2300 = arith.constant 0 : i32
          %dma_start3A_2301 = arith.constant 0 : i32
          %dma_start3A_2302 = tpu.memref_slice %arg6[%rem3A_2289, %dma_start3A_2300, %dma_start3A_2301] : memref<9x64x128xf32, #tpu.memory_space<vmem>> -> memref<1x64x128xf32, #tpu.memory_space<vmem>>
          %dma_start3A_2303 = tpu.memref_squeeze %dma_start3A_2302 : memref<1x64x128xf32, #tpu.memory_space<vmem>> -> memref<64x128xf32, #tpu.memory_space<vmem>>
          %dma_start3A_2304 = arith.constant 0 : i32
          %dma_start3A_2305 = tpu.memref_slice %arg2[%get3A_2291, %dma_start3A_2304, %mul3A_2] : memref<200x64x4096xf32, #tpu.memory_space<hbm>> -> memref<1x64x128xf32, #tpu.memory_space<hbm>>
          %dma_start3A_2306 = tpu.memref_squeeze %dma_start3A_2305 : memref<1x64x128xf32, #tpu.memory_space<hbm>> -> memref<64x128xf32, #tpu.memory_space<hbm>>
          tpu.enqueue_dma source(%dma_start3A_2306 : memref<64x128xf32, #tpu.memory_space<hbm>>) target(%dma_start3A_2303 : memref<64x128xf32, #tpu.memory_space<vmem>>) target_semaphore(%dma_start3A_2299 : memref<!tpu.dma_semaphore, #tpu.memory_space<semaphore_mem>>)
          %cond3A_2307 = arith.constant 0 : i32
          scf.yield %cond3A_2307 : i32
        } else {
          %cond3A_2289 = arith.constant 0 : i32
          scf.yield %cond3A_2289 : i32
        }
        %add3A_2287 = arith.constant 1 : i32
        %add3A_2288 = arith.addi %scan3A_2264, %add3A_2287 : i32
        scf.yield %add3A_2288 : i32
      } else {
        %get3A_2272 = arith.index_cast %get3A_2268 : i32 to index
        %get3A_2273 = memref.load %arg11[%get3A_2272] : memref<128xi32, #tpu.memory_space<smem>>
        %swap3A_2274 = arith.index_cast %scan3A_2263 : i32 to index
        %swap3A_2275 = memref.load %arg12[%swap3A_2274] : memref<128xi32, #tpu.memory_space<smem>>
        memref.store %get3A_2273, %arg12[%swap3A_2274] : memref<128xi32, #tpu.memory_space<smem>>
        %swap3A_2276 = arith.index_cast %get3A_2268 : i32 to index
        %swap3A_2277 = memref.load %arg11[%swap3A_2276] : memref<128xi32, #tpu.memory_space<smem>>
        memref.store %scan3A_2263, %arg11[%swap3A_2276] : memref<128xi32, #tpu.memory_space<smem>>
        scf.yield %scan3A_2264 : i32
      }
      scf.yield %cond3A_2271 : i32
    }
    %scan3A_561 = arith.constant 16 : i32
    %get3A_562 = arith.constant 32 : index
    %get3A_563 = tpu.vector_load %arg5[%get3A_562] {strides = array<i32>} : memref<128xi32, #tpu.memory_space<vmem>>, vector<16xi32>,
    %eq3A_564 = arith.constant 0 : i32
    %eq3A_565 = vector.broadcast %eq3A_564 : i32 to vector<16xi32>
    %eq3A_566 = arith.cmpi eq, %iota3A, %eq3A_565 : vector<16xi32>
    %jit3A_567 = arith.constant 0 : i32
    %broadcast_in_dim3A_568 = vector.broadcast %jit3A_567 : i32 to vector<16xi32>
    %select_n3A_569 = arith.select %eq3A_566, %get3A_563, %broadcast_in_dim3A_568 : vector<16xi1>, vector<16xi32>
    %reduce_max3A_570 = arith.constant true
    %reduce_max3A_571 = vector.broadcast %reduce_max3A_570 : i1 to vector<16xi1>
    %reduce_max3A_572 = arith.constant -2147483648 : i32
    %reduce_max3A_573 = vector.broadcast %reduce_max3A_572 : i32 to vector<16xi32>
    %reduce_max3A_574 = arith.xori %select_n3A_569, %reduce_max3A_573 : vector<16xi32>
    %reduce_max3A_575 = tpu.scan <max>, %reduce_max3A_574 masked %reduce_max3A_571 : vector<16xi32>, vector<16xi1> -> vector<16xi32>
    %reduce_max3A_576 = arith.xori %reduce_max3A_575, %reduce_max3A_573 : vector<16xi32>
    %reduce_max3A_577 = vector.extract %reduce_max3A_576[15] : i32 from vector<16xi32>
    %swap3A_578 = arith.constant 32 : i32
    %swap3A_579 = arith.index_cast %swap3A_578 : i32 to index
    %swap3A_580 = memref.load %arg8[%swap3A_579] : memref<128xi32, #tpu.memory_space<smem>>
    memref.store %reduce_max3A_577, %arg8[%swap3A_579] : memref<128xi32, #tpu.memory_space<smem>>
    %eq3A_581 = arith.constant 1 : i32
    %eq3A_582 = vector.broadcast %eq3A_581 : i32 to vector<16xi32>
    %eq3A_583 = arith.cmpi eq, %iota3A, %eq3A_582 : vector<16xi32>
    %jit3A_584 = arith.constant 0 : i32
    %broadcast_in_dim3A_585 = vector.broadcast %jit3A_584 : i32 to vector<16xi32>
    %select_n3A_586 = arith.select %eq3A_583, %get3A_563, %broadcast_in_dim3A_585 : vector<16xi1>, vector<16xi32>
    %reduce_max3A_587 = arith.constant true
    %reduce_max3A_588 = vector.broadcast %reduce_max3A_587 : i1 to vector<16xi1>
    %reduce_max3A_589 = arith.constant -2147483648 : i32
    %reduce_max3A_590 = vector.broadcast %reduce_max3A_589 : i32 to vector<16xi32>
    %reduce_max3A_591 = arith.xori %select_n3A_586, %reduce_max3A_590 : vector<16xi32>
    %reduce_max3A_592 = tpu.scan <max>, %reduce_max3A_591 masked %reduce_max3A_588 : vector<16xi32>, vector<16xi1> -> vector<16xi32>
    %reduce_max3A_593 = arith.xori %reduce_max3A_592, %reduce_max3A_590 : vector<16xi32>
    %reduce_max3A_594 = vector.extract %reduce_max3A_593[15] : i32 from vector<16xi32>
    %swap3A_595 = arith.constant 33 : i32
    %swap3A_596 = arith.index_cast %swap3A_595 : i32 to index
    %swap3A_597 = memref.load %arg8[%swap3A_596] : memref<128xi32, #tpu.memory_space<smem>>
    memref.store %reduce_max3A_594, %arg8[%swap3A_596] : memref<128xi32, #tpu.memory_space<smem>>
    %eq3A_598 = arith.constant 2 : i32
    %eq3A_599 = vector.broadcast %eq3A_598 : i32 to vector<16xi32>
    %eq3A_600 = arith.cmpi eq, %iota3A, %eq3A_599 : vector<16xi32>
    %jit3A_601 = arith.constant 0 : i32
    %broadcast_in_dim3A_602 = vector.broadcast %jit3A_601 : i32 to vector<16xi32>
    %select_n3A_603 = arith.select %eq3A_600, %get3A_563, %broadcast_in_dim3A_602 : vector<16xi1>, vector<16xi32>
    %reduce_max3A_604 = arith.constant true
    %reduce_max3A_605 = vector.broadcast %reduce_max3A_604 : i1 to vector<16xi1>
    %reduce_max3A_606 = arith.constant -2147483648 : i32
    %reduce_max3A_607 = vector.broadcast %reduce_max3A_606 : i32 to vector<16xi32>
    %reduce_max3A_608 = arith.xori %select_n3A_603, %reduce_max3A_607 : vector<16xi32>
    %reduce_max3A_609 = tpu.scan <max>, %reduce_max3A_608 masked %reduce_max3A_605 : vector<16xi32>, vector<16xi1> -> vector<16xi32>
    %reduce_max3A_610 = arith.xori %reduce_max3A_609, %reduce_max3A_607 : vector<16xi32>
    %reduce_max3A_611 = vector.extract %reduce_max3A_610[15] : i32 from vector<16xi32>
    %swap3A_612 = arith.constant 34 : i32
    %swap3A_613 = arith.index_cast %swap3A_612 : i32 to index
    %swap3A_614 = memref.load %arg8[%swap3A_613] : memref<128xi32, #tpu.memory_space<smem>>
    memref.store %reduce_max3A_611, %arg8[%swap3A_613] : memref<128xi32, #tpu.memory_space<smem>>
    %eq3A_615 = arith.constant 3 : i32
    %eq3A_616 = vector.broadcast %eq3A_615 : i32 to vector<16xi32>
    %eq3A_617 = arith.cmpi eq, %iota3A, %eq3A_616 : vector<16xi32>
    %jit3A_618 = arith.constant 0 : i32
    %broadcast_in_dim3A_619 = vector.broadcast %jit3A_618 : i32 to vector<16xi32>
    %select_n3A_620 = arith.select %eq3A_617, %get3A_563, %broadcast_in_dim3A_619 : vector<16xi1>, vector<16xi32>
    %reduce_max3A_621 = arith.constant true
    %reduce_max3A_622 = vector.broadcast %reduce_max3A_621 : i1 to vector<16xi1>
    %reduce_max3A_623 = arith.constant -2147483648 : i32
    %reduce_max3A_624 = vector.broadcast %reduce_max3A_623 : i32 to vector<16xi32>
    %reduce_max3A_625 = arith.xori %select_n3A_620, %reduce_max3A_624 : vector<16xi32>
    %reduce_max3A_626 = tpu.scan <max>, %reduce_max3A_625 masked %reduce_max3A_622 : vector<16xi32>, vector<16xi1> -> vector<16xi32>
    %reduce_max3A_627 = arith.xori %reduce_max3A_626, %reduce_max3A_624 : vector<16xi32>
    %reduce_max3A_628 = vector.extract %reduce_max3A_627[15] : i32 from vector<16xi32>
    %swap3A_629 = arith.constant 35 : i32
    %swap3A_630 = arith.index_cast %swap3A_629 : i32 to index
    %swap3A_631 = memref.load %arg8[%swap3A_630] : memref<128xi32, #tpu.memory_space<smem>>
    memref.store %reduce_max3A_628, %arg8[%swap3A_630] : memref<128xi32, #tpu.memory_space<smem>>
    %eq3A_632 = arith.constant 4 : i32
    %eq3A_633 = vector.broadcast %eq3A_632 : i32 to vector<16xi32>
    %eq3A_634 = arith.cmpi eq, %iota3A, %eq3A_633 : vector<16xi32>
    %jit3A_635 = arith.constant 0 : i32
    %broadcast_in_dim3A_636 = vector.broadcast %jit3A_635 : i32 to vector<16xi32>
    %select_n3A_637 = arith.select %eq3A_634, %get3A_563, %broadcast_in_dim3A_636 : vector<16xi1>, vector<16xi32>
    %reduce_max3A_638 = arith.constant true
    %reduce_max3A_639 = vector.broadcast %reduce_max3A_638 : i1 to vector<16xi1>
    %reduce_max3A_640 = arith.constant -2147483648 : i32
    %reduce_max3A_641 = vector.broadcast %reduce_max3A_640 : i32 to vector<16xi32>
    %reduce_max3A_642 = arith.xori %select_n3A_637, %reduce_max3A_641 : vector<16xi32>
    %reduce_max3A_643 = tpu.scan <max>, %reduce_max3A_642 masked %reduce_max3A_639 : vector<16xi32>, vector<16xi1> -> vector<16xi32>
    %reduce_max3A_644 = arith.xori %reduce_max3A_643, %reduce_max3A_641 : vector<16xi32>
    %reduce_max3A_645 = vector.extract %reduce_max3A_644[15] : i32 from vector<16xi32>
    %swap3A_646 = arith.constant 36 : i32
    %swap3A_647 = arith.index_cast %swap3A_646 : i32 to index
    %swap3A_648 = memref.load %arg8[%swap3A_647] : memref<128xi32, #tpu.memory_space<smem>>
    memref.store %reduce_max3A_645, %arg8[%swap3A_647] : memref<128xi32, #tpu.memory_space<smem>>
    %eq3A_649 = arith.constant 5 : i32
    %eq3A_650 = vector.broadcast %eq3A_649 : i32 to vector<16xi32>
    %eq3A_651 = arith.cmpi eq, %iota3A, %eq3A_650 : vector<16xi32>
    %jit3A_652 = arith.constant 0 : i32
    %broadcast_in_dim3A_653 = vector.broadcast %jit3A_652 : i32 to vector<16xi32>
    %select_n3A_654 = arith.select %eq3A_651, %get3A_563, %broadcast_in_dim3A_653 : vector<16xi1>, vector<16xi32>
    %reduce_max3A_655 = arith.constant true
    %reduce_max3A_656 = vector.broadcast %reduce_max3A_655 : i1 to vector<16xi1>
    %reduce_max3A_657 = arith.constant -2147483648 : i32
    %reduce_max3A_658 = vector.broadcast %reduce_max3A_657 : i32 to vector<16xi32>
    %reduce_max3A_659 = arith.xori %select_n3A_654, %reduce_max3A_658 : vector<16xi32>
    %reduce_max3A_660 = tpu.scan <max>, %reduce_max3A_659 masked %reduce_max3A_656 : vector<16xi32>, vector<16xi1> -> vector<16xi32>
    %reduce_max3A_661 = arith.xori %reduce_max3A_660, %reduce_max3A_658 : vector<16xi32>
    %reduce_max3A_662 = vector.extract %reduce_max3A_661[15] : i32 from vector<16xi32>
    %swap3A_663 = arith.constant 37 : i32
    %swap3A_664 = arith.index_cast %swap3A_663 : i32 to index
    %swap3A_665 = memref.load %arg8[%swap3A_664] : memref<128xi32, #tpu.memory_space<smem>>
    memref.store %reduce_max3A_662, %arg8[%swap3A_664] : memref<128xi32, #tpu.memory_space<smem>>
    %eq3A_666 = arith.constant 6 : i32
    %eq3A_667 = vector.broadcast %eq3A_666 : i32 to vector<16xi32>
    %eq3A_668 = arith.cmpi eq, %iota3A, %eq3A_667 : vector<16xi32>
    %jit3A_669 = arith.constant 0 : i32
    %broadcast_in_dim3A_670 = vector.broadcast %jit3A_669 : i32 to vector<16xi32>
    %select_n3A_671 = arith.select %eq3A_668, %get3A_563, %broadcast_in_dim3A_670 : vector<16xi1>, vector<16xi32>
    %reduce_max3A_672 = arith.constant true
    %reduce_max3A_673 = vector.broadcast %reduce_max3A_672 : i1 to vector<16xi1>
    %reduce_max3A_674 = arith.constant -2147483648 : i32
    %reduce_max3A_675 = vector.broadcast %reduce_max3A_674 : i32 to vector<16xi32>
    %reduce_max3A_676 = arith.xori %select_n3A_671, %reduce_max3A_675 : vector<16xi32>
    %reduce_max3A_677 = tpu.scan <max>, %reduce_max3A_676 masked %reduce_max3A_673 : vector<16xi32>, vector<16xi1> -> vector<16xi32>
    %reduce_max3A_678 = arith.xori %reduce_max3A_677, %reduce_max3A_675 : vector<16xi32>
    %reduce_max3A_679 = vector.extract %reduce_max3A_678[15] : i32 from vector<16xi32>
    %swap3A_680 = arith.constant 38 : i32
    %swap3A_681 = arith.index_cast %swap3A_680 : i32 to index
    %swap3A_682 = memref.load %arg8[%swap3A_681] : memref<128xi32, #tpu.memory_space<smem>>
    memref.store %reduce_max3A_679, %arg8[%swap3A_681] : memref<128xi32, #tpu.memory_space<smem>>
    %eq3A_683 = arith.constant 7 : i32
    %eq3A_684 = vector.broadcast %eq3A_683 : i32 to vector<16xi32>
    %eq3A_685 = arith.cmpi eq, %iota3A, %eq3A_684 : vector<16xi32>
    %jit3A_686 = arith.constant 0 : i32
    %broadcast_in_dim3A_687 = vector.broadcast %jit3A_686 : i32 to vector<16xi32>
    %select_n3A_688 = arith.select %eq3A_685, %get3A_563, %broadcast_in_dim3A_687 : vector<16xi1>, vector<16xi32>
    %reduce_max3A_689 = arith.constant true
    %reduce_max3A_690 = vector.broadcast %reduce_max3A_689 : i1 to vector<16xi1>
    %reduce_max3A_691 = arith.constant -2147483648 : i32
    %reduce_max3A_692 = vector.broadcast %reduce_max3A_691 : i32 to vector<16xi32>
    %reduce_max3A_693 = arith.xori %select_n3A_688, %reduce_max3A_692 : vector<16xi32>
    %reduce_max3A_694 = tpu.scan <max>, %reduce_max3A_693 masked %reduce_max3A_690 : vector<16xi32>, vector<16xi1> -> vector<16xi32>
    %reduce_max3A_695 = arith.xori %reduce_max3A_694, %reduce_max3A_692 : vector<16xi32>
    %reduce_max3A_696 = vector.extract %reduce_max3A_695[15] : i32 from vector<16xi32>
    %swap3A_697 = arith.constant 39 : i32
    %swap3A_698 = arith.index_cast %swap3A_697 : i32 to index
    %swap3A_699 = memref.load %arg8[%swap3A_698] : memref<128xi32, #tpu.memory_space<smem>>
    memref.store %reduce_max3A_696, %arg8[%swap3A_698] : memref<128xi32, #tpu.memory_space<smem>>
    %eq3A_700 = arith.constant 8 : i32
    %eq3A_701 = vector.broadcast %eq3A_700 : i32 to vector<16xi32>
    %eq3A_702 = arith.cmpi eq, %iota3A, %eq3A_701 : vector<16xi32>
    %jit3A_703 = arith.constant 0 : i32
    %broadcast_in_dim3A_704 = vector.broadcast %jit3A_703 : i32 to vector<16xi32>
    %select_n3A_705 = arith.select %eq3A_702, %get3A_563, %broadcast_in_dim3A_704 : vector<16xi1>, vector<16xi32>
    %reduce_max3A_706 = arith.constant true
    %reduce_max3A_707 = vector.broadcast %reduce_max3A_706 : i1 to vector<16xi1>
    %reduce_max3A_708 = arith.constant -2147483648 : i32
    %reduce_max3A_709 = vector.broadcast %reduce_max3A_708 : i32 to vector<16xi32>
    %reduce_max3A_710 = arith.xori %select_n3A_705, %reduce_max3A_709 : vector<16xi32>
    %reduce_max3A_711 = tpu.scan <max>, %reduce_max3A_710 masked %reduce_max3A_707 : vector<16xi32>, vector<16xi1> -> vector<16xi32>
    %reduce_max3A_712 = arith.xori %reduce_max3A_711, %reduce_max3A_709 : vector<16xi32>
    %reduce_max3A_713 = vector.extract %reduce_max3A_712[15] : i32 from vector<16xi32>
    %swap3A_714 = arith.constant 40 : i32
    %swap3A_715 = arith.index_cast %swap3A_714 : i32 to index
    %swap3A_716 = memref.load %arg8[%swap3A_715] : memref<128xi32, #tpu.memory_space<smem>>
    memref.store %reduce_max3A_713, %arg8[%swap3A_715] : memref<128xi32, #tpu.memory_space<smem>>
    %eq3A_717 = arith.constant 9 : i32
    %eq3A_718 = vector.broadcast %eq3A_717 : i32 to vector<16xi32>
    %eq3A_719 = arith.cmpi eq, %iota3A, %eq3A_718 : vector<16xi32>
    %jit3A_720 = arith.constant 0 : i32
    %broadcast_in_dim3A_721 = vector.broadcast %jit3A_720 : i32 to vector<16xi32>
    %select_n3A_722 = arith.select %eq3A_719, %get3A_563, %broadcast_in_dim3A_721 : vector<16xi1>, vector<16xi32>
    %reduce_max3A_723 = arith.constant true
    %reduce_max3A_724 = vector.broadcast %reduce_max3A_723 : i1 to vector<16xi1>
    %reduce_max3A_725 = arith.constant -2147483648 : i32
    %reduce_max3A_726 = vector.broadcast %reduce_max3A_725 : i32 to vector<16xi32>
    %reduce_max3A_727 = arith.xori %select_n3A_722, %reduce_max3A_726 : vector<16xi32>
    %reduce_max3A_728 = tpu.scan <max>, %reduce_max3A_727 masked %reduce_max3A_724 : vector<16xi32>, vector<16xi1> -> vector<16xi32>
    %reduce_max3A_729 = arith.xori %reduce_max3A_728, %reduce_max3A_726 : vector<16xi32>
    %reduce_max3A_730 = vector.extract %reduce_max3A_729[15] : i32 from vector<16xi32>
    %swap3A_731 = arith.constant 41 : i32
    %swap3A_732 = arith.index_cast %swap3A_731 : i32 to index
    %swap3A_733 = memref.load %arg8[%swap3A_732] : memref<128xi32, #tpu.memory_space<smem>>
    memref.store %reduce_max3A_730, %arg8[%swap3A_732] : memref<128xi32, #tpu.memory_space<smem>>
    %eq3A_734 = arith.constant 10 : i32
    %eq3A_735 = vector.broadcast %eq3A_734 : i32 to vector<16xi32>
    %eq3A_736 = arith.cmpi eq, %iota3A, %eq3A_735 : vector<16xi32>
    %jit3A_737 = arith.constant 0 : i32
    %broadcast_in_dim3A_738 = vector.broadcast %jit3A_737 : i32 to vector<16xi32>
    %select_n3A_739 = arith.select %eq3A_736, %get3A_563, %broadcast_in_dim3A_738 : vector<16xi1>, vector<16xi32>
    %reduce_max3A_740 = arith.constant true
    %reduce_max3A_741 = vector.broadcast %reduce_max3A_740 : i1 to vector<16xi1>
    %reduce_max3A_742 = arith.constant -2147483648 : i32
    %reduce_max3A_743 = vector.broadcast %reduce_max3A_742 : i32 to vector<16xi32>
    %reduce_max3A_744 = arith.xori %select_n3A_739, %reduce_max3A_743 : vector<16xi32>
    %reduce_max3A_745 = tpu.scan <max>, %reduce_max3A_744 masked %reduce_max3A_741 : vector<16xi32>, vector<16xi1> -> vector<16xi32>
    %reduce_max3A_746 = arith.xori %reduce_max3A_745, %reduce_max3A_743 : vector<16xi32>
    %reduce_max3A_747 = vector.extract %reduce_max3A_746[15] : i32 from vector<16xi32>
    %swap3A_748 = arith.constant 42 : i32
    %swap3A_749 = arith.index_cast %swap3A_748 : i32 to index
    %swap3A_750 = memref.load %arg8[%swap3A_749] : memref<128xi32, #tpu.memory_space<smem>>
    memref.store %reduce_max3A_747, %arg8[%swap3A_749] : memref<128xi32, #tpu.memory_space<smem>>
    %eq3A_751 = arith.constant 11 : i32
    %eq3A_752 = vector.broadcast %eq3A_751 : i32 to vector<16xi32>
    %eq3A_753 = arith.cmpi eq, %iota3A, %eq3A_752 : vector<16xi32>
    %jit3A_754 = arith.constant 0 : i32
    %broadcast_in_dim3A_755 = vector.broadcast %jit3A_754 : i32 to vector<16xi32>
    %select_n3A_756 = arith.select %eq3A_753, %get3A_563, %broadcast_in_dim3A_755 : vector<16xi1>, vector<16xi32>
    %reduce_max3A_757 = arith.constant true
    %reduce_max3A_758 = vector.broadcast %reduce_max3A_757 : i1 to vector<16xi1>
    %reduce_max3A_759 = arith.constant -2147483648 : i32
    %reduce_max3A_760 = vector.broadcast %reduce_max3A_759 : i32 to vector<16xi32>
    %reduce_max3A_761 = arith.xori %select_n3A_756, %reduce_max3A_760 : vector<16xi32>
    %reduce_max3A_762 = tpu.scan <max>, %reduce_max3A_761 masked %reduce_max3A_758 : vector<16xi32>, vector<16xi1> -> vector<16xi32>
    %reduce_max3A_763 = arith.xori %reduce_max3A_762, %reduce_max3A_760 : vector<16xi32>
    %reduce_max3A_764 = vector.extract %reduce_max3A_763[15] : i32 from vector<16xi32>
    %swap3A_765 = arith.constant 43 : i32
    %swap3A_766 = arith.index_cast %swap3A_765 : i32 to index
    %swap3A_767 = memref.load %arg8[%swap3A_766] : memref<128xi32, #tpu.memory_space<smem>>
    memref.store %reduce_max3A_764, %arg8[%swap3A_766] : memref<128xi32, #tpu.memory_space<smem>>
    %eq3A_768 = arith.constant 12 : i32
    %eq3A_769 = vector.broadcast %eq3A_768 : i32 to vector<16xi32>
    %eq3A_770 = arith.cmpi eq, %iota3A, %eq3A_769 : vector<16xi32>
    %jit3A_771 = arith.constant 0 : i32
    %broadcast_in_dim3A_772 = vector.broadcast %jit3A_771 : i32 to vector<16xi32>
    %select_n3A_773 = arith.select %eq3A_770, %get3A_563, %broadcast_in_dim3A_772 : vector<16xi1>, vector<16xi32>
    %reduce_max3A_774 = arith.constant true
    %reduce_max3A_775 = vector.broadcast %reduce_max3A_774 : i1 to vector<16xi1>
    %reduce_max3A_776 = arith.constant -2147483648 : i32
    %reduce_max3A_777 = vector.broadcast %reduce_max3A_776 : i32 to vector<16xi32>
    %reduce_max3A_778 = arith.xori %select_n3A_773, %reduce_max3A_777 : vector<16xi32>
    %reduce_max3A_779 = tpu.scan <max>, %reduce_max3A_778 masked %reduce_max3A_775 : vector<16xi32>, vector<16xi1> -> vector<16xi32>
    %reduce_max3A_780 = arith.xori %reduce_max3A_779, %reduce_max3A_777 : vector<16xi32>
    %reduce_max3A_781 = vector.extract %reduce_max3A_780[15] : i32 from vector<16xi32>
    %swap3A_782 = arith.constant 44 : i32
    %swap3A_783 = arith.index_cast %swap3A_782 : i32 to index
    %swap3A_784 = memref.load %arg8[%swap3A_783] : memref<128xi32, #tpu.memory_space<smem>>
    memref.store %reduce_max3A_781, %arg8[%swap3A_783] : memref<128xi32, #tpu.memory_space<smem>>
    %eq3A_785 = arith.constant 13 : i32
    %eq3A_786 = vector.broadcast %eq3A_785 : i32 to vector<16xi32>
    %eq3A_787 = arith.cmpi eq, %iota3A, %eq3A_786 : vector<16xi32>
    %jit3A_788 = arith.constant 0 : i32
    %broadcast_in_dim3A_789 = vector.broadcast %jit3A_788 : i32 to vector<16xi32>
    %select_n3A_790 = arith.select %eq3A_787, %get3A_563, %broadcast_in_dim3A_789 : vector<16xi1>, vector<16xi32>
    %reduce_max3A_791 = arith.constant true
    %reduce_max3A_792 = vector.broadcast %reduce_max3A_791 : i1 to vector<16xi1>
    %reduce_max3A_793 = arith.constant -2147483648 : i32
    %reduce_max3A_794 = vector.broadcast %reduce_max3A_793 : i32 to vector<16xi32>
    %reduce_max3A_795 = arith.xori %select_n3A_790, %reduce_max3A_794 : vector<16xi32>
    %reduce_max3A_796 = tpu.scan <max>, %reduce_max3A_795 masked %reduce_max3A_792 : vector<16xi32>, vector<16xi1> -> vector<16xi32>
    %reduce_max3A_797 = arith.xori %reduce_max3A_796, %reduce_max3A_794 : vector<16xi32>
    %reduce_max3A_798 = vector.extract %reduce_max3A_797[15] : i32 from vector<16xi32>
    %swap3A_799 = arith.constant 45 : i32
    %swap3A_800 = arith.index_cast %swap3A_799 : i32 to index
    %swap3A_801 = memref.load %arg8[%swap3A_800] : memref<128xi32, #tpu.memory_space<smem>>
    memref.store %reduce_max3A_798, %arg8[%swap3A_800] : memref<128xi32, #tpu.memory_space<smem>>
    %eq3A_802 = arith.constant 14 : i32
    %eq3A_803 = vector.broadcast %eq3A_802 : i32 to vector<16xi32>
    %eq3A_804 = arith.cmpi eq, %iota3A, %eq3A_803 : vector<16xi32>
    %jit3A_805 = arith.constant 0 : i32
    %broadcast_in_dim3A_806 = vector.broadcast %jit3A_805 : i32 to vector<16xi32>
    %select_n3A_807 = arith.select %eq3A_804, %get3A_563, %broadcast_in_dim3A_806 : vector<16xi1>, vector<16xi32>
    %reduce_max3A_808 = arith.constant true
    %reduce_max3A_809 = vector.broadcast %reduce_max3A_808 : i1 to vector<16xi1>
    %reduce_max3A_810 = arith.constant -2147483648 : i32
    %reduce_max3A_811 = vector.broadcast %reduce_max3A_810 : i32 to vector<16xi32>
    %reduce_max3A_812 = arith.xori %select_n3A_807, %reduce_max3A_811 : vector<16xi32>
    %reduce_max3A_813 = tpu.scan <max>, %reduce_max3A_812 masked %reduce_max3A_809 : vector<16xi32>, vector<16xi1> -> vector<16xi32>
    %reduce_max3A_814 = arith.xori %reduce_max3A_813, %reduce_max3A_811 : vector<16xi32>
    %reduce_max3A_815 = vector.extract %reduce_max3A_814[15] : i32 from vector<16xi32>
    %swap3A_816 = arith.constant 46 : i32
    %swap3A_817 = arith.index_cast %swap3A_816 : i32 to index
    %swap3A_818 = memref.load %arg8[%swap3A_817] : memref<128xi32, #tpu.memory_space<smem>>
    memref.store %reduce_max3A_815, %arg8[%swap3A_817] : memref<128xi32, #tpu.memory_space<smem>>
    %eq3A_819 = arith.constant 15 : i32
    %eq3A_820 = vector.broadcast %eq3A_819 : i32 to vector<16xi32>
    %eq3A_821 = arith.cmpi eq, %iota3A, %eq3A_820 : vector<16xi32>
    %jit3A_822 = arith.constant 0 : i32
    %broadcast_in_dim3A_823 = vector.broadcast %jit3A_822 : i32 to vector<16xi32>
    %select_n3A_824 = arith.select %eq3A_821, %get3A_563, %broadcast_in_dim3A_823 : vector<16xi1>, vector<16xi32>
    %reduce_max3A_825 = arith.constant true
    %reduce_max3A_826 = vector.broadcast %reduce_max3A_825 : i1 to vector<16xi1>
    %reduce_max3A_827 = arith.constant -2147483648 : i32
    %reduce_max3A_828 = vector.broadcast %reduce_max3A_827 : i32 to vector<16xi32>
    %reduce_max3A_829 = arith.xori %select_n3A_824, %reduce_max3A_828 : vector<16xi32>
    %reduce_max3A_830 = tpu.scan <max>, %reduce_max3A_829 masked %reduce_max3A_826 : vector<16xi32>, vector<16xi1> -> vector<16xi32>
    %reduce_max3A_831 = arith.xori %reduce_max3A_830, %reduce_max3A_828 : vector<16xi32>
    %reduce_max3A_832 = vector.extract %reduce_max3A_831[15] : i32 from vector<16xi32>
    %swap3A_833 = arith.constant 47 : i32
    %swap3A_834 = arith.index_cast %swap3A_833 : i32 to index
    %swap3A_835 = memref.load %arg8[%swap3A_834] : memref<128xi32, #tpu.memory_space<smem>>
    memref.store %reduce_max3A_832, %arg8[%swap3A_834] : memref<128xi32, #tpu.memory_space<smem>>
    %scan3A_836 = arith.constant 32 : i32
    %scan3A_837 = arith.constant 16 : i32
    %scan3A_838 = arith.addi %scan3A_836, %scan3A_837 : i32
    %scan3A_839 = arith.constant 1 : i32
    %scan3A_840 = scf.for %scan3A_2263 = %scan3A_836 to %scan3A_838 step %scan3A_839 iter_args(%scan3A_2264 = %scan3A_560) -> (i32)  : i32 {
      %get3A_2265 = arith.index_cast %scan3A_2263 : i32 to index
      %get3A_2266 = memref.load %arg8[%get3A_2265] : memref<128xi32, #tpu.memory_space<smem>>
      %get3A_2267 = arith.index_cast %get3A_2266 : i32 to index
      %get3A_2268 = memref.load %arg9[%get3A_2267] : memref<200xi32, #tpu.memory_space<smem>>
      %lt3A = arith.constant 0 : i32
      %lt3A_2269 = arith.cmpi slt, %get3A_2268, %lt3A : i32
      %convert_element_type3A = arith.extui %lt3A_2269 : i1 to i32
      %cond3A = arith.constant 0 : i32
      %cond3A_2270 = arith.cmpi ne, %convert_element_type3A, %cond3A : i32
      %cond3A_2271 = scf.if %cond3A_2270 -> (i32) {
        %swap3A_2272 = arith.index_cast %get3A_2266 : i32 to index
        %swap3A_2273 = memref.load %arg9[%swap3A_2272] : memref<200xi32, #tpu.memory_space<smem>>
        memref.store %scan3A_2264, %arg9[%swap3A_2272] : memref<200xi32, #tpu.memory_space<smem>>
        %swap3A_2274 = arith.index_cast %scan3A_2264 : i32 to index
        %swap3A_2275 = memref.load %arg10[%swap3A_2274] : memref<128xi32, #tpu.memory_space<smem>>
        memref.store %get3A_2266, %arg10[%swap3A_2274] : memref<128xi32, #tpu.memory_space<smem>>
        %swap3A_2276 = arith.index_cast %scan3A_2264 : i32 to index
        %swap3A_2277 = memref.load %arg11[%swap3A_2276] : memref<128xi32, #tpu.memory_space<smem>>
        memref.store %scan3A_2263, %arg11[%swap3A_2276] : memref<128xi32, #tpu.memory_space<smem>>
        %swap3A_2278 = arith.constant -1 : i32
        %swap3A_2279 = arith.index_cast %scan3A_2263 : i32 to index
        %swap3A_2280 = memref.load %arg12[%swap3A_2279] : memref<128xi32, #tpu.memory_space<smem>>
        memref.store %swap3A_2278, %arg12[%swap3A_2279] : memref<128xi32, #tpu.memory_space<smem>>
        %lt3A_2281 = arith.constant 8 : i32
        %lt3A_2282 = arith.cmpi slt, %scan3A_2264, %lt3A_2281 : i32
        %convert_element_type3A_2283 = arith.extui %lt3A_2282 : i1 to i32
        %cond3A_2284 = arith.constant 0 : i32
        %cond3A_2285 = arith.cmpi ne, %convert_element_type3A_2283, %cond3A_2284 : i32
        %cond3A_2286 = scf.if %cond3A_2285 -> (i32) {
          %rem3A = arith.constant 9 : i32
          %rem3A_2289 = arith.remsi %scan3A_2264, %rem3A : i32
          %get3A_2290 = arith.index_cast %scan3A_2264 : i32 to index
          %get3A_2291 = memref.load %arg10[%get3A_2290] : memref<128xi32, #tpu.memory_space<smem>>
          %dma_start3A = arith.constant 0 : i32
          %dma_start3A_2292 = arith.constant 0 : i32
          %dma_start3A_2293 = tpu.memref_slice %arg6[%rem3A_2289, %dma_start3A, %dma_start3A_2292] : memref<9x64x128xf32, #tpu.memory_space<vmem>> -> memref<1x64x128xf32, #tpu.memory_space<vmem>>
          %dma_start3A_2294 = tpu.memref_squeeze %dma_start3A_2293 : memref<1x64x128xf32, #tpu.memory_space<vmem>> -> memref<64x128xf32, #tpu.memory_space<vmem>>
          %dma_start3A_2295 = arith.constant 0 : i32
          %dma_start3A_2296 = tpu.memref_slice %arg2[%get3A_2291, %dma_start3A_2295, %mul3A_2] : memref<200x64x4096xf32, #tpu.memory_space<hbm>> -> memref<1x64x128xf32, #tpu.memory_space<hbm>>
          %dma_start3A_2297 = tpu.memref_squeeze %dma_start3A_2296 : memref<1x64x128xf32, #tpu.memory_space<hbm>> -> memref<64x128xf32, #tpu.memory_space<hbm>>
          %dma_start3A_2298 = tpu.memref_slice %arg13[%rem3A_2289] : memref<9x!tpu.dma_semaphore, #tpu.memory_space<semaphore_mem>> -> memref<1x!tpu.dma_semaphore, #tpu.memory_space<semaphore_mem>>
          %dma_start3A_2299 = tpu.memref_squeeze %dma_start3A_2298 : memref<1x!tpu.dma_semaphore, #tpu.memory_space<semaphore_mem>> -> memref<!tpu.dma_semaphore, #tpu.memory_space<semaphore_mem>>
          %dma_start3A_2300 = arith.constant 0 : i32
          %dma_start3A_2301 = arith.constant 0 : i32
          %dma_start3A_2302 = tpu.memref_slice %arg6[%rem3A_2289, %dma_start3A_2300, %dma_start3A_2301] : memref<9x64x128xf32, #tpu.memory_space<vmem>> -> memref<1x64x128xf32, #tpu.memory_space<vmem>>
          %dma_start3A_2303 = tpu.memref_squeeze %dma_start3A_2302 : memref<1x64x128xf32, #tpu.memory_space<vmem>> -> memref<64x128xf32, #tpu.memory_space<vmem>>
          %dma_start3A_2304 = arith.constant 0 : i32
          %dma_start3A_2305 = tpu.memref_slice %arg2[%get3A_2291, %dma_start3A_2304, %mul3A_2] : memref<200x64x4096xf32, #tpu.memory_space<hbm>> -> memref<1x64x128xf32, #tpu.memory_space<hbm>>
          %dma_start3A_2306 = tpu.memref_squeeze %dma_start3A_2305 : memref<1x64x128xf32, #tpu.memory_space<hbm>> -> memref<64x128xf32, #tpu.memory_space<hbm>>
          tpu.enqueue_dma source(%dma_start3A_2306 : memref<64x128xf32, #tpu.memory_space<hbm>>) target(%dma_start3A_2303 : memref<64x128xf32, #tpu.memory_space<vmem>>) target_semaphore(%dma_start3A_2299 : memref<!tpu.dma_semaphore, #tpu.memory_space<semaphore_mem>>)
          %cond3A_2307 = arith.constant 0 : i32
          scf.yield %cond3A_2307 : i32
        } else {
          %cond3A_2289 = arith.constant 0 : i32
          scf.yield %cond3A_2289 : i32
        }
        %add3A_2287 = arith.constant 1 : i32
        %add3A_2288 = arith.addi %scan3A_2264, %add3A_2287 : i32
        scf.yield %add3A_2288 : i32
      } else {
        %get3A_2272 = arith.index_cast %get3A_2268 : i32 to index
        %get3A_2273 = memref.load %arg11[%get3A_2272] : memref<128xi32, #tpu.memory_space<smem>>
        %swap3A_2274 = arith.index_cast %scan3A_2263 : i32 to index
        %swap3A_2275 = memref.load %arg12[%swap3A_2274] : memref<128xi32, #tpu.memory_space<smem>>
        memref.store %get3A_2273, %arg12[%swap3A_2274] : memref<128xi32, #tpu.memory_space<smem>>
        %swap3A_2276 = arith.index_cast %get3A_2268 : i32 to index
        %swap3A_2277 = memref.load %arg11[%swap3A_2276] : memref<128xi32, #tpu.memory_space<smem>>
        memref.store %scan3A_2263, %arg11[%swap3A_2276] : memref<128xi32, #tpu.memory_space<smem>>
        scf.yield %scan3A_2264 : i32
      }
      scf.yield %cond3A_2271 : i32
    }
    %scan3A_841 = arith.constant 16 : i32
    %get3A_842 = arith.constant 48 : index
    %get3A_843 = tpu.vector_load %arg5[%get3A_842] {strides = array<i32>} : memref<128xi32, #tpu.memory_space<vmem>>, vector<16xi32>,
    %eq3A_844 = arith.constant 0 : i32
    %eq3A_845 = vector.broadcast %eq3A_844 : i32 to vector<16xi32>
    %eq3A_846 = arith.cmpi eq, %iota3A, %eq3A_845 : vector<16xi32>
    %jit3A_847 = arith.constant 0 : i32
    %broadcast_in_dim3A_848 = vector.broadcast %jit3A_847 : i32 to vector<16xi32>
    %select_n3A_849 = arith.select %eq3A_846, %get3A_843, %broadcast_in_dim3A_848 : vector<16xi1>, vector<16xi32>
    %reduce_max3A_850 = arith.constant true
    %reduce_max3A_851 = vector.broadcast %reduce_max3A_850 : i1 to vector<16xi1>
    %reduce_max3A_852 = arith.constant -2147483648 : i32
    %reduce_max3A_853 = vector.broadcast %reduce_max3A_852 : i32 to vector<16xi32>
    %reduce_max3A_854 = arith.xori %select_n3A_849, %reduce_max3A_853 : vector<16xi32>
    %reduce_max3A_855 = tpu.scan <max>, %reduce_max3A_854 masked %reduce_max3A_851 : vector<16xi32>, vector<16xi1> -> vector<16xi32>
    %reduce_max3A_856 = arith.xori %reduce_max3A_855, %reduce_max3A_853 : vector<16xi32>
    %reduce_max3A_857 = vector.extract %reduce_max3A_856[15] : i32 from vector<16xi32>
    %swap3A_858 = arith.constant 48 : i32
    %swap3A_859 = arith.index_cast %swap3A_858 : i32 to index
    %swap3A_860 = memref.load %arg8[%swap3A_859] : memref<128xi32, #tpu.memory_space<smem>>
    memref.store %reduce_max3A_857, %arg8[%swap3A_859] : memref<128xi32, #tpu.memory_space<smem>>
    %eq3A_861 = arith.constant 1 : i32
    %eq3A_862 = vector.broadcast %eq3A_861 : i32 to vector<16xi32>
    %eq3A_863 = arith.cmpi eq, %iota3A, %eq3A_862 : vector<16xi32>
    %jit3A_864 = arith.constant 0 : i32
    %broadcast_in_dim3A_865 = vector.broadcast %jit3A_864 : i32 to vector<16xi32>
    %select_n3A_866 = arith.select %eq3A_863, %get3A_843, %broadcast_in_dim3A_865 : vector<16xi1>, vector<16xi32>
    %reduce_max3A_867 = arith.constant true
    %reduce_max3A_868 = vector.broadcast %reduce_max3A_867 : i1 to vector<16xi1>
    %reduce_max3A_869 = arith.constant -2147483648 : i32
    %reduce_max3A_870 = vector.broadcast %reduce_max3A_869 : i32 to vector<16xi32>
    %reduce_max3A_871 = arith.xori %select_n3A_866, %reduce_max3A_870 : vector<16xi32>
    %reduce_max3A_872 = tpu.scan <max>, %reduce_max3A_871 masked %reduce_max3A_868 : vector<16xi32>, vector<16xi1> -> vector<16xi32>
    %reduce_max3A_873 = arith.xori %reduce_max3A_872, %reduce_max3A_870 : vector<16xi32>
    %reduce_max3A_874 = vector.extract %reduce_max3A_873[15] : i32 from vector<16xi32>
    %swap3A_875 = arith.constant 49 : i32
    %swap3A_876 = arith.index_cast %swap3A_875 : i32 to index
    %swap3A_877 = memref.load %arg8[%swap3A_876] : memref<128xi32, #tpu.memory_space<smem>>
    memref.store %reduce_max3A_874, %arg8[%swap3A_876] : memref<128xi32, #tpu.memory_space<smem>>
    %eq3A_878 = arith.constant 2 : i32
    %eq3A_879 = vector.broadcast %eq3A_878 : i32 to vector<16xi32>
    %eq3A_880 = arith.cmpi eq, %iota3A, %eq3A_879 : vector<16xi32>
    %jit3A_881 = arith.constant 0 : i32
    %broadcast_in_dim3A_882 = vector.broadcast %jit3A_881 : i32 to vector<16xi32>
    %select_n3A_883 = arith.select %eq3A_880, %get3A_843, %broadcast_in_dim3A_882 : vector<16xi1>, vector<16xi32>
    %reduce_max3A_884 = arith.constant true
    %reduce_max3A_885 = vector.broadcast %reduce_max3A_884 : i1 to vector<16xi1>
    %reduce_max3A_886 = arith.constant -2147483648 : i32
    %reduce_max3A_887 = vector.broadcast %reduce_max3A_886 : i32 to vector<16xi32>
    %reduce_max3A_888 = arith.xori %select_n3A_883, %reduce_max3A_887 : vector<16xi32>
    %reduce_max3A_889 = tpu.scan <max>, %reduce_max3A_888 masked %reduce_max3A_885 : vector<16xi32>, vector<16xi1> -> vector<16xi32>
    %reduce_max3A_890 = arith.xori %reduce_max3A_889, %reduce_max3A_887 : vector<16xi32>
    %reduce_max3A_891 = vector.extract %reduce_max3A_890[15] : i32 from vector<16xi32>
    %swap3A_892 = arith.constant 50 : i32
    %swap3A_893 = arith.index_cast %swap3A_892 : i32 to index
    %swap3A_894 = memref.load %arg8[%swap3A_893] : memref<128xi32, #tpu.memory_space<smem>>
    memref.store %reduce_max3A_891, %arg8[%swap3A_893] : memref<128xi32, #tpu.memory_space<smem>>
    %eq3A_895 = arith.constant 3 : i32
    %eq3A_896 = vector.broadcast %eq3A_895 : i32 to vector<16xi32>
    %eq3A_897 = arith.cmpi eq, %iota3A, %eq3A_896 : vector<16xi32>
    %jit3A_898 = arith.constant 0 : i32
    %broadcast_in_dim3A_899 = vector.broadcast %jit3A_898 : i32 to vector<16xi32>
    %select_n3A_900 = arith.select %eq3A_897, %get3A_843, %broadcast_in_dim3A_899 : vector<16xi1>, vector<16xi32>
    %reduce_max3A_901 = arith.constant true
    %reduce_max3A_902 = vector.broadcast %reduce_max3A_901 : i1 to vector<16xi1>
    %reduce_max3A_903 = arith.constant -2147483648 : i32
    %reduce_max3A_904 = vector.broadcast %reduce_max3A_903 : i32 to vector<16xi32>
    %reduce_max3A_905 = arith.xori %select_n3A_900, %reduce_max3A_904 : vector<16xi32>
    %reduce_max3A_906 = tpu.scan <max>, %reduce_max3A_905 masked %reduce_max3A_902 : vector<16xi32>, vector<16xi1> -> vector<16xi32>
    %reduce_max3A_907 = arith.xori %reduce_max3A_906, %reduce_max3A_904 : vector<16xi32>
    %reduce_max3A_908 = vector.extract %reduce_max3A_907[15] : i32 from vector<16xi32>
    %swap3A_909 = arith.constant 51 : i32
    %swap3A_910 = arith.index_cast %swap3A_909 : i32 to index
    %swap3A_911 = memref.load %arg8[%swap3A_910] : memref<128xi32, #tpu.memory_space<smem>>
    memref.store %reduce_max3A_908, %arg8[%swap3A_910] : memref<128xi32, #tpu.memory_space<smem>>
    %eq3A_912 = arith.constant 4 : i32
    %eq3A_913 = vector.broadcast %eq3A_912 : i32 to vector<16xi32>
    %eq3A_914 = arith.cmpi eq, %iota3A, %eq3A_913 : vector<16xi32>
    %jit3A_915 = arith.constant 0 : i32
    %broadcast_in_dim3A_916 = vector.broadcast %jit3A_915 : i32 to vector<16xi32>
    %select_n3A_917 = arith.select %eq3A_914, %get3A_843, %broadcast_in_dim3A_916 : vector<16xi1>, vector<16xi32>
    %reduce_max3A_918 = arith.constant true
    %reduce_max3A_919 = vector.broadcast %reduce_max3A_918 : i1 to vector<16xi1>
    %reduce_max3A_920 = arith.constant -2147483648 : i32
    %reduce_max3A_921 = vector.broadcast %reduce_max3A_920 : i32 to vector<16xi32>
    %reduce_max3A_922 = arith.xori %select_n3A_917, %reduce_max3A_921 : vector<16xi32>
    %reduce_max3A_923 = tpu.scan <max>, %reduce_max3A_922 masked %reduce_max3A_919 : vector<16xi32>, vector<16xi1> -> vector<16xi32>
    %reduce_max3A_924 = arith.xori %reduce_max3A_923, %reduce_max3A_921 : vector<16xi32>
    %reduce_max3A_925 = vector.extract %reduce_max3A_924[15] : i32 from vector<16xi32>
    %swap3A_926 = arith.constant 52 : i32
    %swap3A_927 = arith.index_cast %swap3A_926 : i32 to index
    %swap3A_928 = memref.load %arg8[%swap3A_927] : memref<128xi32, #tpu.memory_space<smem>>
    memref.store %reduce_max3A_925, %arg8[%swap3A_927] : memref<128xi32, #tpu.memory_space<smem>>
    %eq3A_929 = arith.constant 5 : i32
    %eq3A_930 = vector.broadcast %eq3A_929 : i32 to vector<16xi32>
    %eq3A_931 = arith.cmpi eq, %iota3A, %eq3A_930 : vector<16xi32>
    %jit3A_932 = arith.constant 0 : i32
    %broadcast_in_dim3A_933 = vector.broadcast %jit3A_932 : i32 to vector<16xi32>
    %select_n3A_934 = arith.select %eq3A_931, %get3A_843, %broadcast_in_dim3A_933 : vector<16xi1>, vector<16xi32>
    %reduce_max3A_935 = arith.constant true
    %reduce_max3A_936 = vector.broadcast %reduce_max3A_935 : i1 to vector<16xi1>
    %reduce_max3A_937 = arith.constant -2147483648 : i32
    %reduce_max3A_938 = vector.broadcast %reduce_max3A_937 : i32 to vector<16xi32>
    %reduce_max3A_939 = arith.xori %select_n3A_934, %reduce_max3A_938 : vector<16xi32>
    %reduce_max3A_940 = tpu.scan <max>, %reduce_max3A_939 masked %reduce_max3A_936 : vector<16xi32>, vector<16xi1> -> vector<16xi32>
    %reduce_max3A_941 = arith.xori %reduce_max3A_940, %reduce_max3A_938 : vector<16xi32>
    %reduce_max3A_942 = vector.extract %reduce_max3A_941[15] : i32 from vector<16xi32>
    %swap3A_943 = arith.constant 53 : i32
    %swap3A_944 = arith.index_cast %swap3A_943 : i32 to index
    %swap3A_945 = memref.load %arg8[%swap3A_944] : memref<128xi32, #tpu.memory_space<smem>>
    memref.store %reduce_max3A_942, %arg8[%swap3A_944] : memref<128xi32, #tpu.memory_space<smem>>
    %eq3A_946 = arith.constant 6 : i32
    %eq3A_947 = vector.broadcast %eq3A_946 : i32 to vector<16xi32>
    %eq3A_948 = arith.cmpi eq, %iota3A, %eq3A_947 : vector<16xi32>
    %jit3A_949 = arith.constant 0 : i32
    %broadcast_in_dim3A_950 = vector.broadcast %jit3A_949 : i32 to vector<16xi32>
    %select_n3A_951 = arith.select %eq3A_948, %get3A_843, %broadcast_in_dim3A_950 : vector<16xi1>, vector<16xi32>
    %reduce_max3A_952 = arith.constant true
    %reduce_max3A_953 = vector.broadcast %reduce_max3A_952 : i1 to vector<16xi1>
    %reduce_max3A_954 = arith.constant -2147483648 : i32
    %reduce_max3A_955 = vector.broadcast %reduce_max3A_954 : i32 to vector<16xi32>
    %reduce_max3A_956 = arith.xori %select_n3A_951, %reduce_max3A_955 : vector<16xi32>
    %reduce_max3A_957 = tpu.scan <max>, %reduce_max3A_956 masked %reduce_max3A_953 : vector<16xi32>, vector<16xi1> -> vector<16xi32>
    %reduce_max3A_958 = arith.xori %reduce_max3A_957, %reduce_max3A_955 : vector<16xi32>
    %reduce_max3A_959 = vector.extract %reduce_max3A_958[15] : i32 from vector<16xi32>
    %swap3A_960 = arith.constant 54 : i32
    %swap3A_961 = arith.index_cast %swap3A_960 : i32 to index
    %swap3A_962 = memref.load %arg8[%swap3A_961] : memref<128xi32, #tpu.memory_space<smem>>
    memref.store %reduce_max3A_959, %arg8[%swap3A_961] : memref<128xi32, #tpu.memory_space<smem>>
    %eq3A_963 = arith.constant 7 : i32
    %eq3A_964 = vector.broadcast %eq3A_963 : i32 to vector<16xi32>
    %eq3A_965 = arith.cmpi eq, %iota3A, %eq3A_964 : vector<16xi32>
    %jit3A_966 = arith.constant 0 : i32
    %broadcast_in_dim3A_967 = vector.broadcast %jit3A_966 : i32 to vector<16xi32>
    %select_n3A_968 = arith.select %eq3A_965, %get3A_843, %broadcast_in_dim3A_967 : vector<16xi1>, vector<16xi32>
    %reduce_max3A_969 = arith.constant true
    %reduce_max3A_970 = vector.broadcast %reduce_max3A_969 : i1 to vector<16xi1>
    %reduce_max3A_971 = arith.constant -2147483648 : i32
    %reduce_max3A_972 = vector.broadcast %reduce_max3A_971 : i32 to vector<16xi32>
    %reduce_max3A_973 = arith.xori %select_n3A_968, %reduce_max3A_972 : vector<16xi32>
    %reduce_max3A_974 = tpu.scan <max>, %reduce_max3A_973 masked %reduce_max3A_970 : vector<16xi32>, vector<16xi1> -> vector<16xi32>
    %reduce_max3A_975 = arith.xori %reduce_max3A_974, %reduce_max3A_972 : vector<16xi32>
    %reduce_max3A_976 = vector.extract %reduce_max3A_975[15] : i32 from vector<16xi32>
    %swap3A_977 = arith.constant 55 : i32
    %swap3A_978 = arith.index_cast %swap3A_977 : i32 to index
    %swap3A_979 = memref.load %arg8[%swap3A_978] : memref<128xi32, #tpu.memory_space<smem>>
    memref.store %reduce_max3A_976, %arg8[%swap3A_978] : memref<128xi32, #tpu.memory_space<smem>>
    %eq3A_980 = arith.constant 8 : i32
    %eq3A_981 = vector.broadcast %eq3A_980 : i32 to vector<16xi32>
    %eq3A_982 = arith.cmpi eq, %iota3A, %eq3A_981 : vector<16xi32>
    %jit3A_983 = arith.constant 0 : i32
    %broadcast_in_dim3A_984 = vector.broadcast %jit3A_983 : i32 to vector<16xi32>
    %select_n3A_985 = arith.select %eq3A_982, %get3A_843, %broadcast_in_dim3A_984 : vector<16xi1>, vector<16xi32>
    %reduce_max3A_986 = arith.constant true
    %reduce_max3A_987 = vector.broadcast %reduce_max3A_986 : i1 to vector<16xi1>
    %reduce_max3A_988 = arith.constant -2147483648 : i32
    %reduce_max3A_989 = vector.broadcast %reduce_max3A_988 : i32 to vector<16xi32>
    %reduce_max3A_990 = arith.xori %select_n3A_985, %reduce_max3A_989 : vector<16xi32>
    %reduce_max3A_991 = tpu.scan <max>, %reduce_max3A_990 masked %reduce_max3A_987 : vector<16xi32>, vector<16xi1> -> vector<16xi32>
    %reduce_max3A_992 = arith.xori %reduce_max3A_991, %reduce_max3A_989 : vector<16xi32>
    %reduce_max3A_993 = vector.extract %reduce_max3A_992[15] : i32 from vector<16xi32>
    %swap3A_994 = arith.constant 56 : i32
    %swap3A_995 = arith.index_cast %swap3A_994 : i32 to index
    %swap3A_996 = memref.load %arg8[%swap3A_995] : memref<128xi32, #tpu.memory_space<smem>>
    memref.store %reduce_max3A_993, %arg8[%swap3A_995] : memref<128xi32, #tpu.memory_space<smem>>
    %eq3A_997 = arith.constant 9 : i32
    %eq3A_998 = vector.broadcast %eq3A_997 : i32 to vector<16xi32>
    %eq3A_999 = arith.cmpi eq, %iota3A, %eq3A_998 : vector<16xi32>
    %jit3A_1000 = arith.constant 0 : i32
    %broadcast_in_dim3A_1001 = vector.broadcast %jit3A_1000 : i32 to vector<16xi32>
    %select_n3A_1002 = arith.select %eq3A_999, %get3A_843, %broadcast_in_dim3A_1001 : vector<16xi1>, vector<16xi32>
    %reduce_max3A_1003 = arith.constant true
    %reduce_max3A_1004 = vector.broadcast %reduce_max3A_1003 : i1 to vector<16xi1>
    %reduce_max3A_1005 = arith.constant -2147483648 : i32
    %reduce_max3A_1006 = vector.broadcast %reduce_max3A_1005 : i32 to vector<16xi32>
    %reduce_max3A_1007 = arith.xori %select_n3A_1002, %reduce_max3A_1006 : vector<16xi32>
    %reduce_max3A_1008 = tpu.scan <max>, %reduce_max3A_1007 masked %reduce_max3A_1004 : vector<16xi32>, vector<16xi1> -> vector<16xi32>
    %reduce_max3A_1009 = arith.xori %reduce_max3A_1008, %reduce_max3A_1006 : vector<16xi32>
    %reduce_max3A_1010 = vector.extract %reduce_max3A_1009[15] : i32 from vector<16xi32>
    %swap3A_1011 = arith.constant 57 : i32
    %swap3A_1012 = arith.index_cast %swap3A_1011 : i32 to index
    %swap3A_1013 = memref.load %arg8[%swap3A_1012] : memref<128xi32, #tpu.memory_space<smem>>
    memref.store %reduce_max3A_1010, %arg8[%swap3A_1012] : memref<128xi32, #tpu.memory_space<smem>>
    %eq3A_1014 = arith.constant 10 : i32
    %eq3A_1015 = vector.broadcast %eq3A_1014 : i32 to vector<16xi32>
    %eq3A_1016 = arith.cmpi eq, %iota3A, %eq3A_1015 : vector<16xi32>
    %jit3A_1017 = arith.constant 0 : i32
    %broadcast_in_dim3A_1018 = vector.broadcast %jit3A_1017 : i32 to vector<16xi32>
    %select_n3A_1019 = arith.select %eq3A_1016, %get3A_843, %broadcast_in_dim3A_1018 : vector<16xi1>, vector<16xi32>
    %reduce_max3A_1020 = arith.constant true
    %reduce_max3A_1021 = vector.broadcast %reduce_max3A_1020 : i1 to vector<16xi1>
    %reduce_max3A_1022 = arith.constant -2147483648 : i32
    %reduce_max3A_1023 = vector.broadcast %reduce_max3A_1022 : i32 to vector<16xi32>
    %reduce_max3A_1024 = arith.xori %select_n3A_1019, %reduce_max3A_1023 : vector<16xi32>
    %reduce_max3A_1025 = tpu.scan <max>, %reduce_max3A_1024 masked %reduce_max3A_1021 : vector<16xi32>, vector<16xi1> -> vector<16xi32>
    %reduce_max3A_1026 = arith.xori %reduce_max3A_1025, %reduce_max3A_1023 : vector<16xi32>
    %reduce_max3A_1027 = vector.extract %reduce_max3A_1026[15] : i32 from vector<16xi32>
    %swap3A_1028 = arith.constant 58 : i32
    %swap3A_1029 = arith.index_cast %swap3A_1028 : i32 to index
    %swap3A_1030 = memref.load %arg8[%swap3A_1029] : memref<128xi32, #tpu.memory_space<smem>>
    memref.store %reduce_max3A_1027, %arg8[%swap3A_1029] : memref<128xi32, #tpu.memory_space<smem>>
    %eq3A_1031 = arith.constant 11 : i32
    %eq3A_1032 = vector.broadcast %eq3A_1031 : i32 to vector<16xi32>
    %eq3A_1033 = arith.cmpi eq, %iota3A, %eq3A_1032 : vector<16xi32>
    %jit3A_1034 = arith.constant 0 : i32
    %broadcast_in_dim3A_1035 = vector.broadcast %jit3A_1034 : i32 to vector<16xi32>
    %select_n3A_1036 = arith.select %eq3A_1033, %get3A_843, %broadcast_in_dim3A_1035 : vector<16xi1>, vector<16xi32>
    %reduce_max3A_1037 = arith.constant true
    %reduce_max3A_1038 = vector.broadcast %reduce_max3A_1037 : i1 to vector<16xi1>
    %reduce_max3A_1039 = arith.constant -2147483648 : i32
    %reduce_max3A_1040 = vector.broadcast %reduce_max3A_1039 : i32 to vector<16xi32>
    %reduce_max3A_1041 = arith.xori %select_n3A_1036, %reduce_max3A_1040 : vector<16xi32>
    %reduce_max3A_1042 = tpu.scan <max>, %reduce_max3A_1041 masked %reduce_max3A_1038 : vector<16xi32>, vector<16xi1> -> vector<16xi32>
    %reduce_max3A_1043 = arith.xori %reduce_max3A_1042, %reduce_max3A_1040 : vector<16xi32>
    %reduce_max3A_1044 = vector.extract %reduce_max3A_1043[15] : i32 from vector<16xi32>
    %swap3A_1045 = arith.constant 59 : i32
    %swap3A_1046 = arith.index_cast %swap3A_1045 : i32 to index
    %swap3A_1047 = memref.load %arg8[%swap3A_1046] : memref<128xi32, #tpu.memory_space<smem>>
    memref.store %reduce_max3A_1044, %arg8[%swap3A_1046] : memref<128xi32, #tpu.memory_space<smem>>
    %eq3A_1048 = arith.constant 12 : i32
    %eq3A_1049 = vector.broadcast %eq3A_1048 : i32 to vector<16xi32>
    %eq3A_1050 = arith.cmpi eq, %iota3A, %eq3A_1049 : vector<16xi32>
    %jit3A_1051 = arith.constant 0 : i32
    %broadcast_in_dim3A_1052 = vector.broadcast %jit3A_1051 : i32 to vector<16xi32>
    %select_n3A_1053 = arith.select %eq3A_1050, %get3A_843, %broadcast_in_dim3A_1052 : vector<16xi1>, vector<16xi32>
    %reduce_max3A_1054 = arith.constant true
    %reduce_max3A_1055 = vector.broadcast %reduce_max3A_1054 : i1 to vector<16xi1>
    %reduce_max3A_1056 = arith.constant -2147483648 : i32
    %reduce_max3A_1057 = vector.broadcast %reduce_max3A_1056 : i32 to vector<16xi32>
    %reduce_max3A_1058 = arith.xori %select_n3A_1053, %reduce_max3A_1057 : vector<16xi32>
    %reduce_max3A_1059 = tpu.scan <max>, %reduce_max3A_1058 masked %reduce_max3A_1055 : vector<16xi32>, vector<16xi1> -> vector<16xi32>
    %reduce_max3A_1060 = arith.xori %reduce_max3A_1059, %reduce_max3A_1057 : vector<16xi32>
    %reduce_max3A_1061 = vector.extract %reduce_max3A_1060[15] : i32 from vector<16xi32>
    %swap3A_1062 = arith.constant 60 : i32
    %swap3A_1063 = arith.index_cast %swap3A_1062 : i32 to index
    %swap3A_1064 = memref.load %arg8[%swap3A_1063] : memref<128xi32, #tpu.memory_space<smem>>
    memref.store %reduce_max3A_1061, %arg8[%swap3A_1063] : memref<128xi32, #tpu.memory_space<smem>>
    %eq3A_1065 = arith.constant 13 : i32
    %eq3A_1066 = vector.broadcast %eq3A_1065 : i32 to vector<16xi32>
    %eq3A_1067 = arith.cmpi eq, %iota3A, %eq3A_1066 : vector<16xi32>
    %jit3A_1068 = arith.constant 0 : i32
    %broadcast_in_dim3A_1069 = vector.broadcast %jit3A_1068 : i32 to vector<16xi32>
    %select_n3A_1070 = arith.select %eq3A_1067, %get3A_843, %broadcast_in_dim3A_1069 : vector<16xi1>, vector<16xi32>
    %reduce_max3A_1071 = arith.constant true
    %reduce_max3A_1072 = vector.broadcast %reduce_max3A_1071 : i1 to vector<16xi1>
    %reduce_max3A_1073 = arith.constant -2147483648 : i32
    %reduce_max3A_1074 = vector.broadcast %reduce_max3A_1073 : i32 to vector<16xi32>
    %reduce_max3A_1075 = arith.xori %select_n3A_1070, %reduce_max3A_1074 : vector<16xi32>
    %reduce_max3A_1076 = tpu.scan <max>, %reduce_max3A_1075 masked %reduce_max3A_1072 : vector<16xi32>, vector<16xi1> -> vector<16xi32>
    %reduce_max3A_1077 = arith.xori %reduce_max3A_1076, %reduce_max3A_1074 : vector<16xi32>
    %reduce_max3A_1078 = vector.extract %reduce_max3A_1077[15] : i32 from vector<16xi32>
    %swap3A_1079 = arith.constant 61 : i32
    %swap3A_1080 = arith.index_cast %swap3A_1079 : i32 to index
    %swap3A_1081 = memref.load %arg8[%swap3A_1080] : memref<128xi32, #tpu.memory_space<smem>>
    memref.store %reduce_max3A_1078, %arg8[%swap3A_1080] : memref<128xi32, #tpu.memory_space<smem>>
    %eq3A_1082 = arith.constant 14 : i32
    %eq3A_1083 = vector.broadcast %eq3A_1082 : i32 to vector<16xi32>
    %eq3A_1084 = arith.cmpi eq, %iota3A, %eq3A_1083 : vector<16xi32>
    %jit3A_1085 = arith.constant 0 : i32
    %broadcast_in_dim3A_1086 = vector.broadcast %jit3A_1085 : i32 to vector<16xi32>
    %select_n3A_1087 = arith.select %eq3A_1084, %get3A_843, %broadcast_in_dim3A_1086 : vector<16xi1>, vector<16xi32>
    %reduce_max3A_1088 = arith.constant true
    %reduce_max3A_1089 = vector.broadcast %reduce_max3A_1088 : i1 to vector<16xi1>
    %reduce_max3A_1090 = arith.constant -2147483648 : i32
    %reduce_max3A_1091 = vector.broadcast %reduce_max3A_1090 : i32 to vector<16xi32>
    %reduce_max3A_1092 = arith.xori %select_n3A_1087, %reduce_max3A_1091 : vector<16xi32>
    %reduce_max3A_1093 = tpu.scan <max>, %reduce_max3A_1092 masked %reduce_max3A_1089 : vector<16xi32>, vector<16xi1> -> vector<16xi32>
    %reduce_max3A_1094 = arith.xori %reduce_max3A_1093, %reduce_max3A_1091 : vector<16xi32>
    %reduce_max3A_1095 = vector.extract %reduce_max3A_1094[15] : i32 from vector<16xi32>
    %swap3A_1096 = arith.constant 62 : i32
    %swap3A_1097 = arith.index_cast %swap3A_1096 : i32 to index
    %swap3A_1098 = memref.load %arg8[%swap3A_1097] : memref<128xi32, #tpu.memory_space<smem>>
    memref.store %reduce_max3A_1095, %arg8[%swap3A_1097] : memref<128xi32, #tpu.memory_space<smem>>
    %eq3A_1099 = arith.constant 15 : i32
    %eq3A_1100 = vector.broadcast %eq3A_1099 : i32 to vector<16xi32>
    %eq3A_1101 = arith.cmpi eq, %iota3A, %eq3A_1100 : vector<16xi32>
    %jit3A_1102 = arith.constant 0 : i32
    %broadcast_in_dim3A_1103 = vector.broadcast %jit3A_1102 : i32 to vector<16xi32>
    %select_n3A_1104 = arith.select %eq3A_1101, %get3A_843, %broadcast_in_dim3A_1103 : vector<16xi1>, vector<16xi32>
    %reduce_max3A_1105 = arith.constant true
    %reduce_max3A_1106 = vector.broadcast %reduce_max3A_1105 : i1 to vector<16xi1>
    %reduce_max3A_1107 = arith.constant -2147483648 : i32
    %reduce_max3A_1108 = vector.broadcast %reduce_max3A_1107 : i32 to vector<16xi32>
    %reduce_max3A_1109 = arith.xori %select_n3A_1104, %reduce_max3A_1108 : vector<16xi32>
    %reduce_max3A_1110 = tpu.scan <max>, %reduce_max3A_1109 masked %reduce_max3A_1106 : vector<16xi32>, vector<16xi1> -> vector<16xi32>
    %reduce_max3A_1111 = arith.xori %reduce_max3A_1110, %reduce_max3A_1108 : vector<16xi32>
    %reduce_max3A_1112 = vector.extract %reduce_max3A_1111[15] : i32 from vector<16xi32>
    %swap3A_1113 = arith.constant 63 : i32
    %swap3A_1114 = arith.index_cast %swap3A_1113 : i32 to index
    %swap3A_1115 = memref.load %arg8[%swap3A_1114] : memref<128xi32, #tpu.memory_space<smem>>
    memref.store %reduce_max3A_1112, %arg8[%swap3A_1114] : memref<128xi32, #tpu.memory_space<smem>>
    %scan3A_1116 = arith.constant 48 : i32
    %scan3A_1117 = arith.constant 16 : i32
    %scan3A_1118 = arith.addi %scan3A_1116, %scan3A_1117 : i32
    %scan3A_1119 = arith.constant 1 : i32
    %scan3A_1120 = scf.for %scan3A_2263 = %scan3A_1116 to %scan3A_1118 step %scan3A_1119 iter_args(%scan3A_2264 = %scan3A_840) -> (i32)  : i32 {
      %get3A_2265 = arith.index_cast %scan3A_2263 : i32 to index
      %get3A_2266 = memref.load %arg8[%get3A_2265] : memref<128xi32, #tpu.memory_space<smem>>
      %get3A_2267 = arith.index_cast %get3A_2266 : i32 to index
      %get3A_2268 = memref.load %arg9[%get3A_2267] : memref<200xi32, #tpu.memory_space<smem>>
      %lt3A = arith.constant 0 : i32
      %lt3A_2269 = arith.cmpi slt, %get3A_2268, %lt3A : i32
      %convert_element_type3A = arith.extui %lt3A_2269 : i1 to i32
      %cond3A = arith.constant 0 : i32
      %cond3A_2270 = arith.cmpi ne, %convert_element_type3A, %cond3A : i32
      %cond3A_2271 = scf.if %cond3A_2270 -> (i32) {
        %swap3A_2272 = arith.index_cast %get3A_2266 : i32 to index
        %swap3A_2273 = memref.load %arg9[%swap3A_2272] : memref<200xi32, #tpu.memory_space<smem>>
        memref.store %scan3A_2264, %arg9[%swap3A_2272] : memref<200xi32, #tpu.memory_space<smem>>
        %swap3A_2274 = arith.index_cast %scan3A_2264 : i32 to index
        %swap3A_2275 = memref.load %arg10[%swap3A_2274] : memref<128xi32, #tpu.memory_space<smem>>
        memref.store %get3A_2266, %arg10[%swap3A_2274] : memref<128xi32, #tpu.memory_space<smem>>
        %swap3A_2276 = arith.index_cast %scan3A_2264 : i32 to index
        %swap3A_2277 = memref.load %arg11[%swap3A_2276] : memref<128xi32, #tpu.memory_space<smem>>
        memref.store %scan3A_2263, %arg11[%swap3A_2276] : memref<128xi32, #tpu.memory_space<smem>>
        %swap3A_2278 = arith.constant -1 : i32
        %swap3A_2279 = arith.index_cast %scan3A_2263 : i32 to index
        %swap3A_2280 = memref.load %arg12[%swap3A_2279] : memref<128xi32, #tpu.memory_space<smem>>
        memref.store %swap3A_2278, %arg12[%swap3A_2279] : memref<128xi32, #tpu.memory_space<smem>>
        %lt3A_2281 = arith.constant 8 : i32
        %lt3A_2282 = arith.cmpi slt, %scan3A_2264, %lt3A_2281 : i32
        %convert_element_type3A_2283 = arith.extui %lt3A_2282 : i1 to i32
        %cond3A_2284 = arith.constant 0 : i32
        %cond3A_2285 = arith.cmpi ne, %convert_element_type3A_2283, %cond3A_2284 : i32
        %cond3A_2286 = scf.if %cond3A_2285 -> (i32) {
          %rem3A = arith.constant 9 : i32
          %rem3A_2289 = arith.remsi %scan3A_2264, %rem3A : i32
          %get3A_2290 = arith.index_cast %scan3A_2264 : i32 to index
          %get3A_2291 = memref.load %arg10[%get3A_2290] : memref<128xi32, #tpu.memory_space<smem>>
          %dma_start3A = arith.constant 0 : i32
          %dma_start3A_2292 = arith.constant 0 : i32
          %dma_start3A_2293 = tpu.memref_slice %arg6[%rem3A_2289, %dma_start3A, %dma_start3A_2292] : memref<9x64x128xf32, #tpu.memory_space<vmem>> -> memref<1x64x128xf32, #tpu.memory_space<vmem>>
          %dma_start3A_2294 = tpu.memref_squeeze %dma_start3A_2293 : memref<1x64x128xf32, #tpu.memory_space<vmem>> -> memref<64x128xf32, #tpu.memory_space<vmem>>
          %dma_start3A_2295 = arith.constant 0 : i32
          %dma_start3A_2296 = tpu.memref_slice %arg2[%get3A_2291, %dma_start3A_2295, %mul3A_2] : memref<200x64x4096xf32, #tpu.memory_space<hbm>> -> memref<1x64x128xf32, #tpu.memory_space<hbm>>
          %dma_start3A_2297 = tpu.memref_squeeze %dma_start3A_2296 : memref<1x64x128xf32, #tpu.memory_space<hbm>> -> memref<64x128xf32, #tpu.memory_space<hbm>>
          %dma_start3A_2298 = tpu.memref_slice %arg13[%rem3A_2289] : memref<9x!tpu.dma_semaphore, #tpu.memory_space<semaphore_mem>> -> memref<1x!tpu.dma_semaphore, #tpu.memory_space<semaphore_mem>>
          %dma_start3A_2299 = tpu.memref_squeeze %dma_start3A_2298 : memref<1x!tpu.dma_semaphore, #tpu.memory_space<semaphore_mem>> -> memref<!tpu.dma_semaphore, #tpu.memory_space<semaphore_mem>>
          %dma_start3A_2300 = arith.constant 0 : i32
          %dma_start3A_2301 = arith.constant 0 : i32
          %dma_start3A_2302 = tpu.memref_slice %arg6[%rem3A_2289, %dma_start3A_2300, %dma_start3A_2301] : memref<9x64x128xf32, #tpu.memory_space<vmem>> -> memref<1x64x128xf32, #tpu.memory_space<vmem>>
          %dma_start3A_2303 = tpu.memref_squeeze %dma_start3A_2302 : memref<1x64x128xf32, #tpu.memory_space<vmem>> -> memref<64x128xf32, #tpu.memory_space<vmem>>
          %dma_start3A_2304 = arith.constant 0 : i32
          %dma_start3A_2305 = tpu.memref_slice %arg2[%get3A_2291, %dma_start3A_2304, %mul3A_2] : memref<200x64x4096xf32, #tpu.memory_space<hbm>> -> memref<1x64x128xf32, #tpu.memory_space<hbm>>
          %dma_start3A_2306 = tpu.memref_squeeze %dma_start3A_2305 : memref<1x64x128xf32, #tpu.memory_space<hbm>> -> memref<64x128xf32, #tpu.memory_space<hbm>>
          tpu.enqueue_dma source(%dma_start3A_2306 : memref<64x128xf32, #tpu.memory_space<hbm>>) target(%dma_start3A_2303 : memref<64x128xf32, #tpu.memory_space<vmem>>) target_semaphore(%dma_start3A_2299 : memref<!tpu.dma_semaphore, #tpu.memory_space<semaphore_mem>>)
          %cond3A_2307 = arith.constant 0 : i32
          scf.yield %cond3A_2307 : i32
        } else {
          %cond3A_2289 = arith.constant 0 : i32
          scf.yield %cond3A_2289 : i32
        }
        %add3A_2287 = arith.constant 1 : i32
        %add3A_2288 = arith.addi %scan3A_2264, %add3A_2287 : i32
        scf.yield %add3A_2288 : i32
      } else {
        %get3A_2272 = arith.index_cast %get3A_2268 : i32 to index
        %get3A_2273 = memref.load %arg11[%get3A_2272] : memref<128xi32, #tpu.memory_space<smem>>
        %swap3A_2274 = arith.index_cast %scan3A_2263 : i32 to index
        %swap3A_2275 = memref.load %arg12[%swap3A_2274] : memref<128xi32, #tpu.memory_space<smem>>
        memref.store %get3A_2273, %arg12[%swap3A_2274] : memref<128xi32, #tpu.memory_space<smem>>
        %swap3A_2276 = arith.index_cast %get3A_2268 : i32 to index
        %swap3A_2277 = memref.load %arg11[%swap3A_2276] : memref<128xi32, #tpu.memory_space<smem>>
        memref.store %scan3A_2263, %arg11[%swap3A_2276] : memref<128xi32, #tpu.memory_space<smem>>
        scf.yield %scan3A_2264 : i32
      }
      scf.yield %cond3A_2271 : i32
    }
    %scan3A_1121 = arith.constant 16 : i32
    %get3A_1122 = arith.constant 64 : index
    %get3A_1123 = tpu.vector_load %arg5[%get3A_1122] {strides = array<i32>} : memref<128xi32, #tpu.memory_space<vmem>>, vector<16xi32>,
    %eq3A_1124 = arith.constant 0 : i32
    %eq3A_1125 = vector.broadcast %eq3A_1124 : i32 to vector<16xi32>
    %eq3A_1126 = arith.cmpi eq, %iota3A, %eq3A_1125 : vector<16xi32>
    %jit3A_1127 = arith.constant 0 : i32
    %broadcast_in_dim3A_1128 = vector.broadcast %jit3A_1127 : i32 to vector<16xi32>
    %select_n3A_1129 = arith.select %eq3A_1126, %get3A_1123, %broadcast_in_dim3A_1128 : vector<16xi1>, vector<16xi32>
    %reduce_max3A_1130 = arith.constant true
    %reduce_max3A_1131 = vector.broadcast %reduce_max3A_1130 : i1 to vector<16xi1>
    %reduce_max3A_1132 = arith.constant -2147483648 : i32
    %reduce_max3A_1133 = vector.broadcast %reduce_max3A_1132 : i32 to vector<16xi32>
    %reduce_max3A_1134 = arith.xori %select_n3A_1129, %reduce_max3A_1133 : vector<16xi32>
    %reduce_max3A_1135 = tpu.scan <max>, %reduce_max3A_1134 masked %reduce_max3A_1131 : vector<16xi32>, vector<16xi1> -> vector<16xi32>
    %reduce_max3A_1136 = arith.xori %reduce_max3A_1135, %reduce_max3A_1133 : vector<16xi32>
    %reduce_max3A_1137 = vector.extract %reduce_max3A_1136[15] : i32 from vector<16xi32>
    %swap3A_1138 = arith.constant 64 : i32
    %swap3A_1139 = arith.index_cast %swap3A_1138 : i32 to index
    %swap3A_1140 = memref.load %arg8[%swap3A_1139] : memref<128xi32, #tpu.memory_space<smem>>
    memref.store %reduce_max3A_1137, %arg8[%swap3A_1139] : memref<128xi32, #tpu.memory_space<smem>>
    %eq3A_1141 = arith.constant 1 : i32
    %eq3A_1142 = vector.broadcast %eq3A_1141 : i32 to vector<16xi32>
    %eq3A_1143 = arith.cmpi eq, %iota3A, %eq3A_1142 : vector<16xi32>
    %jit3A_1144 = arith.constant 0 : i32
    %broadcast_in_dim3A_1145 = vector.broadcast %jit3A_1144 : i32 to vector<16xi32>
    %select_n3A_1146 = arith.select %eq3A_1143, %get3A_1123, %broadcast_in_dim3A_1145 : vector<16xi1>, vector<16xi32>
    %reduce_max3A_1147 = arith.constant true
    %reduce_max3A_1148 = vector.broadcast %reduce_max3A_1147 : i1 to vector<16xi1>
    %reduce_max3A_1149 = arith.constant -2147483648 : i32
    %reduce_max3A_1150 = vector.broadcast %reduce_max3A_1149 : i32 to vector<16xi32>
    %reduce_max3A_1151 = arith.xori %select_n3A_1146, %reduce_max3A_1150 : vector<16xi32>
    %reduce_max3A_1152 = tpu.scan <max>, %reduce_max3A_1151 masked %reduce_max3A_1148 : vector<16xi32>, vector<16xi1> -> vector<16xi32>
    %reduce_max3A_1153 = arith.xori %reduce_max3A_1152, %reduce_max3A_1150 : vector<16xi32>
    %reduce_max3A_1154 = vector.extract %reduce_max3A_1153[15] : i32 from vector<16xi32>
    %swap3A_1155 = arith.constant 65 : i32
    %swap3A_1156 = arith.index_cast %swap3A_1155 : i32 to index
    %swap3A_1157 = memref.load %arg8[%swap3A_1156] : memref<128xi32, #tpu.memory_space<smem>>
    memref.store %reduce_max3A_1154, %arg8[%swap3A_1156] : memref<128xi32, #tpu.memory_space<smem>>
    %eq3A_1158 = arith.constant 2 : i32
    %eq3A_1159 = vector.broadcast %eq3A_1158 : i32 to vector<16xi32>
    %eq3A_1160 = arith.cmpi eq, %iota3A, %eq3A_1159 : vector<16xi32>
    %jit3A_1161 = arith.constant 0 : i32
    %broadcast_in_dim3A_1162 = vector.broadcast %jit3A_1161 : i32 to vector<16xi32>
    %select_n3A_1163 = arith.select %eq3A_1160, %get3A_1123, %broadcast_in_dim3A_1162 : vector<16xi1>, vector<16xi32>
    %reduce_max3A_1164 = arith.constant true
    %reduce_max3A_1165 = vector.broadcast %reduce_max3A_1164 : i1 to vector<16xi1>
    %reduce_max3A_1166 = arith.constant -2147483648 : i32
    %reduce_max3A_1167 = vector.broadcast %reduce_max3A_1166 : i32 to vector<16xi32>
    %reduce_max3A_1168 = arith.xori %select_n3A_1163, %reduce_max3A_1167 : vector<16xi32>
    %reduce_max3A_1169 = tpu.scan <max>, %reduce_max3A_1168 masked %reduce_max3A_1165 : vector<16xi32>, vector<16xi1> -> vector<16xi32>
    %reduce_max3A_1170 = arith.xori %reduce_max3A_1169, %reduce_max3A_1167 : vector<16xi32>
    %reduce_max3A_1171 = vector.extract %reduce_max3A_1170[15] : i32 from vector<16xi32>
    %swap3A_1172 = arith.constant 66 : i32
    %swap3A_1173 = arith.index_cast %swap3A_1172 : i32 to index
    %swap3A_1174 = memref.load %arg8[%swap3A_1173] : memref<128xi32, #tpu.memory_space<smem>>
    memref.store %reduce_max3A_1171, %arg8[%swap3A_1173] : memref<128xi32, #tpu.memory_space<smem>>
    %eq3A_1175 = arith.constant 3 : i32
    %eq3A_1176 = vector.broadcast %eq3A_1175 : i32 to vector<16xi32>
    %eq3A_1177 = arith.cmpi eq, %iota3A, %eq3A_1176 : vector<16xi32>
    %jit3A_1178 = arith.constant 0 : i32
    %broadcast_in_dim3A_1179 = vector.broadcast %jit3A_1178 : i32 to vector<16xi32>
    %select_n3A_1180 = arith.select %eq3A_1177, %get3A_1123, %broadcast_in_dim3A_1179 : vector<16xi1>, vector<16xi32>
    %reduce_max3A_1181 = arith.constant true
    %reduce_max3A_1182 = vector.broadcast %reduce_max3A_1181 : i1 to vector<16xi1>
    %reduce_max3A_1183 = arith.constant -2147483648 : i32
    %reduce_max3A_1184 = vector.broadcast %reduce_max3A_1183 : i32 to vector<16xi32>
    %reduce_max3A_1185 = arith.xori %select_n3A_1180, %reduce_max3A_1184 : vector<16xi32>
    %reduce_max3A_1186 = tpu.scan <max>, %reduce_max3A_1185 masked %reduce_max3A_1182 : vector<16xi32>, vector<16xi1> -> vector<16xi32>
    %reduce_max3A_1187 = arith.xori %reduce_max3A_1186, %reduce_max3A_1184 : vector<16xi32>
    %reduce_max3A_1188 = vector.extract %reduce_max3A_1187[15] : i32 from vector<16xi32>
    %swap3A_1189 = arith.constant 67 : i32
    %swap3A_1190 = arith.index_cast %swap3A_1189 : i32 to index
    %swap3A_1191 = memref.load %arg8[%swap3A_1190] : memref<128xi32, #tpu.memory_space<smem>>
    memref.store %reduce_max3A_1188, %arg8[%swap3A_1190] : memref<128xi32, #tpu.memory_space<smem>>
    %eq3A_1192 = arith.constant 4 : i32
    %eq3A_1193 = vector.broadcast %eq3A_1192 : i32 to vector<16xi32>
    %eq3A_1194 = arith.cmpi eq, %iota3A, %eq3A_1193 : vector<16xi32>
    %jit3A_1195 = arith.constant 0 : i32
    %broadcast_in_dim3A_1196 = vector.broadcast %jit3A_1195 : i32 to vector<16xi32>
    %select_n3A_1197 = arith.select %eq3A_1194, %get3A_1123, %broadcast_in_dim3A_1196 : vector<16xi1>, vector<16xi32>
    %reduce_max3A_1198 = arith.constant true
    %reduce_max3A_1199 = vector.broadcast %reduce_max3A_1198 : i1 to vector<16xi1>
    %reduce_max3A_1200 = arith.constant -2147483648 : i32
    %reduce_max3A_1201 = vector.broadcast %reduce_max3A_1200 : i32 to vector<16xi32>
    %reduce_max3A_1202 = arith.xori %select_n3A_1197, %reduce_max3A_1201 : vector<16xi32>
    %reduce_max3A_1203 = tpu.scan <max>, %reduce_max3A_1202 masked %reduce_max3A_1199 : vector<16xi32>, vector<16xi1> -> vector<16xi32>
    %reduce_max3A_1204 = arith.xori %reduce_max3A_1203, %reduce_max3A_1201 : vector<16xi32>
    %reduce_max3A_1205 = vector.extract %reduce_max3A_1204[15] : i32 from vector<16xi32>
    %swap3A_1206 = arith.constant 68 : i32
    %swap3A_1207 = arith.index_cast %swap3A_1206 : i32 to index
    %swap3A_1208 = memref.load %arg8[%swap3A_1207] : memref<128xi32, #tpu.memory_space<smem>>
    memref.store %reduce_max3A_1205, %arg8[%swap3A_1207] : memref<128xi32, #tpu.memory_space<smem>>
    %eq3A_1209 = arith.constant 5 : i32
    %eq3A_1210 = vector.broadcast %eq3A_1209 : i32 to vector<16xi32>
    %eq3A_1211 = arith.cmpi eq, %iota3A, %eq3A_1210 : vector<16xi32>
    %jit3A_1212 = arith.constant 0 : i32
    %broadcast_in_dim3A_1213 = vector.broadcast %jit3A_1212 : i32 to vector<16xi32>
    %select_n3A_1214 = arith.select %eq3A_1211, %get3A_1123, %broadcast_in_dim3A_1213 : vector<16xi1>, vector<16xi32>
    %reduce_max3A_1215 = arith.constant true
    %reduce_max3A_1216 = vector.broadcast %reduce_max3A_1215 : i1 to vector<16xi1>
    %reduce_max3A_1217 = arith.constant -2147483648 : i32
    %reduce_max3A_1218 = vector.broadcast %reduce_max3A_1217 : i32 to vector<16xi32>
    %reduce_max3A_1219 = arith.xori %select_n3A_1214, %reduce_max3A_1218 : vector<16xi32>
    %reduce_max3A_1220 = tpu.scan <max>, %reduce_max3A_1219 masked %reduce_max3A_1216 : vector<16xi32>, vector<16xi1> -> vector<16xi32>
    %reduce_max3A_1221 = arith.xori %reduce_max3A_1220, %reduce_max3A_1218 : vector<16xi32>
    %reduce_max3A_1222 = vector.extract %reduce_max3A_1221[15] : i32 from vector<16xi32>
    %swap3A_1223 = arith.constant 69 : i32
    %swap3A_1224 = arith.index_cast %swap3A_1223 : i32 to index
    %swap3A_1225 = memref.load %arg8[%swap3A_1224] : memref<128xi32, #tpu.memory_space<smem>>
    memref.store %reduce_max3A_1222, %arg8[%swap3A_1224] : memref<128xi32, #tpu.memory_space<smem>>
    %eq3A_1226 = arith.constant 6 : i32
    %eq3A_1227 = vector.broadcast %eq3A_1226 : i32 to vector<16xi32>
    %eq3A_1228 = arith.cmpi eq, %iota3A, %eq3A_1227 : vector<16xi32>
    %jit3A_1229 = arith.constant 0 : i32
    %broadcast_in_dim3A_1230 = vector.broadcast %jit3A_1229 : i32 to vector<16xi32>
    %select_n3A_1231 = arith.select %eq3A_1228, %get3A_1123, %broadcast_in_dim3A_1230 : vector<16xi1>, vector<16xi32>
    %reduce_max3A_1232 = arith.constant true
    %reduce_max3A_1233 = vector.broadcast %reduce_max3A_1232 : i1 to vector<16xi1>
    %reduce_max3A_1234 = arith.constant -2147483648 : i32
    %reduce_max3A_1235 = vector.broadcast %reduce_max3A_1234 : i32 to vector<16xi32>
    %reduce_max3A_1236 = arith.xori %select_n3A_1231, %reduce_max3A_1235 : vector<16xi32>
    %reduce_max3A_1237 = tpu.scan <max>, %reduce_max3A_1236 masked %reduce_max3A_1233 : vector<16xi32>, vector<16xi1> -> vector<16xi32>
    %reduce_max3A_1238 = arith.xori %reduce_max3A_1237, %reduce_max3A_1235 : vector<16xi32>
    %reduce_max3A_1239 = vector.extract %reduce_max3A_1238[15] : i32 from vector<16xi32>
    %swap3A_1240 = arith.constant 70 : i32
    %swap3A_1241 = arith.index_cast %swap3A_1240 : i32 to index
    %swap3A_1242 = memref.load %arg8[%swap3A_1241] : memref<128xi32, #tpu.memory_space<smem>>
    memref.store %reduce_max3A_1239, %arg8[%swap3A_1241] : memref<128xi32, #tpu.memory_space<smem>>
    %eq3A_1243 = arith.constant 7 : i32
    %eq3A_1244 = vector.broadcast %eq3A_1243 : i32 to vector<16xi32>
    %eq3A_1245 = arith.cmpi eq, %iota3A, %eq3A_1244 : vector<16xi32>
    %jit3A_1246 = arith.constant 0 : i32
    %broadcast_in_dim3A_1247 = vector.broadcast %jit3A_1246 : i32 to vector<16xi32>
    %select_n3A_1248 = arith.select %eq3A_1245, %get3A_1123, %broadcast_in_dim3A_1247 : vector<16xi1>, vector<16xi32>
    %reduce_max3A_1249 = arith.constant true
    %reduce_max3A_1250 = vector.broadcast %reduce_max3A_1249 : i1 to vector<16xi1>
    %reduce_max3A_1251 = arith.constant -2147483648 : i32
    %reduce_max3A_1252 = vector.broadcast %reduce_max3A_1251 : i32 to vector<16xi32>
    %reduce_max3A_1253 = arith.xori %select_n3A_1248, %reduce_max3A_1252 : vector<16xi32>
    %reduce_max3A_1254 = tpu.scan <max>, %reduce_max3A_1253 masked %reduce_max3A_1250 : vector<16xi32>, vector<16xi1> -> vector<16xi32>
    %reduce_max3A_1255 = arith.xori %reduce_max3A_1254, %reduce_max3A_1252 : vector<16xi32>
    %reduce_max3A_1256 = vector.extract %reduce_max3A_1255[15] : i32 from vector<16xi32>
    %swap3A_1257 = arith.constant 71 : i32
    %swap3A_1258 = arith.index_cast %swap3A_1257 : i32 to index
    %swap3A_1259 = memref.load %arg8[%swap3A_1258] : memref<128xi32, #tpu.memory_space<smem>>
    memref.store %reduce_max3A_1256, %arg8[%swap3A_1258] : memref<128xi32, #tpu.memory_space<smem>>
    %eq3A_1260 = arith.constant 8 : i32
    %eq3A_1261 = vector.broadcast %eq3A_1260 : i32 to vector<16xi32>
    %eq3A_1262 = arith.cmpi eq, %iota3A, %eq3A_1261 : vector<16xi32>
    %jit3A_1263 = arith.constant 0 : i32
    %broadcast_in_dim3A_1264 = vector.broadcast %jit3A_1263 : i32 to vector<16xi32>
    %select_n3A_1265 = arith.select %eq3A_1262, %get3A_1123, %broadcast_in_dim3A_1264 : vector<16xi1>, vector<16xi32>
    %reduce_max3A_1266 = arith.constant true
    %reduce_max3A_1267 = vector.broadcast %reduce_max3A_1266 : i1 to vector<16xi1>
    %reduce_max3A_1268 = arith.constant -2147483648 : i32
    %reduce_max3A_1269 = vector.broadcast %reduce_max3A_1268 : i32 to vector<16xi32>
    %reduce_max3A_1270 = arith.xori %select_n3A_1265, %reduce_max3A_1269 : vector<16xi32>
    %reduce_max3A_1271 = tpu.scan <max>, %reduce_max3A_1270 masked %reduce_max3A_1267 : vector<16xi32>, vector<16xi1> -> vector<16xi32>
    %reduce_max3A_1272 = arith.xori %reduce_max3A_1271, %reduce_max3A_1269 : vector<16xi32>
    %reduce_max3A_1273 = vector.extract %reduce_max3A_1272[15] : i32 from vector<16xi32>
    %swap3A_1274 = arith.constant 72 : i32
    %swap3A_1275 = arith.index_cast %swap3A_1274 : i32 to index
    %swap3A_1276 = memref.load %arg8[%swap3A_1275] : memref<128xi32, #tpu.memory_space<smem>>
    memref.store %reduce_max3A_1273, %arg8[%swap3A_1275] : memref<128xi32, #tpu.memory_space<smem>>
    %eq3A_1277 = arith.constant 9 : i32
    %eq3A_1278 = vector.broadcast %eq3A_1277 : i32 to vector<16xi32>
    %eq3A_1279 = arith.cmpi eq, %iota3A, %eq3A_1278 : vector<16xi32>
    %jit3A_1280 = arith.constant 0 : i32
    %broadcast_in_dim3A_1281 = vector.broadcast %jit3A_1280 : i32 to vector<16xi32>
    %select_n3A_1282 = arith.select %eq3A_1279, %get3A_1123, %broadcast_in_dim3A_1281 : vector<16xi1>, vector<16xi32>
    %reduce_max3A_1283 = arith.constant true
    %reduce_max3A_1284 = vector.broadcast %reduce_max3A_1283 : i1 to vector<16xi1>
    %reduce_max3A_1285 = arith.constant -2147483648 : i32
    %reduce_max3A_1286 = vector.broadcast %reduce_max3A_1285 : i32 to vector<16xi32>
    %reduce_max3A_1287 = arith.xori %select_n3A_1282, %reduce_max3A_1286 : vector<16xi32>
    %reduce_max3A_1288 = tpu.scan <max>, %reduce_max3A_1287 masked %reduce_max3A_1284 : vector<16xi32>, vector<16xi1> -> vector<16xi32>
    %reduce_max3A_1289 = arith.xori %reduce_max3A_1288, %reduce_max3A_1286 : vector<16xi32>
    %reduce_max3A_1290 = vector.extract %reduce_max3A_1289[15] : i32 from vector<16xi32>
    %swap3A_1291 = arith.constant 73 : i32
    %swap3A_1292 = arith.index_cast %swap3A_1291 : i32 to index
    %swap3A_1293 = memref.load %arg8[%swap3A_1292] : memref<128xi32, #tpu.memory_space<smem>>
    memref.store %reduce_max3A_1290, %arg8[%swap3A_1292] : memref<128xi32, #tpu.memory_space<smem>>
    %eq3A_1294 = arith.constant 10 : i32
    %eq3A_1295 = vector.broadcast %eq3A_1294 : i32 to vector<16xi32>
    %eq3A_1296 = arith.cmpi eq, %iota3A, %eq3A_1295 : vector<16xi32>
    %jit3A_1297 = arith.constant 0 : i32
    %broadcast_in_dim3A_1298 = vector.broadcast %jit3A_1297 : i32 to vector<16xi32>
    %select_n3A_1299 = arith.select %eq3A_1296, %get3A_1123, %broadcast_in_dim3A_1298 : vector<16xi1>, vector<16xi32>
    %reduce_max3A_1300 = arith.constant true
    %reduce_max3A_1301 = vector.broadcast %reduce_max3A_1300 : i1 to vector<16xi1>
    %reduce_max3A_1302 = arith.constant -2147483648 : i32
    %reduce_max3A_1303 = vector.broadcast %reduce_max3A_1302 : i32 to vector<16xi32>
    %reduce_max3A_1304 = arith.xori %select_n3A_1299, %reduce_max3A_1303 : vector<16xi32>
    %reduce_max3A_1305 = tpu.scan <max>, %reduce_max3A_1304 masked %reduce_max3A_1301 : vector<16xi32>, vector<16xi1> -> vector<16xi32>
    %reduce_max3A_1306 = arith.xori %reduce_max3A_1305, %reduce_max3A_1303 : vector<16xi32>
    %reduce_max3A_1307 = vector.extract %reduce_max3A_1306[15] : i32 from vector<16xi32>
    %swap3A_1308 = arith.constant 74 : i32
    %swap3A_1309 = arith.index_cast %swap3A_1308 : i32 to index
    %swap3A_1310 = memref.load %arg8[%swap3A_1309] : memref<128xi32, #tpu.memory_space<smem>>
    memref.store %reduce_max3A_1307, %arg8[%swap3A_1309] : memref<128xi32, #tpu.memory_space<smem>>
    %eq3A_1311 = arith.constant 11 : i32
    %eq3A_1312 = vector.broadcast %eq3A_1311 : i32 to vector<16xi32>
    %eq3A_1313 = arith.cmpi eq, %iota3A, %eq3A_1312 : vector<16xi32>
    %jit3A_1314 = arith.constant 0 : i32
    %broadcast_in_dim3A_1315 = vector.broadcast %jit3A_1314 : i32 to vector<16xi32>
    %select_n3A_1316 = arith.select %eq3A_1313, %get3A_1123, %broadcast_in_dim3A_1315 : vector<16xi1>, vector<16xi32>
    %reduce_max3A_1317 = arith.constant true
    %reduce_max3A_1318 = vector.broadcast %reduce_max3A_1317 : i1 to vector<16xi1>
    %reduce_max3A_1319 = arith.constant -2147483648 : i32
    %reduce_max3A_1320 = vector.broadcast %reduce_max3A_1319 : i32 to vector<16xi32>
    %reduce_max3A_1321 = arith.xori %select_n3A_1316, %reduce_max3A_1320 : vector<16xi32>
    %reduce_max3A_1322 = tpu.scan <max>, %reduce_max3A_1321 masked %reduce_max3A_1318 : vector<16xi32>, vector<16xi1> -> vector<16xi32>
    %reduce_max3A_1323 = arith.xori %reduce_max3A_1322, %reduce_max3A_1320 : vector<16xi32>
    %reduce_max3A_1324 = vector.extract %reduce_max3A_1323[15] : i32 from vector<16xi32>
    %swap3A_1325 = arith.constant 75 : i32
    %swap3A_1326 = arith.index_cast %swap3A_1325 : i32 to index
    %swap3A_1327 = memref.load %arg8[%swap3A_1326] : memref<128xi32, #tpu.memory_space<smem>>
    memref.store %reduce_max3A_1324, %arg8[%swap3A_1326] : memref<128xi32, #tpu.memory_space<smem>>
    %eq3A_1328 = arith.constant 12 : i32
    %eq3A_1329 = vector.broadcast %eq3A_1328 : i32 to vector<16xi32>
    %eq3A_1330 = arith.cmpi eq, %iota3A, %eq3A_1329 : vector<16xi32>
    %jit3A_1331 = arith.constant 0 : i32
    %broadcast_in_dim3A_1332 = vector.broadcast %jit3A_1331 : i32 to vector<16xi32>
    %select_n3A_1333 = arith.select %eq3A_1330, %get3A_1123, %broadcast_in_dim3A_1332 : vector<16xi1>, vector<16xi32>
    %reduce_max3A_1334 = arith.constant true
    %reduce_max3A_1335 = vector.broadcast %reduce_max3A_1334 : i1 to vector<16xi1>
    %reduce_max3A_1336 = arith.constant -2147483648 : i32
    %reduce_max3A_1337 = vector.broadcast %reduce_max3A_1336 : i32 to vector<16xi32>
    %reduce_max3A_1338 = arith.xori %select_n3A_1333, %reduce_max3A_1337 : vector<16xi32>
    %reduce_max3A_1339 = tpu.scan <max>, %reduce_max3A_1338 masked %reduce_max3A_1335 : vector<16xi32>, vector<16xi1> -> vector<16xi32>
    %reduce_max3A_1340 = arith.xori %reduce_max3A_1339, %reduce_max3A_1337 : vector<16xi32>
    %reduce_max3A_1341 = vector.extract %reduce_max3A_1340[15] : i32 from vector<16xi32>
    %swap3A_1342 = arith.constant 76 : i32
    %swap3A_1343 = arith.index_cast %swap3A_1342 : i32 to index
    %swap3A_1344 = memref.load %arg8[%swap3A_1343] : memref<128xi32, #tpu.memory_space<smem>>
    memref.store %reduce_max3A_1341, %arg8[%swap3A_1343] : memref<128xi32, #tpu.memory_space<smem>>
    %eq3A_1345 = arith.constant 13 : i32
    %eq3A_1346 = vector.broadcast %eq3A_1345 : i32 to vector<16xi32>
    %eq3A_1347 = arith.cmpi eq, %iota3A, %eq3A_1346 : vector<16xi32>
    %jit3A_1348 = arith.constant 0 : i32
    %broadcast_in_dim3A_1349 = vector.broadcast %jit3A_1348 : i32 to vector<16xi32>
    %select_n3A_1350 = arith.select %eq3A_1347, %get3A_1123, %broadcast_in_dim3A_1349 : vector<16xi1>, vector<16xi32>
    %reduce_max3A_1351 = arith.constant true
    %reduce_max3A_1352 = vector.broadcast %reduce_max3A_1351 : i1 to vector<16xi1>
    %reduce_max3A_1353 = arith.constant -2147483648 : i32
    %reduce_max3A_1354 = vector.broadcast %reduce_max3A_1353 : i32 to vector<16xi32>
    %reduce_max3A_1355 = arith.xori %select_n3A_1350, %reduce_max3A_1354 : vector<16xi32>
    %reduce_max3A_1356 = tpu.scan <max>, %reduce_max3A_1355 masked %reduce_max3A_1352 : vector<16xi32>, vector<16xi1> -> vector<16xi32>
    %reduce_max3A_1357 = arith.xori %reduce_max3A_1356, %reduce_max3A_1354 : vector<16xi32>
    %reduce_max3A_1358 = vector.extract %reduce_max3A_1357[15] : i32 from vector<16xi32>
    %swap3A_1359 = arith.constant 77 : i32
    %swap3A_1360 = arith.index_cast %swap3A_1359 : i32 to index
    %swap3A_1361 = memref.load %arg8[%swap3A_1360] : memref<128xi32, #tpu.memory_space<smem>>
    memref.store %reduce_max3A_1358, %arg8[%swap3A_1360] : memref<128xi32, #tpu.memory_space<smem>>
    %eq3A_1362 = arith.constant 14 : i32
    %eq3A_1363 = vector.broadcast %eq3A_1362 : i32 to vector<16xi32>
    %eq3A_1364 = arith.cmpi eq, %iota3A, %eq3A_1363 : vector<16xi32>
    %jit3A_1365 = arith.constant 0 : i32
    %broadcast_in_dim3A_1366 = vector.broadcast %jit3A_1365 : i32 to vector<16xi32>
    %select_n3A_1367 = arith.select %eq3A_1364, %get3A_1123, %broadcast_in_dim3A_1366 : vector<16xi1>, vector<16xi32>
    %reduce_max3A_1368 = arith.constant true
    %reduce_max3A_1369 = vector.broadcast %reduce_max3A_1368 : i1 to vector<16xi1>
    %reduce_max3A_1370 = arith.constant -2147483648 : i32
    %reduce_max3A_1371 = vector.broadcast %reduce_max3A_1370 : i32 to vector<16xi32>
    %reduce_max3A_1372 = arith.xori %select_n3A_1367, %reduce_max3A_1371 : vector<16xi32>
    %reduce_max3A_1373 = tpu.scan <max>, %reduce_max3A_1372 masked %reduce_max3A_1369 : vector<16xi32>, vector<16xi1> -> vector<16xi32>
    %reduce_max3A_1374 = arith.xori %reduce_max3A_1373, %reduce_max3A_1371 : vector<16xi32>
    %reduce_max3A_1375 = vector.extract %reduce_max3A_1374[15] : i32 from vector<16xi32>
    %swap3A_1376 = arith.constant 78 : i32
    %swap3A_1377 = arith.index_cast %swap3A_1376 : i32 to index
    %swap3A_1378 = memref.load %arg8[%swap3A_1377] : memref<128xi32, #tpu.memory_space<smem>>
    memref.store %reduce_max3A_1375, %arg8[%swap3A_1377] : memref<128xi32, #tpu.memory_space<smem>>
    %eq3A_1379 = arith.constant 15 : i32
    %eq3A_1380 = vector.broadcast %eq3A_1379 : i32 to vector<16xi32>
    %eq3A_1381 = arith.cmpi eq, %iota3A, %eq3A_1380 : vector<16xi32>
    %jit3A_1382 = arith.constant 0 : i32
    %broadcast_in_dim3A_1383 = vector.broadcast %jit3A_1382 : i32 to vector<16xi32>
    %select_n3A_1384 = arith.select %eq3A_1381, %get3A_1123, %broadcast_in_dim3A_1383 : vector<16xi1>, vector<16xi32>
    %reduce_max3A_1385 = arith.constant true
    %reduce_max3A_1386 = vector.broadcast %reduce_max3A_1385 : i1 to vector<16xi1>
    %reduce_max3A_1387 = arith.constant -2147483648 : i32
    %reduce_max3A_1388 = vector.broadcast %reduce_max3A_1387 : i32 to vector<16xi32>
    %reduce_max3A_1389 = arith.xori %select_n3A_1384, %reduce_max3A_1388 : vector<16xi32>
    %reduce_max3A_1390 = tpu.scan <max>, %reduce_max3A_1389 masked %reduce_max3A_1386 : vector<16xi32>, vector<16xi1> -> vector<16xi32>
    %reduce_max3A_1391 = arith.xori %reduce_max3A_1390, %reduce_max3A_1388 : vector<16xi32>
    %reduce_max3A_1392 = vector.extract %reduce_max3A_1391[15] : i32 from vector<16xi32>
    %swap3A_1393 = arith.constant 79 : i32
    %swap3A_1394 = arith.index_cast %swap3A_1393 : i32 to index
    %swap3A_1395 = memref.load %arg8[%swap3A_1394] : memref<128xi32, #tpu.memory_space<smem>>
    memref.store %reduce_max3A_1392, %arg8[%swap3A_1394] : memref<128xi32, #tpu.memory_space<smem>>
    %scan3A_1396 = arith.constant 64 : i32
    %scan3A_1397 = arith.constant 16 : i32
    %scan3A_1398 = arith.addi %scan3A_1396, %scan3A_1397 : i32
    %scan3A_1399 = arith.constant 1 : i32
    %scan3A_1400 = scf.for %scan3A_2263 = %scan3A_1396 to %scan3A_1398 step %scan3A_1399 iter_args(%scan3A_2264 = %scan3A_1120) -> (i32)  : i32 {
      %get3A_2265 = arith.index_cast %scan3A_2263 : i32 to index
      %get3A_2266 = memref.load %arg8[%get3A_2265] : memref<128xi32, #tpu.memory_space<smem>>
      %get3A_2267 = arith.index_cast %get3A_2266 : i32 to index
      %get3A_2268 = memref.load %arg9[%get3A_2267] : memref<200xi32, #tpu.memory_space<smem>>
      %lt3A = arith.constant 0 : i32
      %lt3A_2269 = arith.cmpi slt, %get3A_2268, %lt3A : i32
      %convert_element_type3A = arith.extui %lt3A_2269 : i1 to i32
      %cond3A = arith.constant 0 : i32
      %cond3A_2270 = arith.cmpi ne, %convert_element_type3A, %cond3A : i32
      %cond3A_2271 = scf.if %cond3A_2270 -> (i32) {
        %swap3A_2272 = arith.index_cast %get3A_2266 : i32 to index
        %swap3A_2273 = memref.load %arg9[%swap3A_2272] : memref<200xi32, #tpu.memory_space<smem>>
        memref.store %scan3A_2264, %arg9[%swap3A_2272] : memref<200xi32, #tpu.memory_space<smem>>
        %swap3A_2274 = arith.index_cast %scan3A_2264 : i32 to index
        %swap3A_2275 = memref.load %arg10[%swap3A_2274] : memref<128xi32, #tpu.memory_space<smem>>
        memref.store %get3A_2266, %arg10[%swap3A_2274] : memref<128xi32, #tpu.memory_space<smem>>
        %swap3A_2276 = arith.index_cast %scan3A_2264 : i32 to index
        %swap3A_2277 = memref.load %arg11[%swap3A_2276] : memref<128xi32, #tpu.memory_space<smem>>
        memref.store %scan3A_2263, %arg11[%swap3A_2276] : memref<128xi32, #tpu.memory_space<smem>>
        %swap3A_2278 = arith.constant -1 : i32
        %swap3A_2279 = arith.index_cast %scan3A_2263 : i32 to index
        %swap3A_2280 = memref.load %arg12[%swap3A_2279] : memref<128xi32, #tpu.memory_space<smem>>
        memref.store %swap3A_2278, %arg12[%swap3A_2279] : memref<128xi32, #tpu.memory_space<smem>>
        %lt3A_2281 = arith.constant 8 : i32
        %lt3A_2282 = arith.cmpi slt, %scan3A_2264, %lt3A_2281 : i32
        %convert_element_type3A_2283 = arith.extui %lt3A_2282 : i1 to i32
        %cond3A_2284 = arith.constant 0 : i32
        %cond3A_2285 = arith.cmpi ne, %convert_element_type3A_2283, %cond3A_2284 : i32
        %cond3A_2286 = scf.if %cond3A_2285 -> (i32) {
          %rem3A = arith.constant 9 : i32
          %rem3A_2289 = arith.remsi %scan3A_2264, %rem3A : i32
          %get3A_2290 = arith.index_cast %scan3A_2264 : i32 to index
          %get3A_2291 = memref.load %arg10[%get3A_2290] : memref<128xi32, #tpu.memory_space<smem>>
          %dma_start3A = arith.constant 0 : i32
          %dma_start3A_2292 = arith.constant 0 : i32
          %dma_start3A_2293 = tpu.memref_slice %arg6[%rem3A_2289, %dma_start3A, %dma_start3A_2292] : memref<9x64x128xf32, #tpu.memory_space<vmem>> -> memref<1x64x128xf32, #tpu.memory_space<vmem>>
          %dma_start3A_2294 = tpu.memref_squeeze %dma_start3A_2293 : memref<1x64x128xf32, #tpu.memory_space<vmem>> -> memref<64x128xf32, #tpu.memory_space<vmem>>
          %dma_start3A_2295 = arith.constant 0 : i32
          %dma_start3A_2296 = tpu.memref_slice %arg2[%get3A_2291, %dma_start3A_2295, %mul3A_2] : memref<200x64x4096xf32, #tpu.memory_space<hbm>> -> memref<1x64x128xf32, #tpu.memory_space<hbm>>
          %dma_start3A_2297 = tpu.memref_squeeze %dma_start3A_2296 : memref<1x64x128xf32, #tpu.memory_space<hbm>> -> memref<64x128xf32, #tpu.memory_space<hbm>>
          %dma_start3A_2298 = tpu.memref_slice %arg13[%rem3A_2289] : memref<9x!tpu.dma_semaphore, #tpu.memory_space<semaphore_mem>> -> memref<1x!tpu.dma_semaphore, #tpu.memory_space<semaphore_mem>>
          %dma_start3A_2299 = tpu.memref_squeeze %dma_start3A_2298 : memref<1x!tpu.dma_semaphore, #tpu.memory_space<semaphore_mem>> -> memref<!tpu.dma_semaphore, #tpu.memory_space<semaphore_mem>>
          %dma_start3A_2300 = arith.constant 0 : i32
          %dma_start3A_2301 = arith.constant 0 : i32
          %dma_start3A_2302 = tpu.memref_slice %arg6[%rem3A_2289, %dma_start3A_2300, %dma_start3A_2301] : memref<9x64x128xf32, #tpu.memory_space<vmem>> -> memref<1x64x128xf32, #tpu.memory_space<vmem>>
          %dma_start3A_2303 = tpu.memref_squeeze %dma_start3A_2302 : memref<1x64x128xf32, #tpu.memory_space<vmem>> -> memref<64x128xf32, #tpu.memory_space<vmem>>
          %dma_start3A_2304 = arith.constant 0 : i32
          %dma_start3A_2305 = tpu.memref_slice %arg2[%get3A_2291, %dma_start3A_2304, %mul3A_2] : memref<200x64x4096xf32, #tpu.memory_space<hbm>> -> memref<1x64x128xf32, #tpu.memory_space<hbm>>
          %dma_start3A_2306 = tpu.memref_squeeze %dma_start3A_2305 : memref<1x64x128xf32, #tpu.memory_space<hbm>> -> memref<64x128xf32, #tpu.memory_space<hbm>>
          tpu.enqueue_dma source(%dma_start3A_2306 : memref<64x128xf32, #tpu.memory_space<hbm>>) target(%dma_start3A_2303 : memref<64x128xf32, #tpu.memory_space<vmem>>) target_semaphore(%dma_start3A_2299 : memref<!tpu.dma_semaphore, #tpu.memory_space<semaphore_mem>>)
          %cond3A_2307 = arith.constant 0 : i32
          scf.yield %cond3A_2307 : i32
        } else {
          %cond3A_2289 = arith.constant 0 : i32
          scf.yield %cond3A_2289 : i32
        }
        %add3A_2287 = arith.constant 1 : i32
        %add3A_2288 = arith.addi %scan3A_2264, %add3A_2287 : i32
        scf.yield %add3A_2288 : i32
      } else {
        %get3A_2272 = arith.index_cast %get3A_2268 : i32 to index
        %get3A_2273 = memref.load %arg11[%get3A_2272] : memref<128xi32, #tpu.memory_space<smem>>
        %swap3A_2274 = arith.index_cast %scan3A_2263 : i32 to index
        %swap3A_2275 = memref.load %arg12[%swap3A_2274] : memref<128xi32, #tpu.memory_space<smem>>
        memref.store %get3A_2273, %arg12[%swap3A_2274] : memref<128xi32, #tpu.memory_space<smem>>
        %swap3A_2276 = arith.index_cast %get3A_2268 : i32 to index
        %swap3A_2277 = memref.load %arg11[%swap3A_2276] : memref<128xi32, #tpu.memory_space<smem>>
        memref.store %scan3A_2263, %arg11[%swap3A_2276] : memref<128xi32, #tpu.memory_space<smem>>
        scf.yield %scan3A_2264 : i32
      }
      scf.yield %cond3A_2271 : i32
    }
    %scan3A_1401 = arith.constant 16 : i32
    %get3A_1402 = arith.constant 80 : index
    %get3A_1403 = tpu.vector_load %arg5[%get3A_1402] {strides = array<i32>} : memref<128xi32, #tpu.memory_space<vmem>>, vector<16xi32>,
    %eq3A_1404 = arith.constant 0 : i32
    %eq3A_1405 = vector.broadcast %eq3A_1404 : i32 to vector<16xi32>
    %eq3A_1406 = arith.cmpi eq, %iota3A, %eq3A_1405 : vector<16xi32>
    %jit3A_1407 = arith.constant 0 : i32
    %broadcast_in_dim3A_1408 = vector.broadcast %jit3A_1407 : i32 to vector<16xi32>
    %select_n3A_1409 = arith.select %eq3A_1406, %get3A_1403, %broadcast_in_dim3A_1408 : vector<16xi1>, vector<16xi32>
    %reduce_max3A_1410 = arith.constant true
    %reduce_max3A_1411 = vector.broadcast %reduce_max3A_1410 : i1 to vector<16xi1>
    %reduce_max3A_1412 = arith.constant -2147483648 : i32
    %reduce_max3A_1413 = vector.broadcast %reduce_max3A_1412 : i32 to vector<16xi32>
    %reduce_max3A_1414 = arith.xori %select_n3A_1409, %reduce_max3A_1413 : vector<16xi32>
    %reduce_max3A_1415 = tpu.scan <max>, %reduce_max3A_1414 masked %reduce_max3A_1411 : vector<16xi32>, vector<16xi1> -> vector<16xi32>
    %reduce_max3A_1416 = arith.xori %reduce_max3A_1415, %reduce_max3A_1413 : vector<16xi32>
    %reduce_max3A_1417 = vector.extract %reduce_max3A_1416[15] : i32 from vector<16xi32>
    %swap3A_1418 = arith.constant 80 : i32
    %swap3A_1419 = arith.index_cast %swap3A_1418 : i32 to index
    %swap3A_1420 = memref.load %arg8[%swap3A_1419] : memref<128xi32, #tpu.memory_space<smem>>
    memref.store %reduce_max3A_1417, %arg8[%swap3A_1419] : memref<128xi32, #tpu.memory_space<smem>>
    %eq3A_1421 = arith.constant 1 : i32
    %eq3A_1422 = vector.broadcast %eq3A_1421 : i32 to vector<16xi32>
    %eq3A_1423 = arith.cmpi eq, %iota3A, %eq3A_1422 : vector<16xi32>
    %jit3A_1424 = arith.constant 0 : i32
    %broadcast_in_dim3A_1425 = vector.broadcast %jit3A_1424 : i32 to vector<16xi32>
    %select_n3A_1426 = arith.select %eq3A_1423, %get3A_1403, %broadcast_in_dim3A_1425 : vector<16xi1>, vector<16xi32>
    %reduce_max3A_1427 = arith.constant true
    %reduce_max3A_1428 = vector.broadcast %reduce_max3A_1427 : i1 to vector<16xi1>
    %reduce_max3A_1429 = arith.constant -2147483648 : i32
    %reduce_max3A_1430 = vector.broadcast %reduce_max3A_1429 : i32 to vector<16xi32>
    %reduce_max3A_1431 = arith.xori %select_n3A_1426, %reduce_max3A_1430 : vector<16xi32>
    %reduce_max3A_1432 = tpu.scan <max>, %reduce_max3A_1431 masked %reduce_max3A_1428 : vector<16xi32>, vector<16xi1> -> vector<16xi32>
    %reduce_max3A_1433 = arith.xori %reduce_max3A_1432, %reduce_max3A_1430 : vector<16xi32>
    %reduce_max3A_1434 = vector.extract %reduce_max3A_1433[15] : i32 from vector<16xi32>
    %swap3A_1435 = arith.constant 81 : i32
    %swap3A_1436 = arith.index_cast %swap3A_1435 : i32 to index
    %swap3A_1437 = memref.load %arg8[%swap3A_1436] : memref<128xi32, #tpu.memory_space<smem>>
    memref.store %reduce_max3A_1434, %arg8[%swap3A_1436] : memref<128xi32, #tpu.memory_space<smem>>
    %eq3A_1438 = arith.constant 2 : i32
    %eq3A_1439 = vector.broadcast %eq3A_1438 : i32 to vector<16xi32>
    %eq3A_1440 = arith.cmpi eq, %iota3A, %eq3A_1439 : vector<16xi32>
    %jit3A_1441 = arith.constant 0 : i32
    %broadcast_in_dim3A_1442 = vector.broadcast %jit3A_1441 : i32 to vector<16xi32>
    %select_n3A_1443 = arith.select %eq3A_1440, %get3A_1403, %broadcast_in_dim3A_1442 : vector<16xi1>, vector<16xi32>
    %reduce_max3A_1444 = arith.constant true
    %reduce_max3A_1445 = vector.broadcast %reduce_max3A_1444 : i1 to vector<16xi1>
    %reduce_max3A_1446 = arith.constant -2147483648 : i32
    %reduce_max3A_1447 = vector.broadcast %reduce_max3A_1446 : i32 to vector<16xi32>
    %reduce_max3A_1448 = arith.xori %select_n3A_1443, %reduce_max3A_1447 : vector<16xi32>
    %reduce_max3A_1449 = tpu.scan <max>, %reduce_max3A_1448 masked %reduce_max3A_1445 : vector<16xi32>, vector<16xi1> -> vector<16xi32>
    %reduce_max3A_1450 = arith.xori %reduce_max3A_1449, %reduce_max3A_1447 : vector<16xi32>
    %reduce_max3A_1451 = vector.extract %reduce_max3A_1450[15] : i32 from vector<16xi32>
    %swap3A_1452 = arith.constant 82 : i32
    %swap3A_1453 = arith.index_cast %swap3A_1452 : i32 to index
    %swap3A_1454 = memref.load %arg8[%swap3A_1453] : memref<128xi32, #tpu.memory_space<smem>>
    memref.store %reduce_max3A_1451, %arg8[%swap3A_1453] : memref<128xi32, #tpu.memory_space<smem>>
    %eq3A_1455 = arith.constant 3 : i32
    %eq3A_1456 = vector.broadcast %eq3A_1455 : i32 to vector<16xi32>
    %eq3A_1457 = arith.cmpi eq, %iota3A, %eq3A_1456 : vector<16xi32>
    %jit3A_1458 = arith.constant 0 : i32
    %broadcast_in_dim3A_1459 = vector.broadcast %jit3A_1458 : i32 to vector<16xi32>
    %select_n3A_1460 = arith.select %eq3A_1457, %get3A_1403, %broadcast_in_dim3A_1459 : vector<16xi1>, vector<16xi32>
    %reduce_max3A_1461 = arith.constant true
    %reduce_max3A_1462 = vector.broadcast %reduce_max3A_1461 : i1 to vector<16xi1>
    %reduce_max3A_1463 = arith.constant -2147483648 : i32
    %reduce_max3A_1464 = vector.broadcast %reduce_max3A_1463 : i32 to vector<16xi32>
    %reduce_max3A_1465 = arith.xori %select_n3A_1460, %reduce_max3A_1464 : vector<16xi32>
    %reduce_max3A_1466 = tpu.scan <max>, %reduce_max3A_1465 masked %reduce_max3A_1462 : vector<16xi32>, vector<16xi1> -> vector<16xi32>
    %reduce_max3A_1467 = arith.xori %reduce_max3A_1466, %reduce_max3A_1464 : vector<16xi32>
    %reduce_max3A_1468 = vector.extract %reduce_max3A_1467[15] : i32 from vector<16xi32>
    %swap3A_1469 = arith.constant 83 : i32
    %swap3A_1470 = arith.index_cast %swap3A_1469 : i32 to index
    %swap3A_1471 = memref.load %arg8[%swap3A_1470] : memref<128xi32, #tpu.memory_space<smem>>
    memref.store %reduce_max3A_1468, %arg8[%swap3A_1470] : memref<128xi32, #tpu.memory_space<smem>>
    %eq3A_1472 = arith.constant 4 : i32
    %eq3A_1473 = vector.broadcast %eq3A_1472 : i32 to vector<16xi32>
    %eq3A_1474 = arith.cmpi eq, %iota3A, %eq3A_1473 : vector<16xi32>
    %jit3A_1475 = arith.constant 0 : i32
    %broadcast_in_dim3A_1476 = vector.broadcast %jit3A_1475 : i32 to vector<16xi32>
    %select_n3A_1477 = arith.select %eq3A_1474, %get3A_1403, %broadcast_in_dim3A_1476 : vector<16xi1>, vector<16xi32>
    %reduce_max3A_1478 = arith.constant true
    %reduce_max3A_1479 = vector.broadcast %reduce_max3A_1478 : i1 to vector<16xi1>
    %reduce_max3A_1480 = arith.constant -2147483648 : i32
    %reduce_max3A_1481 = vector.broadcast %reduce_max3A_1480 : i32 to vector<16xi32>
    %reduce_max3A_1482 = arith.xori %select_n3A_1477, %reduce_max3A_1481 : vector<16xi32>
    %reduce_max3A_1483 = tpu.scan <max>, %reduce_max3A_1482 masked %reduce_max3A_1479 : vector<16xi32>, vector<16xi1> -> vector<16xi32>
    %reduce_max3A_1484 = arith.xori %reduce_max3A_1483, %reduce_max3A_1481 : vector<16xi32>
    %reduce_max3A_1485 = vector.extract %reduce_max3A_1484[15] : i32 from vector<16xi32>
    %swap3A_1486 = arith.constant 84 : i32
    %swap3A_1487 = arith.index_cast %swap3A_1486 : i32 to index
    %swap3A_1488 = memref.load %arg8[%swap3A_1487] : memref<128xi32, #tpu.memory_space<smem>>
    memref.store %reduce_max3A_1485, %arg8[%swap3A_1487] : memref<128xi32, #tpu.memory_space<smem>>
    %eq3A_1489 = arith.constant 5 : i32
    %eq3A_1490 = vector.broadcast %eq3A_1489 : i32 to vector<16xi32>
    %eq3A_1491 = arith.cmpi eq, %iota3A, %eq3A_1490 : vector<16xi32>
    %jit3A_1492 = arith.constant 0 : i32
    %broadcast_in_dim3A_1493 = vector.broadcast %jit3A_1492 : i32 to vector<16xi32>
    %select_n3A_1494 = arith.select %eq3A_1491, %get3A_1403, %broadcast_in_dim3A_1493 : vector<16xi1>, vector<16xi32>
    %reduce_max3A_1495 = arith.constant true
    %reduce_max3A_1496 = vector.broadcast %reduce_max3A_1495 : i1 to vector<16xi1>
    %reduce_max3A_1497 = arith.constant -2147483648 : i32
    %reduce_max3A_1498 = vector.broadcast %reduce_max3A_1497 : i32 to vector<16xi32>
    %reduce_max3A_1499 = arith.xori %select_n3A_1494, %reduce_max3A_1498 : vector<16xi32>
    %reduce_max3A_1500 = tpu.scan <max>, %reduce_max3A_1499 masked %reduce_max3A_1496 : vector<16xi32>, vector<16xi1> -> vector<16xi32>
    %reduce_max3A_1501 = arith.xori %reduce_max3A_1500, %reduce_max3A_1498 : vector<16xi32>
    %reduce_max3A_1502 = vector.extract %reduce_max3A_1501[15] : i32 from vector<16xi32>
    %swap3A_1503 = arith.constant 85 : i32
    %swap3A_1504 = arith.index_cast %swap3A_1503 : i32 to index
    %swap3A_1505 = memref.load %arg8[%swap3A_1504] : memref<128xi32, #tpu.memory_space<smem>>
    memref.store %reduce_max3A_1502, %arg8[%swap3A_1504] : memref<128xi32, #tpu.memory_space<smem>>
    %eq3A_1506 = arith.constant 6 : i32
    %eq3A_1507 = vector.broadcast %eq3A_1506 : i32 to vector<16xi32>
    %eq3A_1508 = arith.cmpi eq, %iota3A, %eq3A_1507 : vector<16xi32>
    %jit3A_1509 = arith.constant 0 : i32
    %broadcast_in_dim3A_1510 = vector.broadcast %jit3A_1509 : i32 to vector<16xi32>
    %select_n3A_1511 = arith.select %eq3A_1508, %get3A_1403, %broadcast_in_dim3A_1510 : vector<16xi1>, vector<16xi32>
    %reduce_max3A_1512 = arith.constant true
    %reduce_max3A_1513 = vector.broadcast %reduce_max3A_1512 : i1 to vector<16xi1>
    %reduce_max3A_1514 = arith.constant -2147483648 : i32
    %reduce_max3A_1515 = vector.broadcast %reduce_max3A_1514 : i32 to vector<16xi32>
    %reduce_max3A_1516 = arith.xori %select_n3A_1511, %reduce_max3A_1515 : vector<16xi32>
    %reduce_max3A_1517 = tpu.scan <max>, %reduce_max3A_1516 masked %reduce_max3A_1513 : vector<16xi32>, vector<16xi1> -> vector<16xi32>
    %reduce_max3A_1518 = arith.xori %reduce_max3A_1517, %reduce_max3A_1515 : vector<16xi32>
    %reduce_max3A_1519 = vector.extract %reduce_max3A_1518[15] : i32 from vector<16xi32>
    %swap3A_1520 = arith.constant 86 : i32
    %swap3A_1521 = arith.index_cast %swap3A_1520 : i32 to index
    %swap3A_1522 = memref.load %arg8[%swap3A_1521] : memref<128xi32, #tpu.memory_space<smem>>
    memref.store %reduce_max3A_1519, %arg8[%swap3A_1521] : memref<128xi32, #tpu.memory_space<smem>>
    %eq3A_1523 = arith.constant 7 : i32
    %eq3A_1524 = vector.broadcast %eq3A_1523 : i32 to vector<16xi32>
    %eq3A_1525 = arith.cmpi eq, %iota3A, %eq3A_1524 : vector<16xi32>
    %jit3A_1526 = arith.constant 0 : i32
    %broadcast_in_dim3A_1527 = vector.broadcast %jit3A_1526 : i32 to vector<16xi32>
    %select_n3A_1528 = arith.select %eq3A_1525, %get3A_1403, %broadcast_in_dim3A_1527 : vector<16xi1>, vector<16xi32>
    %reduce_max3A_1529 = arith.constant true
    %reduce_max3A_1530 = vector.broadcast %reduce_max3A_1529 : i1 to vector<16xi1>
    %reduce_max3A_1531 = arith.constant -2147483648 : i32
    %reduce_max3A_1532 = vector.broadcast %reduce_max3A_1531 : i32 to vector<16xi32>
    %reduce_max3A_1533 = arith.xori %select_n3A_1528, %reduce_max3A_1532 : vector<16xi32>
    %reduce_max3A_1534 = tpu.scan <max>, %reduce_max3A_1533 masked %reduce_max3A_1530 : vector<16xi32>, vector<16xi1> -> vector<16xi32>
    %reduce_max3A_1535 = arith.xori %reduce_max3A_1534, %reduce_max3A_1532 : vector<16xi32>
    %reduce_max3A_1536 = vector.extract %reduce_max3A_1535[15] : i32 from vector<16xi32>
    %swap3A_1537 = arith.constant 87 : i32
    %swap3A_1538 = arith.index_cast %swap3A_1537 : i32 to index
    %swap3A_1539 = memref.load %arg8[%swap3A_1538] : memref<128xi32, #tpu.memory_space<smem>>
    memref.store %reduce_max3A_1536, %arg8[%swap3A_1538] : memref<128xi32, #tpu.memory_space<smem>>
    %eq3A_1540 = arith.constant 8 : i32
    %eq3A_1541 = vector.broadcast %eq3A_1540 : i32 to vector<16xi32>
    %eq3A_1542 = arith.cmpi eq, %iota3A, %eq3A_1541 : vector<16xi32>
    %jit3A_1543 = arith.constant 0 : i32
    %broadcast_in_dim3A_1544 = vector.broadcast %jit3A_1543 : i32 to vector<16xi32>
    %select_n3A_1545 = arith.select %eq3A_1542, %get3A_1403, %broadcast_in_dim3A_1544 : vector<16xi1>, vector<16xi32>
    %reduce_max3A_1546 = arith.constant true
    %reduce_max3A_1547 = vector.broadcast %reduce_max3A_1546 : i1 to vector<16xi1>
    %reduce_max3A_1548 = arith.constant -2147483648 : i32
    %reduce_max3A_1549 = vector.broadcast %reduce_max3A_1548 : i32 to vector<16xi32>
    %reduce_max3A_1550 = arith.xori %select_n3A_1545, %reduce_max3A_1549 : vector<16xi32>
    %reduce_max3A_1551 = tpu.scan <max>, %reduce_max3A_1550 masked %reduce_max3A_1547 : vector<16xi32>, vector<16xi1> -> vector<16xi32>
    %reduce_max3A_1552 = arith.xori %reduce_max3A_1551, %reduce_max3A_1549 : vector<16xi32>
    %reduce_max3A_1553 = vector.extract %reduce_max3A_1552[15] : i32 from vector<16xi32>
    %swap3A_1554 = arith.constant 88 : i32
    %swap3A_1555 = arith.index_cast %swap3A_1554 : i32 to index
    %swap3A_1556 = memref.load %arg8[%swap3A_1555] : memref<128xi32, #tpu.memory_space<smem>>
    memref.store %reduce_max3A_1553, %arg8[%swap3A_1555] : memref<128xi32, #tpu.memory_space<smem>>
    %eq3A_1557 = arith.constant 9 : i32
    %eq3A_1558 = vector.broadcast %eq3A_1557 : i32 to vector<16xi32>
    %eq3A_1559 = arith.cmpi eq, %iota3A, %eq3A_1558 : vector<16xi32>
    %jit3A_1560 = arith.constant 0 : i32
    %broadcast_in_dim3A_1561 = vector.broadcast %jit3A_1560 : i32 to vector<16xi32>
    %select_n3A_1562 = arith.select %eq3A_1559, %get3A_1403, %broadcast_in_dim3A_1561 : vector<16xi1>, vector<16xi32>
    %reduce_max3A_1563 = arith.constant true
    %reduce_max3A_1564 = vector.broadcast %reduce_max3A_1563 : i1 to vector<16xi1>
    %reduce_max3A_1565 = arith.constant -2147483648 : i32
    %reduce_max3A_1566 = vector.broadcast %reduce_max3A_1565 : i32 to vector<16xi32>
    %reduce_max3A_1567 = arith.xori %select_n3A_1562, %reduce_max3A_1566 : vector<16xi32>
    %reduce_max3A_1568 = tpu.scan <max>, %reduce_max3A_1567 masked %reduce_max3A_1564 : vector<16xi32>, vector<16xi1> -> vector<16xi32>
    %reduce_max3A_1569 = arith.xori %reduce_max3A_1568, %reduce_max3A_1566 : vector<16xi32>
    %reduce_max3A_1570 = vector.extract %reduce_max3A_1569[15] : i32 from vector<16xi32>
    %swap3A_1571 = arith.constant 89 : i32
    %swap3A_1572 = arith.index_cast %swap3A_1571 : i32 to index
    %swap3A_1573 = memref.load %arg8[%swap3A_1572] : memref<128xi32, #tpu.memory_space<smem>>
    memref.store %reduce_max3A_1570, %arg8[%swap3A_1572] : memref<128xi32, #tpu.memory_space<smem>>
    %eq3A_1574 = arith.constant 10 : i32
    %eq3A_1575 = vector.broadcast %eq3A_1574 : i32 to vector<16xi32>
    %eq3A_1576 = arith.cmpi eq, %iota3A, %eq3A_1575 : vector<16xi32>
    %jit3A_1577 = arith.constant 0 : i32
    %broadcast_in_dim3A_1578 = vector.broadcast %jit3A_1577 : i32 to vector<16xi32>
    %select_n3A_1579 = arith.select %eq3A_1576, %get3A_1403, %broadcast_in_dim3A_1578 : vector<16xi1>, vector<16xi32>
    %reduce_max3A_1580 = arith.constant true
    %reduce_max3A_1581 = vector.broadcast %reduce_max3A_1580 : i1 to vector<16xi1>
    %reduce_max3A_1582 = arith.constant -2147483648 : i32
    %reduce_max3A_1583 = vector.broadcast %reduce_max3A_1582 : i32 to vector<16xi32>
    %reduce_max3A_1584 = arith.xori %select_n3A_1579, %reduce_max3A_1583 : vector<16xi32>
    %reduce_max3A_1585 = tpu.scan <max>, %reduce_max3A_1584 masked %reduce_max3A_1581 : vector<16xi32>, vector<16xi1> -> vector<16xi32>
    %reduce_max3A_1586 = arith.xori %reduce_max3A_1585, %reduce_max3A_1583 : vector<16xi32>
    %reduce_max3A_1587 = vector.extract %reduce_max3A_1586[15] : i32 from vector<16xi32>
    %swap3A_1588 = arith.constant 90 : i32
    %swap3A_1589 = arith.index_cast %swap3A_1588 : i32 to index
    %swap3A_1590 = memref.load %arg8[%swap3A_1589] : memref<128xi32, #tpu.memory_space<smem>>
    memref.store %reduce_max3A_1587, %arg8[%swap3A_1589] : memref<128xi32, #tpu.memory_space<smem>>
    %eq3A_1591 = arith.constant 11 : i32
    %eq3A_1592 = vector.broadcast %eq3A_1591 : i32 to vector<16xi32>
    %eq3A_1593 = arith.cmpi eq, %iota3A, %eq3A_1592 : vector<16xi32>
    %jit3A_1594 = arith.constant 0 : i32
    %broadcast_in_dim3A_1595 = vector.broadcast %jit3A_1594 : i32 to vector<16xi32>
    %select_n3A_1596 = arith.select %eq3A_1593, %get3A_1403, %broadcast_in_dim3A_1595 : vector<16xi1>, vector<16xi32>
    %reduce_max3A_1597 = arith.constant true
    %reduce_max3A_1598 = vector.broadcast %reduce_max3A_1597 : i1 to vector<16xi1>
    %reduce_max3A_1599 = arith.constant -2147483648 : i32
    %reduce_max3A_1600 = vector.broadcast %reduce_max3A_1599 : i32 to vector<16xi32>
    %reduce_max3A_1601 = arith.xori %select_n3A_1596, %reduce_max3A_1600 : vector<16xi32>
    %reduce_max3A_1602 = tpu.scan <max>, %reduce_max3A_1601 masked %reduce_max3A_1598 : vector<16xi32>, vector<16xi1> -> vector<16xi32>
    %reduce_max3A_1603 = arith.xori %reduce_max3A_1602, %reduce_max3A_1600 : vector<16xi32>
    %reduce_max3A_1604 = vector.extract %reduce_max3A_1603[15] : i32 from vector<16xi32>
    %swap3A_1605 = arith.constant 91 : i32
    %swap3A_1606 = arith.index_cast %swap3A_1605 : i32 to index
    %swap3A_1607 = memref.load %arg8[%swap3A_1606] : memref<128xi32, #tpu.memory_space<smem>>
    memref.store %reduce_max3A_1604, %arg8[%swap3A_1606] : memref<128xi32, #tpu.memory_space<smem>>
    %eq3A_1608 = arith.constant 12 : i32
    %eq3A_1609 = vector.broadcast %eq3A_1608 : i32 to vector<16xi32>
    %eq3A_1610 = arith.cmpi eq, %iota3A, %eq3A_1609 : vector<16xi32>
    %jit3A_1611 = arith.constant 0 : i32
    %broadcast_in_dim3A_1612 = vector.broadcast %jit3A_1611 : i32 to vector<16xi32>
    %select_n3A_1613 = arith.select %eq3A_1610, %get3A_1403, %broadcast_in_dim3A_1612 : vector<16xi1>, vector<16xi32>
    %reduce_max3A_1614 = arith.constant true
    %reduce_max3A_1615 = vector.broadcast %reduce_max3A_1614 : i1 to vector<16xi1>
    %reduce_max3A_1616 = arith.constant -2147483648 : i32
    %reduce_max3A_1617 = vector.broadcast %reduce_max3A_1616 : i32 to vector<16xi32>
    %reduce_max3A_1618 = arith.xori %select_n3A_1613, %reduce_max3A_1617 : vector<16xi32>
    %reduce_max3A_1619 = tpu.scan <max>, %reduce_max3A_1618 masked %reduce_max3A_1615 : vector<16xi32>, vector<16xi1> -> vector<16xi32>
    %reduce_max3A_1620 = arith.xori %reduce_max3A_1619, %reduce_max3A_1617 : vector<16xi32>
    %reduce_max3A_1621 = vector.extract %reduce_max3A_1620[15] : i32 from vector<16xi32>
    %swap3A_1622 = arith.constant 92 : i32
    %swap3A_1623 = arith.index_cast %swap3A_1622 : i32 to index
    %swap3A_1624 = memref.load %arg8[%swap3A_1623] : memref<128xi32, #tpu.memory_space<smem>>
    memref.store %reduce_max3A_1621, %arg8[%swap3A_1623] : memref<128xi32, #tpu.memory_space<smem>>
    %eq3A_1625 = arith.constant 13 : i32
    %eq3A_1626 = vector.broadcast %eq3A_1625 : i32 to vector<16xi32>
    %eq3A_1627 = arith.cmpi eq, %iota3A, %eq3A_1626 : vector<16xi32>
    %jit3A_1628 = arith.constant 0 : i32
    %broadcast_in_dim3A_1629 = vector.broadcast %jit3A_1628 : i32 to vector<16xi32>
    %select_n3A_1630 = arith.select %eq3A_1627, %get3A_1403, %broadcast_in_dim3A_1629 : vector<16xi1>, vector<16xi32>
    %reduce_max3A_1631 = arith.constant true
    %reduce_max3A_1632 = vector.broadcast %reduce_max3A_1631 : i1 to vector<16xi1>
    %reduce_max3A_1633 = arith.constant -2147483648 : i32
    %reduce_max3A_1634 = vector.broadcast %reduce_max3A_1633 : i32 to vector<16xi32>
    %reduce_max3A_1635 = arith.xori %select_n3A_1630, %reduce_max3A_1634 : vector<16xi32>
    %reduce_max3A_1636 = tpu.scan <max>, %reduce_max3A_1635 masked %reduce_max3A_1632 : vector<16xi32>, vector<16xi1> -> vector<16xi32>
    %reduce_max3A_1637 = arith.xori %reduce_max3A_1636, %reduce_max3A_1634 : vector<16xi32>
    %reduce_max3A_1638 = vector.extract %reduce_max3A_1637[15] : i32 from vector<16xi32>
    %swap3A_1639 = arith.constant 93 : i32
    %swap3A_1640 = arith.index_cast %swap3A_1639 : i32 to index
    %swap3A_1641 = memref.load %arg8[%swap3A_1640] : memref<128xi32, #tpu.memory_space<smem>>
    memref.store %reduce_max3A_1638, %arg8[%swap3A_1640] : memref<128xi32, #tpu.memory_space<smem>>
    %eq3A_1642 = arith.constant 14 : i32
    %eq3A_1643 = vector.broadcast %eq3A_1642 : i32 to vector<16xi32>
    %eq3A_1644 = arith.cmpi eq, %iota3A, %eq3A_1643 : vector<16xi32>
    %jit3A_1645 = arith.constant 0 : i32
    %broadcast_in_dim3A_1646 = vector.broadcast %jit3A_1645 : i32 to vector<16xi32>
    %select_n3A_1647 = arith.select %eq3A_1644, %get3A_1403, %broadcast_in_dim3A_1646 : vector<16xi1>, vector<16xi32>
    %reduce_max3A_1648 = arith.constant true
    %reduce_max3A_1649 = vector.broadcast %reduce_max3A_1648 : i1 to vector<16xi1>
    %reduce_max3A_1650 = arith.constant -2147483648 : i32
    %reduce_max3A_1651 = vector.broadcast %reduce_max3A_1650 : i32 to vector<16xi32>
    %reduce_max3A_1652 = arith.xori %select_n3A_1647, %reduce_max3A_1651 : vector<16xi32>
    %reduce_max3A_1653 = tpu.scan <max>, %reduce_max3A_1652 masked %reduce_max3A_1649 : vector<16xi32>, vector<16xi1> -> vector<16xi32>
    %reduce_max3A_1654 = arith.xori %reduce_max3A_1653, %reduce_max3A_1651 : vector<16xi32>
    %reduce_max3A_1655 = vector.extract %reduce_max3A_1654[15] : i32 from vector<16xi32>
    %swap3A_1656 = arith.constant 94 : i32
    %swap3A_1657 = arith.index_cast %swap3A_1656 : i32 to index
    %swap3A_1658 = memref.load %arg8[%swap3A_1657] : memref<128xi32, #tpu.memory_space<smem>>
    memref.store %reduce_max3A_1655, %arg8[%swap3A_1657] : memref<128xi32, #tpu.memory_space<smem>>
    %eq3A_1659 = arith.constant 15 : i32
    %eq3A_1660 = vector.broadcast %eq3A_1659 : i32 to vector<16xi32>
    %eq3A_1661 = arith.cmpi eq, %iota3A, %eq3A_1660 : vector<16xi32>
    %jit3A_1662 = arith.constant 0 : i32
    %broadcast_in_dim3A_1663 = vector.broadcast %jit3A_1662 : i32 to vector<16xi32>
    %select_n3A_1664 = arith.select %eq3A_1661, %get3A_1403, %broadcast_in_dim3A_1663 : vector<16xi1>, vector<16xi32>
    %reduce_max3A_1665 = arith.constant true
    %reduce_max3A_1666 = vector.broadcast %reduce_max3A_1665 : i1 to vector<16xi1>
    %reduce_max3A_1667 = arith.constant -2147483648 : i32
    %reduce_max3A_1668 = vector.broadcast %reduce_max3A_1667 : i32 to vector<16xi32>
    %reduce_max3A_1669 = arith.xori %select_n3A_1664, %reduce_max3A_1668 : vector<16xi32>
    %reduce_max3A_1670 = tpu.scan <max>, %reduce_max3A_1669 masked %reduce_max3A_1666 : vector<16xi32>, vector<16xi1> -> vector<16xi32>
    %reduce_max3A_1671 = arith.xori %reduce_max3A_1670, %reduce_max3A_1668 : vector<16xi32>
    %reduce_max3A_1672 = vector.extract %reduce_max3A_1671[15] : i32 from vector<16xi32>
    %swap3A_1673 = arith.constant 95 : i32
    %swap3A_1674 = arith.index_cast %swap3A_1673 : i32 to index
    %swap3A_1675 = memref.load %arg8[%swap3A_1674] : memref<128xi32, #tpu.memory_space<smem>>
    memref.store %reduce_max3A_1672, %arg8[%swap3A_1674] : memref<128xi32, #tpu.memory_space<smem>>
    %scan3A_1676 = arith.constant 80 : i32
    %scan3A_1677 = arith.constant 16 : i32
    %scan3A_1678 = arith.addi %scan3A_1676, %scan3A_1677 : i32
    %scan3A_1679 = arith.constant 1 : i32
    %scan3A_1680 = scf.for %scan3A_2263 = %scan3A_1676 to %scan3A_1678 step %scan3A_1679 iter_args(%scan3A_2264 = %scan3A_1400) -> (i32)  : i32 {
      %get3A_2265 = arith.index_cast %scan3A_2263 : i32 to index
      %get3A_2266 = memref.load %arg8[%get3A_2265] : memref<128xi32, #tpu.memory_space<smem>>
      %get3A_2267 = arith.index_cast %get3A_2266 : i32 to index
      %get3A_2268 = memref.load %arg9[%get3A_2267] : memref<200xi32, #tpu.memory_space<smem>>
      %lt3A = arith.constant 0 : i32
      %lt3A_2269 = arith.cmpi slt, %get3A_2268, %lt3A : i32
      %convert_element_type3A = arith.extui %lt3A_2269 : i1 to i32
      %cond3A = arith.constant 0 : i32
      %cond3A_2270 = arith.cmpi ne, %convert_element_type3A, %cond3A : i32
      %cond3A_2271 = scf.if %cond3A_2270 -> (i32) {
        %swap3A_2272 = arith.index_cast %get3A_2266 : i32 to index
        %swap3A_2273 = memref.load %arg9[%swap3A_2272] : memref<200xi32, #tpu.memory_space<smem>>
        memref.store %scan3A_2264, %arg9[%swap3A_2272] : memref<200xi32, #tpu.memory_space<smem>>
        %swap3A_2274 = arith.index_cast %scan3A_2264 : i32 to index
        %swap3A_2275 = memref.load %arg10[%swap3A_2274] : memref<128xi32, #tpu.memory_space<smem>>
        memref.store %get3A_2266, %arg10[%swap3A_2274] : memref<128xi32, #tpu.memory_space<smem>>
        %swap3A_2276 = arith.index_cast %scan3A_2264 : i32 to index
        %swap3A_2277 = memref.load %arg11[%swap3A_2276] : memref<128xi32, #tpu.memory_space<smem>>
        memref.store %scan3A_2263, %arg11[%swap3A_2276] : memref<128xi32, #tpu.memory_space<smem>>
        %swap3A_2278 = arith.constant -1 : i32
        %swap3A_2279 = arith.index_cast %scan3A_2263 : i32 to index
        %swap3A_2280 = memref.load %arg12[%swap3A_2279] : memref<128xi32, #tpu.memory_space<smem>>
        memref.store %swap3A_2278, %arg12[%swap3A_2279] : memref<128xi32, #tpu.memory_space<smem>>
        %lt3A_2281 = arith.constant 8 : i32
        %lt3A_2282 = arith.cmpi slt, %scan3A_2264, %lt3A_2281 : i32
        %convert_element_type3A_2283 = arith.extui %lt3A_2282 : i1 to i32
        %cond3A_2284 = arith.constant 0 : i32
        %cond3A_2285 = arith.cmpi ne, %convert_element_type3A_2283, %cond3A_2284 : i32
        %cond3A_2286 = scf.if %cond3A_2285 -> (i32) {
          %rem3A = arith.constant 9 : i32
          %rem3A_2289 = arith.remsi %scan3A_2264, %rem3A : i32
          %get3A_2290 = arith.index_cast %scan3A_2264 : i32 to index
          %get3A_2291 = memref.load %arg10[%get3A_2290] : memref<128xi32, #tpu.memory_space<smem>>
          %dma_start3A = arith.constant 0 : i32
          %dma_start3A_2292 = arith.constant 0 : i32
          %dma_start3A_2293 = tpu.memref_slice %arg6[%rem3A_2289, %dma_start3A, %dma_start3A_2292] : memref<9x64x128xf32, #tpu.memory_space<vmem>> -> memref<1x64x128xf32, #tpu.memory_space<vmem>>
          %dma_start3A_2294 = tpu.memref_squeeze %dma_start3A_2293 : memref<1x64x128xf32, #tpu.memory_space<vmem>> -> memref<64x128xf32, #tpu.memory_space<vmem>>
          %dma_start3A_2295 = arith.constant 0 : i32
          %dma_start3A_2296 = tpu.memref_slice %arg2[%get3A_2291, %dma_start3A_2295, %mul3A_2] : memref<200x64x4096xf32, #tpu.memory_space<hbm>> -> memref<1x64x128xf32, #tpu.memory_space<hbm>>
          %dma_start3A_2297 = tpu.memref_squeeze %dma_start3A_2296 : memref<1x64x128xf32, #tpu.memory_space<hbm>> -> memref<64x128xf32, #tpu.memory_space<hbm>>
          %dma_start3A_2298 = tpu.memref_slice %arg13[%rem3A_2289] : memref<9x!tpu.dma_semaphore, #tpu.memory_space<semaphore_mem>> -> memref<1x!tpu.dma_semaphore, #tpu.memory_space<semaphore_mem>>
          %dma_start3A_2299 = tpu.memref_squeeze %dma_start3A_2298 : memref<1x!tpu.dma_semaphore, #tpu.memory_space<semaphore_mem>> -> memref<!tpu.dma_semaphore, #tpu.memory_space<semaphore_mem>>
          %dma_start3A_2300 = arith.constant 0 : i32
          %dma_start3A_2301 = arith.constant 0 : i32
          %dma_start3A_2302 = tpu.memref_slice %arg6[%rem3A_2289, %dma_start3A_2300, %dma_start3A_2301] : memref<9x64x128xf32, #tpu.memory_space<vmem>> -> memref<1x64x128xf32, #tpu.memory_space<vmem>>
          %dma_start3A_2303 = tpu.memref_squeeze %dma_start3A_2302 : memref<1x64x128xf32, #tpu.memory_space<vmem>> -> memref<64x128xf32, #tpu.memory_space<vmem>>
          %dma_start3A_2304 = arith.constant 0 : i32
          %dma_start3A_2305 = tpu.memref_slice %arg2[%get3A_2291, %dma_start3A_2304, %mul3A_2] : memref<200x64x4096xf32, #tpu.memory_space<hbm>> -> memref<1x64x128xf32, #tpu.memory_space<hbm>>
          %dma_start3A_2306 = tpu.memref_squeeze %dma_start3A_2305 : memref<1x64x128xf32, #tpu.memory_space<hbm>> -> memref<64x128xf32, #tpu.memory_space<hbm>>
          tpu.enqueue_dma source(%dma_start3A_2306 : memref<64x128xf32, #tpu.memory_space<hbm>>) target(%dma_start3A_2303 : memref<64x128xf32, #tpu.memory_space<vmem>>) target_semaphore(%dma_start3A_2299 : memref<!tpu.dma_semaphore, #tpu.memory_space<semaphore_mem>>)
          %cond3A_2307 = arith.constant 0 : i32
          scf.yield %cond3A_2307 : i32
        } else {
          %cond3A_2289 = arith.constant 0 : i32
          scf.yield %cond3A_2289 : i32
        }
        %add3A_2287 = arith.constant 1 : i32
        %add3A_2288 = arith.addi %scan3A_2264, %add3A_2287 : i32
        scf.yield %add3A_2288 : i32
      } else {
        %get3A_2272 = arith.index_cast %get3A_2268 : i32 to index
        %get3A_2273 = memref.load %arg11[%get3A_2272] : memref<128xi32, #tpu.memory_space<smem>>
        %swap3A_2274 = arith.index_cast %scan3A_2263 : i32 to index
        %swap3A_2275 = memref.load %arg12[%swap3A_2274] : memref<128xi32, #tpu.memory_space<smem>>
        memref.store %get3A_2273, %arg12[%swap3A_2274] : memref<128xi32, #tpu.memory_space<smem>>
        %swap3A_2276 = arith.index_cast %get3A_2268 : i32 to index
        %swap3A_2277 = memref.load %arg11[%swap3A_2276] : memref<128xi32, #tpu.memory_space<smem>>
        memref.store %scan3A_2263, %arg11[%swap3A_2276] : memref<128xi32, #tpu.memory_space<smem>>
        scf.yield %scan3A_2264 : i32
      }
      scf.yield %cond3A_2271 : i32
    }
    %scan3A_1681 = arith.constant 16 : i32
    %get3A_1682 = arith.constant 96 : index
    %get3A_1683 = tpu.vector_load %arg5[%get3A_1682] {strides = array<i32>} : memref<128xi32, #tpu.memory_space<vmem>>, vector<16xi32>,
    %eq3A_1684 = arith.constant 0 : i32
    %eq3A_1685 = vector.broadcast %eq3A_1684 : i32 to vector<16xi32>
    %eq3A_1686 = arith.cmpi eq, %iota3A, %eq3A_1685 : vector<16xi32>
    %jit3A_1687 = arith.constant 0 : i32
    %broadcast_in_dim3A_1688 = vector.broadcast %jit3A_1687 : i32 to vector<16xi32>
    %select_n3A_1689 = arith.select %eq3A_1686, %get3A_1683, %broadcast_in_dim3A_1688 : vector<16xi1>, vector<16xi32>
    %reduce_max3A_1690 = arith.constant true
    %reduce_max3A_1691 = vector.broadcast %reduce_max3A_1690 : i1 to vector<16xi1>
    %reduce_max3A_1692 = arith.constant -2147483648 : i32
    %reduce_max3A_1693 = vector.broadcast %reduce_max3A_1692 : i32 to vector<16xi32>
    %reduce_max3A_1694 = arith.xori %select_n3A_1689, %reduce_max3A_1693 : vector<16xi32>
    %reduce_max3A_1695 = tpu.scan <max>, %reduce_max3A_1694 masked %reduce_max3A_1691 : vector<16xi32>, vector<16xi1> -> vector<16xi32>
    %reduce_max3A_1696 = arith.xori %reduce_max3A_1695, %reduce_max3A_1693 : vector<16xi32>
    %reduce_max3A_1697 = vector.extract %reduce_max3A_1696[15] : i32 from vector<16xi32>
    %swap3A_1698 = arith.constant 96 : i32
    %swap3A_1699 = arith.index_cast %swap3A_1698 : i32 to index
    %swap3A_1700 = memref.load %arg8[%swap3A_1699] : memref<128xi32, #tpu.memory_space<smem>>
    memref.store %reduce_max3A_1697, %arg8[%swap3A_1699] : memref<128xi32, #tpu.memory_space<smem>>
    %eq3A_1701 = arith.constant 1 : i32
    %eq3A_1702 = vector.broadcast %eq3A_1701 : i32 to vector<16xi32>
    %eq3A_1703 = arith.cmpi eq, %iota3A, %eq3A_1702 : vector<16xi32>
    %jit3A_1704 = arith.constant 0 : i32
    %broadcast_in_dim3A_1705 = vector.broadcast %jit3A_1704 : i32 to vector<16xi32>
    %select_n3A_1706 = arith.select %eq3A_1703, %get3A_1683, %broadcast_in_dim3A_1705 : vector<16xi1>, vector<16xi32>
    %reduce_max3A_1707 = arith.constant true
    %reduce_max3A_1708 = vector.broadcast %reduce_max3A_1707 : i1 to vector<16xi1>
    %reduce_max3A_1709 = arith.constant -2147483648 : i32
    %reduce_max3A_1710 = vector.broadcast %reduce_max3A_1709 : i32 to vector<16xi32>
    %reduce_max3A_1711 = arith.xori %select_n3A_1706, %reduce_max3A_1710 : vector<16xi32>
    %reduce_max3A_1712 = tpu.scan <max>, %reduce_max3A_1711 masked %reduce_max3A_1708 : vector<16xi32>, vector<16xi1> -> vector<16xi32>
    %reduce_max3A_1713 = arith.xori %reduce_max3A_1712, %reduce_max3A_1710 : vector<16xi32>
    %reduce_max3A_1714 = vector.extract %reduce_max3A_1713[15] : i32 from vector<16xi32>
    %swap3A_1715 = arith.constant 97 : i32
    %swap3A_1716 = arith.index_cast %swap3A_1715 : i32 to index
    %swap3A_1717 = memref.load %arg8[%swap3A_1716] : memref<128xi32, #tpu.memory_space<smem>>
    memref.store %reduce_max3A_1714, %arg8[%swap3A_1716] : memref<128xi32, #tpu.memory_space<smem>>
    %eq3A_1718 = arith.constant 2 : i32
    %eq3A_1719 = vector.broadcast %eq3A_1718 : i32 to vector<16xi32>
    %eq3A_1720 = arith.cmpi eq, %iota3A, %eq3A_1719 : vector<16xi32>
    %jit3A_1721 = arith.constant 0 : i32
    %broadcast_in_dim3A_1722 = vector.broadcast %jit3A_1721 : i32 to vector<16xi32>
    %select_n3A_1723 = arith.select %eq3A_1720, %get3A_1683, %broadcast_in_dim3A_1722 : vector<16xi1>, vector<16xi32>
    %reduce_max3A_1724 = arith.constant true
    %reduce_max3A_1725 = vector.broadcast %reduce_max3A_1724 : i1 to vector<16xi1>
    %reduce_max3A_1726 = arith.constant -2147483648 : i32
    %reduce_max3A_1727 = vector.broadcast %reduce_max3A_1726 : i32 to vector<16xi32>
    %reduce_max3A_1728 = arith.xori %select_n3A_1723, %reduce_max3A_1727 : vector<16xi32>
    %reduce_max3A_1729 = tpu.scan <max>, %reduce_max3A_1728 masked %reduce_max3A_1725 : vector<16xi32>, vector<16xi1> -> vector<16xi32>
    %reduce_max3A_1730 = arith.xori %reduce_max3A_1729, %reduce_max3A_1727 : vector<16xi32>
    %reduce_max3A_1731 = vector.extract %reduce_max3A_1730[15] : i32 from vector<16xi32>
    %swap3A_1732 = arith.constant 98 : i32
    %swap3A_1733 = arith.index_cast %swap3A_1732 : i32 to index
    %swap3A_1734 = memref.load %arg8[%swap3A_1733] : memref<128xi32, #tpu.memory_space<smem>>
    memref.store %reduce_max3A_1731, %arg8[%swap3A_1733] : memref<128xi32, #tpu.memory_space<smem>>
    %eq3A_1735 = arith.constant 3 : i32
    %eq3A_1736 = vector.broadcast %eq3A_1735 : i32 to vector<16xi32>
    %eq3A_1737 = arith.cmpi eq, %iota3A, %eq3A_1736 : vector<16xi32>
    %jit3A_1738 = arith.constant 0 : i32
    %broadcast_in_dim3A_1739 = vector.broadcast %jit3A_1738 : i32 to vector<16xi32>
    %select_n3A_1740 = arith.select %eq3A_1737, %get3A_1683, %broadcast_in_dim3A_1739 : vector<16xi1>, vector<16xi32>
    %reduce_max3A_1741 = arith.constant true
    %reduce_max3A_1742 = vector.broadcast %reduce_max3A_1741 : i1 to vector<16xi1>
    %reduce_max3A_1743 = arith.constant -2147483648 : i32
    %reduce_max3A_1744 = vector.broadcast %reduce_max3A_1743 : i32 to vector<16xi32>
    %reduce_max3A_1745 = arith.xori %select_n3A_1740, %reduce_max3A_1744 : vector<16xi32>
    %reduce_max3A_1746 = tpu.scan <max>, %reduce_max3A_1745 masked %reduce_max3A_1742 : vector<16xi32>, vector<16xi1> -> vector<16xi32>
    %reduce_max3A_1747 = arith.xori %reduce_max3A_1746, %reduce_max3A_1744 : vector<16xi32>
    %reduce_max3A_1748 = vector.extract %reduce_max3A_1747[15] : i32 from vector<16xi32>
    %swap3A_1749 = arith.constant 99 : i32
    %swap3A_1750 = arith.index_cast %swap3A_1749 : i32 to index
    %swap3A_1751 = memref.load %arg8[%swap3A_1750] : memref<128xi32, #tpu.memory_space<smem>>
    memref.store %reduce_max3A_1748, %arg8[%swap3A_1750] : memref<128xi32, #tpu.memory_space<smem>>
    %eq3A_1752 = arith.constant 4 : i32
    %eq3A_1753 = vector.broadcast %eq3A_1752 : i32 to vector<16xi32>
    %eq3A_1754 = arith.cmpi eq, %iota3A, %eq3A_1753 : vector<16xi32>
    %jit3A_1755 = arith.constant 0 : i32
    %broadcast_in_dim3A_1756 = vector.broadcast %jit3A_1755 : i32 to vector<16xi32>
    %select_n3A_1757 = arith.select %eq3A_1754, %get3A_1683, %broadcast_in_dim3A_1756 : vector<16xi1>, vector<16xi32>
    %reduce_max3A_1758 = arith.constant true
    %reduce_max3A_1759 = vector.broadcast %reduce_max3A_1758 : i1 to vector<16xi1>
    %reduce_max3A_1760 = arith.constant -2147483648 : i32
    %reduce_max3A_1761 = vector.broadcast %reduce_max3A_1760 : i32 to vector<16xi32>
    %reduce_max3A_1762 = arith.xori %select_n3A_1757, %reduce_max3A_1761 : vector<16xi32>
    %reduce_max3A_1763 = tpu.scan <max>, %reduce_max3A_1762 masked %reduce_max3A_1759 : vector<16xi32>, vector<16xi1> -> vector<16xi32>
    %reduce_max3A_1764 = arith.xori %reduce_max3A_1763, %reduce_max3A_1761 : vector<16xi32>
    %reduce_max3A_1765 = vector.extract %reduce_max3A_1764[15] : i32 from vector<16xi32>
    %swap3A_1766 = arith.constant 100 : i32
    %swap3A_1767 = arith.index_cast %swap3A_1766 : i32 to index
    %swap3A_1768 = memref.load %arg8[%swap3A_1767] : memref<128xi32, #tpu.memory_space<smem>>
    memref.store %reduce_max3A_1765, %arg8[%swap3A_1767] : memref<128xi32, #tpu.memory_space<smem>>
    %eq3A_1769 = arith.constant 5 : i32
    %eq3A_1770 = vector.broadcast %eq3A_1769 : i32 to vector<16xi32>
    %eq3A_1771 = arith.cmpi eq, %iota3A, %eq3A_1770 : vector<16xi32>
    %jit3A_1772 = arith.constant 0 : i32
    %broadcast_in_dim3A_1773 = vector.broadcast %jit3A_1772 : i32 to vector<16xi32>
    %select_n3A_1774 = arith.select %eq3A_1771, %get3A_1683, %broadcast_in_dim3A_1773 : vector<16xi1>, vector<16xi32>
    %reduce_max3A_1775 = arith.constant true
    %reduce_max3A_1776 = vector.broadcast %reduce_max3A_1775 : i1 to vector<16xi1>
    %reduce_max3A_1777 = arith.constant -2147483648 : i32
    %reduce_max3A_1778 = vector.broadcast %reduce_max3A_1777 : i32 to vector<16xi32>
    %reduce_max3A_1779 = arith.xori %select_n3A_1774, %reduce_max3A_1778 : vector<16xi32>
    %reduce_max3A_1780 = tpu.scan <max>, %reduce_max3A_1779 masked %reduce_max3A_1776 : vector<16xi32>, vector<16xi1> -> vector<16xi32>
    %reduce_max3A_1781 = arith.xori %reduce_max3A_1780, %reduce_max3A_1778 : vector<16xi32>
    %reduce_max3A_1782 = vector.extract %reduce_max3A_1781[15] : i32 from vector<16xi32>
    %swap3A_1783 = arith.constant 101 : i32
    %swap3A_1784 = arith.index_cast %swap3A_1783 : i32 to index
    %swap3A_1785 = memref.load %arg8[%swap3A_1784] : memref<128xi32, #tpu.memory_space<smem>>
    memref.store %reduce_max3A_1782, %arg8[%swap3A_1784] : memref<128xi32, #tpu.memory_space<smem>>
    %eq3A_1786 = arith.constant 6 : i32
    %eq3A_1787 = vector.broadcast %eq3A_1786 : i32 to vector<16xi32>
    %eq3A_1788 = arith.cmpi eq, %iota3A, %eq3A_1787 : vector<16xi32>
    %jit3A_1789 = arith.constant 0 : i32
    %broadcast_in_dim3A_1790 = vector.broadcast %jit3A_1789 : i32 to vector<16xi32>
    %select_n3A_1791 = arith.select %eq3A_1788, %get3A_1683, %broadcast_in_dim3A_1790 : vector<16xi1>, vector<16xi32>
    %reduce_max3A_1792 = arith.constant true
    %reduce_max3A_1793 = vector.broadcast %reduce_max3A_1792 : i1 to vector<16xi1>
    %reduce_max3A_1794 = arith.constant -2147483648 : i32
    %reduce_max3A_1795 = vector.broadcast %reduce_max3A_1794 : i32 to vector<16xi32>
    %reduce_max3A_1796 = arith.xori %select_n3A_1791, %reduce_max3A_1795 : vector<16xi32>
    %reduce_max3A_1797 = tpu.scan <max>, %reduce_max3A_1796 masked %reduce_max3A_1793 : vector<16xi32>, vector<16xi1> -> vector<16xi32>
    %reduce_max3A_1798 = arith.xori %reduce_max3A_1797, %reduce_max3A_1795 : vector<16xi32>
    %reduce_max3A_1799 = vector.extract %reduce_max3A_1798[15] : i32 from vector<16xi32>
    %swap3A_1800 = arith.constant 102 : i32
    %swap3A_1801 = arith.index_cast %swap3A_1800 : i32 to index
    %swap3A_1802 = memref.load %arg8[%swap3A_1801] : memref<128xi32, #tpu.memory_space<smem>>
    memref.store %reduce_max3A_1799, %arg8[%swap3A_1801] : memref<128xi32, #tpu.memory_space<smem>>
    %eq3A_1803 = arith.constant 7 : i32
    %eq3A_1804 = vector.broadcast %eq3A_1803 : i32 to vector<16xi32>
    %eq3A_1805 = arith.cmpi eq, %iota3A, %eq3A_1804 : vector<16xi32>
    %jit3A_1806 = arith.constant 0 : i32
    %broadcast_in_dim3A_1807 = vector.broadcast %jit3A_1806 : i32 to vector<16xi32>
    %select_n3A_1808 = arith.select %eq3A_1805, %get3A_1683, %broadcast_in_dim3A_1807 : vector<16xi1>, vector<16xi32>
    %reduce_max3A_1809 = arith.constant true
    %reduce_max3A_1810 = vector.broadcast %reduce_max3A_1809 : i1 to vector<16xi1>
    %reduce_max3A_1811 = arith.constant -2147483648 : i32
    %reduce_max3A_1812 = vector.broadcast %reduce_max3A_1811 : i32 to vector<16xi32>
    %reduce_max3A_1813 = arith.xori %select_n3A_1808, %reduce_max3A_1812 : vector<16xi32>
    %reduce_max3A_1814 = tpu.scan <max>, %reduce_max3A_1813 masked %reduce_max3A_1810 : vector<16xi32>, vector<16xi1> -> vector<16xi32>
    %reduce_max3A_1815 = arith.xori %reduce_max3A_1814, %reduce_max3A_1812 : vector<16xi32>
    %reduce_max3A_1816 = vector.extract %reduce_max3A_1815[15] : i32 from vector<16xi32>
    %swap3A_1817 = arith.constant 103 : i32
    %swap3A_1818 = arith.index_cast %swap3A_1817 : i32 to index
    %swap3A_1819 = memref.load %arg8[%swap3A_1818] : memref<128xi32, #tpu.memory_space<smem>>
    memref.store %reduce_max3A_1816, %arg8[%swap3A_1818] : memref<128xi32, #tpu.memory_space<smem>>
    %eq3A_1820 = arith.constant 8 : i32
    %eq3A_1821 = vector.broadcast %eq3A_1820 : i32 to vector<16xi32>
    %eq3A_1822 = arith.cmpi eq, %iota3A, %eq3A_1821 : vector<16xi32>
    %jit3A_1823 = arith.constant 0 : i32
    %broadcast_in_dim3A_1824 = vector.broadcast %jit3A_1823 : i32 to vector<16xi32>
    %select_n3A_1825 = arith.select %eq3A_1822, %get3A_1683, %broadcast_in_dim3A_1824 : vector<16xi1>, vector<16xi32>
    %reduce_max3A_1826 = arith.constant true
    %reduce_max3A_1827 = vector.broadcast %reduce_max3A_1826 : i1 to vector<16xi1>
    %reduce_max3A_1828 = arith.constant -2147483648 : i32
    %reduce_max3A_1829 = vector.broadcast %reduce_max3A_1828 : i32 to vector<16xi32>
    %reduce_max3A_1830 = arith.xori %select_n3A_1825, %reduce_max3A_1829 : vector<16xi32>
    %reduce_max3A_1831 = tpu.scan <max>, %reduce_max3A_1830 masked %reduce_max3A_1827 : vector<16xi32>, vector<16xi1> -> vector<16xi32>
    %reduce_max3A_1832 = arith.xori %reduce_max3A_1831, %reduce_max3A_1829 : vector<16xi32>
    %reduce_max3A_1833 = vector.extract %reduce_max3A_1832[15] : i32 from vector<16xi32>
    %swap3A_1834 = arith.constant 104 : i32
    %swap3A_1835 = arith.index_cast %swap3A_1834 : i32 to index
    %swap3A_1836 = memref.load %arg8[%swap3A_1835] : memref<128xi32, #tpu.memory_space<smem>>
    memref.store %reduce_max3A_1833, %arg8[%swap3A_1835] : memref<128xi32, #tpu.memory_space<smem>>
    %eq3A_1837 = arith.constant 9 : i32
    %eq3A_1838 = vector.broadcast %eq3A_1837 : i32 to vector<16xi32>
    %eq3A_1839 = arith.cmpi eq, %iota3A, %eq3A_1838 : vector<16xi32>
    %jit3A_1840 = arith.constant 0 : i32
    %broadcast_in_dim3A_1841 = vector.broadcast %jit3A_1840 : i32 to vector<16xi32>
    %select_n3A_1842 = arith.select %eq3A_1839, %get3A_1683, %broadcast_in_dim3A_1841 : vector<16xi1>, vector<16xi32>
    %reduce_max3A_1843 = arith.constant true
    %reduce_max3A_1844 = vector.broadcast %reduce_max3A_1843 : i1 to vector<16xi1>
    %reduce_max3A_1845 = arith.constant -2147483648 : i32
    %reduce_max3A_1846 = vector.broadcast %reduce_max3A_1845 : i32 to vector<16xi32>
    %reduce_max3A_1847 = arith.xori %select_n3A_1842, %reduce_max3A_1846 : vector<16xi32>
    %reduce_max3A_1848 = tpu.scan <max>, %reduce_max3A_1847 masked %reduce_max3A_1844 : vector<16xi32>, vector<16xi1> -> vector<16xi32>
    %reduce_max3A_1849 = arith.xori %reduce_max3A_1848, %reduce_max3A_1846 : vector<16xi32>
    %reduce_max3A_1850 = vector.extract %reduce_max3A_1849[15] : i32 from vector<16xi32>
    %swap3A_1851 = arith.constant 105 : i32
    %swap3A_1852 = arith.index_cast %swap3A_1851 : i32 to index
    %swap3A_1853 = memref.load %arg8[%swap3A_1852] : memref<128xi32, #tpu.memory_space<smem>>
    memref.store %reduce_max3A_1850, %arg8[%swap3A_1852] : memref<128xi32, #tpu.memory_space<smem>>
    %eq3A_1854 = arith.constant 10 : i32
    %eq3A_1855 = vector.broadcast %eq3A_1854 : i32 to vector<16xi32>
    %eq3A_1856 = arith.cmpi eq, %iota3A, %eq3A_1855 : vector<16xi32>
    %jit3A_1857 = arith.constant 0 : i32
    %broadcast_in_dim3A_1858 = vector.broadcast %jit3A_1857 : i32 to vector<16xi32>
    %select_n3A_1859 = arith.select %eq3A_1856, %get3A_1683, %broadcast_in_dim3A_1858 : vector<16xi1>, vector<16xi32>
    %reduce_max3A_1860 = arith.constant true
    %reduce_max3A_1861 = vector.broadcast %reduce_max3A_1860 : i1 to vector<16xi1>
    %reduce_max3A_1862 = arith.constant -2147483648 : i32
    %reduce_max3A_1863 = vector.broadcast %reduce_max3A_1862 : i32 to vector<16xi32>
    %reduce_max3A_1864 = arith.xori %select_n3A_1859, %reduce_max3A_1863 : vector<16xi32>
    %reduce_max3A_1865 = tpu.scan <max>, %reduce_max3A_1864 masked %reduce_max3A_1861 : vector<16xi32>, vector<16xi1> -> vector<16xi32>
    %reduce_max3A_1866 = arith.xori %reduce_max3A_1865, %reduce_max3A_1863 : vector<16xi32>
    %reduce_max3A_1867 = vector.extract %reduce_max3A_1866[15] : i32 from vector<16xi32>
    %swap3A_1868 = arith.constant 106 : i32
    %swap3A_1869 = arith.index_cast %swap3A_1868 : i32 to index
    %swap3A_1870 = memref.load %arg8[%swap3A_1869] : memref<128xi32, #tpu.memory_space<smem>>
    memref.store %reduce_max3A_1867, %arg8[%swap3A_1869] : memref<128xi32, #tpu.memory_space<smem>>
    %eq3A_1871 = arith.constant 11 : i32
    %eq3A_1872 = vector.broadcast %eq3A_1871 : i32 to vector<16xi32>
    %eq3A_1873 = arith.cmpi eq, %iota3A, %eq3A_1872 : vector<16xi32>
    %jit3A_1874 = arith.constant 0 : i32
    %broadcast_in_dim3A_1875 = vector.broadcast %jit3A_1874 : i32 to vector<16xi32>
    %select_n3A_1876 = arith.select %eq3A_1873, %get3A_1683, %broadcast_in_dim3A_1875 : vector<16xi1>, vector<16xi32>
    %reduce_max3A_1877 = arith.constant true
    %reduce_max3A_1878 = vector.broadcast %reduce_max3A_1877 : i1 to vector<16xi1>
    %reduce_max3A_1879 = arith.constant -2147483648 : i32
    %reduce_max3A_1880 = vector.broadcast %reduce_max3A_1879 : i32 to vector<16xi32>
    %reduce_max3A_1881 = arith.xori %select_n3A_1876, %reduce_max3A_1880 : vector<16xi32>
    %reduce_max3A_1882 = tpu.scan <max>, %reduce_max3A_1881 masked %reduce_max3A_1878 : vector<16xi32>, vector<16xi1> -> vector<16xi32>
    %reduce_max3A_1883 = arith.xori %reduce_max3A_1882, %reduce_max3A_1880 : vector<16xi32>
    %reduce_max3A_1884 = vector.extract %reduce_max3A_1883[15] : i32 from vector<16xi32>
    %swap3A_1885 = arith.constant 107 : i32
    %swap3A_1886 = arith.index_cast %swap3A_1885 : i32 to index
    %swap3A_1887 = memref.load %arg8[%swap3A_1886] : memref<128xi32, #tpu.memory_space<smem>>
    memref.store %reduce_max3A_1884, %arg8[%swap3A_1886] : memref<128xi32, #tpu.memory_space<smem>>
    %eq3A_1888 = arith.constant 12 : i32
    %eq3A_1889 = vector.broadcast %eq3A_1888 : i32 to vector<16xi32>
    %eq3A_1890 = arith.cmpi eq, %iota3A, %eq3A_1889 : vector<16xi32>
    %jit3A_1891 = arith.constant 0 : i32
    %broadcast_in_dim3A_1892 = vector.broadcast %jit3A_1891 : i32 to vector<16xi32>
    %select_n3A_1893 = arith.select %eq3A_1890, %get3A_1683, %broadcast_in_dim3A_1892 : vector<16xi1>, vector<16xi32>
    %reduce_max3A_1894 = arith.constant true
    %reduce_max3A_1895 = vector.broadcast %reduce_max3A_1894 : i1 to vector<16xi1>
    %reduce_max3A_1896 = arith.constant -2147483648 : i32
    %reduce_max3A_1897 = vector.broadcast %reduce_max3A_1896 : i32 to vector<16xi32>
    %reduce_max3A_1898 = arith.xori %select_n3A_1893, %reduce_max3A_1897 : vector<16xi32>
    %reduce_max3A_1899 = tpu.scan <max>, %reduce_max3A_1898 masked %reduce_max3A_1895 : vector<16xi32>, vector<16xi1> -> vector<16xi32>
    %reduce_max3A_1900 = arith.xori %reduce_max3A_1899, %reduce_max3A_1897 : vector<16xi32>
    %reduce_max3A_1901 = vector.extract %reduce_max3A_1900[15] : i32 from vector<16xi32>
    %swap3A_1902 = arith.constant 108 : i32
    %swap3A_1903 = arith.index_cast %swap3A_1902 : i32 to index
    %swap3A_1904 = memref.load %arg8[%swap3A_1903] : memref<128xi32, #tpu.memory_space<smem>>
    memref.store %reduce_max3A_1901, %arg8[%swap3A_1903] : memref<128xi32, #tpu.memory_space<smem>>
    %eq3A_1905 = arith.constant 13 : i32
    %eq3A_1906 = vector.broadcast %eq3A_1905 : i32 to vector<16xi32>
    %eq3A_1907 = arith.cmpi eq, %iota3A, %eq3A_1906 : vector<16xi32>
    %jit3A_1908 = arith.constant 0 : i32
    %broadcast_in_dim3A_1909 = vector.broadcast %jit3A_1908 : i32 to vector<16xi32>
    %select_n3A_1910 = arith.select %eq3A_1907, %get3A_1683, %broadcast_in_dim3A_1909 : vector<16xi1>, vector<16xi32>
    %reduce_max3A_1911 = arith.constant true
    %reduce_max3A_1912 = vector.broadcast %reduce_max3A_1911 : i1 to vector<16xi1>
    %reduce_max3A_1913 = arith.constant -2147483648 : i32
    %reduce_max3A_1914 = vector.broadcast %reduce_max3A_1913 : i32 to vector<16xi32>
    %reduce_max3A_1915 = arith.xori %select_n3A_1910, %reduce_max3A_1914 : vector<16xi32>
    %reduce_max3A_1916 = tpu.scan <max>, %reduce_max3A_1915 masked %reduce_max3A_1912 : vector<16xi32>, vector<16xi1> -> vector<16xi32>
    %reduce_max3A_1917 = arith.xori %reduce_max3A_1916, %reduce_max3A_1914 : vector<16xi32>
    %reduce_max3A_1918 = vector.extract %reduce_max3A_1917[15] : i32 from vector<16xi32>
    %swap3A_1919 = arith.constant 109 : i32
    %swap3A_1920 = arith.index_cast %swap3A_1919 : i32 to index
    %swap3A_1921 = memref.load %arg8[%swap3A_1920] : memref<128xi32, #tpu.memory_space<smem>>
    memref.store %reduce_max3A_1918, %arg8[%swap3A_1920] : memref<128xi32, #tpu.memory_space<smem>>
    %eq3A_1922 = arith.constant 14 : i32
    %eq3A_1923 = vector.broadcast %eq3A_1922 : i32 to vector<16xi32>
    %eq3A_1924 = arith.cmpi eq, %iota3A, %eq3A_1923 : vector<16xi32>
    %jit3A_1925 = arith.constant 0 : i32
    %broadcast_in_dim3A_1926 = vector.broadcast %jit3A_1925 : i32 to vector<16xi32>
    %select_n3A_1927 = arith.select %eq3A_1924, %get3A_1683, %broadcast_in_dim3A_1926 : vector<16xi1>, vector<16xi32>
    %reduce_max3A_1928 = arith.constant true
    %reduce_max3A_1929 = vector.broadcast %reduce_max3A_1928 : i1 to vector<16xi1>
    %reduce_max3A_1930 = arith.constant -2147483648 : i32
    %reduce_max3A_1931 = vector.broadcast %reduce_max3A_1930 : i32 to vector<16xi32>
    %reduce_max3A_1932 = arith.xori %select_n3A_1927, %reduce_max3A_1931 : vector<16xi32>
    %reduce_max3A_1933 = tpu.scan <max>, %reduce_max3A_1932 masked %reduce_max3A_1929 : vector<16xi32>, vector<16xi1> -> vector<16xi32>
    %reduce_max3A_1934 = arith.xori %reduce_max3A_1933, %reduce_max3A_1931 : vector<16xi32>
    %reduce_max3A_1935 = vector.extract %reduce_max3A_1934[15] : i32 from vector<16xi32>
    %swap3A_1936 = arith.constant 110 : i32
    %swap3A_1937 = arith.index_cast %swap3A_1936 : i32 to index
    %swap3A_1938 = memref.load %arg8[%swap3A_1937] : memref<128xi32, #tpu.memory_space<smem>>
    memref.store %reduce_max3A_1935, %arg8[%swap3A_1937] : memref<128xi32, #tpu.memory_space<smem>>
    %eq3A_1939 = arith.constant 15 : i32
    %eq3A_1940 = vector.broadcast %eq3A_1939 : i32 to vector<16xi32>
    %eq3A_1941 = arith.cmpi eq, %iota3A, %eq3A_1940 : vector<16xi32>
    %jit3A_1942 = arith.constant 0 : i32
    %broadcast_in_dim3A_1943 = vector.broadcast %jit3A_1942 : i32 to vector<16xi32>
    %select_n3A_1944 = arith.select %eq3A_1941, %get3A_1683, %broadcast_in_dim3A_1943 : vector<16xi1>, vector<16xi32>
    %reduce_max3A_1945 = arith.constant true
    %reduce_max3A_1946 = vector.broadcast %reduce_max3A_1945 : i1 to vector<16xi1>
    %reduce_max3A_1947 = arith.constant -2147483648 : i32
    %reduce_max3A_1948 = vector.broadcast %reduce_max3A_1947 : i32 to vector<16xi32>
    %reduce_max3A_1949 = arith.xori %select_n3A_1944, %reduce_max3A_1948 : vector<16xi32>
    %reduce_max3A_1950 = tpu.scan <max>, %reduce_max3A_1949 masked %reduce_max3A_1946 : vector<16xi32>, vector<16xi1> -> vector<16xi32>
    %reduce_max3A_1951 = arith.xori %reduce_max3A_1950, %reduce_max3A_1948 : vector<16xi32>
    %reduce_max3A_1952 = vector.extract %reduce_max3A_1951[15] : i32 from vector<16xi32>
    %swap3A_1953 = arith.constant 111 : i32
    %swap3A_1954 = arith.index_cast %swap3A_1953 : i32 to index
    %swap3A_1955 = memref.load %arg8[%swap3A_1954] : memref<128xi32, #tpu.memory_space<smem>>
    memref.store %reduce_max3A_1952, %arg8[%swap3A_1954] : memref<128xi32, #tpu.memory_space<smem>>
    %scan3A_1956 = arith.constant 96 : i32
    %scan3A_1957 = arith.constant 16 : i32
    %scan3A_1958 = arith.addi %scan3A_1956, %scan3A_1957 : i32
    %scan3A_1959 = arith.constant 1 : i32
    %scan3A_1960 = scf.for %scan3A_2263 = %scan3A_1956 to %scan3A_1958 step %scan3A_1959 iter_args(%scan3A_2264 = %scan3A_1680) -> (i32)  : i32 {
      %get3A_2265 = arith.index_cast %scan3A_2263 : i32 to index
      %get3A_2266 = memref.load %arg8[%get3A_2265] : memref<128xi32, #tpu.memory_space<smem>>
      %get3A_2267 = arith.index_cast %get3A_2266 : i32 to index
      %get3A_2268 = memref.load %arg9[%get3A_2267] : memref<200xi32, #tpu.memory_space<smem>>
      %lt3A = arith.constant 0 : i32
      %lt3A_2269 = arith.cmpi slt, %get3A_2268, %lt3A : i32
      %convert_element_type3A = arith.extui %lt3A_2269 : i1 to i32
      %cond3A = arith.constant 0 : i32
      %cond3A_2270 = arith.cmpi ne, %convert_element_type3A, %cond3A : i32
      %cond3A_2271 = scf.if %cond3A_2270 -> (i32) {
        %swap3A_2272 = arith.index_cast %get3A_2266 : i32 to index
        %swap3A_2273 = memref.load %arg9[%swap3A_2272] : memref<200xi32, #tpu.memory_space<smem>>
        memref.store %scan3A_2264, %arg9[%swap3A_2272] : memref<200xi32, #tpu.memory_space<smem>>
        %swap3A_2274 = arith.index_cast %scan3A_2264 : i32 to index
        %swap3A_2275 = memref.load %arg10[%swap3A_2274] : memref<128xi32, #tpu.memory_space<smem>>
        memref.store %get3A_2266, %arg10[%swap3A_2274] : memref<128xi32, #tpu.memory_space<smem>>
        %swap3A_2276 = arith.index_cast %scan3A_2264 : i32 to index
        %swap3A_2277 = memref.load %arg11[%swap3A_2276] : memref<128xi32, #tpu.memory_space<smem>>
        memref.store %scan3A_2263, %arg11[%swap3A_2276] : memref<128xi32, #tpu.memory_space<smem>>
        %swap3A_2278 = arith.constant -1 : i32
        %swap3A_2279 = arith.index_cast %scan3A_2263 : i32 to index
        %swap3A_2280 = memref.load %arg12[%swap3A_2279] : memref<128xi32, #tpu.memory_space<smem>>
        memref.store %swap3A_2278, %arg12[%swap3A_2279] : memref<128xi32, #tpu.memory_space<smem>>
        %lt3A_2281 = arith.constant 8 : i32
        %lt3A_2282 = arith.cmpi slt, %scan3A_2264, %lt3A_2281 : i32
        %convert_element_type3A_2283 = arith.extui %lt3A_2282 : i1 to i32
        %cond3A_2284 = arith.constant 0 : i32
        %cond3A_2285 = arith.cmpi ne, %convert_element_type3A_2283, %cond3A_2284 : i32
        %cond3A_2286 = scf.if %cond3A_2285 -> (i32) {
          %rem3A = arith.constant 9 : i32
          %rem3A_2289 = arith.remsi %scan3A_2264, %rem3A : i32
          %get3A_2290 = arith.index_cast %scan3A_2264 : i32 to index
          %get3A_2291 = memref.load %arg10[%get3A_2290] : memref<128xi32, #tpu.memory_space<smem>>
          %dma_start3A = arith.constant 0 : i32
          %dma_start3A_2292 = arith.constant 0 : i32
          %dma_start3A_2293 = tpu.memref_slice %arg6[%rem3A_2289, %dma_start3A, %dma_start3A_2292] : memref<9x64x128xf32, #tpu.memory_space<vmem>> -> memref<1x64x128xf32, #tpu.memory_space<vmem>>
          %dma_start3A_2294 = tpu.memref_squeeze %dma_start3A_2293 : memref<1x64x128xf32, #tpu.memory_space<vmem>> -> memref<64x128xf32, #tpu.memory_space<vmem>>
          %dma_start3A_2295 = arith.constant 0 : i32
          %dma_start3A_2296 = tpu.memref_slice %arg2[%get3A_2291, %dma_start3A_2295, %mul3A_2] : memref<200x64x4096xf32, #tpu.memory_space<hbm>> -> memref<1x64x128xf32, #tpu.memory_space<hbm>>
          %dma_start3A_2297 = tpu.memref_squeeze %dma_start3A_2296 : memref<1x64x128xf32, #tpu.memory_space<hbm>> -> memref<64x128xf32, #tpu.memory_space<hbm>>
          %dma_start3A_2298 = tpu.memref_slice %arg13[%rem3A_2289] : memref<9x!tpu.dma_semaphore, #tpu.memory_space<semaphore_mem>> -> memref<1x!tpu.dma_semaphore, #tpu.memory_space<semaphore_mem>>
          %dma_start3A_2299 = tpu.memref_squeeze %dma_start3A_2298 : memref<1x!tpu.dma_semaphore, #tpu.memory_space<semaphore_mem>> -> memref<!tpu.dma_semaphore, #tpu.memory_space<semaphore_mem>>
          %dma_start3A_2300 = arith.constant 0 : i32
          %dma_start3A_2301 = arith.constant 0 : i32
          %dma_start3A_2302 = tpu.memref_slice %arg6[%rem3A_2289, %dma_start3A_2300, %dma_start3A_2301] : memref<9x64x128xf32, #tpu.memory_space<vmem>> -> memref<1x64x128xf32, #tpu.memory_space<vmem>>
          %dma_start3A_2303 = tpu.memref_squeeze %dma_start3A_2302 : memref<1x64x128xf32, #tpu.memory_space<vmem>> -> memref<64x128xf32, #tpu.memory_space<vmem>>
          %dma_start3A_2304 = arith.constant 0 : i32
          %dma_start3A_2305 = tpu.memref_slice %arg2[%get3A_2291, %dma_start3A_2304, %mul3A_2] : memref<200x64x4096xf32, #tpu.memory_space<hbm>> -> memref<1x64x128xf32, #tpu.memory_space<hbm>>
          %dma_start3A_2306 = tpu.memref_squeeze %dma_start3A_2305 : memref<1x64x128xf32, #tpu.memory_space<hbm>> -> memref<64x128xf32, #tpu.memory_space<hbm>>
          tpu.enqueue_dma source(%dma_start3A_2306 : memref<64x128xf32, #tpu.memory_space<hbm>>) target(%dma_start3A_2303 : memref<64x128xf32, #tpu.memory_space<vmem>>) target_semaphore(%dma_start3A_2299 : memref<!tpu.dma_semaphore, #tpu.memory_space<semaphore_mem>>)
          %cond3A_2307 = arith.constant 0 : i32
          scf.yield %cond3A_2307 : i32
        } else {
          %cond3A_2289 = arith.constant 0 : i32
          scf.yield %cond3A_2289 : i32
        }
        %add3A_2287 = arith.constant 1 : i32
        %add3A_2288 = arith.addi %scan3A_2264, %add3A_2287 : i32
        scf.yield %add3A_2288 : i32
      } else {
        %get3A_2272 = arith.index_cast %get3A_2268 : i32 to index
        %get3A_2273 = memref.load %arg11[%get3A_2272] : memref<128xi32, #tpu.memory_space<smem>>
        %swap3A_2274 = arith.index_cast %scan3A_2263 : i32 to index
        %swap3A_2275 = memref.load %arg12[%swap3A_2274] : memref<128xi32, #tpu.memory_space<smem>>
        memref.store %get3A_2273, %arg12[%swap3A_2274] : memref<128xi32, #tpu.memory_space<smem>>
        %swap3A_2276 = arith.index_cast %get3A_2268 : i32 to index
        %swap3A_2277 = memref.load %arg11[%swap3A_2276] : memref<128xi32, #tpu.memory_space<smem>>
        memref.store %scan3A_2263, %arg11[%swap3A_2276] : memref<128xi32, #tpu.memory_space<smem>>
        scf.yield %scan3A_2264 : i32
      }
      scf.yield %cond3A_2271 : i32
    }
    %scan3A_1961 = arith.constant 16 : i32
    %get3A_1962 = arith.constant 112 : index
    %get3A_1963 = tpu.vector_load %arg5[%get3A_1962] {strides = array<i32>} : memref<128xi32, #tpu.memory_space<vmem>>, vector<16xi32>,
    %eq3A_1964 = arith.constant 0 : i32
    %eq3A_1965 = vector.broadcast %eq3A_1964 : i32 to vector<16xi32>
    %eq3A_1966 = arith.cmpi eq, %iota3A, %eq3A_1965 : vector<16xi32>
    %jit3A_1967 = arith.constant 0 : i32
    %broadcast_in_dim3A_1968 = vector.broadcast %jit3A_1967 : i32 to vector<16xi32>
    %select_n3A_1969 = arith.select %eq3A_1966, %get3A_1963, %broadcast_in_dim3A_1968 : vector<16xi1>, vector<16xi32>
    %reduce_max3A_1970 = arith.constant true
    %reduce_max3A_1971 = vector.broadcast %reduce_max3A_1970 : i1 to vector<16xi1>
    %reduce_max3A_1972 = arith.constant -2147483648 : i32
    %reduce_max3A_1973 = vector.broadcast %reduce_max3A_1972 : i32 to vector<16xi32>
    %reduce_max3A_1974 = arith.xori %select_n3A_1969, %reduce_max3A_1973 : vector<16xi32>
    %reduce_max3A_1975 = tpu.scan <max>, %reduce_max3A_1974 masked %reduce_max3A_1971 : vector<16xi32>, vector<16xi1> -> vector<16xi32>
    %reduce_max3A_1976 = arith.xori %reduce_max3A_1975, %reduce_max3A_1973 : vector<16xi32>
    %reduce_max3A_1977 = vector.extract %reduce_max3A_1976[15] : i32 from vector<16xi32>
    %swap3A_1978 = arith.constant 112 : i32
    %swap3A_1979 = arith.index_cast %swap3A_1978 : i32 to index
    %swap3A_1980 = memref.load %arg8[%swap3A_1979] : memref<128xi32, #tpu.memory_space<smem>>
    memref.store %reduce_max3A_1977, %arg8[%swap3A_1979] : memref<128xi32, #tpu.memory_space<smem>>
    %eq3A_1981 = arith.constant 1 : i32
    %eq3A_1982 = vector.broadcast %eq3A_1981 : i32 to vector<16xi32>
    %eq3A_1983 = arith.cmpi eq, %iota3A, %eq3A_1982 : vector<16xi32>
    %jit3A_1984 = arith.constant 0 : i32
    %broadcast_in_dim3A_1985 = vector.broadcast %jit3A_1984 : i32 to vector<16xi32>
    %select_n3A_1986 = arith.select %eq3A_1983, %get3A_1963, %broadcast_in_dim3A_1985 : vector<16xi1>, vector<16xi32>
    %reduce_max3A_1987 = arith.constant true
    %reduce_max3A_1988 = vector.broadcast %reduce_max3A_1987 : i1 to vector<16xi1>
    %reduce_max3A_1989 = arith.constant -2147483648 : i32
    %reduce_max3A_1990 = vector.broadcast %reduce_max3A_1989 : i32 to vector<16xi32>
    %reduce_max3A_1991 = arith.xori %select_n3A_1986, %reduce_max3A_1990 : vector<16xi32>
    %reduce_max3A_1992 = tpu.scan <max>, %reduce_max3A_1991 masked %reduce_max3A_1988 : vector<16xi32>, vector<16xi1> -> vector<16xi32>
    %reduce_max3A_1993 = arith.xori %reduce_max3A_1992, %reduce_max3A_1990 : vector<16xi32>
    %reduce_max3A_1994 = vector.extract %reduce_max3A_1993[15] : i32 from vector<16xi32>
    %swap3A_1995 = arith.constant 113 : i32
    %swap3A_1996 = arith.index_cast %swap3A_1995 : i32 to index
    %swap3A_1997 = memref.load %arg8[%swap3A_1996] : memref<128xi32, #tpu.memory_space<smem>>
    memref.store %reduce_max3A_1994, %arg8[%swap3A_1996] : memref<128xi32, #tpu.memory_space<smem>>
    %eq3A_1998 = arith.constant 2 : i32
    %eq3A_1999 = vector.broadcast %eq3A_1998 : i32 to vector<16xi32>
    %eq3A_2000 = arith.cmpi eq, %iota3A, %eq3A_1999 : vector<16xi32>
    %jit3A_2001 = arith.constant 0 : i32
    %broadcast_in_dim3A_2002 = vector.broadcast %jit3A_2001 : i32 to vector<16xi32>
    %select_n3A_2003 = arith.select %eq3A_2000, %get3A_1963, %broadcast_in_dim3A_2002 : vector<16xi1>, vector<16xi32>
    %reduce_max3A_2004 = arith.constant true
    %reduce_max3A_2005 = vector.broadcast %reduce_max3A_2004 : i1 to vector<16xi1>
    %reduce_max3A_2006 = arith.constant -2147483648 : i32
    %reduce_max3A_2007 = vector.broadcast %reduce_max3A_2006 : i32 to vector<16xi32>
    %reduce_max3A_2008 = arith.xori %select_n3A_2003, %reduce_max3A_2007 : vector<16xi32>
    %reduce_max3A_2009 = tpu.scan <max>, %reduce_max3A_2008 masked %reduce_max3A_2005 : vector<16xi32>, vector<16xi1> -> vector<16xi32>
    %reduce_max3A_2010 = arith.xori %reduce_max3A_2009, %reduce_max3A_2007 : vector<16xi32>
    %reduce_max3A_2011 = vector.extract %reduce_max3A_2010[15] : i32 from vector<16xi32>
    %swap3A_2012 = arith.constant 114 : i32
    %swap3A_2013 = arith.index_cast %swap3A_2012 : i32 to index
    %swap3A_2014 = memref.load %arg8[%swap3A_2013] : memref<128xi32, #tpu.memory_space<smem>>
    memref.store %reduce_max3A_2011, %arg8[%swap3A_2013] : memref<128xi32, #tpu.memory_space<smem>>
    %eq3A_2015 = arith.constant 3 : i32
    %eq3A_2016 = vector.broadcast %eq3A_2015 : i32 to vector<16xi32>
    %eq3A_2017 = arith.cmpi eq, %iota3A, %eq3A_2016 : vector<16xi32>
    %jit3A_2018 = arith.constant 0 : i32
    %broadcast_in_dim3A_2019 = vector.broadcast %jit3A_2018 : i32 to vector<16xi32>
    %select_n3A_2020 = arith.select %eq3A_2017, %get3A_1963, %broadcast_in_dim3A_2019 : vector<16xi1>, vector<16xi32>
    %reduce_max3A_2021 = arith.constant true
    %reduce_max3A_2022 = vector.broadcast %reduce_max3A_2021 : i1 to vector<16xi1>
    %reduce_max3A_2023 = arith.constant -2147483648 : i32
    %reduce_max3A_2024 = vector.broadcast %reduce_max3A_2023 : i32 to vector<16xi32>
    %reduce_max3A_2025 = arith.xori %select_n3A_2020, %reduce_max3A_2024 : vector<16xi32>
    %reduce_max3A_2026 = tpu.scan <max>, %reduce_max3A_2025 masked %reduce_max3A_2022 : vector<16xi32>, vector<16xi1> -> vector<16xi32>
    %reduce_max3A_2027 = arith.xori %reduce_max3A_2026, %reduce_max3A_2024 : vector<16xi32>
    %reduce_max3A_2028 = vector.extract %reduce_max3A_2027[15] : i32 from vector<16xi32>
    %swap3A_2029 = arith.constant 115 : i32
    %swap3A_2030 = arith.index_cast %swap3A_2029 : i32 to index
    %swap3A_2031 = memref.load %arg8[%swap3A_2030] : memref<128xi32, #tpu.memory_space<smem>>
    memref.store %reduce_max3A_2028, %arg8[%swap3A_2030] : memref<128xi32, #tpu.memory_space<smem>>
    %eq3A_2032 = arith.constant 4 : i32
    %eq3A_2033 = vector.broadcast %eq3A_2032 : i32 to vector<16xi32>
    %eq3A_2034 = arith.cmpi eq, %iota3A, %eq3A_2033 : vector<16xi32>
    %jit3A_2035 = arith.constant 0 : i32
    %broadcast_in_dim3A_2036 = vector.broadcast %jit3A_2035 : i32 to vector<16xi32>
    %select_n3A_2037 = arith.select %eq3A_2034, %get3A_1963, %broadcast_in_dim3A_2036 : vector<16xi1>, vector<16xi32>
    %reduce_max3A_2038 = arith.constant true
    %reduce_max3A_2039 = vector.broadcast %reduce_max3A_2038 : i1 to vector<16xi1>
    %reduce_max3A_2040 = arith.constant -2147483648 : i32
    %reduce_max3A_2041 = vector.broadcast %reduce_max3A_2040 : i32 to vector<16xi32>
    %reduce_max3A_2042 = arith.xori %select_n3A_2037, %reduce_max3A_2041 : vector<16xi32>
    %reduce_max3A_2043 = tpu.scan <max>, %reduce_max3A_2042 masked %reduce_max3A_2039 : vector<16xi32>, vector<16xi1> -> vector<16xi32>
    %reduce_max3A_2044 = arith.xori %reduce_max3A_2043, %reduce_max3A_2041 : vector<16xi32>
    %reduce_max3A_2045 = vector.extract %reduce_max3A_2044[15] : i32 from vector<16xi32>
    %swap3A_2046 = arith.constant 116 : i32
    %swap3A_2047 = arith.index_cast %swap3A_2046 : i32 to index
    %swap3A_2048 = memref.load %arg8[%swap3A_2047] : memref<128xi32, #tpu.memory_space<smem>>
    memref.store %reduce_max3A_2045, %arg8[%swap3A_2047] : memref<128xi32, #tpu.memory_space<smem>>
    %eq3A_2049 = arith.constant 5 : i32
    %eq3A_2050 = vector.broadcast %eq3A_2049 : i32 to vector<16xi32>
    %eq3A_2051 = arith.cmpi eq, %iota3A, %eq3A_2050 : vector<16xi32>
    %jit3A_2052 = arith.constant 0 : i32
    %broadcast_in_dim3A_2053 = vector.broadcast %jit3A_2052 : i32 to vector<16xi32>
    %select_n3A_2054 = arith.select %eq3A_2051, %get3A_1963, %broadcast_in_dim3A_2053 : vector<16xi1>, vector<16xi32>
    %reduce_max3A_2055 = arith.constant true
    %reduce_max3A_2056 = vector.broadcast %reduce_max3A_2055 : i1 to vector<16xi1>
    %reduce_max3A_2057 = arith.constant -2147483648 : i32
    %reduce_max3A_2058 = vector.broadcast %reduce_max3A_2057 : i32 to vector<16xi32>
    %reduce_max3A_2059 = arith.xori %select_n3A_2054, %reduce_max3A_2058 : vector<16xi32>
    %reduce_max3A_2060 = tpu.scan <max>, %reduce_max3A_2059 masked %reduce_max3A_2056 : vector<16xi32>, vector<16xi1> -> vector<16xi32>
    %reduce_max3A_2061 = arith.xori %reduce_max3A_2060, %reduce_max3A_2058 : vector<16xi32>
    %reduce_max3A_2062 = vector.extract %reduce_max3A_2061[15] : i32 from vector<16xi32>
    %swap3A_2063 = arith.constant 117 : i32
    %swap3A_2064 = arith.index_cast %swap3A_2063 : i32 to index
    %swap3A_2065 = memref.load %arg8[%swap3A_2064] : memref<128xi32, #tpu.memory_space<smem>>
    memref.store %reduce_max3A_2062, %arg8[%swap3A_2064] : memref<128xi32, #tpu.memory_space<smem>>
    %eq3A_2066 = arith.constant 6 : i32
    %eq3A_2067 = vector.broadcast %eq3A_2066 : i32 to vector<16xi32>
    %eq3A_2068 = arith.cmpi eq, %iota3A, %eq3A_2067 : vector<16xi32>
    %jit3A_2069 = arith.constant 0 : i32
    %broadcast_in_dim3A_2070 = vector.broadcast %jit3A_2069 : i32 to vector<16xi32>
    %select_n3A_2071 = arith.select %eq3A_2068, %get3A_1963, %broadcast_in_dim3A_2070 : vector<16xi1>, vector<16xi32>
    %reduce_max3A_2072 = arith.constant true
    %reduce_max3A_2073 = vector.broadcast %reduce_max3A_2072 : i1 to vector<16xi1>
    %reduce_max3A_2074 = arith.constant -2147483648 : i32
    %reduce_max3A_2075 = vector.broadcast %reduce_max3A_2074 : i32 to vector<16xi32>
    %reduce_max3A_2076 = arith.xori %select_n3A_2071, %reduce_max3A_2075 : vector<16xi32>
    %reduce_max3A_2077 = tpu.scan <max>, %reduce_max3A_2076 masked %reduce_max3A_2073 : vector<16xi32>, vector<16xi1> -> vector<16xi32>
    %reduce_max3A_2078 = arith.xori %reduce_max3A_2077, %reduce_max3A_2075 : vector<16xi32>
    %reduce_max3A_2079 = vector.extract %reduce_max3A_2078[15] : i32 from vector<16xi32>
    %swap3A_2080 = arith.constant 118 : i32
    %swap3A_2081 = arith.index_cast %swap3A_2080 : i32 to index
    %swap3A_2082 = memref.load %arg8[%swap3A_2081] : memref<128xi32, #tpu.memory_space<smem>>
    memref.store %reduce_max3A_2079, %arg8[%swap3A_2081] : memref<128xi32, #tpu.memory_space<smem>>
    %eq3A_2083 = arith.constant 7 : i32
    %eq3A_2084 = vector.broadcast %eq3A_2083 : i32 to vector<16xi32>
    %eq3A_2085 = arith.cmpi eq, %iota3A, %eq3A_2084 : vector<16xi32>
    %jit3A_2086 = arith.constant 0 : i32
    %broadcast_in_dim3A_2087 = vector.broadcast %jit3A_2086 : i32 to vector<16xi32>
    %select_n3A_2088 = arith.select %eq3A_2085, %get3A_1963, %broadcast_in_dim3A_2087 : vector<16xi1>, vector<16xi32>
    %reduce_max3A_2089 = arith.constant true
    %reduce_max3A_2090 = vector.broadcast %reduce_max3A_2089 : i1 to vector<16xi1>
    %reduce_max3A_2091 = arith.constant -2147483648 : i32
    %reduce_max3A_2092 = vector.broadcast %reduce_max3A_2091 : i32 to vector<16xi32>
    %reduce_max3A_2093 = arith.xori %select_n3A_2088, %reduce_max3A_2092 : vector<16xi32>
    %reduce_max3A_2094 = tpu.scan <max>, %reduce_max3A_2093 masked %reduce_max3A_2090 : vector<16xi32>, vector<16xi1> -> vector<16xi32>
    %reduce_max3A_2095 = arith.xori %reduce_max3A_2094, %reduce_max3A_2092 : vector<16xi32>
    %reduce_max3A_2096 = vector.extract %reduce_max3A_2095[15] : i32 from vector<16xi32>
    %swap3A_2097 = arith.constant 119 : i32
    %swap3A_2098 = arith.index_cast %swap3A_2097 : i32 to index
    %swap3A_2099 = memref.load %arg8[%swap3A_2098] : memref<128xi32, #tpu.memory_space<smem>>
    memref.store %reduce_max3A_2096, %arg8[%swap3A_2098] : memref<128xi32, #tpu.memory_space<smem>>
    %eq3A_2100 = arith.constant 8 : i32
    %eq3A_2101 = vector.broadcast %eq3A_2100 : i32 to vector<16xi32>
    %eq3A_2102 = arith.cmpi eq, %iota3A, %eq3A_2101 : vector<16xi32>
    %jit3A_2103 = arith.constant 0 : i32
    %broadcast_in_dim3A_2104 = vector.broadcast %jit3A_2103 : i32 to vector<16xi32>
    %select_n3A_2105 = arith.select %eq3A_2102, %get3A_1963, %broadcast_in_dim3A_2104 : vector<16xi1>, vector<16xi32>
    %reduce_max3A_2106 = arith.constant true
    %reduce_max3A_2107 = vector.broadcast %reduce_max3A_2106 : i1 to vector<16xi1>
    %reduce_max3A_2108 = arith.constant -2147483648 : i32
    %reduce_max3A_2109 = vector.broadcast %reduce_max3A_2108 : i32 to vector<16xi32>
    %reduce_max3A_2110 = arith.xori %select_n3A_2105, %reduce_max3A_2109 : vector<16xi32>
    %reduce_max3A_2111 = tpu.scan <max>, %reduce_max3A_2110 masked %reduce_max3A_2107 : vector<16xi32>, vector<16xi1> -> vector<16xi32>
    %reduce_max3A_2112 = arith.xori %reduce_max3A_2111, %reduce_max3A_2109 : vector<16xi32>
    %reduce_max3A_2113 = vector.extract %reduce_max3A_2112[15] : i32 from vector<16xi32>
    %swap3A_2114 = arith.constant 120 : i32
    %swap3A_2115 = arith.index_cast %swap3A_2114 : i32 to index
    %swap3A_2116 = memref.load %arg8[%swap3A_2115] : memref<128xi32, #tpu.memory_space<smem>>
    memref.store %reduce_max3A_2113, %arg8[%swap3A_2115] : memref<128xi32, #tpu.memory_space<smem>>
    %eq3A_2117 = arith.constant 9 : i32
    %eq3A_2118 = vector.broadcast %eq3A_2117 : i32 to vector<16xi32>
    %eq3A_2119 = arith.cmpi eq, %iota3A, %eq3A_2118 : vector<16xi32>
    %jit3A_2120 = arith.constant 0 : i32
    %broadcast_in_dim3A_2121 = vector.broadcast %jit3A_2120 : i32 to vector<16xi32>
    %select_n3A_2122 = arith.select %eq3A_2119, %get3A_1963, %broadcast_in_dim3A_2121 : vector<16xi1>, vector<16xi32>
    %reduce_max3A_2123 = arith.constant true
    %reduce_max3A_2124 = vector.broadcast %reduce_max3A_2123 : i1 to vector<16xi1>
    %reduce_max3A_2125 = arith.constant -2147483648 : i32
    %reduce_max3A_2126 = vector.broadcast %reduce_max3A_2125 : i32 to vector<16xi32>
    %reduce_max3A_2127 = arith.xori %select_n3A_2122, %reduce_max3A_2126 : vector<16xi32>
    %reduce_max3A_2128 = tpu.scan <max>, %reduce_max3A_2127 masked %reduce_max3A_2124 : vector<16xi32>, vector<16xi1> -> vector<16xi32>
    %reduce_max3A_2129 = arith.xori %reduce_max3A_2128, %reduce_max3A_2126 : vector<16xi32>
    %reduce_max3A_2130 = vector.extract %reduce_max3A_2129[15] : i32 from vector<16xi32>
    %swap3A_2131 = arith.constant 121 : i32
    %swap3A_2132 = arith.index_cast %swap3A_2131 : i32 to index
    %swap3A_2133 = memref.load %arg8[%swap3A_2132] : memref<128xi32, #tpu.memory_space<smem>>
    memref.store %reduce_max3A_2130, %arg8[%swap3A_2132] : memref<128xi32, #tpu.memory_space<smem>>
    %eq3A_2134 = arith.constant 10 : i32
    %eq3A_2135 = vector.broadcast %eq3A_2134 : i32 to vector<16xi32>
    %eq3A_2136 = arith.cmpi eq, %iota3A, %eq3A_2135 : vector<16xi32>
    %jit3A_2137 = arith.constant 0 : i32
    %broadcast_in_dim3A_2138 = vector.broadcast %jit3A_2137 : i32 to vector<16xi32>
    %select_n3A_2139 = arith.select %eq3A_2136, %get3A_1963, %broadcast_in_dim3A_2138 : vector<16xi1>, vector<16xi32>
    %reduce_max3A_2140 = arith.constant true
    %reduce_max3A_2141 = vector.broadcast %reduce_max3A_2140 : i1 to vector<16xi1>
    %reduce_max3A_2142 = arith.constant -2147483648 : i32
    %reduce_max3A_2143 = vector.broadcast %reduce_max3A_2142 : i32 to vector<16xi32>
    %reduce_max3A_2144 = arith.xori %select_n3A_2139, %reduce_max3A_2143 : vector<16xi32>
    %reduce_max3A_2145 = tpu.scan <max>, %reduce_max3A_2144 masked %reduce_max3A_2141 : vector<16xi32>, vector<16xi1> -> vector<16xi32>
    %reduce_max3A_2146 = arith.xori %reduce_max3A_2145, %reduce_max3A_2143 : vector<16xi32>
    %reduce_max3A_2147 = vector.extract %reduce_max3A_2146[15] : i32 from vector<16xi32>
    %swap3A_2148 = arith.constant 122 : i32
    %swap3A_2149 = arith.index_cast %swap3A_2148 : i32 to index
    %swap3A_2150 = memref.load %arg8[%swap3A_2149] : memref<128xi32, #tpu.memory_space<smem>>
    memref.store %reduce_max3A_2147, %arg8[%swap3A_2149] : memref<128xi32, #tpu.memory_space<smem>>
    %eq3A_2151 = arith.constant 11 : i32
    %eq3A_2152 = vector.broadcast %eq3A_2151 : i32 to vector<16xi32>
    %eq3A_2153 = arith.cmpi eq, %iota3A, %eq3A_2152 : vector<16xi32>
    %jit3A_2154 = arith.constant 0 : i32
    %broadcast_in_dim3A_2155 = vector.broadcast %jit3A_2154 : i32 to vector<16xi32>
    %select_n3A_2156 = arith.select %eq3A_2153, %get3A_1963, %broadcast_in_dim3A_2155 : vector<16xi1>, vector<16xi32>
    %reduce_max3A_2157 = arith.constant true
    %reduce_max3A_2158 = vector.broadcast %reduce_max3A_2157 : i1 to vector<16xi1>
    %reduce_max3A_2159 = arith.constant -2147483648 : i32
    %reduce_max3A_2160 = vector.broadcast %reduce_max3A_2159 : i32 to vector<16xi32>
    %reduce_max3A_2161 = arith.xori %select_n3A_2156, %reduce_max3A_2160 : vector<16xi32>
    %reduce_max3A_2162 = tpu.scan <max>, %reduce_max3A_2161 masked %reduce_max3A_2158 : vector<16xi32>, vector<16xi1> -> vector<16xi32>
    %reduce_max3A_2163 = arith.xori %reduce_max3A_2162, %reduce_max3A_2160 : vector<16xi32>
    %reduce_max3A_2164 = vector.extract %reduce_max3A_2163[15] : i32 from vector<16xi32>
    %swap3A_2165 = arith.constant 123 : i32
    %swap3A_2166 = arith.index_cast %swap3A_2165 : i32 to index
    %swap3A_2167 = memref.load %arg8[%swap3A_2166] : memref<128xi32, #tpu.memory_space<smem>>
    memref.store %reduce_max3A_2164, %arg8[%swap3A_2166] : memref<128xi32, #tpu.memory_space<smem>>
    %eq3A_2168 = arith.constant 12 : i32
    %eq3A_2169 = vector.broadcast %eq3A_2168 : i32 to vector<16xi32>
    %eq3A_2170 = arith.cmpi eq, %iota3A, %eq3A_2169 : vector<16xi32>
    %jit3A_2171 = arith.constant 0 : i32
    %broadcast_in_dim3A_2172 = vector.broadcast %jit3A_2171 : i32 to vector<16xi32>
    %select_n3A_2173 = arith.select %eq3A_2170, %get3A_1963, %broadcast_in_dim3A_2172 : vector<16xi1>, vector<16xi32>
    %reduce_max3A_2174 = arith.constant true
    %reduce_max3A_2175 = vector.broadcast %reduce_max3A_2174 : i1 to vector<16xi1>
    %reduce_max3A_2176 = arith.constant -2147483648 : i32
    %reduce_max3A_2177 = vector.broadcast %reduce_max3A_2176 : i32 to vector<16xi32>
    %reduce_max3A_2178 = arith.xori %select_n3A_2173, %reduce_max3A_2177 : vector<16xi32>
    %reduce_max3A_2179 = tpu.scan <max>, %reduce_max3A_2178 masked %reduce_max3A_2175 : vector<16xi32>, vector<16xi1> -> vector<16xi32>
    %reduce_max3A_2180 = arith.xori %reduce_max3A_2179, %reduce_max3A_2177 : vector<16xi32>
    %reduce_max3A_2181 = vector.extract %reduce_max3A_2180[15] : i32 from vector<16xi32>
    %swap3A_2182 = arith.constant 124 : i32
    %swap3A_2183 = arith.index_cast %swap3A_2182 : i32 to index
    %swap3A_2184 = memref.load %arg8[%swap3A_2183] : memref<128xi32, #tpu.memory_space<smem>>
    memref.store %reduce_max3A_2181, %arg8[%swap3A_2183] : memref<128xi32, #tpu.memory_space<smem>>
    %eq3A_2185 = arith.constant 13 : i32
    %eq3A_2186 = vector.broadcast %eq3A_2185 : i32 to vector<16xi32>
    %eq3A_2187 = arith.cmpi eq, %iota3A, %eq3A_2186 : vector<16xi32>
    %jit3A_2188 = arith.constant 0 : i32
    %broadcast_in_dim3A_2189 = vector.broadcast %jit3A_2188 : i32 to vector<16xi32>
    %select_n3A_2190 = arith.select %eq3A_2187, %get3A_1963, %broadcast_in_dim3A_2189 : vector<16xi1>, vector<16xi32>
    %reduce_max3A_2191 = arith.constant true
    %reduce_max3A_2192 = vector.broadcast %reduce_max3A_2191 : i1 to vector<16xi1>
    %reduce_max3A_2193 = arith.constant -2147483648 : i32
    %reduce_max3A_2194 = vector.broadcast %reduce_max3A_2193 : i32 to vector<16xi32>
    %reduce_max3A_2195 = arith.xori %select_n3A_2190, %reduce_max3A_2194 : vector<16xi32>
    %reduce_max3A_2196 = tpu.scan <max>, %reduce_max3A_2195 masked %reduce_max3A_2192 : vector<16xi32>, vector<16xi1> -> vector<16xi32>
    %reduce_max3A_2197 = arith.xori %reduce_max3A_2196, %reduce_max3A_2194 : vector<16xi32>
    %reduce_max3A_2198 = vector.extract %reduce_max3A_2197[15] : i32 from vector<16xi32>
    %swap3A_2199 = arith.constant 125 : i32
    %swap3A_2200 = arith.index_cast %swap3A_2199 : i32 to index
    %swap3A_2201 = memref.load %arg8[%swap3A_2200] : memref<128xi32, #tpu.memory_space<smem>>
    memref.store %reduce_max3A_2198, %arg8[%swap3A_2200] : memref<128xi32, #tpu.memory_space<smem>>
    %eq3A_2202 = arith.constant 14 : i32
    %eq3A_2203 = vector.broadcast %eq3A_2202 : i32 to vector<16xi32>
    %eq3A_2204 = arith.cmpi eq, %iota3A, %eq3A_2203 : vector<16xi32>
    %jit3A_2205 = arith.constant 0 : i32
    %broadcast_in_dim3A_2206 = vector.broadcast %jit3A_2205 : i32 to vector<16xi32>
    %select_n3A_2207 = arith.select %eq3A_2204, %get3A_1963, %broadcast_in_dim3A_2206 : vector<16xi1>, vector<16xi32>
    %reduce_max3A_2208 = arith.constant true
    %reduce_max3A_2209 = vector.broadcast %reduce_max3A_2208 : i1 to vector<16xi1>
    %reduce_max3A_2210 = arith.constant -2147483648 : i32
    %reduce_max3A_2211 = vector.broadcast %reduce_max3A_2210 : i32 to vector<16xi32>
    %reduce_max3A_2212 = arith.xori %select_n3A_2207, %reduce_max3A_2211 : vector<16xi32>
    %reduce_max3A_2213 = tpu.scan <max>, %reduce_max3A_2212 masked %reduce_max3A_2209 : vector<16xi32>, vector<16xi1> -> vector<16xi32>
    %reduce_max3A_2214 = arith.xori %reduce_max3A_2213, %reduce_max3A_2211 : vector<16xi32>
    %reduce_max3A_2215 = vector.extract %reduce_max3A_2214[15] : i32 from vector<16xi32>
    %swap3A_2216 = arith.constant 126 : i32
    %swap3A_2217 = arith.index_cast %swap3A_2216 : i32 to index
    %swap3A_2218 = memref.load %arg8[%swap3A_2217] : memref<128xi32, #tpu.memory_space<smem>>
    memref.store %reduce_max3A_2215, %arg8[%swap3A_2217] : memref<128xi32, #tpu.memory_space<smem>>
    %eq3A_2219 = arith.constant 15 : i32
    %eq3A_2220 = vector.broadcast %eq3A_2219 : i32 to vector<16xi32>
    %eq3A_2221 = arith.cmpi eq, %iota3A, %eq3A_2220 : vector<16xi32>
    %jit3A_2222 = arith.constant 0 : i32
    %broadcast_in_dim3A_2223 = vector.broadcast %jit3A_2222 : i32 to vector<16xi32>
    %select_n3A_2224 = arith.select %eq3A_2221, %get3A_1963, %broadcast_in_dim3A_2223 : vector<16xi1>, vector<16xi32>
    %reduce_max3A_2225 = arith.constant true
    %reduce_max3A_2226 = vector.broadcast %reduce_max3A_2225 : i1 to vector<16xi1>
    %reduce_max3A_2227 = arith.constant -2147483648 : i32
    %reduce_max3A_2228 = vector.broadcast %reduce_max3A_2227 : i32 to vector<16xi32>
    %reduce_max3A_2229 = arith.xori %select_n3A_2224, %reduce_max3A_2228 : vector<16xi32>
    %reduce_max3A_2230 = tpu.scan <max>, %reduce_max3A_2229 masked %reduce_max3A_2226 : vector<16xi32>, vector<16xi1> -> vector<16xi32>
    %reduce_max3A_2231 = arith.xori %reduce_max3A_2230, %reduce_max3A_2228 : vector<16xi32>
    %reduce_max3A_2232 = vector.extract %reduce_max3A_2231[15] : i32 from vector<16xi32>
    %swap3A_2233 = arith.constant 127 : i32
    %swap3A_2234 = arith.index_cast %swap3A_2233 : i32 to index
    %swap3A_2235 = memref.load %arg8[%swap3A_2234] : memref<128xi32, #tpu.memory_space<smem>>
    memref.store %reduce_max3A_2232, %arg8[%swap3A_2234] : memref<128xi32, #tpu.memory_space<smem>>
    %scan3A_2236 = arith.constant 112 : i32
    %scan3A_2237 = arith.constant 16 : i32
    %scan3A_2238 = arith.addi %scan3A_2236, %scan3A_2237 : i32
    %scan3A_2239 = arith.constant 1 : i32
    %scan3A_2240 = scf.for %scan3A_2263 = %scan3A_2236 to %scan3A_2238 step %scan3A_2239 iter_args(%scan3A_2264 = %scan3A_1960) -> (i32)  : i32 {
      %get3A_2265 = arith.index_cast %scan3A_2263 : i32 to index
      %get3A_2266 = memref.load %arg8[%get3A_2265] : memref<128xi32, #tpu.memory_space<smem>>
      %get3A_2267 = arith.index_cast %get3A_2266 : i32 to index
      %get3A_2268 = memref.load %arg9[%get3A_2267] : memref<200xi32, #tpu.memory_space<smem>>
      %lt3A = arith.constant 0 : i32
      %lt3A_2269 = arith.cmpi slt, %get3A_2268, %lt3A : i32
      %convert_element_type3A = arith.extui %lt3A_2269 : i1 to i32
      %cond3A = arith.constant 0 : i32
      %cond3A_2270 = arith.cmpi ne, %convert_element_type3A, %cond3A : i32
      %cond3A_2271 = scf.if %cond3A_2270 -> (i32) {
        %swap3A_2272 = arith.index_cast %get3A_2266 : i32 to index
        %swap3A_2273 = memref.load %arg9[%swap3A_2272] : memref<200xi32, #tpu.memory_space<smem>>
        memref.store %scan3A_2264, %arg9[%swap3A_2272] : memref<200xi32, #tpu.memory_space<smem>>
        %swap3A_2274 = arith.index_cast %scan3A_2264 : i32 to index
        %swap3A_2275 = memref.load %arg10[%swap3A_2274] : memref<128xi32, #tpu.memory_space<smem>>
        memref.store %get3A_2266, %arg10[%swap3A_2274] : memref<128xi32, #tpu.memory_space<smem>>
        %swap3A_2276 = arith.index_cast %scan3A_2264 : i32 to index
        %swap3A_2277 = memref.load %arg11[%swap3A_2276] : memref<128xi32, #tpu.memory_space<smem>>
        memref.store %scan3A_2263, %arg11[%swap3A_2276] : memref<128xi32, #tpu.memory_space<smem>>
        %swap3A_2278 = arith.constant -1 : i32
        %swap3A_2279 = arith.index_cast %scan3A_2263 : i32 to index
        %swap3A_2280 = memref.load %arg12[%swap3A_2279] : memref<128xi32, #tpu.memory_space<smem>>
        memref.store %swap3A_2278, %arg12[%swap3A_2279] : memref<128xi32, #tpu.memory_space<smem>>
        %lt3A_2281 = arith.constant 8 : i32
        %lt3A_2282 = arith.cmpi slt, %scan3A_2264, %lt3A_2281 : i32
        %convert_element_type3A_2283 = arith.extui %lt3A_2282 : i1 to i32
        %cond3A_2284 = arith.constant 0 : i32
        %cond3A_2285 = arith.cmpi ne, %convert_element_type3A_2283, %cond3A_2284 : i32
        %cond3A_2286 = scf.if %cond3A_2285 -> (i32) {
          %rem3A = arith.constant 9 : i32
          %rem3A_2289 = arith.remsi %scan3A_2264, %rem3A : i32
          %get3A_2290 = arith.index_cast %scan3A_2264 : i32 to index
          %get3A_2291 = memref.load %arg10[%get3A_2290] : memref<128xi32, #tpu.memory_space<smem>>
          %dma_start3A = arith.constant 0 : i32
          %dma_start3A_2292 = arith.constant 0 : i32
          %dma_start3A_2293 = tpu.memref_slice %arg6[%rem3A_2289, %dma_start3A, %dma_start3A_2292] : memref<9x64x128xf32, #tpu.memory_space<vmem>> -> memref<1x64x128xf32, #tpu.memory_space<vmem>>
          %dma_start3A_2294 = tpu.memref_squeeze %dma_start3A_2293 : memref<1x64x128xf32, #tpu.memory_space<vmem>> -> memref<64x128xf32, #tpu.memory_space<vmem>>
          %dma_start3A_2295 = arith.constant 0 : i32
          %dma_start3A_2296 = tpu.memref_slice %arg2[%get3A_2291, %dma_start3A_2295, %mul3A_2] : memref<200x64x4096xf32, #tpu.memory_space<hbm>> -> memref<1x64x128xf32, #tpu.memory_space<hbm>>
          %dma_start3A_2297 = tpu.memref_squeeze %dma_start3A_2296 : memref<1x64x128xf32, #tpu.memory_space<hbm>> -> memref<64x128xf32, #tpu.memory_space<hbm>>
          %dma_start3A_2298 = tpu.memref_slice %arg13[%rem3A_2289] : memref<9x!tpu.dma_semaphore, #tpu.memory_space<semaphore_mem>> -> memref<1x!tpu.dma_semaphore, #tpu.memory_space<semaphore_mem>>
          %dma_start3A_2299 = tpu.memref_squeeze %dma_start3A_2298 : memref<1x!tpu.dma_semaphore, #tpu.memory_space<semaphore_mem>> -> memref<!tpu.dma_semaphore, #tpu.memory_space<semaphore_mem>>
          %dma_start3A_2300 = arith.constant 0 : i32
          %dma_start3A_2301 = arith.constant 0 : i32
          %dma_start3A_2302 = tpu.memref_slice %arg6[%rem3A_2289, %dma_start3A_2300, %dma_start3A_2301] : memref<9x64x128xf32, #tpu.memory_space<vmem>> -> memref<1x64x128xf32, #tpu.memory_space<vmem>>
          %dma_start3A_2303 = tpu.memref_squeeze %dma_start3A_2302 : memref<1x64x128xf32, #tpu.memory_space<vmem>> -> memref<64x128xf32, #tpu.memory_space<vmem>>
          %dma_start3A_2304 = arith.constant 0 : i32
          %dma_start3A_2305 = tpu.memref_slice %arg2[%get3A_2291, %dma_start3A_2304, %mul3A_2] : memref<200x64x4096xf32, #tpu.memory_space<hbm>> -> memref<1x64x128xf32, #tpu.memory_space<hbm>>
          %dma_start3A_2306 = tpu.memref_squeeze %dma_start3A_2305 : memref<1x64x128xf32, #tpu.memory_space<hbm>> -> memref<64x128xf32, #tpu.memory_space<hbm>>
          tpu.enqueue_dma source(%dma_start3A_2306 : memref<64x128xf32, #tpu.memory_space<hbm>>) target(%dma_start3A_2303 : memref<64x128xf32, #tpu.memory_space<vmem>>) target_semaphore(%dma_start3A_2299 : memref<!tpu.dma_semaphore, #tpu.memory_space<semaphore_mem>>)
          %cond3A_2307 = arith.constant 0 : i32
          scf.yield %cond3A_2307 : i32
        } else {
          %cond3A_2289 = arith.constant 0 : i32
          scf.yield %cond3A_2289 : i32
        }
        %add3A_2287 = arith.constant 1 : i32
        %add3A_2288 = arith.addi %scan3A_2264, %add3A_2287 : i32
        scf.yield %add3A_2288 : i32
      } else {
        %get3A_2272 = arith.index_cast %get3A_2268 : i32 to index
        %get3A_2273 = memref.load %arg11[%get3A_2272] : memref<128xi32, #tpu.memory_space<smem>>
        %swap3A_2274 = arith.index_cast %scan3A_2263 : i32 to index
        %swap3A_2275 = memref.load %arg12[%swap3A_2274] : memref<128xi32, #tpu.memory_space<smem>>
        memref.store %get3A_2273, %arg12[%swap3A_2274] : memref<128xi32, #tpu.memory_space<smem>>
        %swap3A_2276 = arith.index_cast %get3A_2268 : i32 to index
        %swap3A_2277 = memref.load %arg11[%swap3A_2276] : memref<128xi32, #tpu.memory_space<smem>>
        memref.store %scan3A_2263, %arg11[%swap3A_2276] : memref<128xi32, #tpu.memory_space<smem>>
        scf.yield %scan3A_2264 : i32
      }
      scf.yield %cond3A_2271 : i32
    }
    %scan3A_2241 = arith.constant 16 : i32
    %add3A_2242 = arith.constant 0 : i32
    %add3A_2243 = vector.broadcast %add3A_2242 : i32 to vector<16xi32>
    %add3A_2244 = arith.addi %add3A_2243, %iota3A : vector<16xi32>
    %add3A_2245 = arith.constant 16 : i32
    %add3A_2246 = vector.broadcast %add3A_2245 : i32 to vector<16xi32>
    %add3A_2247 = arith.addi %add3A_2246, %iota3A : vector<16xi32>
    %add3A_2248 = arith.constant 32 : i32
    %add3A_2249 = vector.broadcast %add3A_2248 : i32 to vector<16xi32>
    %add3A_2250 = arith.addi %add3A_2249, %iota3A : vector<16xi32>
    %add3A_2251 = arith.constant 48 : i32
    %add3A_2252 = vector.broadcast %add3A_2251 : i32 to vector<16xi32>
    %add3A_2253 = arith.addi %add3A_2252, %iota3A : vector<16xi32>
    %while3A = arith.constant 0 : i32
    %while3A_2254 = arith.constant 0 : i32
    %while3A_2255 = arith.subi %scan3A_2240, %while3A_2254 : i32
    %while3A_2256 = arith.addi %while3A_2254, %while3A_2255 : i32
    %while3A_2257 = arith.constant 1 : i32
    %while3A_2258 = arith.divsi %while3A_2255, %while3A_2257 : i32
    %while3A_2259 = arith.muli %while3A_2258, %while3A_2257 : i32
    %while3A_2260 = arith.addi %while3A_2254, %while3A_2259 : i32
    %while3A_2261 = arith.constant 1 : i32
    scf.for %while3A_2263 = %while3A_2254 to %while3A_2260 step %while3A_2261  : i32 {
      %rem3A = arith.constant 9 : i32
      %rem3A_2264 = arith.remsi %while3A_2263, %rem3A : i32
      %dma_wait3A = arith.constant 0 : i32
      %dma_wait3A_2265 = arith.constant 0 : i32
      %dma_wait3A_2266 = arith.constant 0 : i32
      %dma_wait3A_2267 = tpu.memref_slice %arg6[%rem3A_2264, %dma_wait3A_2265, %dma_wait3A_2266] : memref<9x64x128xf32, #tpu.memory_space<vmem>> -> memref<1x64x128xf32, #tpu.memory_space<vmem>>
      %dma_wait3A_2268 = tpu.memref_squeeze %dma_wait3A_2267 : memref<1x64x128xf32, #tpu.memory_space<vmem>> -> memref<64x128xf32, #tpu.memory_space<vmem>>
      %dma_wait3A_2269 = arith.constant 0 : i32
      %dma_wait3A_2270 = tpu.memref_slice %arg2[%dma_wait3A, %dma_wait3A_2269, %mul3A_2] : memref<200x64x4096xf32, #tpu.memory_space<hbm>> -> memref<1x64x128xf32, #tpu.memory_space<hbm>>
      %dma_wait3A_2271 = tpu.memref_squeeze %dma_wait3A_2270 : memref<1x64x128xf32, #tpu.memory_space<hbm>> -> memref<64x128xf32, #tpu.memory_space<hbm>>
      %dma_wait3A_2272 = tpu.memref_slice %arg13[%rem3A_2264] : memref<9x!tpu.dma_semaphore, #tpu.memory_space<semaphore_mem>> -> memref<1x!tpu.dma_semaphore, #tpu.memory_space<semaphore_mem>>
      %dma_wait3A_2273 = tpu.memref_squeeze %dma_wait3A_2272 : memref<1x!tpu.dma_semaphore, #tpu.memory_space<semaphore_mem>> -> memref<!tpu.dma_semaphore, #tpu.memory_space<semaphore_mem>>
      %dma_wait3A_2274 = arith.constant 0 : i32
      %dma_wait3A_2275 = arith.constant 0 : i32
      %dma_wait3A_2276 = tpu.memref_slice %arg6[%rem3A_2264, %dma_wait3A_2274, %dma_wait3A_2275] : memref<9x64x128xf32, #tpu.memory_space<vmem>> -> memref<1x64x128xf32, #tpu.memory_space<vmem>>
      %dma_wait3A_2277 = tpu.memref_squeeze %dma_wait3A_2276 : memref<1x64x128xf32, #tpu.memory_space<vmem>> -> memref<64x128xf32, #tpu.memory_space<vmem>>
      %dma_wait3A_2278 = arith.constant 0 : i32
      %dma_wait3A_2279 = tpu.memref_slice %arg2[%dma_wait3A, %dma_wait3A_2278, %mul3A_2] : memref<200x64x4096xf32, #tpu.memory_space<hbm>> -> memref<1x64x128xf32, #tpu.memory_space<hbm>>
      %dma_wait3A_2280 = tpu.memref_squeeze %dma_wait3A_2279 : memref<1x64x128xf32, #tpu.memory_space<hbm>> -> memref<64x128xf32, #tpu.memory_space<hbm>>
      tpu.wait_dma2 semaphore(%dma_wait3A_2273 : memref<!tpu.dma_semaphore, #tpu.memory_space<semaphore_mem>>) src(%dma_wait3A_2280 : memref<64x128xf32, #tpu.memory_space<hbm>>) dst(%dma_wait3A_2277 : memref<64x128xf32, #tpu.memory_space<vmem>>)
      %add3A_2281 = arith.constant 8 : i32
      %add3A_2282 = arith.addi %while3A_2263, %add3A_2281 : i32
      %lt3A = arith.cmpi slt, %add3A_2282, %scan3A_2240 : i32
      %convert_element_type3A = arith.extui %lt3A : i1 to i32
      %cond3A = arith.constant 0 : i32
      %cond3A_2283 = arith.cmpi ne, %convert_element_type3A, %cond3A : i32
      %cond3A_2284 = scf.if %cond3A_2283 -> (i32) {
        %add3A_2288 = arith.constant 8 : i32
        %add3A_2289 = arith.addi %while3A_2263, %add3A_2288 : i32
        %rem3A_2290 = arith.constant 9 : i32
        %rem3A_2291 = arith.remsi %add3A_2289, %rem3A_2290 : i32
        %get3A_2292 = arith.index_cast %add3A_2289 : i32 to index
        %get3A_2293 = memref.load %arg10[%get3A_2292] : memref<128xi32, #tpu.memory_space<smem>>
        %dma_start3A = arith.constant 0 : i32
        %dma_start3A_2294 = arith.constant 0 : i32
        %dma_start3A_2295 = tpu.memref_slice %arg6[%rem3A_2291, %dma_start3A, %dma_start3A_2294] : memref<9x64x128xf32, #tpu.memory_space<vmem>> -> memref<1x64x128xf32, #tpu.memory_space<vmem>>
        %dma_start3A_2296 = tpu.memref_squeeze %dma_start3A_2295 : memref<1x64x128xf32, #tpu.memory_space<vmem>> -> memref<64x128xf32, #tpu.memory_space<vmem>>
        %dma_start3A_2297 = arith.constant 0 : i32
        %dma_start3A_2298 = tpu.memref_slice %arg2[%get3A_2293, %dma_start3A_2297, %mul3A_2] : memref<200x64x4096xf32, #tpu.memory_space<hbm>> -> memref<1x64x128xf32, #tpu.memory_space<hbm>>
        %dma_start3A_2299 = tpu.memref_squeeze %dma_start3A_2298 : memref<1x64x128xf32, #tpu.memory_space<hbm>> -> memref<64x128xf32, #tpu.memory_space<hbm>>
        %dma_start3A_2300 = tpu.memref_slice %arg13[%rem3A_2291] : memref<9x!tpu.dma_semaphore, #tpu.memory_space<semaphore_mem>> -> memref<1x!tpu.dma_semaphore, #tpu.memory_space<semaphore_mem>>
        %dma_start3A_2301 = tpu.memref_squeeze %dma_start3A_2300 : memref<1x!tpu.dma_semaphore, #tpu.memory_space<semaphore_mem>> -> memref<!tpu.dma_semaphore, #tpu.memory_space<semaphore_mem>>
        %dma_start3A_2302 = arith.constant 0 : i32
        %dma_start3A_2303 = arith.constant 0 : i32
        %dma_start3A_2304 = tpu.memref_slice %arg6[%rem3A_2291, %dma_start3A_2302, %dma_start3A_2303] : memref<9x64x128xf32, #tpu.memory_space<vmem>> -> memref<1x64x128xf32, #tpu.memory_space<vmem>>
        %dma_start3A_2305 = tpu.memref_squeeze %dma_start3A_2304 : memref<1x64x128xf32, #tpu.memory_space<vmem>> -> memref<64x128xf32, #tpu.memory_space<vmem>>
        %dma_start3A_2306 = arith.constant 0 : i32
        %dma_start3A_2307 = tpu.memref_slice %arg2[%get3A_2293, %dma_start3A_2306, %mul3A_2] : memref<200x64x4096xf32, #tpu.memory_space<hbm>> -> memref<1x64x128xf32, #tpu.memory_space<hbm>>
        %dma_start3A_2308 = tpu.memref_squeeze %dma_start3A_2307 : memref<1x64x128xf32, #tpu.memory_space<hbm>> -> memref<64x128xf32, #tpu.memory_space<hbm>>
        tpu.enqueue_dma source(%dma_start3A_2308 : memref<64x128xf32, #tpu.memory_space<hbm>>) target(%dma_start3A_2305 : memref<64x128xf32, #tpu.memory_space<vmem>>) target_semaphore(%dma_start3A_2301 : memref<!tpu.dma_semaphore, #tpu.memory_space<semaphore_mem>>)
        %cond3A_2309 = arith.constant 0 : i32
        scf.yield %cond3A_2309 : i32
      } else {
        %cond3A_2288 = arith.constant 0 : i32
        scf.yield %cond3A_2288 : i32
      }
      %get3A_2285 = arith.index_cast %while3A_2263 : i32 to index
      %get3A_2286 = memref.load %arg11[%get3A_2285] : memref<128xi32, #tpu.memory_space<smem>>
      %while3A_2287 = scf.while (%while3A_2288 = %get3A_2286) : (i32) -> i32 {
        %ge3A = arith.constant 0 : i32
        %ge3A_2289 = arith.cmpi sge, %while3A_2288, %ge3A : i32
        scf.condition(%ge3A_2289) %while3A_2288 : i32
      } do {
      ^bb0(%while3A_2288: i32):
        %broadcast_in_dim3A_2289 = vector.broadcast %while3A_2288 : i32 to vector<16xi32>
        %gather3A = arith.constant 0 : i32
        %gather3A_2290 = arith.constant 0 : i32
        %gather3A_2291 = tpu.memref_slice %arg6[%rem3A_2264, %gather3A, %gather3A_2290] : memref<9x64x128xf32, #tpu.memory_space<vmem>> -> memref<1x64x128xf32, #tpu.memory_space<vmem>>
        %gather3A_2292 = tpu.memref_squeeze %gather3A_2291 : memref<1x64x128xf32, #tpu.memory_space<vmem>> -> memref<64x128xf32, #tpu.memory_space<vmem>>
        %gather3A_2293 = tpu.vector_load_idx %gather3A_2292[%add3A_2244, %broadcast_in_dim3A_2289] : memref<64x128xf32, #tpu.memory_space<vmem>>[vector<16xi32>, vector<16xi32>], vector<16xf32>,
        tpu.vector_store_idx %arg7[%add3A_2244, %broadcast_in_dim3A_2289], %gather3A_2293 : memref<64x128xf32, #tpu.memory_space<vmem>>[vector<16xi32>, vector<16xi32>], vector<16xf32>,
        %gather3A_2294 = arith.constant 0 : i32
        %gather3A_2295 = arith.constant 0 : i32
        %gather3A_2296 = tpu.memref_slice %arg6[%rem3A_2264, %gather3A_2294, %gather3A_2295] : memref<9x64x128xf32, #tpu.memory_space<vmem>> -> memref<1x64x128xf32, #tpu.memory_space<vmem>>
        %gather3A_2297 = tpu.memref_squeeze %gather3A_2296 : memref<1x64x128xf32, #tpu.memory_space<vmem>> -> memref<64x128xf32, #tpu.memory_space<vmem>>
        %gather3A_2298 = tpu.vector_load_idx %gather3A_2297[%add3A_2247, %broadcast_in_dim3A_2289] : memref<64x128xf32, #tpu.memory_space<vmem>>[vector<16xi32>, vector<16xi32>], vector<16xf32>,
        tpu.vector_store_idx %arg7[%add3A_2247, %broadcast_in_dim3A_2289], %gather3A_2298 : memref<64x128xf32, #tpu.memory_space<vmem>>[vector<16xi32>, vector<16xi32>], vector<16xf32>,
        %gather3A_2299 = arith.constant 0 : i32
        %gather3A_2300 = arith.constant 0 : i32
        %gather3A_2301 = tpu.memref_slice %arg6[%rem3A_2264, %gather3A_2299, %gather3A_2300] : memref<9x64x128xf32, #tpu.memory_space<vmem>> -> memref<1x64x128xf32, #tpu.memory_space<vmem>>
        %gather3A_2302 = tpu.memref_squeeze %gather3A_2301 : memref<1x64x128xf32, #tpu.memory_space<vmem>> -> memref<64x128xf32, #tpu.memory_space<vmem>>
        %gather3A_2303 = tpu.vector_load_idx %gather3A_2302[%add3A_2250, %broadcast_in_dim3A_2289] : memref<64x128xf32, #tpu.memory_space<vmem>>[vector<16xi32>, vector<16xi32>], vector<16xf32>,
        tpu.vector_store_idx %arg7[%add3A_2250, %broadcast_in_dim3A_2289], %gather3A_2303 : memref<64x128xf32, #tpu.memory_space<vmem>>[vector<16xi32>, vector<16xi32>], vector<16xf32>,
        %gather3A_2304 = arith.constant 0 : i32
        %gather3A_2305 = arith.constant 0 : i32
        %gather3A_2306 = tpu.memref_slice %arg6[%rem3A_2264, %gather3A_2304, %gather3A_2305] : memref<9x64x128xf32, #tpu.memory_space<vmem>> -> memref<1x64x128xf32, #tpu.memory_space<vmem>>
        %gather3A_2307 = tpu.memref_squeeze %gather3A_2306 : memref<1x64x128xf32, #tpu.memory_space<vmem>> -> memref<64x128xf32, #tpu.memory_space<vmem>>
        %gather3A_2308 = tpu.vector_load_idx %gather3A_2307[%add3A_2253, %broadcast_in_dim3A_2289] : memref<64x128xf32, #tpu.memory_space<vmem>>[vector<16xi32>, vector<16xi32>], vector<16xf32>,
        tpu.vector_store_idx %arg7[%add3A_2253, %broadcast_in_dim3A_2289], %gather3A_2308 : memref<64x128xf32, #tpu.memory_space<vmem>>[vector<16xi32>, vector<16xi32>], vector<16xf32>,
        %get3A_2309 = arith.index_cast %while3A_2288 : i32 to index
        %get3A_2310 = memref.load %arg12[%get3A_2309] : memref<128xi32, #tpu.memory_space<smem>>
        scf.yield %get3A_2310 : i32
      }
    }
    %while3A_2262 = arith.constant 1 : i32
    scf.for %while3A_2263 = %while3A_2260 to %while3A_2256 step %while3A_2262  : i32 {
      %rem3A = arith.constant 9 : i32
      %rem3A_2264 = arith.remsi %while3A_2263, %rem3A : i32
      %dma_wait3A = arith.constant 0 : i32
      %dma_wait3A_2265 = arith.constant 0 : i32
      %dma_wait3A_2266 = arith.constant 0 : i32
      %dma_wait3A_2267 = tpu.memref_slice %arg6[%rem3A_2264, %dma_wait3A_2265, %dma_wait3A_2266] : memref<9x64x128xf32, #tpu.memory_space<vmem>> -> memref<1x64x128xf32, #tpu.memory_space<vmem>>
      %dma_wait3A_2268 = tpu.memref_squeeze %dma_wait3A_2267 : memref<1x64x128xf32, #tpu.memory_space<vmem>> -> memref<64x128xf32, #tpu.memory_space<vmem>>
      %dma_wait3A_2269 = arith.constant 0 : i32
      %dma_wait3A_2270 = tpu.memref_slice %arg2[%dma_wait3A, %dma_wait3A_2269, %mul3A_2] : memref<200x64x4096xf32, #tpu.memory_space<hbm>> -> memref<1x64x128xf32, #tpu.memory_space<hbm>>
      %dma_wait3A_2271 = tpu.memref_squeeze %dma_wait3A_2270 : memref<1x64x128xf32, #tpu.memory_space<hbm>> -> memref<64x128xf32, #tpu.memory_space<hbm>>
      %dma_wait3A_2272 = tpu.memref_slice %arg13[%rem3A_2264] : memref<9x!tpu.dma_semaphore, #tpu.memory_space<semaphore_mem>> -> memref<1x!tpu.dma_semaphore, #tpu.memory_space<semaphore_mem>>
      %dma_wait3A_2273 = tpu.memref_squeeze %dma_wait3A_2272 : memref<1x!tpu.dma_semaphore, #tpu.memory_space<semaphore_mem>> -> memref<!tpu.dma_semaphore, #tpu.memory_space<semaphore_mem>>
      %dma_wait3A_2274 = arith.constant 0 : i32
      %dma_wait3A_2275 = arith.constant 0 : i32
      %dma_wait3A_2276 = tpu.memref_slice %arg6[%rem3A_2264, %dma_wait3A_2274, %dma_wait3A_2275] : memref<9x64x128xf32, #tpu.memory_space<vmem>> -> memref<1x64x128xf32, #tpu.memory_space<vmem>>
      %dma_wait3A_2277 = tpu.memref_squeeze %dma_wait3A_2276 : memref<1x64x128xf32, #tpu.memory_space<vmem>> -> memref<64x128xf32, #tpu.memory_space<vmem>>
      %dma_wait3A_2278 = arith.constant 0 : i32
      %dma_wait3A_2279 = tpu.memref_slice %arg2[%dma_wait3A, %dma_wait3A_2278, %mul3A_2] : memref<200x64x4096xf32, #tpu.memory_space<hbm>> -> memref<1x64x128xf32, #tpu.memory_space<hbm>>
      %dma_wait3A_2280 = tpu.memref_squeeze %dma_wait3A_2279 : memref<1x64x128xf32, #tpu.memory_space<hbm>> -> memref<64x128xf32, #tpu.memory_space<hbm>>
      tpu.wait_dma2 semaphore(%dma_wait3A_2273 : memref<!tpu.dma_semaphore, #tpu.memory_space<semaphore_mem>>) src(%dma_wait3A_2280 : memref<64x128xf32, #tpu.memory_space<hbm>>) dst(%dma_wait3A_2277 : memref<64x128xf32, #tpu.memory_space<vmem>>)
      %add3A_2281 = arith.constant 8 : i32
      %add3A_2282 = arith.addi %while3A_2263, %add3A_2281 : i32
      %lt3A = arith.cmpi slt, %add3A_2282, %scan3A_2240 : i32
      %convert_element_type3A = arith.extui %lt3A : i1 to i32
      %cond3A = arith.constant 0 : i32
      %cond3A_2283 = arith.cmpi ne, %convert_element_type3A, %cond3A : i32
      %cond3A_2284 = scf.if %cond3A_2283 -> (i32) {
        %add3A_2288 = arith.constant 8 : i32
        %add3A_2289 = arith.addi %while3A_2263, %add3A_2288 : i32
        %rem3A_2290 = arith.constant 9 : i32
        %rem3A_2291 = arith.remsi %add3A_2289, %rem3A_2290 : i32
        %get3A_2292 = arith.index_cast %add3A_2289 : i32 to index
        %get3A_2293 = memref.load %arg10[%get3A_2292] : memref<128xi32, #tpu.memory_space<smem>>
        %dma_start3A = arith.constant 0 : i32
        %dma_start3A_2294 = arith.constant 0 : i32
        %dma_start3A_2295 = tpu.memref_slice %arg6[%rem3A_2291, %dma_start3A, %dma_start3A_2294] : memref<9x64x128xf32, #tpu.memory_space<vmem>> -> memref<1x64x128xf32, #tpu.memory_space<vmem>>
        %dma_start3A_2296 = tpu.memref_squeeze %dma_start3A_2295 : memref<1x64x128xf32, #tpu.memory_space<vmem>> -> memref<64x128xf32, #tpu.memory_space<vmem>>
        %dma_start3A_2297 = arith.constant 0 : i32
        %dma_start3A_2298 = tpu.memref_slice %arg2[%get3A_2293, %dma_start3A_2297, %mul3A_2] : memref<200x64x4096xf32, #tpu.memory_space<hbm>> -> memref<1x64x128xf32, #tpu.memory_space<hbm>>
        %dma_start3A_2299 = tpu.memref_squeeze %dma_start3A_2298 : memref<1x64x128xf32, #tpu.memory_space<hbm>> -> memref<64x128xf32, #tpu.memory_space<hbm>>
        %dma_start3A_2300 = tpu.memref_slice %arg13[%rem3A_2291] : memref<9x!tpu.dma_semaphore, #tpu.memory_space<semaphore_mem>> -> memref<1x!tpu.dma_semaphore, #tpu.memory_space<semaphore_mem>>
        %dma_start3A_2301 = tpu.memref_squeeze %dma_start3A_2300 : memref<1x!tpu.dma_semaphore, #tpu.memory_space<semaphore_mem>> -> memref<!tpu.dma_semaphore, #tpu.memory_space<semaphore_mem>>
        %dma_start3A_2302 = arith.constant 0 : i32
        %dma_start3A_2303 = arith.constant 0 : i32
        %dma_start3A_2304 = tpu.memref_slice %arg6[%rem3A_2291, %dma_start3A_2302, %dma_start3A_2303] : memref<9x64x128xf32, #tpu.memory_space<vmem>> -> memref<1x64x128xf32, #tpu.memory_space<vmem>>
        %dma_start3A_2305 = tpu.memref_squeeze %dma_start3A_2304 : memref<1x64x128xf32, #tpu.memory_space<vmem>> -> memref<64x128xf32, #tpu.memory_space<vmem>>
        %dma_start3A_2306 = arith.constant 0 : i32
        %dma_start3A_2307 = tpu.memref_slice %arg2[%get3A_2293, %dma_start3A_2306, %mul3A_2] : memref<200x64x4096xf32, #tpu.memory_space<hbm>> -> memref<1x64x128xf32, #tpu.memory_space<hbm>>
        %dma_start3A_2308 = tpu.memref_squeeze %dma_start3A_2307 : memref<1x64x128xf32, #tpu.memory_space<hbm>> -> memref<64x128xf32, #tpu.memory_space<hbm>>
        tpu.enqueue_dma source(%dma_start3A_2308 : memref<64x128xf32, #tpu.memory_space<hbm>>) target(%dma_start3A_2305 : memref<64x128xf32, #tpu.memory_space<vmem>>) target_semaphore(%dma_start3A_2301 : memref<!tpu.dma_semaphore, #tpu.memory_space<semaphore_mem>>)
        %cond3A_2309 = arith.constant 0 : i32
        scf.yield %cond3A_2309 : i32
      } else {
        %cond3A_2288 = arith.constant 0 : i32
        scf.yield %cond3A_2288 : i32
      }
      %get3A_2285 = arith.index_cast %while3A_2263 : i32 to index
      %get3A_2286 = memref.load %arg11[%get3A_2285] : memref<128xi32, #tpu.memory_space<smem>>
      %while3A_2287 = scf.while (%while3A_2288 = %get3A_2286) : (i32) -> i32 {
        %ge3A = arith.constant 0 : i32
        %ge3A_2289 = arith.cmpi sge, %while3A_2288, %ge3A : i32
        scf.condition(%ge3A_2289) %while3A_2288 : i32
      } do {
      ^bb0(%while3A_2288: i32):
        %broadcast_in_dim3A_2289 = vector.broadcast %while3A_2288 : i32 to vector<16xi32>
        %gather3A = arith.constant 0 : i32
        %gather3A_2290 = arith.constant 0 : i32
        %gather3A_2291 = tpu.memref_slice %arg6[%rem3A_2264, %gather3A, %gather3A_2290] : memref<9x64x128xf32, #tpu.memory_space<vmem>> -> memref<1x64x128xf32, #tpu.memory_space<vmem>>
        %gather3A_2292 = tpu.memref_squeeze %gather3A_2291 : memref<1x64x128xf32, #tpu.memory_space<vmem>> -> memref<64x128xf32, #tpu.memory_space<vmem>>
        %gather3A_2293 = tpu.vector_load_idx %gather3A_2292[%add3A_2244, %broadcast_in_dim3A_2289] : memref<64x128xf32, #tpu.memory_space<vmem>>[vector<16xi32>, vector<16xi32>], vector<16xf32>,
        tpu.vector_store_idx %arg7[%add3A_2244, %broadcast_in_dim3A_2289], %gather3A_2293 : memref<64x128xf32, #tpu.memory_space<vmem>>[vector<16xi32>, vector<16xi32>], vector<16xf32>,
        %gather3A_2294 = arith.constant 0 : i32
        %gather3A_2295 = arith.constant 0 : i32
        %gather3A_2296 = tpu.memref_slice %arg6[%rem3A_2264, %gather3A_2294, %gather3A_2295] : memref<9x64x128xf32, #tpu.memory_space<vmem>> -> memref<1x64x128xf32, #tpu.memory_space<vmem>>
        %gather3A_2297 = tpu.memref_squeeze %gather3A_2296 : memref<1x64x128xf32, #tpu.memory_space<vmem>> -> memref<64x128xf32, #tpu.memory_space<vmem>>
        %gather3A_2298 = tpu.vector_load_idx %gather3A_2297[%add3A_2247, %broadcast_in_dim3A_2289] : memref<64x128xf32, #tpu.memory_space<vmem>>[vector<16xi32>, vector<16xi32>], vector<16xf32>,
        tpu.vector_store_idx %arg7[%add3A_2247, %broadcast_in_dim3A_2289], %gather3A_2298 : memref<64x128xf32, #tpu.memory_space<vmem>>[vector<16xi32>, vector<16xi32>], vector<16xf32>,
        %gather3A_2299 = arith.constant 0 : i32
        %gather3A_2300 = arith.constant 0 : i32
        %gather3A_2301 = tpu.memref_slice %arg6[%rem3A_2264, %gather3A_2299, %gather3A_2300] : memref<9x64x128xf32, #tpu.memory_space<vmem>> -> memref<1x64x128xf32, #tpu.memory_space<vmem>>
        %gather3A_2302 = tpu.memref_squeeze %gather3A_2301 : memref<1x64x128xf32, #tpu.memory_space<vmem>> -> memref<64x128xf32, #tpu.memory_space<vmem>>
        %gather3A_2303 = tpu.vector_load_idx %gather3A_2302[%add3A_2250, %broadcast_in_dim3A_2289] : memref<64x128xf32, #tpu.memory_space<vmem>>[vector<16xi32>, vector<16xi32>], vector<16xf32>,
        tpu.vector_store_idx %arg7[%add3A_2250, %broadcast_in_dim3A_2289], %gather3A_2303 : memref<64x128xf32, #tpu.memory_space<vmem>>[vector<16xi32>, vector<16xi32>], vector<16xf32>,
        %gather3A_2304 = arith.constant 0 : i32
        %gather3A_2305 = arith.constant 0 : i32
        %gather3A_2306 = tpu.memref_slice %arg6[%rem3A_2264, %gather3A_2304, %gather3A_2305] : memref<9x64x128xf32, #tpu.memory_space<vmem>> -> memref<1x64x128xf32, #tpu.memory_space<vmem>>
        %gather3A_2307 = tpu.memref_squeeze %gather3A_2306 : memref<1x64x128xf32, #tpu.memory_space<vmem>> -> memref<64x128xf32, #tpu.memory_space<vmem>>
        %gather3A_2308 = tpu.vector_load_idx %gather3A_2307[%add3A_2253, %broadcast_in_dim3A_2289] : memref<64x128xf32, #tpu.memory_space<vmem>>[vector<16xi32>, vector<16xi32>], vector<16xf32>,
        tpu.vector_store_idx %arg7[%add3A_2253, %broadcast_in_dim3A_2289], %gather3A_2308 : memref<64x128xf32, #tpu.memory_space<vmem>>[vector<16xi32>, vector<16xi32>], vector<16xf32>,
        %get3A_2309 = arith.index_cast %while3A_2288 : i32 to index
        %get3A_2310 = memref.load %arg12[%get3A_2309] : memref<128xi32, #tpu.memory_space<smem>>
        scf.yield %get3A_2310 : i32
      }
    }
    "tpu.region"() ({
      %run_scoped3A = tpu.sem_alloc : memref<!tpu.dma_semaphore, #tpu.memory_space<semaphore_mem>>
      %dma_start3A = arith.constant 0 : i32
      %dma_start3A_2263 = tpu.memref_slice %arg4[%dma_start3A, %mul3A_2] : memref<64x4096xf32, #tpu.memory_space<hbm>> -> memref<64x128xf32, #tpu.memory_space<hbm>>
      %dma_start3A_2264 = arith.constant 0 : i32
      %dma_start3A_2265 = tpu.memref_slice %arg4[%dma_start3A_2264, %mul3A_2] : memref<64x4096xf32, #tpu.memory_space<hbm>> -> memref<64x128xf32, #tpu.memory_space<hbm>>
      tpu.enqueue_dma source(%arg7 : memref<64x128xf32, #tpu.memory_space<vmem>>) target(%dma_start3A_2265 : memref<64x128xf32, #tpu.memory_space<hbm>>) target_semaphore(%run_scoped3A : memref<!tpu.dma_semaphore, #tpu.memory_space<semaphore_mem>>)
      %dma_wait3A = arith.constant 0 : i32
      %dma_wait3A_2266 = tpu.memref_slice %arg4[%dma_wait3A, %mul3A_2] : memref<64x4096xf32, #tpu.memory_space<hbm>> -> memref<64x128xf32, #tpu.memory_space<hbm>>
      %dma_wait3A_2267 = arith.constant 0 : i32
      %dma_wait3A_2268 = tpu.memref_slice %arg4[%dma_wait3A_2267, %mul3A_2] : memref<64x4096xf32, #tpu.memory_space<hbm>> -> memref<64x128xf32, #tpu.memory_space<hbm>>
      tpu.wait_dma2 semaphore(%run_scoped3A : memref<!tpu.dma_semaphore, #tpu.memory_space<semaphore_mem>>) src(%arg7 : memref<64x128xf32, #tpu.memory_space<vmem>>) dst(%dma_wait3A_2268 : memref<64x128xf32, #tpu.memory_space<hbm>>)
      tpu.yield
    }) : () -> ()
    return
  }
}

</mosaic_0001>

<sc_bundles>
// kernel: kernel.3.cloned.1.call-start
scs
__scs_entry_jumppad:
0x0: {  	(pc) =	sbr.rel $0x88, $3  }
0x1: {  	(tag) =	ssettag $0x0;
	lr =	simm.s32 $0x1  }
0x2: {  	[smem:$0x3F9F] =	sst lr;
	_ =	strace $0xD0000000  }
0x3: {  	_ = 	snop  }
0x4: {  	_ = 	snop  }
0x5: {  	_ = 	snop  }
0x6: {  	_ = 	snop  }
0x7: {  	_ = 	snop  }
__scs_overlays_trampoline_lowered:
0x8: {  	[smem:$0x3FAE] =	sst s0  }
0x9: {  	[smem:$0x3FAF] =	sst s1  }
0xa: {  	[smem:$0x3FB0] =	sst s2  }
0xb: {  	[smem:$0x3FB1] =	sst s3  }
0xc: {  	[smem:$0x3FB2] =	sst s4  }
0xd: {  	[smem:$0x3FB3] =	sst s5  }
0xe: {  	[smem:$0x3FB4] =	sst s6  }
0xf: {  	[smem:$0x3FB5] =	sst s7  }
0x10: {  	[smem:$0x3FB6] =	sst s8  }
0x11: {  	[smem:$0x3FB7] =	sst s9;
	s0 =	simm.s32 @!p0 $0x0  }
0x12: {  	s1 =	sld [smem:$0x3F9D];
	s0 =	simm.s32 @p0 $0x1  }
0x13: {  	[smem:$0x3FB8] =	sst s0;
	s0 =	simm.s32 @!p1 $0x0  }
0x14: {  	s2 =	sld [smem:$0x3F9C];
	s0 =	simm.s32 @p1 $0x1  }
0x15: {  	[smem:$0x3FB9] =	sst s0;
	s0 =	simm.s32 @!p2 $0x0  }
0x16: {  	s3 =	sld [smem:$0x3FDB];
	s0 =	simm.s32 @p2 $0x1  }
0x17: {  	s4 =	simm.s32 $0x1BF5;
	[smem:$0x3FBB] =	sst s0  }
0x18: {  	s0 =	sld [smem:$0x3F9E];
	_ =	swait.ge [sflag:s4], $0x0  }
0x19: {  	s7 =	sld [smem:$0x3F9F]  }
0x1a: {  	s8 =	sadd.s32 $0xFFFFE003, lr  }
0x1b: {  	s9 =	sadd.s32 $0xFFFFFEF7, lr;
	s5 =	simm.s32 $0xFFFFFFFF;
	p2 =	slt.u32 s8, $0xFFFFF086  }
0x1c: {  	p1 =	slt.u32 s9, $0xF7A;
	s5 =	simm.s32 @!p2 $0x0  }
0x1d: {  	s5 =	simm.s32 @p1 $0x1;
	p0 =	seq.s32 s7, s2  }
0x1e: {  	s7 =	smul.u32 @!p0 $0xF7A, s2;
	p2 =	seq.s32 @!p0 s5, $0x0  }
0x1f: {  	s9 =	smul.u32 $0xF7A, s1;
	s8 =	simm.s32 @!p0 $0x1BF5;
	p2 =	por !p2, p0  }
0x20: {  	[sflag:s8] =	ssyncset.s32 @!p0 $0xFFFFF086;
	s6 =	sadd.s32 @!p0 s3, s7;
	s7 =	simm.s32 @!p0 $0x108  }
0x21: {  	s3 =	sadd.s32 s3, s9;
	s6 =	sadd.s32 @!p0 $0x88, s6;
	s7 =	simm.s32 @p2 $0x1082  }
0x22: {  	[simem:s7], [sflag:s8] =	dma.local @!p0 [hbm:s6], $0xF7A  }
0x23: {  	s9 =	sor.u32 $0xD0000000, s2;
	s6 =	simm.s32 $0x108;
	_ =	swait.ge @!p0 [sflag:s8], $0x0  }
0x24: {  	s3 =	sadd.s32 $0x88, s3;
	s6 =	simm.s32 @!p1 $0x1082;
	[sflag:s4] =	ssyncset.s32 $0xFFFFF086  }
0x25: {  	[simem:s6], [sflag:s4] =	dma.local [hbm:s3], $0xF7A  }
0x26: {  	[smem:$0x3F9F] =	sst s1;
	(tag) =	ssettag s2;
	_ =	strace s9  }
0x27: {  	s1 =	sld [smem:$0x3FAF]  }
0x28: {  	s2 =	sld [smem:$0x3FB0]  }
0x29: {  	s4 =	sld [smem:$0x3FB2]  }
0x2a: {  	p0 =	seq.s32 s5, $0x0;
	s5 =	sld [smem:$0x3FB3]  }
0x2b: {  	s6 =	sld [smem:$0x3FB4]  }
0x2c: {  	s7 =	sld [smem:$0x3FB5]  }
0x2d: {  	s3 =	simm.s32 $0x108;
	s8 =	sld [smem:$0x3FB6]  }
0x2e: {  	s3 =	simm.s32 @!p0 $0x1082;
	s9 =	sld [smem:$0x3FB7]  }
0x2f: {  	lr =	sadd.s32 s0, s3;
	s0 =	sld [smem:$0x3FAE]  }
0x30: {  	s3 =	sld [smem:$0x3FB1]  }
0x31: {  	[smem:$0x3FBA] =	sst s10  }
0x32: {  	s10 =	sld [smem:$0x3FB8];
	_ =	sdelay $0x3  }
0x33: {  	p0 =	seq.s32 s10, $0x1;
	s10 =	sld [smem:$0x3FBA];
	_ =	sdelay $0x3  }
0x34: {  	[smem:$0x3FBA] =	sst s10  }
0x35: {  	s10 =	sld [smem:$0x3FB9];
	_ =	sdelay $0x3  }
0x36: {  	p1 =	seq.s32 s10, $0x1;
	s10 =	sld [smem:$0x3FBA];
	_ =	sdelay $0x3  }
0x37: {  	[smem:$0x3FBA] =	sst s10  }
0x38: {  	s10 =	sld [smem:$0x3FBB]  }
0x39: {  	_ = 	snop;
	(pc) =	sbr.ind lr, $3  }
0x3a: {  	_ = 	snop  }
0x3b: {  	_ = 	snop  }
0x3c: {  	p2 =	seq.s32 s10, $0x1;
	s10 =	sld [smem:$0x3FBA]  }
0x3d: {  	_ =	shalt  }
0x3e: {  	_ =	shalt  }
0x3f: {  	_ =	shalt  }
0x40: {  	_ =	shalt  }
0x41: {  	_ =	shalt  }
0x42: {  	_ =	shalt  }
0x43: {  	_ =	shalt  }
0x44: {  	_ =	shalt  }
0x45: {  	_ =	shalt  }
0x46: {  	_ =	shalt  }
0x47: {  	_ =	shalt  }
0x48: {  	_ =	shalt  }
0x49: {  	_ =	shalt  }
0x4a: {  	_ =	shalt  }
0x4b: {  	_ =	shalt  }
0x4c: {  	_ =	shalt  }
0x4d: {  	_ =	shalt  }
0x4e: {  	_ =	shalt  }
0x4f: {  	_ =	shalt  }
0x50: {  	_ =	shalt  }
0x51: {  	_ =	shalt  }
0x52: {  	_ =	shalt  }
0x53: {  	_ =	shalt  }
0x54: {  	_ =	shalt  }
0x55: {  	_ =	shalt  }
0x56: {  	_ =	shalt  }
0x57: {  	_ =	shalt  }
0x58: {  	_ =	shalt  }
0x59: {  	_ =	shalt  }
0x5a: {  	_ =	shalt  }
0x5b: {  	_ =	shalt  }
0x5c: {  	_ =	shalt  }
0x5d: {  	_ =	shalt  }
0x5e: {  	_ =	shalt  }
0x5f: {  	_ =	shalt  }
0x60: {  	_ =	shalt  }
0x61: {  	_ =	shalt  }
0x62: {  	_ =	shalt  }
0x63: {  	_ =	shalt  }
0x64: {  	_ =	shalt  }
0x65: {  	_ =	shalt  }
0x66: {  	_ =	shalt  }
0x67: {  	_ =	shalt  }
0x68: {  	_ =	shalt  }
0x69: {  	_ =	shalt  }
0x6a: {  	_ =	shalt  }
0x6b: {  	_ =	shalt  }
0x6c: {  	_ =	shalt  }
0x6d: {  	_ =	shalt  }
0x6e: {  	_ =	shalt  }
0x6f: {  	_ =	shalt  }
0x70: {  	_ =	shalt  }
0x71: {  	_ =	shalt  }
0x72: {  	_ =	shalt  }
0x73: {  	_ =	shalt  }
0x74: {  	_ =	shalt  }
0x75: {  	_ =	shalt  }
0x76: {  	_ =	shalt  }
0x77: {  	_ =	shalt  }
0x78: {  	_ =	shalt  }
0x79: {  	_ =	shalt  }
0x7a: {  	_ =	shalt  }
0x7b: {  	_ =	shalt  }
0x7c: {  	_ =	shalt  }
0x7d: {  	_ =	shalt  }
0x7e: {  	_ =	shalt  }
0x7f: {  	_ =	shalt  }
0x80: {  	_ =	shalt  }
0x81: {  	_ =	shalt  }
0x82: {  	_ =	shalt  }
0x83: {  	_ =	shalt  }
0x84: {  	_ =	shalt  }
0x85: {  	_ =	shalt  }
0x86: {  	_ =	shalt  }
0x87: {  	_ =	shalt  }
.Lfunc_end0:
.L_simem_size_0:
called_computation_lowered:
.L_overlay_start_0:
0x88: {  	s2 =	sld [smem:$0x3FD9]  }
0x89: {  	s3 =	sld [smem:$0x3FFE];
	_ =	sdelay $0x1  }
0x8a: {  	s1 =	srdreg.scid  }
0x8b: {  	s0 =	sand.u32 $0x1, s1  }
0x8c: {  	s18 =	sshll.u32 s0, $0xA;
	s2 =	sadd.s32 s3, s2  }
0x8d: {  	s2 =	sadd.s32 s2, s18  }
0x8e: {  	[smem:$0x3FC6] =	sst s2  }
0x8f: {  	_ = 	snop  }
0x90: {  	s2 =	sld [smem:$0x3FC9]  }
0x91: {  	s19 =	sld [smem:$0x3FC8]  }
0x92: {  	s4 =	sld [smem:$0x3FD0];
	(tm) =	ssettm $0x1  }
0x93: {  	s5 =	sld [smem:$0x3FFB];
	_ =	sdelay $0x3  }
0x94: {  	_ =	strace s5  }
0x95: {  	s5 =	sld [smem:$0x3FFC];
	_ =	sdelay $0x3  }
0x96: {  	_ =	strace s5  }
0x97: {  	s5 =	sld [smem:$0x3FFD];
	_ =	sdelay $0x3  }
0x98: {  	_ =	strace s5  }
0x99: {  	_ =	strace $0x8FFFFFFF  }
0x9a: {  	s20 =	sld [smem:$0x3FDB];
	_ =	sdelay $0x1  }
0x9b: {  	s6 =	simm.s32 $_scs_section_size  }
0x9c: {  	s7 =	simm.s32 $_size__tile_overlayer_lowered;
	s8 =	simm.s32 $_tile_overlayer_lowered  }
0x9d: {  	s23 =	simm.s32 $0x1BFF;
	s22 =	sshll.u32 s8, $0x1;
	s5 =	sadd.s32 s6, s20  }
0x9e: {  	s9 =	simm.s32 $0x0;
	s21 =	sshll.u32 s7, $0x1;
	s7 =	sadd.s32 s22, s5  }
0x9f: {  	[timem:s9], [sflag:s23] =	dma.local [hbm:s7], s21  }
0xa0: {  	_ =	swait.ge [sflag:s23], s21  }
0xa1: {  	s6 =	ssub.s32 $0x0, s21;
	[sflag:s23] =	ssyncset.done $0x0  }
0xa2: {  	[sflag:s23] =	ssyncadd.s32 s6;
	_ =	sdelay $0x1  }
0xa3: {  	s24 =	simm.s32 $0x1B8B  }
0xa4: {  	_ =	swait.ge [sflag:s24], $0x1  }
0xa5: {  	[sflag:s24] =	ssyncset.done $0x0  }
0xa6: {  	s25 =	simm.s32 $0x1B8E;
	[sflag:s24] =	ssyncadd.s32 $0xFFFFFFFF  }
0xa7: {  	s26 =	simm.s32 $execute0_lowered;
	[smem:$0x3FD2] =	sst s25  }
0xa8: {  	s6 =	sshll.u32 s26, $0x1;
	_ =	strace $0x80000046;
	[dreg:$0x1] =	wrdreg $0xFFFFFFFF  }
0xa9: {  	s28 =	simm.s32 $_size_execute0_lowered;
	s5 =	sadd.s32 s5, s6;
	[dreg:$0x0] =	wrdreg $0x0  }
0xaa: {  	s6 =	sshll.u32 s28, $0x1;
	[dreg:$0x2] =	wrdreg s5  }
0xab: {  	[dreg:$0x3] =	wrdreg s6  }
0xac: {  	[dreg:$0x4] =	wrdreg $0xC0  }
0xad: {  	_ =	task [dreg:s9], $0x5FFFF  }
0xae: {  	[dreg:$0x1] =	wrdreg $0xFFFFFFFF  }
0xaf: {  	[dreg:$0x0] =	wrdreg $0x60  }
0xb0: {  	[dreg:$0x2] =	wrdreg s2  }
0xb1: {  	[dreg:$0x3] =	wrdreg s19  }
0xb2: {  	[dreg:$0x4] =	wrdreg s4  }
0xb3: {  	[dreg:$0x5] =	wrdreg $0x9  }
0xb4: {  	_ =	task.clear_ibuf [dreg:s9], $0x6FFFF;
	_ =	strace $0x90000046  }
0xb5: {  	s29 =	simm.s32 $0x9;
	_ =	strace $0x80000048  }
0xb6: {  	_ =	swait.ge [sflag:s29], $0x1  }
0xb7: {  	[sflag:s29] =	ssyncadd.s32 $0xFFFFFFFF  }
0xb8: {  	_ =	strace $0x90000048  }
0xb9: {  	_ =	sfence  }
0xba: {  	s30 =	sld [smem:$0x0];
	_ =	sdelay $0x2  }
0xbb: {  	s31 =	sshll.u32 s1, $0xD;
	s1 =	sshrl.u32 s1, $0x2  }
0xbc: {  	s3 =	sand.u32 $0x4000, s31;
	s1 =	sadd.s32 s1, s30  }
0xbd: {  	s0 =	sor.u32 s3, s0;
	s1 =	sshll.u32 s1, $0x11  }
0xbe: {  	s0 =	sor.u32 s1, s0  }
0xbf: {  	s0 =	sadd.s32 $0x8F2B, s0  }
0xc0: {  	[sflag:s0] =	ssyncadd.remote.s32 $0x1  }
0xc1: {  	_ =	sfence.sel $0xFFFF  }
0xc2: {  	[dreg:$0x0] =	wrdreg $0xFFFFFFFF;
	(pc) =	sbr.abs _section_cstart, $3  }
0xc3: {  	[dreg:$0x1] =	wrdreg $0xFFFFFFFF  }
0xc4: {  	_ =	task.clear_ibuf [dreg:s9], $0x2FFFF;
	_ =	strace $0x9FFFFFFF  }
0xc5: {  	(tm) =	ssettm $0x7FFFFFFF  }
tec
execute0_lowered:
.L_overlay_start_1:
0x0: {  	(tag) =	ssettag $0x1  }
0x1: {  	s1 =	rddreg [dreg:$0x0]  }
0x2: {  	s4 =	rddreg [dreg:$0x1]  }
0x3: {  	s6 =	rddreg [dreg:$0x2]  }
0x4: {  	s0 =	rddreg [dreg:$0x3]  }
0x5: {  	s5 =	srdreg.scid;
	s2 =	stileid.u32;
	s3 =	simm.s32 $0x0  }
0x6: {  	s10 =	simm.s32 $0x12080;
	s11 =	simm.s32 $0x400;
	s12 =	simm.s32 $0x8000  }
0x7: {  	vm0 =	vmmov $0x1;
	vm1 =	vcmask $0x308;
	vm2 =	vcmask $0x70C;
	s13 =	simm.s32 $0x0;
	s5 =	sand.u32 $0x1, s5;
	s7 =	sshll.u32 s2, $0x1  }
.Ltmp0:
0x8: {  	vm3 =	vcmask $0xB10;
	vm4 =	vcmask $0xF14;
	vm5 =	vcmask $0x1318;
	[smem:$0x7FF] =	sst s3;
	s8 =	ssub.s32 $0x2, s5;
	(pc) =	sbr.rel .LBB2_1-.Ltmp0, $4  }
0x9: {  	vm6 =	vcmask $0x171C;
	vm7 =	vcmask $0x1B20;
	vm8 =	vcmask $0x1F24;
	s5 =	sor.u32 s5, s7;
	_ =	strace $0x80000047;
	s30 =	sshrl.u32 s8, $0x1  }
0xa: {  	vm9 =	vcmask $0x2328;
	vm10 =	vcmask $0x272C;
	vm11 =	vcmask $0x2B30;
	s9 =	sshll.u32 s5, $0x4;
	s31 =	sshll.u32 s5, $0x7;
	s5 =	sshll.u32 s5, $0xA  }
0xb: {  	vm12 =	vcmask $0x2F34;
	vm13 =	vcmask $0x3338;
	v0 =	vlaneseq.u32;
	s7 =	ssub.s32 s8, s30;
	s4 =	sadd.s32 s4, s9;
	s6 =	sadd.s32 s6, s31  }
0xc: {  	vm14 =	vcmask $0x373C;
	vm15 =	vmmov $0x7fff;
	v0 =	vmul.u32 $0x80, v0;
	s8 =	simm.s32 $0xA;
	s9 =	simm.s32 $0xFFFFFFFF;
	s7 =	smax.u32 s7, $0x1  }
.LBB2_24:
0xd: {  	s13 =	sadd.s32 $0x1, s13  }
0xe: {  	p0 =	sne.s32 s13, s7  }
.Ltmp1:
0xf: {  	_ = 	snop;
	(pc) =	sbr.rel @!p0 .LBB2_25-.Ltmp1, $4  }
0x10: {  	[hbm4b:s6+s11] =	stream.strided.scatter [tilespmem:s10], [sflag:$0xA], $0x2000, s12, s11, $0x38;
	[tilespmem:$0x14080] =	vst v63  }
0x11: {  	_ =	swait.ge [sflag:s8], $0x2000  }
0x12: {  	[sflag:s8] =	ssyncset.done $0x0  }
0x13: {  	[sflag:s8] =	ssyncadd.s32 $0xFFFFE000  }
.LBB2_1:
0x14: {  	[tilespmem:s3], [sflag:$0xA] =	stream.linear.gather [hbm4b:s4+s3], $0x80, $0x38;
	[tilespmem:$0x14080] =	vst v63  }
0x15: {  	_ =	swait.ge [sflag:s8], $0x80  }
0x16: {  	[sflag:s8] =	ssyncset.done $0x0  }
0x17: {  	s15 =	simm.s32 $0x4;
	s14 =	simm.s32 $0x0;
	[sflag:s8] =	ssyncadd.s32 $0xFFFFFF80  }
.LBB2_2:
0x18: {  	p0 =	sne.s32 s15, $0x31C  }
0x19: {  	[smem:s14+$0x80] =	sst s9;
	s14 =	smov.u32 s15;
	s15 =	sadd.s32 $0x4, s15  }
.Ltmp2:
0x1a: {  	(pc) =	sbr.rel @p0 .LBB2_2-.Ltmp2, $2  }
0x1b: {  	_ =	sdelay $0x2  }
0x1c: {  	s14 =	sshra.s32 s14, $0x2  }
0x1d: {  	v1 =	vld [tilespmem:$0x0];
	_ =	sdelay $0x4  }
0x1e: {  	v2 =	vnsel vm0, $0x0, v1  }
0x1f: {  	v3 =	vsel vm1, $0x0, v1;
	v2 =	vxor.u32 $0x80000000, v2  }
0x20: {  	(xrf0) =	vmax.scan.msk.u32 $0xffff, v2;
	v2 =	vxor.u32 $0x80000000, v3;
	v3 =	vsel vm2, $0x0, v1  }
0x21: {  	(xrf0) =	vmax.scan.msk.u32 $0xffff, v2;
	v2 =	vxor.u32 $0x80000000, v3;
	v3 =	vsel vm3, $0x0, v1  }
0x22: {  	(xrf0) =	vmax.scan.msk.u32 $0xffff, v2;
	v2 =	vxor.u32 $0x80000000, v3;
	v3 =	vsel vm4, $0x0, v1  }
0x23: {  	(xrf0) =	vmax.scan.msk.u32 $0xffff, v2;
	v2 =	vxor.u32 $0x80000000, v3;
	v3 =	vsel vm5, $0x0, v1  }
0x24: {  	(xrf0) =	vmax.scan.msk.u32 $0xffff, v2;
	v2 =	vxor.u32 $0x80000000, v3;
	v3 =	vsel vm6, $0x0, v1  }
0x25: {  	(xrf0) =	vmax.scan.msk.u32 $0xffff, v2;
	v2 =	vxor.u32 $0x80000000, v3;
	v3 =	vsel vm7, $0x0, v1  }
0x26: {  	v4, _, _ =	vpop (xrf0);
	(xrf0) =	vmax.scan.msk.u32 $0xffff, v2;
	v2 =	vxor.u32 $0x80000000, v3;
	v3 =	vsel vm8, $0x0, v1  }
0x27: {  	v57, _, _ =	vpop (xrf0);
	(xrf0) =	vmax.scan.msk.u32 $0xffff, v2;
	v2 =	vxor.u32 $0x80000000, v3;
	v3 =	vsel vm9, $0x0, v1  }
0x28: {  	(v2sf) =	vpush v4, $0xF;
	v58, _, _ =	vpop (xrf0);
	(xrf0) =	vmax.scan.msk.u32 $0xffff, v2;
	v2 =	vxor.u32 $0x80000000, v3;
	v3 =	vsel vm10, $0x0, v1  }
0x29: {  	(v2sf) =	vpush v57, $0xF;
	v59, _, _ =	vpop (xrf0);
	(xrf0) =	vmax.scan.msk.u32 $0xffff, v2;
	v2 =	vxor.u32 $0x80000000, v3;
	v3 =	vsel vm11, $0x0, v1  }
0x2a: {  	(v2sf) =	vpush v58, $0xF;
	v60, _, _ =	vpop (xrf0);
	(xrf0) =	vmax.scan.msk.u32 $0xffff, v2;
	v2 =	vxor.u32 $0x80000000, v3;
	v3 =	vsel vm12, $0x0, v1  }
0x2b: {  	(v2sf) =	vpush v59, $0xF;
	v61, _, _ =	vpop (xrf0);
	(xrf0) =	vmax.scan.msk.u32 $0xffff, v2;
	v2 =	vxor.u32 $0x80000000, v3;
	v3 =	vsel vm13, $0x0, v1  }
0x2c: {  	(v2sf) =	vpush v60, $0xF;
	v62, _, _ =	vpop (xrf0);
	(xrf0) =	vmax.scan.msk.u32 $0xffff, v2;
	v2 =	vxor.u32 $0x80000000, v3;
	v3 =	vsel vm14, $0x0, v1  }
0x2d: {  	(v2sf) =	vpush v61, $0xF;
	v1 =	vsel vm15, $0x0, v1;
	v63, _, _ =	vpop (xrf0);
	(xrf0) =	vmax.scan.msk.u32 $0xffff, v2;
	v2 =	vxor.u32 $0x80000000, v3  }
0x2e: {  	(v2sf) =	vpush v62, $0xF;
	v1 =	vxor.u32 $0x80000000, v1  }
0x2f: {  	(v2sf) =	vpush v63, $0xF;
	v3, _, _ =	vpop (xrf0);
	(xrf0) =	vmax.scan.msk.u32 $0xffff, v2  }
0x30: {  	(v2sf) =	vpush v3, $0xF;
	v2, _, _ =	vpop (xrf0);
	(xrf0) =	vmax.scan.msk.u32 $0xffff, v1  }
0x31: {  	v1, _, _ =	vpop (xrf0);
	(v2sf) =	vpush v2, $0xF  }
0x32: {  	v2, _, _ =	vpop (xrf0);
	(v2sf) =	vpush v1, $0xF  }
0x33: {  	v1, _, _ =	vpop (xrf0);
	(v2sf) =	vpush v2, $0xF  }
0x34: {  	v2, _, _ =	vpop (xrf0);
	(v2sf) =	vpush v1, $0xF  }
0x35: {  	v1, _, _ =	vpop (xrf0);
	(v2sf) =	vpush v2, $0xF  }
0x36: {  	(v2sf) =	vpush v1, $0xF;
	v1, _, _ =	vpop (xrf0)  }
0x37: {  	s15 =	spop (v2sf);
	(v2sf) =	vpush v1, $0xF  }
0x38: {  	[smem:s14+$0x80] =	sst s9;
	s16 =	spop (v2sf);
	s30 =	sxor.u32 $0x80000000, s15  }
0x39: {  	s31 =	spop (v2sf);
	[smem:$0x0] =	sst s30;
	s17 =	sxor.u32 $0x80000000, s16  }
0x3a: {  	s18 =	spop (v2sf);
	[smem:$0x1] =	sst s17;
	s19 =	sxor.u32 $0x80000000, s31  }
0x3b: {  	s20 =	spop (v2sf);
	[smem:$0x2] =	sst s19;
	s21 =	sxor.u32 $0x80000000, s18  }
0x3c: {  	s22 =	spop (v2sf);
	[smem:$0x3] =	sst s21;
	s23 =	sxor.u32 $0x80000000, s20  }
0x3d: {  	s24 =	spop (v2sf);
	[smem:$0x4] =	sst s23;
	s25 =	sxor.u32 $0x80000000, s22  }
0x3e: {  	s26 =	spop (v2sf);
	[smem:$0x5] =	sst s25;
	s28 =	sxor.u32 $0x80000000, s24  }
0x3f: {  	[smem:$0x6] =	sst s28;
	s30 =	sxor.u32 $0x80000000, s26;
	s29 =	spop (v2sf)  }
0x40: {  	[smem:$0x7] =	sst s30;
	s31 =	spop (v2sf);
	s17 =	sxor.u32 $0x80000000, s29  }
0x41: {  	s18 =	spop (v2sf);
	[smem:$0x8] =	sst s17;
	s19 =	sxor.u32 $0x80000000, s31  }
0x42: {  	s20 =	spop (v2sf);
	[smem:$0x9] =	sst s19;
	s21 =	sxor.u32 $0x80000000, s18  }
0x43: {  	s22 =	spop (v2sf);
	[smem:$0xA] =	sst s21;
	s23 =	sxor.u32 $0x80000000, s20  }
0x44: {  	s24 =	spop (v2sf);
	[smem:$0xB] =	sst s23;
	s25 =	sxor.u32 $0x80000000, s22  }
0x45: {  	s26 =	spop (v2sf);
	[smem:$0xC] =	sst s25;
	s28 =	sxor.u32 $0x80000000, s24  }
0x46: {  	[smem:$0xD] =	sst s28;
	s29 =	sxor.u32 $0x80000000, s26;
	s30 =	spop (v2sf)  }
0x47: {  	[smem:$0xE] =	sst s29;
	s31 =	sxor.u32 $0x80000000, s30  }
0x48: {  	[smem:$0xF] =	sst s31  }
0x49: {  	s14 =	sld [smem:$0x0];
	_ =	sdelay $0x2  }
0x4a: {  	s15 =	sld [smem:s14+$0x80];
	_ =	sdelay $0x2  }
0x4b: {  	p0 =	sgt.s32 s15, $0xFFFFFFFF  }
0x4c: {  	s16 =	sld @p0 [smem:s15+$0x200];
	_ =	sdelay $0x1  }
0x4d: {  	s17 =	simm.s32 $0x280;
	p1 =	por @!p0 $0x0, $0x0  }
0x4e: {  	s19 =	simm.s32 $0x0;
	p1 =	por p1, p0;
	[smem:s17] =	sst @p0 s16  }
0x4f: {  	s16 =	simm.s32 @!p1 $0x0;
	[smem:s15+$0x200] =	sst @p0 s19;
	s15 =	smulhi.u32 @!p1 $0x38E38E39, s19  }
0x50: {  	s16 =	smul.u32 @!p1 $0x38E38E39, s16;
	[smem:s14+$0x80] =	sst @!p0 s19  }
0x51: {  	[smem:$0x180] =	sst @!p0 s14  }
0x52: {  	[smem:$0x200] =	sst @!p0 s19;
	s14 =	simm.s32 @!p0 $0xFFFFFFFF;
	s15 =	sadd.s32 @!p1 s16, s15  }
0x53: {  	[smem:s17] =	sst @!p0 s14;
	s14 =	sshrl.u32 @!p1 s15, $0x1F;
	s16 =	sshra.s32 @!p1 s15, $0x1  }
0x54: {  	s18 =	simm.s32 $0x2;
	s17 =	sld @!p1 [smem:$0x180];
	s16 =	sadd.s32 @!p1 s14, s16  }
0x55: {  	s14 =	simm.s32 @!p0 $0x1;
	s20 =	sld [smem:$0x1];
	s21 =	smul.u32 @!p1 $0x9, s16  }
0x56: {  	s15 =	simm.s32 $0x1;
	s14 =	smov.u32 @p0 s19;
	s16 =	simm.s32 @!p1 $0x400  }
0x57: {  	s19 =	simm.s32 @!p1 $0x8000;
	s17 =	sshll.u32 @!p1 s17, $0x12;
	s21 =	ssub.s32 @!p1 $0x0, s21  }
0x58: {  	s23 =	sld [smem:s20+$0x80];
	s17 =	sor.u32 @!p1 s5, s17;
	s24 =	sshll.u32 @!p1 s21, $0xF  }
0x59: {  	s22 =	sadd.s32 @!p1 $0x1, s21;
	s17 =	sshrl.u32 @!p1 s17, $0x3;
	s21 =	simm.s32 $0x1  }
0x5a: {  	s25 =	sshra.s32 @!p1 s24, $0x2;
	s24 =	sadd.s32 @!p1 s1, s17;
	s17 =	simm.s32 $0x281  }
.LBB2_4:
0x5b: {  	s26 =	smov.u32 s14;
	p2 =	sgt.s32 s23, $0xFFFFFFFF;
	s25 =	sor.u32 @!p1 $0x80, s25  }
0x5c: {  	s28 =	smov.u32 s18;
	s18 =	sadd.s32 $0x1, s18;
	s29 =	smov.u32 s14  }
0x5d: {  	p3 =	sgt.s32 @!p2 s14, $0x7;
	s14 =	sadd.s32 @!p2 $0x1, s14;
	s30 =	sld @p2 [smem:s23+$0x200]  }
0x5e: {  	[tilespmem:s25], [sflag:s22] =	stream.strided.gather @!p1 [hbm4b:s24+s16], $0x2000, s19, s16, $0x38;
	[tilespmem:$0x14080] =	vst v63  }
0x5f: {  	p0 =	sne.s32 s18, $0x10;
	s14 =	smov.u32 @p2 s26  }
0x60: {  	[smem:s17] =	sst @p2 s30  }
0x61: {  	p1 =	por p3, p2;
	[smem:s23+$0x200] =	sst @p2 s15  }
0x62: {  	s22 =	smulhi.u32 @!p1 $0x38E38E39, s29;
	s16 =	sshra.s32 @!p1 s29, $0x1F;
	[smem:s20+$0x80] =	sst @!p2 s29  }
0x63: {  	[smem:s29+$0x180] =	sst @!p2 s20;
	s20 =	smul.u32 @!p1 $0x38E38E39, s16;
	s16 =	simm.s32 @!p1 $0x400  }
0x64: {  	s19 =	simm.s32 @!p1 $0x8000;
	[smem:s29+$0x200] =	sst @!p2 s15;
	s15 =	simm.s32 @!p2 $0xFFFFFFFF  }
0x65: {  	[smem:s17] =	sst @!p2 s15;
	s15 =	sadd.s32 @!p1 s20, s22  }
0x66: {  	s21 =	sadd.s32 $0x1, s21;
	s23 =	sshrl.u32 @!p1 s15, $0x1F;
	s15 =	sshra.s32 @!p1 s15, $0x1  }
0x67: {  	s22 =	sld @!p1 [smem:s29+$0x180];
	s23 =	sadd.s32 @!p1 s23, s15  }
0x68: {  	s20 =	sld [smem:s21+$0x0];
	s15 =	smov.u32 s28;
	s24 =	smul.u32 @!p1 $0x9, s23  }
.Ltmp3:
0x69: {  	(pc) =	sbr.rel @p0 .LBB2_4-.Ltmp3, $4  }
0x6a: {  	s22 =	sshll.u32 @!p1 s22, $0x12  }
0x6b: {  	s23 =	sld [smem:s20+$0x80];
	s25 =	sor.u32 @!p1 s5, s22;
	s22 =	ssub.s32 @!p1 s29, s24  }
0x6c: {  	s24 =	sshll.u32 @!p1 s22, $0xF;
	s22 =	sadd.s32 @!p1 $0x1, s22;
	s26 =	sshrl.u32 @!p1 s25, $0x3  }
0x6d: {  	s17 =	sadd.s32 $0x1, s17;
	s25 =	sshra.s32 @!p1 s24, $0x2;
	s24 =	sadd.s32 @!p1 s1, s26  }
0x6e: {  	p0 =	sgt.s32 s23, $0xFFFFFFFF  }
0x6f: {  	s18 =	sld @p0 [smem:s23+$0x200];
	_ =	sdelay $0x1  }
0x70: {  	p2 =	sgt.s32 @!p0 s14, $0x7  }
0x71: {  	p2 =	por p2, p0;
	[smem:s17] =	sst @p0 s18  }
0x72: {  	s21 =	sshra.s32 @!p2 s14, $0x1F;
	s18 =	smulhi.u32 @!p2 $0x38E38E39, s14;
	[smem:s23+$0x200] =	sst @p0 s15  }
0x73: {  	s21 =	smul.u32 @!p2 $0x38E38E39, s21;
	[smem:s20+$0x80] =	sst @!p0 s14  }
0x74: {  	[smem:s14+$0x180] =	sst @!p0 s20  }
0x75: {  	s18 =	sadd.s32 @!p2 s21, s18;
	[smem:s14+$0x200] =	sst @!p0 s15;
	s15 =	simm.s32 @!p0 $0xFFFFFFFF  }
0x76: {  	[smem:s17] =	sst @!p0 s15;
	s15 =	sshrl.u32 @!p2 s18, $0x1F;
	s17 =	sshra.s32 @!p2 s18, $0x1  }
0x77: {  	s18 =	sld @!p2 [smem:s14+$0x180];
	s15 =	sadd.s32 @!p2 s15, s17  }
0x78: {  	s17 =	sor.u32 @!p1 $0x80, s25;
	s15 =	smul.u32 @!p2 $0x9, s15  }
0x79: {  	[tilespmem:s17], [sflag:s22] =	stream.strided.gather @!p1 [hbm4b:s24+s16], $0x2000, s19, s16, $0x38;
	[tilespmem:$0x14080] =	vst v63  }
0x7a: {  	s16 =	sshll.u32 @!p2 s18, $0x12;
	s15 =	ssub.s32 @!p2 s14, s15  }
0x7b: {  	s17 =	simm.s32 @!p2 $0x400;
	s16 =	sor.u32 @!p2 s5, s16;
	s18 =	sshll.u32 @!p2 s15, $0xF  }
0x7c: {  	s19 =	simm.s32 @!p2 $0x8000;
	s16 =	sshrl.u32 @!p2 s16, $0x3;
	s18 =	sshra.s32 @!p2 s18, $0x2  }
0x7d: {  	s15 =	sadd.s32 @!p2 $0x1, s15;
	s16 =	sadd.s32 @!p2 s1, s16;
	s18 =	sor.u32 @!p2 $0x80, s18  }
0x7e: {  	[tilespmem:s18], [sflag:s15] =	stream.strided.gather @!p2 [hbm4b:s16+s17], $0x2000, s19, s17, $0x38;
	[tilespmem:$0x14080] =	vst v63  }
0x7f: {  	v1 =	vld [tilespmem:$0x10];
	_ =	sdelay $0x4  }
0x80: {  	v2 =	vnsel vm0, $0x0, v1  }
0x81: {  	v3 =	vsel vm1, $0x0, v1;
	v2 =	vxor.u32 $0x80000000, v2  }
0x82: {  	(xrf0) =	vmax.scan.msk.u32 $0xffff, v2;
	v2 =	vxor.u32 $0x80000000, v3;
	v3 =	vsel vm2, $0x0, v1  }
0x83: {  	(xrf0) =	vmax.scan.msk.u32 $0xffff, v2;
	v2 =	vxor.u32 $0x80000000, v3;
	v3 =	vsel vm3, $0x0, v1  }
0x84: {  	(xrf0) =	vmax.scan.msk.u32 $0xffff, v2;
	v2 =	vxor.u32 $0x80000000, v3;
	v3 =	vsel vm4, $0x0, v1  }
0x85: {  	(xrf0) =	vmax.scan.msk.u32 $0xffff, v2;
	v2 =	vxor.u32 $0x80000000, v3;
	v3 =	vsel vm5, $0x0, v1  }
0x86: {  	(xrf0) =	vmax.scan.msk.u32 $0xffff, v2;
	v2 =	vxor.u32 $0x80000000, v3;
	v3 =	vsel vm6, $0x0, v1  }
0x87: {  	(xrf0) =	vmax.scan.msk.u32 $0xffff, v2;
	v2 =	vxor.u32 $0x80000000, v3;
	v3 =	vsel vm7, $0x0, v1  }
0x88: {  	v4, _, _ =	vpop (xrf0);
	(xrf0) =	vmax.scan.msk.u32 $0xffff, v2;
	v2 =	vxor.u32 $0x80000000, v3;
	v3 =	vsel vm8, $0x0, v1  }
0x89: {  	v57, _, _ =	vpop (xrf0);
	(xrf0) =	vmax.scan.msk.u32 $0xffff, v2;
	v2 =	vxor.u32 $0x80000000, v3;
	v3 =	vsel vm9, $0x0, v1  }
0x8a: {  	(v2sf) =	vpush v4, $0xF;
	v58, _, _ =	vpop (xrf0);
	(xrf0) =	vmax.scan.msk.u32 $0xffff, v2;
	v2 =	vxor.u32 $0x80000000, v3;
	v3 =	vsel vm10, $0x0, v1  }
0x8b: {  	(v2sf) =	vpush v57, $0xF;
	v59, _, _ =	vpop (xrf0);
	(xrf0) =	vmax.scan.msk.u32 $0xffff, v2;
	v2 =	vxor.u32 $0x80000000, v3;
	v3 =	vsel vm11, $0x0, v1  }
0x8c: {  	(v2sf) =	vpush v58, $0xF;
	v60, _, _ =	vpop (xrf0);
	(xrf0) =	vmax.scan.msk.u32 $0xffff, v2;
	v2 =	vxor.u32 $0x80000000, v3;
	v3 =	vsel vm12, $0x0, v1  }
0x8d: {  	(v2sf) =	vpush v59, $0xF;
	v61, _, _ =	vpop (xrf0);
	(xrf0) =	vmax.scan.msk.u32 $0xffff, v2;
	v2 =	vxor.u32 $0x80000000, v3;
	v3 =	vsel vm13, $0x0, v1  }
0x8e: {  	(v2sf) =	vpush v60, $0xF;
	v62, _, _ =	vpop (xrf0);
	(xrf0) =	vmax.scan.msk.u32 $0xffff, v2;
	v2 =	vxor.u32 $0x80000000, v3;
	v3 =	vsel vm14, $0x0, v1  }
0x8f: {  	(v2sf) =	vpush v61, $0xF;
	v1 =	vsel vm15, $0x0, v1;
	v63, _, _ =	vpop (xrf0);
	(xrf0) =	vmax.scan.msk.u32 $0xffff, v2;
	v2 =	vxor.u32 $0x80000000, v3  }
0x90: {  	(v2sf) =	vpush v62, $0xF;
	v1 =	vxor.u32 $0x80000000, v1  }
0x91: {  	(v2sf) =	vpush v63, $0xF;
	v3, _, _ =	vpop (xrf0);
	(xrf0) =	vmax.scan.msk.u32 $0xffff, v2  }
0x92: {  	(v2sf) =	vpush v3, $0xF;
	v2, _, _ =	vpop (xrf0);
	(xrf0) =	vmax.scan.msk.u32 $0xffff, v1  }
0x93: {  	v1, _, _ =	vpop (xrf0);
	(v2sf) =	vpush v2, $0xF  }
0x94: {  	v2, _, _ =	vpop (xrf0);
	(v2sf) =	vpush v1, $0xF  }
0x95: {  	v1, _, _ =	vpop (xrf0);
	(v2sf) =	vpush v2, $0xF  }
0x96: {  	v2, _, _ =	vpop (xrf0);
	(v2sf) =	vpush v1, $0xF  }
0x97: {  	v1, _, _ =	vpop (xrf0);
	(v2sf) =	vpush v2, $0xF  }
0x98: {  	(v2sf) =	vpush v1, $0xF;
	v1, _, _ =	vpop (xrf0)  }
0x99: {  	s29 =	spop (v2sf);
	(v2sf) =	vpush v1, $0xF  }
0x9a: {  	s30 =	spop (v2sf);
	s15 =	sxor.u32 $0x80000000, s29  }
0x9b: {  	s31 =	spop (v2sf);
	[smem:$0x10] =	sst s15;
	s16 =	sxor.u32 $0x80000000, s30  }
0x9c: {  	s18 =	spop (v2sf);
	[smem:$0x11] =	sst s16;
	s19 =	sxor.u32 $0x80000000, s31  }
0x9d: {  	s20 =	spop (v2sf);
	[smem:$0x12] =	sst s19;
	s21 =	sxor.u32 $0x80000000, s18  }
0x9e: {  	s22 =	spop (v2sf);
	[smem:$0x13] =	sst s21;
	s23 =	sxor.u32 $0x80000000, s20  }
0x9f: {  	s24 =	spop (v2sf);
	[smem:$0x14] =	sst s23;
	s25 =	sxor.u32 $0x80000000, s22  }
0xa0: {  	s26 =	spop (v2sf);
	[smem:$0x15] =	sst s25;
	s28 =	sxor.u32 $0x80000000, s24  }
0xa1: {  	[smem:$0x16] =	sst s28;
	s30 =	sxor.u32 $0x80000000, s26;
	s29 =	spop (v2sf)  }
0xa2: {  	[smem:$0x17] =	sst s30;
	s31 =	spop (v2sf);
	s17 =	sxor.u32 $0x80000000, s29  }
0xa3: {  	s18 =	spop (v2sf);
	[smem:$0x18] =	sst s17;
	s19 =	sxor.u32 $0x80000000, s31  }
0xa4: {  	s20 =	spop (v2sf);
	[smem:$0x19] =	sst s19;
	s21 =	sxor.u32 $0x80000000, s18  }
0xa5: {  	s22 =	spop (v2sf);
	[smem:$0x1A] =	sst s21;
	s23 =	sxor.u32 $0x80000000, s20  }
0xa6: {  	s24 =	spop (v2sf);
	[smem:$0x1B] =	sst s23;
	s25 =	sxor.u32 $0x80000000, s22  }
0xa7: {  	s26 =	spop (v2sf);
	[smem:$0x1C] =	sst s25;
	s28 =	sxor.u32 $0x80000000, s24  }
0xa8: {  	[smem:$0x1D] =	sst s28;
	s29 =	sxor.u32 $0x80000000, s26;
	s30 =	spop (v2sf)  }
0xa9: {  	[smem:$0x1E] =	sst s29;
	s31 =	sxor.u32 $0x80000000, s30  }
0xaa: {  	[smem:$0x1F] =	sst s31  }
0xab: {  	s15 =	sld [smem:$0x10];
	_ =	sdelay $0x2  }
0xac: {  	s16 =	sld [smem:s15+$0x80];
	_ =	sdelay $0x2  }
0xad: {  	p2 =	sgt.s32 s16, $0xFFFFFFFF  }
0xae: {  	s17 =	sadd.s32 @!p0 $0x1, s14;
	s18 =	sld @p2 [smem:s16+$0x200]  }
0xaf: {  	s17 =	smov.u32 @p0 s14  }
0xb0: {  	s14 =	simm.s32 $0x290;
	p0 =	sgt.s32 @!p2 s17, $0x7  }
0xb1: {  	s19 =	simm.s32 $0x10;
	p1 =	por p0, p2;
	[smem:s14] =	sst @p2 s18  }
0xb2: {  	s18 =	sshra.s32 @!p1 s17, $0x1F;
	[smem:s16+$0x200] =	sst @p2 s19;
	s16 =	smulhi.u32 @!p1 $0x38E38E39, s17  }
0xb3: {  	s18 =	smul.u32 @!p1 $0x38E38E39, s18;
	[smem:s15+$0x80] =	sst @!p2 s17  }
0xb4: {  	[smem:s17+$0x180] =	sst @!p2 s15  }
0xb5: {  	s15 =	simm.s32 @!p2 $0xFFFFFFFF;
	s16 =	sadd.s32 @!p1 s18, s16;
	[smem:s17+$0x200] =	sst @!p2 s19  }
0xb6: {  	[smem:s14] =	sst @!p2 s15;
	s14 =	sshrl.u32 @!p1 s16, $0x1F;
	s16 =	sshra.s32 @!p1 s16, $0x1  }
0xb7: {  	s18 =	simm.s32 $0x12;
	s21 =	sld @!p1 [smem:s17+$0x180];
	s16 =	sadd.s32 @!p1 s14, s16  }
0xb8: {  	s14 =	sadd.s32 @!p2 $0x1, s17;
	s20 =	sld [smem:$0x11];
	s22 =	smul.u32 @!p1 $0x9, s16  }
0xb9: {  	s19 =	simm.s32 @!p1 $0x8000;
	s15 =	simm.s32 $0x11;
	s14 =	smov.u32 @p2 s17  }
0xba: {  	s16 =	simm.s32 @!p1 $0x400;
	s21 =	sshll.u32 @!p1 s21, $0x12;
	s17 =	ssub.s32 @!p1 s17, s22  }
0xbb: {  	s23 =	sld [smem:s20+$0x80];
	s21 =	sor.u32 @!p1 s5, s21;
	s24 =	sshll.u32 @!p1 s17, $0xF  }
0xbc: {  	s22 =	sadd.s32 @!p1 $0x1, s17;
	s17 =	sshrl.u32 @!p1 s21, $0x3;
	s25 =	sshra.s32 @!p1 s24, $0x2  }
0xbd: {  	s21 =	simm.s32 $0x11;
	s24 =	sadd.s32 @!p1 s1, s17;
	s17 =	simm.s32 $0x291  }
.LBB2_6:
0xbe: {  	s26 =	smov.u32 s14;
	p2 =	sgt.s32 s23, $0xFFFFFFFF;
	s25 =	sor.u32 @!p1 $0x80, s25  }
0xbf: {  	s28 =	smov.u32 s18;
	s18 =	sadd.s32 $0x1, s18;
	s29 =	smov.u32 s14  }
0xc0: {  	p3 =	sgt.s32 @!p2 s14, $0x7;
	s14 =	sadd.s32 @!p2 $0x1, s14;
	s30 =	sld @p2 [smem:s23+$0x200]  }
0xc1: {  	[tilespmem:s25], [sflag:s22] =	stream.strided.gather @!p1 [hbm4b:s24+s16], $0x2000, s19, s16, $0x38;
	[tilespmem:$0x14080] =	vst v63  }
0xc2: {  	p0 =	sne.s32 s18, $0x20;
	s14 =	smov.u32 @p2 s26  }
0xc3: {  	[smem:s17] =	sst @p2 s30  }
0xc4: {  	p1 =	por p3, p2;
	[smem:s23+$0x200] =	sst @p2 s15  }
0xc5: {  	s22 =	smulhi.u32 @!p1 $0x38E38E39, s29;
	s16 =	sshra.s32 @!p1 s29, $0x1F;
	[smem:s20+$0x80] =	sst @!p2 s29  }
0xc6: {  	[smem:s29+$0x180] =	sst @!p2 s20;
	s20 =	smul.u32 @!p1 $0x38E38E39, s16;
	s16 =	simm.s32 @!p1 $0x400  }
0xc7: {  	s19 =	simm.s32 @!p1 $0x8000;
	[smem:s29+$0x200] =	sst @!p2 s15;
	s15 =	simm.s32 @!p2 $0xFFFFFFFF  }
0xc8: {  	[smem:s17] =	sst @!p2 s15;
	s15 =	sadd.s32 @!p1 s20, s22  }
0xc9: {  	s21 =	sadd.s32 $0x1, s21;
	s23 =	sshrl.u32 @!p1 s15, $0x1F;
	s15 =	sshra.s32 @!p1 s15, $0x1  }
0xca: {  	s22 =	sld @!p1 [smem:s29+$0x180];
	s23 =	sadd.s32 @!p1 s23, s15  }
0xcb: {  	s20 =	sld [smem:s21+$0x0];
	s15 =	smov.u32 s28;
	s24 =	smul.u32 @!p1 $0x9, s23  }
.Ltmp4:
0xcc: {  	(pc) =	sbr.rel @p0 .LBB2_6-.Ltmp4, $4  }
0xcd: {  	s22 =	sshll.u32 @!p1 s22, $0x12  }
0xce: {  	s23 =	sld [smem:s20+$0x80];
	s25 =	sor.u32 @!p1 s5, s22;
	s22 =	ssub.s32 @!p1 s29, s24  }
0xcf: {  	s24 =	sshll.u32 @!p1 s22, $0xF;
	s22 =	sadd.s32 @!p1 $0x1, s22;
	s26 =	sshrl.u32 @!p1 s25, $0x3  }
0xd0: {  	s17 =	sadd.s32 $0x1, s17;
	s25 =	sshra.s32 @!p1 s24, $0x2;
	s24 =	sadd.s32 @!p1 s1, s26  }
0xd1: {  	p0 =	sgt.s32 s23, $0xFFFFFFFF  }
0xd2: {  	s18 =	sld @p0 [smem:s23+$0x200];
	_ =	sdelay $0x1  }
0xd3: {  	p2 =	sgt.s32 @!p0 s14, $0x7  }
0xd4: {  	p2 =	por p2, p0;
	[smem:s17] =	sst @p0 s18  }
0xd5: {  	s21 =	sshra.s32 @!p2 s14, $0x1F;
	s18 =	smulhi.u32 @!p2 $0x38E38E39, s14;
	[smem:s23+$0x200] =	sst @p0 s15  }
0xd6: {  	s21 =	smul.u32 @!p2 $0x38E38E39, s21;
	[smem:s20+$0x80] =	sst @!p0 s14  }
0xd7: {  	[smem:s14+$0x180] =	sst @!p0 s20  }
0xd8: {  	s18 =	sadd.s32 @!p2 s21, s18;
	[smem:s14+$0x200] =	sst @!p0 s15;
	s15 =	simm.s32 @!p0 $0xFFFFFFFF  }
0xd9: {  	[smem:s17] =	sst @!p0 s15;
	s15 =	sshrl.u32 @!p2 s18, $0x1F;
	s17 =	sshra.s32 @!p2 s18, $0x1  }
0xda: {  	s18 =	sld @!p2 [smem:s14+$0x180];
	s15 =	sadd.s32 @!p2 s15, s17  }
0xdb: {  	s17 =	sor.u32 @!p1 $0x80, s25;
	s15 =	smul.u32 @!p2 $0x9, s15  }
0xdc: {  	[tilespmem:s17], [sflag:s22] =	stream.strided.gather @!p1 [hbm4b:s24+s16], $0x2000, s19, s16, $0x38;
	[tilespmem:$0x14080] =	vst v63  }
0xdd: {  	s16 =	sshll.u32 @!p2 s18, $0x12;
	s15 =	ssub.s32 @!p2 s14, s15  }
0xde: {  	s17 =	simm.s32 @!p2 $0x400;
	s16 =	sor.u32 @!p2 s5, s16;
	s18 =	sshll.u32 @!p2 s15, $0xF  }
0xdf: {  	s19 =	simm.s32 @!p2 $0x8000;
	s16 =	sshrl.u32 @!p2 s16, $0x3;
	s18 =	sshra.s32 @!p2 s18, $0x2  }
0xe0: {  	s15 =	sadd.s32 @!p2 $0x1, s15;
	s16 =	sadd.s32 @!p2 s1, s16;
	s18 =	sor.u32 @!p2 $0x80, s18  }
0xe1: {  	[tilespmem:s18], [sflag:s15] =	stream.strided.gather @!p2 [hbm4b:s16+s17], $0x2000, s19, s17, $0x38;
	[tilespmem:$0x14080] =	vst v63  }
0xe2: {  	v1 =	vld [tilespmem:$0x20];
	_ =	sdelay $0x4  }
0xe3: {  	v2 =	vnsel vm0, $0x0, v1  }
0xe4: {  	v3 =	vsel vm1, $0x0, v1;
	v2 =	vxor.u32 $0x80000000, v2  }
0xe5: {  	(xrf0) =	vmax.scan.msk.u32 $0xffff, v2;
	v2 =	vxor.u32 $0x80000000, v3;
	v3 =	vsel vm2, $0x0, v1  }
0xe6: {  	(xrf0) =	vmax.scan.msk.u32 $0xffff, v2;
	v2 =	vxor.u32 $0x80000000, v3;
	v3 =	vsel vm3, $0x0, v1  }
0xe7: {  	(xrf0) =	vmax.scan.msk.u32 $0xffff, v2;
	v2 =	vxor.u32 $0x80000000, v3;
	v3 =	vsel vm4, $0x0, v1  }
0xe8: {  	(xrf0) =	vmax.scan.msk.u32 $0xffff, v2;
	v2 =	vxor.u32 $0x80000000, v3;
	v3 =	vsel vm5, $0x0, v1  }
0xe9: {  	(xrf0) =	vmax.scan.msk.u32 $0xffff, v2;
	v2 =	vxor.u32 $0x80000000, v3;
	v3 =	vsel vm6, $0x0, v1  }
0xea: {  	(xrf0) =	vmax.scan.msk.u32 $0xffff, v2;
	v2 =	vxor.u32 $0x80000000, v3;
	v3 =	vsel vm7, $0x0, v1  }
0xeb: {  	v4, _, _ =	vpop (xrf0);
	(xrf0) =	vmax.scan.msk.u32 $0xffff, v2;
	v2 =	vxor.u32 $0x80000000, v3;
	v3 =	vsel vm8, $0x0, v1  }
0xec: {  	v57, _, _ =	vpop (xrf0);
	(xrf0) =	vmax.scan.msk.u32 $0xffff, v2;
	v2 =	vxor.u32 $0x80000000, v3;
	v3 =	vsel vm9, $0x0, v1  }
0xed: {  	(v2sf) =	vpush v4, $0xF;
	v58, _, _ =	vpop (xrf0);
	(xrf0) =	vmax.scan.msk.u32 $0xffff, v2;
	v2 =	vxor.u32 $0x80000000, v3;
	v3 =	vsel vm10, $0x0, v1  }
0xee: {  	(v2sf) =	vpush v57, $0xF;
	v59, _, _ =	vpop (xrf0);
	(xrf0) =	vmax.scan.msk.u32 $0xffff, v2;
	v2 =	vxor.u32 $0x80000000, v3;
	v3 =	vsel vm11, $0x0, v1  }
0xef: {  	(v2sf) =	vpush v58, $0xF;
	v60, _, _ =	vpop (xrf0);
	(xrf0) =	vmax.scan.msk.u32 $0xffff, v2;
	v2 =	vxor.u32 $0x80000000, v3;
	v3 =	vsel vm12, $0x0, v1  }
0xf0: {  	(v2sf) =	vpush v59, $0xF;
	v61, _, _ =	vpop (xrf0);
	(xrf0) =	vmax.scan.msk.u32 $0xffff, v2;
	v2 =	vxor.u32 $0x80000000, v3;
	v3 =	vsel vm13, $0x0, v1  }
0xf1: {  	(v2sf) =	vpush v60, $0xF;
	v62, _, _ =	vpop (xrf0);
	(xrf0) =	vmax.scan.msk.u32 $0xffff, v2;
	v2 =	vxor.u32 $0x80000000, v3;
	v3 =	vsel vm14, $0x0, v1  }
0xf2: {  	(v2sf) =	vpush v61, $0xF;
	v1 =	vsel vm15, $0x0, v1;
	v63, _, _ =	vpop (xrf0);
	(xrf0) =	vmax.scan.msk.u32 $0xffff, v2;
	v2 =	vxor.u32 $0x80000000, v3  }
0xf3: {  	(v2sf) =	vpush v62, $0xF;
	v1 =	vxor.u32 $0x80000000, v1  }
0xf4: {  	(v2sf) =	vpush v63, $0xF;
	v3, _, _ =	vpop (xrf0);
	(xrf0) =	vmax.scan.msk.u32 $0xffff, v2  }
0xf5: {  	(v2sf) =	vpush v3, $0xF;
	v2, _, _ =	vpop (xrf0);
	(xrf0) =	vmax.scan.msk.u32 $0xffff, v1  }
0xf6: {  	v1, _, _ =	vpop (xrf0);
	(v2sf) =	vpush v2, $0xF  }
0xf7: {  	v2, _, _ =	vpop (xrf0);
	(v2sf) =	vpush v1, $0xF  }
0xf8: {  	v1, _, _ =	vpop (xrf0);
	(v2sf) =	vpush v2, $0xF  }
0xf9: {  	v2, _, _ =	vpop (xrf0);
	(v2sf) =	vpush v1, $0xF  }
0xfa: {  	v1, _, _ =	vpop (xrf0);
	(v2sf) =	vpush v2, $0xF  }
0xfb: {  	(v2sf) =	vpush v1, $0xF;
	v1, _, _ =	vpop (xrf0)  }
0xfc: {  	s29 =	spop (v2sf);
	(v2sf) =	vpush v1, $0xF  }
0xfd: {  	s30 =	spop (v2sf);
	s15 =	sxor.u32 $0x80000000, s29  }
0xfe: {  	s31 =	spop (v2sf);
	[smem:$0x20] =	sst s15;
	s16 =	sxor.u32 $0x80000000, s30  }
0xff: {  	s18 =	spop (v2sf);
	[smem:$0x21] =	sst s16;
	s19 =	sxor.u32 $0x80000000, s31  }
0x100: {  	s20 =	spop (v2sf);
	[smem:$0x22] =	sst s19;
	s21 =	sxor.u32 $0x80000000, s18  }
0x101: {  	s22 =	spop (v2sf);
	[smem:$0x23] =	sst s21;
	s23 =	sxor.u32 $0x80000000, s20  }
0x102: {  	s24 =	spop (v2sf);
	[smem:$0x24] =	sst s23;
	s25 =	sxor.u32 $0x80000000, s22  }
0x103: {  	s26 =	spop (v2sf);
	[smem:$0x25] =	sst s25;
	s28 =	sxor.u32 $0x80000000, s24  }
0x104: {  	[smem:$0x26] =	sst s28;
	s30 =	sxor.u32 $0x80000000, s26;
	s29 =	spop (v2sf)  }
0x105: {  	[smem:$0x27] =	sst s30;
	s31 =	spop (v2sf);
	s17 =	sxor.u32 $0x80000000, s29  }
0x106: {  	s18 =	spop (v2sf);
	[smem:$0x28] =	sst s17;
	s19 =	sxor.u32 $0x80000000, s31  }
0x107: {  	s20 =	spop (v2sf);
	[smem:$0x29] =	sst s19;
	s21 =	sxor.u32 $0x80000000, s18  }
0x108: {  	s22 =	spop (v2sf);
	[smem:$0x2A] =	sst s21;
	s23 =	sxor.u32 $0x80000000, s20  }
0x109: {  	s24 =	spop (v2sf);
	[smem:$0x2B] =	sst s23;
	s25 =	sxor.u32 $0x80000000, s22  }
0x10a: {  	s26 =	spop (v2sf);
	[smem:$0x2C] =	sst s25;
	s28 =	sxor.u32 $0x80000000, s24  }
0x10b: {  	[smem:$0x2D] =	sst s28;
	s29 =	sxor.u32 $0x80000000, s26;
	s30 =	spop (v2sf)  }
0x10c: {  	[smem:$0x2E] =	sst s29;
	s31 =	sxor.u32 $0x80000000, s30  }
0x10d: {  	[smem:$0x2F] =	sst s31  }
0x10e: {  	s15 =	sld [smem:$0x20];
	_ =	sdelay $0x2  }
0x10f: {  	s16 =	sld [smem:s15+$0x80];
	_ =	sdelay $0x2  }
0x110: {  	p2 =	sgt.s32 s16, $0xFFFFFFFF  }
0x111: {  	s17 =	sadd.s32 @!p0 $0x1, s14;
	s18 =	sld @p2 [smem:s16+$0x200]  }
0x112: {  	s17 =	smov.u32 @p0 s14  }
0x113: {  	s14 =	simm.s32 $0x2A0;
	p0 =	sgt.s32 @!p2 s17, $0x7  }
0x114: {  	s19 =	simm.s32 $0x20;
	p1 =	por p0, p2;
	[smem:s14] =	sst @p2 s18  }
0x115: {  	s18 =	sshra.s32 @!p1 s17, $0x1F;
	[smem:s16+$0x200] =	sst @p2 s19;
	s16 =	smulhi.u32 @!p1 $0x38E38E39, s17  }
0x116: {  	s18 =	smul.u32 @!p1 $0x38E38E39, s18;
	[smem:s15+$0x80] =	sst @!p2 s17  }
0x117: {  	[smem:s17+$0x180] =	sst @!p2 s15  }
0x118: {  	s15 =	simm.s32 @!p2 $0xFFFFFFFF;
	s16 =	sadd.s32 @!p1 s18, s16;
	[smem:s17+$0x200] =	sst @!p2 s19  }
0x119: {  	[smem:s14] =	sst @!p2 s15;
	s14 =	sshrl.u32 @!p1 s16, $0x1F;
	s16 =	sshra.s32 @!p1 s16, $0x1  }
0x11a: {  	s18 =	simm.s32 $0x22;
	s21 =	sld @!p1 [smem:s17+$0x180];
	s16 =	sadd.s32 @!p1 s14, s16  }
0x11b: {  	s14 =	sadd.s32 @!p2 $0x1, s17;
	s20 =	sld [smem:$0x21];
	s22 =	smul.u32 @!p1 $0x9, s16  }
0x11c: {  	s19 =	simm.s32 @!p1 $0x8000;
	s15 =	simm.s32 $0x21;
	s14 =	smov.u32 @p2 s17  }
0x11d: {  	s16 =	simm.s32 @!p1 $0x400;
	s21 =	sshll.u32 @!p1 s21, $0x12;
	s17 =	ssub.s32 @!p1 s17, s22  }
0x11e: {  	s23 =	sld [smem:s20+$0x80];
	s21 =	sor.u32 @!p1 s5, s21;
	s24 =	sshll.u32 @!p1 s17, $0xF  }
0x11f: {  	s22 =	sadd.s32 @!p1 $0x1, s17;
	s17 =	sshrl.u32 @!p1 s21, $0x3;
	s25 =	sshra.s32 @!p1 s24, $0x2  }
0x120: {  	s21 =	simm.s32 $0x21;
	s24 =	sadd.s32 @!p1 s1, s17;
	s17 =	simm.s32 $0x2A1  }
.LBB2_8:
0x121: {  	s26 =	smov.u32 s14;
	p2 =	sgt.s32 s23, $0xFFFFFFFF;
	s25 =	sor.u32 @!p1 $0x80, s25  }
0x122: {  	s28 =	smov.u32 s18;
	s18 =	sadd.s32 $0x1, s18;
	s29 =	smov.u32 s14  }
0x123: {  	p3 =	sgt.s32 @!p2 s14, $0x7;
	s14 =	sadd.s32 @!p2 $0x1, s14;
	s30 =	sld @p2 [smem:s23+$0x200]  }
0x124: {  	[tilespmem:s25], [sflag:s22] =	stream.strided.gather @!p1 [hbm4b:s24+s16], $0x2000, s19, s16, $0x38;
	[tilespmem:$0x14080] =	vst v63  }
0x125: {  	p0 =	sne.s32 s18, $0x30;
	s14 =	smov.u32 @p2 s26  }
0x126: {  	[smem:s17] =	sst @p2 s30  }
0x127: {  	p1 =	por p3, p2;
	[smem:s23+$0x200] =	sst @p2 s15  }
0x128: {  	s22 =	smulhi.u32 @!p1 $0x38E38E39, s29;
	s16 =	sshra.s32 @!p1 s29, $0x1F;
	[smem:s20+$0x80] =	sst @!p2 s29  }
0x129: {  	[smem:s29+$0x180] =	sst @!p2 s20;
	s20 =	smul.u32 @!p1 $0x38E38E39, s16;
	s16 =	simm.s32 @!p1 $0x400  }
0x12a: {  	s19 =	simm.s32 @!p1 $0x8000;
	[smem:s29+$0x200] =	sst @!p2 s15;
	s15 =	simm.s32 @!p2 $0xFFFFFFFF  }
0x12b: {  	[smem:s17] =	sst @!p2 s15;
	s15 =	sadd.s32 @!p1 s20, s22  }
0x12c: {  	s21 =	sadd.s32 $0x1, s21;
	s23 =	sshrl.u32 @!p1 s15, $0x1F;
	s15 =	sshra.s32 @!p1 s15, $0x1  }
0x12d: {  	s22 =	sld @!p1 [smem:s29+$0x180];
	s23 =	sadd.s32 @!p1 s23, s15  }
0x12e: {  	s20 =	sld [smem:s21+$0x0];
	s15 =	smov.u32 s28;
	s24 =	smul.u32 @!p1 $0x9, s23  }
.Ltmp5:
0x12f: {  	(pc) =	sbr.rel @p0 .LBB2_8-.Ltmp5, $4  }
0x130: {  	s22 =	sshll.u32 @!p1 s22, $0x12  }
0x131: {  	s23 =	sld [smem:s20+$0x80];
	s25 =	sor.u32 @!p1 s5, s22;
	s22 =	ssub.s32 @!p1 s29, s24  }
0x132: {  	s24 =	sshll.u32 @!p1 s22, $0xF;
	s22 =	sadd.s32 @!p1 $0x1, s22;
	s26 =	sshrl.u32 @!p1 s25, $0x3  }
0x133: {  	s17 =	sadd.s32 $0x1, s17;
	s25 =	sshra.s32 @!p1 s24, $0x2;
	s24 =	sadd.s32 @!p1 s1, s26  }
0x134: {  	p0 =	sgt.s32 s23, $0xFFFFFFFF  }
0x135: {  	s18 =	sld @p0 [smem:s23+$0x200];
	_ =	sdelay $0x1  }
0x136: {  	p2 =	sgt.s32 @!p0 s14, $0x7  }
0x137: {  	p2 =	por p2, p0;
	[smem:s17] =	sst @p0 s18  }
0x138: {  	s21 =	sshra.s32 @!p2 s14, $0x1F;
	s18 =	smulhi.u32 @!p2 $0x38E38E39, s14;
	[smem:s23+$0x200] =	sst @p0 s15  }
0x139: {  	s21 =	smul.u32 @!p2 $0x38E38E39, s21;
	[smem:s20+$0x80] =	sst @!p0 s14  }
0x13a: {  	[smem:s14+$0x180] =	sst @!p0 s20  }
0x13b: {  	s18 =	sadd.s32 @!p2 s21, s18;
	[smem:s14+$0x200] =	sst @!p0 s15;
	s15 =	simm.s32 @!p0 $0xFFFFFFFF  }
0x13c: {  	[smem:s17] =	sst @!p0 s15;
	s15 =	sshrl.u32 @!p2 s18, $0x1F;
	s17 =	sshra.s32 @!p2 s18, $0x1  }
0x13d: {  	s18 =	sld @!p2 [smem:s14+$0x180];
	s15 =	sadd.s32 @!p2 s15, s17  }
0x13e: {  	s17 =	sor.u32 @!p1 $0x80, s25;
	s15 =	smul.u32 @!p2 $0x9, s15  }
0x13f: {  	[tilespmem:s17], [sflag:s22] =	stream.strided.gather @!p1 [hbm4b:s24+s16], $0x2000, s19, s16, $0x38;
	[tilespmem:$0x14080] =	vst v63  }
0x140: {  	s16 =	sshll.u32 @!p2 s18, $0x12;
	s15 =	ssub.s32 @!p2 s14, s15  }
0x141: {  	s17 =	simm.s32 @!p2 $0x400;
	s16 =	sor.u32 @!p2 s5, s16;
	s18 =	sshll.u32 @!p2 s15, $0xF  }
0x142: {  	s19 =	simm.s32 @!p2 $0x8000;
	s16 =	sshrl.u32 @!p2 s16, $0x3;
	s18 =	sshra.s32 @!p2 s18, $0x2  }
0x143: {  	s15 =	sadd.s32 @!p2 $0x1, s15;
	s16 =	sadd.s32 @!p2 s1, s16;
	s18 =	sor.u32 @!p2 $0x80, s18  }
0x144: {  	[tilespmem:s18], [sflag:s15] =	stream.strided.gather @!p2 [hbm4b:s16+s17], $0x2000, s19, s17, $0x38;
	[tilespmem:$0x14080] =	vst v63  }
0x145: {  	v1 =	vld [tilespmem:$0x30];
	_ =	sdelay $0x4  }
0x146: {  	v2 =	vnsel vm0, $0x0, v1  }
0x147: {  	v3 =	vsel vm1, $0x0, v1;
	v2 =	vxor.u32 $0x80000000, v2  }
0x148: {  	(xrf0) =	vmax.scan.msk.u32 $0xffff, v2;
	v2 =	vxor.u32 $0x80000000, v3;
	v3 =	vsel vm2, $0x0, v1  }
0x149: {  	(xrf0) =	vmax.scan.msk.u32 $0xffff, v2;
	v2 =	vxor.u32 $0x80000000, v3;
	v3 =	vsel vm3, $0x0, v1  }
0x14a: {  	(xrf0) =	vmax.scan.msk.u32 $0xffff, v2;
	v2 =	vxor.u32 $0x80000000, v3;
	v3 =	vsel vm4, $0x0, v1  }
0x14b: {  	(xrf0) =	vmax.scan.msk.u32 $0xffff, v2;
	v2 =	vxor.u32 $0x80000000, v3;
	v3 =	vsel vm5, $0x0, v1  }
0x14c: {  	(xrf0) =	vmax.scan.msk.u32 $0xffff, v2;
	v2 =	vxor.u32 $0x80000000, v3;
	v3 =	vsel vm6, $0x0, v1  }
0x14d: {  	(xrf0) =	vmax.scan.msk.u32 $0xffff, v2;
	v2 =	vxor.u32 $0x80000000, v3;
	v3 =	vsel vm7, $0x0, v1  }
0x14e: {  	v4, _, _ =	vpop (xrf0);
	(xrf0) =	vmax.scan.msk.u32 $0xffff, v2;
	v2 =	vxor.u32 $0x80000000, v3;
	v3 =	vsel vm8, $0x0, v1  }
0x14f: {  	v57, _, _ =	vpop (xrf0);
	(xrf0) =	vmax.scan.msk.u32 $0xffff, v2;
	v2 =	vxor.u32 $0x80000000, v3;
	v3 =	vsel vm9, $0x0, v1  }
0x150: {  	(v2sf) =	vpush v4, $0xF;
	v58, _, _ =	vpop (xrf0);
	(xrf0) =	vmax.scan.msk.u32 $0xffff, v2;
	v2 =	vxor.u32 $0x80000000, v3;
	v3 =	vsel vm10, $0x0, v1  }
0x151: {  	(v2sf) =	vpush v57, $0xF;
	v59, _, _ =	vpop (xrf0);
	(xrf0) =	vmax.scan.msk.u32 $0xffff, v2;
	v2 =	vxor.u32 $0x80000000, v3;
	v3 =	vsel vm11, $0x0, v1  }
0x152: {  	(v2sf) =	vpush v58, $0xF;
	v60, _, _ =	vpop (xrf0);
	(xrf0) =	vmax.scan.msk.u32 $0xffff, v2;
	v2 =	vxor.u32 $0x80000000, v3;
	v3 =	vsel vm12, $0x0, v1  }
0x153: {  	(v2sf) =	vpush v59, $0xF;
	v61, _, _ =	vpop (xrf0);
	(xrf0) =	vmax.scan.msk.u32 $0xffff, v2;
	v2 =	vxor.u32 $0x80000000, v3;
	v3 =	vsel vm13, $0x0, v1  }
0x154: {  	(v2sf) =	vpush v60, $0xF;
	v62, _, _ =	vpop (xrf0);
	(xrf0) =	vmax.scan.msk.u32 $0xffff, v2;
	v2 =	vxor.u32 $0x80000000, v3;
	v3 =	vsel vm14, $0x0, v1  }
0x155: {  	(v2sf) =	vpush v61, $0xF;
	v1 =	vsel vm15, $0x0, v1;
	v63, _, _ =	vpop (xrf0);
	(xrf0) =	vmax.scan.msk.u32 $0xffff, v2;
	v2 =	vxor.u32 $0x80000000, v3  }
0x156: {  	(v2sf) =	vpush v62, $0xF;
	v1 =	vxor.u32 $0x80000000, v1  }
0x157: {  	(v2sf) =	vpush v63, $0xF;
	v3, _, _ =	vpop (xrf0);
	(xrf0) =	vmax.scan.msk.u32 $0xffff, v2  }
0x158: {  	(v2sf) =	vpush v3, $0xF;
	v2, _, _ =	vpop (xrf0);
	(xrf0) =	vmax.scan.msk.u32 $0xffff, v1  }
0x159: {  	v1, _, _ =	vpop (xrf0);
	(v2sf) =	vpush v2, $0xF  }
0x15a: {  	v2, _, _ =	vpop (xrf0);
	(v2sf) =	vpush v1, $0xF  }
0x15b: {  	v1, _, _ =	vpop (xrf0);
	(v2sf) =	vpush v2, $0xF  }
0x15c: {  	v2, _, _ =	vpop (xrf0);
	(v2sf) =	vpush v1, $0xF  }
0x15d: {  	v1, _, _ =	vpop (xrf0);
	(v2sf) =	vpush v2, $0xF  }
0x15e: {  	(v2sf) =	vpush v1, $0xF;
	v1, _, _ =	vpop (xrf0)  }
0x15f: {  	s29 =	spop (v2sf);
	(v2sf) =	vpush v1, $0xF  }
0x160: {  	s30 =	spop (v2sf);
	s15 =	sxor.u32 $0x80000000, s29  }
0x161: {  	s31 =	spop (v2sf);
	[smem:$0x30] =	sst s15;
	s16 =	sxor.u32 $0x80000000, s30  }
0x162: {  	s18 =	spop (v2sf);
	[smem:$0x31] =	sst s16;
	s19 =	sxor.u32 $0x80000000, s31  }
0x163: {  	s20 =	spop (v2sf);
	[smem:$0x32] =	sst s19;
	s21 =	sxor.u32 $0x80000000, s18  }
0x164: {  	s22 =	spop (v2sf);
	[smem:$0x33] =	sst s21;
	s23 =	sxor.u32 $0x80000000, s20  }
0x165: {  	s24 =	spop (v2sf);
	[smem:$0x34] =	sst s23;
	s25 =	sxor.u32 $0x80000000, s22  }
0x166: {  	s26 =	spop (v2sf);
	[smem:$0x35] =	sst s25;
	s28 =	sxor.u32 $0x80000000, s24  }
0x167: {  	[smem:$0x36] =	sst s28;
	s30 =	sxor.u32 $0x80000000, s26;
	s29 =	spop (v2sf)  }
0x168: {  	[smem:$0x37] =	sst s30;
	s31 =	spop (v2sf);
	s17 =	sxor.u32 $0x80000000, s29  }
0x169: {  	s18 =	spop (v2sf);
	[smem:$0x38] =	sst s17;
	s19 =	sxor.u32 $0x80000000, s31  }
0x16a: {  	s20 =	spop (v2sf);
	[smem:$0x39] =	sst s19;
	s21 =	sxor.u32 $0x80000000, s18  }
0x16b: {  	s22 =	spop (v2sf);
	[smem:$0x3A] =	sst s21;
	s23 =	sxor.u32 $0x80000000, s20  }
0x16c: {  	s24 =	spop (v2sf);
	[smem:$0x3B] =	sst s23;
	s25 =	sxor.u32 $0x80000000, s22  }
0x16d: {  	s26 =	spop (v2sf);
	[smem:$0x3C] =	sst s25;
	s28 =	sxor.u32 $0x80000000, s24  }
0x16e: {  	[smem:$0x3D] =	sst s28;
	s29 =	sxor.u32 $0x80000000, s26;
	s30 =	spop (v2sf)  }
0x16f: {  	[smem:$0x3E] =	sst s29;
	s31 =	sxor.u32 $0x80000000, s30  }
0x170: {  	[smem:$0x3F] =	sst s31  }
0x171: {  	s15 =	sld [smem:$0x30];
	_ =	sdelay $0x2  }
0x172: {  	s16 =	sld [smem:s15+$0x80];
	_ =	sdelay $0x2  }
0x173: {  	p2 =	sgt.s32 s16, $0xFFFFFFFF  }
0x174: {  	s17 =	sadd.s32 @!p0 $0x1, s14;
	s18 =	sld @p2 [smem:s16+$0x200]  }
0x175: {  	s17 =	smov.u32 @p0 s14  }
0x176: {  	s14 =	simm.s32 $0x2B0;
	p0 =	sgt.s32 @!p2 s17, $0x7  }
0x177: {  	s19 =	simm.s32 $0x30;
	p1 =	por p0, p2;
	[smem:s14] =	sst @p2 s18  }
0x178: {  	s18 =	sshra.s32 @!p1 s17, $0x1F;
	[smem:s16+$0x200] =	sst @p2 s19;
	s16 =	smulhi.u32 @!p1 $0x38E38E39, s17  }
0x179: {  	s18 =	smul.u32 @!p1 $0x38E38E39, s18;
	[smem:s15+$0x80] =	sst @!p2 s17  }
0x17a: {  	[smem:s17+$0x180] =	sst @!p2 s15  }
0x17b: {  	s15 =	simm.s32 @!p2 $0xFFFFFFFF;
	s16 =	sadd.s32 @!p1 s18, s16;
	[smem:s17+$0x200] =	sst @!p2 s19  }
0x17c: {  	[smem:s14] =	sst @!p2 s15;
	s14 =	sshrl.u32 @!p1 s16, $0x1F;
	s16 =	sshra.s32 @!p1 s16, $0x1  }
0x17d: {  	s18 =	simm.s32 $0x32;
	s21 =	sld @!p1 [smem:s17+$0x180];
	s16 =	sadd.s32 @!p1 s14, s16  }
0x17e: {  	s14 =	sadd.s32 @!p2 $0x1, s17;
	s20 =	sld [smem:$0x31];
	s22 =	smul.u32 @!p1 $0x9, s16  }
0x17f: {  	s19 =	simm.s32 @!p1 $0x8000;
	s15 =	simm.s32 $0x31;
	s14 =	smov.u32 @p2 s17  }
0x180: {  	s16 =	simm.s32 @!p1 $0x400;
	s21 =	sshll.u32 @!p1 s21, $0x12;
	s17 =	ssub.s32 @!p1 s17, s22  }
0x181: {  	s23 =	sld [smem:s20+$0x80];
	s21 =	sor.u32 @!p1 s5, s21;
	s24 =	sshll.u32 @!p1 s17, $0xF  }
0x182: {  	s22 =	sadd.s32 @!p1 $0x1, s17;
	s17 =	sshrl.u32 @!p1 s21, $0x3;
	s25 =	sshra.s32 @!p1 s24, $0x2  }
0x183: {  	s21 =	simm.s32 $0x31;
	s24 =	sadd.s32 @!p1 s1, s17;
	s17 =	simm.s32 $0x2B1  }
.LBB2_10:
0x184: {  	s26 =	smov.u32 s14;
	p2 =	sgt.s32 s23, $0xFFFFFFFF;
	s25 =	sor.u32 @!p1 $0x80, s25  }
0x185: {  	s28 =	smov.u32 s18;
	s18 =	sadd.s32 $0x1, s18;
	s29 =	smov.u32 s14  }
0x186: {  	p3 =	sgt.s32 @!p2 s14, $0x7;
	s14 =	sadd.s32 @!p2 $0x1, s14;
	s30 =	sld @p2 [smem:s23+$0x200]  }
0x187: {  	[tilespmem:s25], [sflag:s22] =	stream.strided.gather @!p1 [hbm4b:s24+s16], $0x2000, s19, s16, $0x38;
	[tilespmem:$0x14080] =	vst v63  }
0x188: {  	p0 =	sne.s32 s18, $0x40;
	s14 =	smov.u32 @p2 s26  }
0x189: {  	[smem:s17] =	sst @p2 s30  }
0x18a: {  	p1 =	por p3, p2;
	[smem:s23+$0x200] =	sst @p2 s15  }
0x18b: {  	s22 =	smulhi.u32 @!p1 $0x38E38E39, s29;
	s16 =	sshra.s32 @!p1 s29, $0x1F;
	[smem:s20+$0x80] =	sst @!p2 s29  }
0x18c: {  	[smem:s29+$0x180] =	sst @!p2 s20;
	s20 =	smul.u32 @!p1 $0x38E38E39, s16;
	s16 =	simm.s32 @!p1 $0x400  }
0x18d: {  	s19 =	simm.s32 @!p1 $0x8000;
	[smem:s29+$0x200] =	sst @!p2 s15;
	s15 =	simm.s32 @!p2 $0xFFFFFFFF  }
0x18e: {  	[smem:s17] =	sst @!p2 s15;
	s15 =	sadd.s32 @!p1 s20, s22  }
0x18f: {  	s21 =	sadd.s32 $0x1, s21;
	s23 =	sshrl.u32 @!p1 s15, $0x1F;
	s15 =	sshra.s32 @!p1 s15, $0x1  }
0x190: {  	s22 =	sld @!p1 [smem:s29+$0x180];
	s23 =	sadd.s32 @!p1 s23, s15  }
0x191: {  	s20 =	sld [smem:s21+$0x0];
	s15 =	smov.u32 s28;
	s24 =	smul.u32 @!p1 $0x9, s23  }
.Ltmp6:
0x192: {  	(pc) =	sbr.rel @p0 .LBB2_10-.Ltmp6, $4  }
0x193: {  	s22 =	sshll.u32 @!p1 s22, $0x12  }
0x194: {  	s23 =	sld [smem:s20+$0x80];
	s25 =	sor.u32 @!p1 s5, s22;
	s22 =	ssub.s32 @!p1 s29, s24  }
0x195: {  	s24 =	sshll.u32 @!p1 s22, $0xF;
	s22 =	sadd.s32 @!p1 $0x1, s22;
	s26 =	sshrl.u32 @!p1 s25, $0x3  }
0x196: {  	s17 =	sadd.s32 $0x1, s17;
	s25 =	sshra.s32 @!p1 s24, $0x2;
	s24 =	sadd.s32 @!p1 s1, s26  }
0x197: {  	p0 =	sgt.s32 s23, $0xFFFFFFFF  }
0x198: {  	s18 =	sld @p0 [smem:s23+$0x200];
	_ =	sdelay $0x1  }
0x199: {  	p2 =	sgt.s32 @!p0 s14, $0x7  }
0x19a: {  	p2 =	por p2, p0;
	[smem:s17] =	sst @p0 s18  }
0x19b: {  	s21 =	sshra.s32 @!p2 s14, $0x1F;
	s18 =	smulhi.u32 @!p2 $0x38E38E39, s14;
	[smem:s23+$0x200] =	sst @p0 s15  }
0x19c: {  	s21 =	smul.u32 @!p2 $0x38E38E39, s21;
	[smem:s20+$0x80] =	sst @!p0 s14  }
0x19d: {  	[smem:s14+$0x180] =	sst @!p0 s20  }
0x19e: {  	s18 =	sadd.s32 @!p2 s21, s18;
	[smem:s14+$0x200] =	sst @!p0 s15;
	s15 =	simm.s32 @!p0 $0xFFFFFFFF  }
0x19f: {  	[smem:s17] =	sst @!p0 s15;
	s15 =	sshrl.u32 @!p2 s18, $0x1F;
	s17 =	sshra.s32 @!p2 s18, $0x1  }
0x1a0: {  	s18 =	sld @!p2 [smem:s14+$0x180];
	s15 =	sadd.s32 @!p2 s15, s17  }
0x1a1: {  	s17 =	sor.u32 @!p1 $0x80, s25;
	s15 =	smul.u32 @!p2 $0x9, s15  }
0x1a2: {  	[tilespmem:s17], [sflag:s22] =	stream.strided.gather @!p1 [hbm4b:s24+s16], $0x2000, s19, s16, $0x38;
	[tilespmem:$0x14080] =	vst v63  }
0x1a3: {  	s16 =	sshll.u32 @!p2 s18, $0x12;
	s15 =	ssub.s32 @!p2 s14, s15  }
0x1a4: {  	s17 =	simm.s32 @!p2 $0x400;
	s16 =	sor.u32 @!p2 s5, s16;
	s18 =	sshll.u32 @!p2 s15, $0xF  }
0x1a5: {  	s19 =	simm.s32 @!p2 $0x8000;
	s16 =	sshrl.u32 @!p2 s16, $0x3;
	s18 =	sshra.s32 @!p2 s18, $0x2  }
0x1a6: {  	s15 =	sadd.s32 @!p2 $0x1, s15;
	s16 =	sadd.s32 @!p2 s1, s16;
	s18 =	sor.u32 @!p2 $0x80, s18  }
0x1a7: {  	[tilespmem:s18], [sflag:s15] =	stream.strided.gather @!p2 [hbm4b:s16+s17], $0x2000, s19, s17, $0x38;
	[tilespmem:$0x14080] =	vst v63  }
0x1a8: {  	v1 =	vld [tilespmem:$0x40];
	_ =	sdelay $0x4  }
0x1a9: {  	v2 =	vnsel vm0, $0x0, v1  }
0x1aa: {  	v3 =	vsel vm1, $0x0, v1;
	v2 =	vxor.u32 $0x80000000, v2  }
0x1ab: {  	(xrf0) =	vmax.scan.msk.u32 $0xffff, v2;
	v2 =	vxor.u32 $0x80000000, v3;
	v3 =	vsel vm2, $0x0, v1  }
0x1ac: {  	(xrf0) =	vmax.scan.msk.u32 $0xffff, v2;
	v2 =	vxor.u32 $0x80000000, v3;
	v3 =	vsel vm3, $0x0, v1  }
0x1ad: {  	(xrf0) =	vmax.scan.msk.u32 $0xffff, v2;
	v2 =	vxor.u32 $0x80000000, v3;
	v3 =	vsel vm4, $0x0, v1  }
0x1ae: {  	(xrf0) =	vmax.scan.msk.u32 $0xffff, v2;
	v2 =	vxor.u32 $0x80000000, v3;
	v3 =	vsel vm5, $0x0, v1  }
0x1af: {  	(xrf0) =	vmax.scan.msk.u32 $0xffff, v2;
	v2 =	vxor.u32 $0x80000000, v3;
	v3 =	vsel vm6, $0x0, v1  }
0x1b0: {  	(xrf0) =	vmax.scan.msk.u32 $0xffff, v2;
	v2 =	vxor.u32 $0x80000000, v3;
	v3 =	vsel vm7, $0x0, v1  }
0x1b1: {  	v4, _, _ =	vpop (xrf0);
	(xrf0) =	vmax.scan.msk.u32 $0xffff, v2;
	v2 =	vxor.u32 $0x80000000, v3;
	v3 =	vsel vm8, $0x0, v1  }
0x1b2: {  	v57, _, _ =	vpop (xrf0);
	(xrf0) =	vmax.scan.msk.u32 $0xffff, v2;
	v2 =	vxor.u32 $0x80000000, v3;
	v3 =	vsel vm9, $0x0, v1  }
0x1b3: {  	(v2sf) =	vpush v4, $0xF;
	v58, _, _ =	vpop (xrf0);
	(xrf0) =	vmax.scan.msk.u32 $0xffff, v2;
	v2 =	vxor.u32 $0x80000000, v3;
	v3 =	vsel vm10, $0x0, v1  }
0x1b4: {  	(v2sf) =	vpush v57, $0xF;
	v59, _, _ =	vpop (xrf0);
	(xrf0) =	vmax.scan.msk.u32 $0xffff, v2;
	v2 =	vxor.u32 $0x80000000, v3;
	v3 =	vsel vm11, $0x0, v1  }
0x1b5: {  	(v2sf) =	vpush v58, $0xF;
	v60, _, _ =	vpop (xrf0);
	(xrf0) =	vmax.scan.msk.u32 $0xffff, v2;
	v2 =	vxor.u32 $0x80000000, v3;
	v3 =	vsel vm12, $0x0, v1  }
0x1b6: {  	(v2sf) =	vpush v59, $0xF;
	v61, _, _ =	vpop (xrf0);
	(xrf0) =	vmax.scan.msk.u32 $0xffff, v2;
	v2 =	vxor.u32 $0x80000000, v3;
	v3 =	vsel vm13, $0x0, v1  }
0x1b7: {  	(v2sf) =	vpush v60, $0xF;
	v62, _, _ =	vpop (xrf0);
	(xrf0) =	vmax.scan.msk.u32 $0xffff, v2;
	v2 =	vxor.u32 $0x80000000, v3;
	v3 =	vsel vm14, $0x0, v1  }
0x1b8: {  	(v2sf) =	vpush v61, $0xF;
	v1 =	vsel vm15, $0x0, v1;
	v63, _, _ =	vpop (xrf0);
	(xrf0) =	vmax.scan.msk.u32 $0xffff, v2;
	v2 =	vxor.u32 $0x80000000, v3  }
0x1b9: {  	(v2sf) =	vpush v62, $0xF;
	v1 =	vxor.u32 $0x80000000, v1  }
0x1ba: {  	(v2sf) =	vpush v63, $0xF;
	v3, _, _ =	vpop (xrf0);
	(xrf0) =	vmax.scan.msk.u32 $0xffff, v2  }
0x1bb: {  	(v2sf) =	vpush v3, $0xF;
	v2, _, _ =	vpop (xrf0);
	(xrf0) =	vmax.scan.msk.u32 $0xffff, v1  }
0x1bc: {  	v1, _, _ =	vpop (xrf0);
	(v2sf) =	vpush v2, $0xF  }
0x1bd: {  	v2, _, _ =	vpop (xrf0);
	(v2sf) =	vpush v1, $0xF  }
0x1be: {  	v1, _, _ =	vpop (xrf0);
	(v2sf) =	vpush v2, $0xF  }
0x1bf: {  	v2, _, _ =	vpop (xrf0);
	(v2sf) =	vpush v1, $0xF  }
0x1c0: {  	v1, _, _ =	vpop (xrf0);
	(v2sf) =	vpush v2, $0xF  }
0x1c1: {  	(v2sf) =	vpush v1, $0xF;
	v1, _, _ =	vpop (xrf0)  }
0x1c2: {  	s29 =	spop (v2sf);
	(v2sf) =	vpush v1, $0xF  }
0x1c3: {  	s30 =	spop (v2sf);
	s15 =	sxor.u32 $0x80000000, s29  }
0x1c4: {  	s31 =	spop (v2sf);
	[smem:$0x40] =	sst s15;
	s16 =	sxor.u32 $0x80000000, s30  }
0x1c5: {  	s18 =	spop (v2sf);
	[smem:$0x41] =	sst s16;
	s19 =	sxor.u32 $0x80000000, s31  }
0x1c6: {  	s20 =	spop (v2sf);
	[smem:$0x42] =	sst s19;
	s21 =	sxor.u32 $0x80000000, s18  }
0x1c7: {  	s22 =	spop (v2sf);
	[smem:$0x43] =	sst s21;
	s23 =	sxor.u32 $0x80000000, s20  }
0x1c8: {  	s24 =	spop (v2sf);
	[smem:$0x44] =	sst s23;
	s25 =	sxor.u32 $0x80000000, s22  }
0x1c9: {  	s26 =	spop (v2sf);
	[smem:$0x45] =	sst s25;
	s28 =	sxor.u32 $0x80000000, s24  }
0x1ca: {  	[smem:$0x46] =	sst s28;
	s30 =	sxor.u32 $0x80000000, s26;
	s29 =	spop (v2sf)  }
0x1cb: {  	[smem:$0x47] =	sst s30;
	s31 =	spop (v2sf);
	s17 =	sxor.u32 $0x80000000, s29  }
0x1cc: {  	s18 =	spop (v2sf);
	[smem:$0x48] =	sst s17;
	s19 =	sxor.u32 $0x80000000, s31  }
0x1cd: {  	s20 =	spop (v2sf);
	[smem:$0x49] =	sst s19;
	s21 =	sxor.u32 $0x80000000, s18  }
0x1ce: {  	s22 =	spop (v2sf);
	[smem:$0x4A] =	sst s21;
	s23 =	sxor.u32 $0x80000000, s20  }
0x1cf: {  	s24 =	spop (v2sf);
	[smem:$0x4B] =	sst s23;
	s25 =	sxor.u32 $0x80000000, s22  }
0x1d0: {  	s26 =	spop (v2sf);
	[smem:$0x4C] =	sst s25;
	s28 =	sxor.u32 $0x80000000, s24  }
0x1d1: {  	[smem:$0x4D] =	sst s28;
	s29 =	sxor.u32 $0x80000000, s26;
	s30 =	spop (v2sf)  }
0x1d2: {  	[smem:$0x4E] =	sst s29;
	s31 =	sxor.u32 $0x80000000, s30  }
0x1d3: {  	[smem:$0x4F] =	sst s31  }
0x1d4: {  	s15 =	sld [smem:$0x40];
	_ =	sdelay $0x2  }
0x1d5: {  	s16 =	sld [smem:s15+$0x80];
	_ =	sdelay $0x2  }
0x1d6: {  	p2 =	sgt.s32 s16, $0xFFFFFFFF  }
0x1d7: {  	s17 =	sadd.s32 @!p0 $0x1, s14;
	s18 =	sld @p2 [smem:s16+$0x200]  }
0x1d8: {  	s17 =	smov.u32 @p0 s14  }
0x1d9: {  	s14 =	simm.s32 $0x2C0;
	p0 =	sgt.s32 @!p2 s17, $0x7  }
0x1da: {  	s19 =	simm.s32 $0x40;
	p1 =	por p0, p2;
	[smem:s14] =	sst @p2 s18  }
0x1db: {  	s18 =	sshra.s32 @!p1 s17, $0x1F;
	[smem:s16+$0x200] =	sst @p2 s19;
	s16 =	smulhi.u32 @!p1 $0x38E38E39, s17  }
0x1dc: {  	s18 =	smul.u32 @!p1 $0x38E38E39, s18;
	[smem:s15+$0x80] =	sst @!p2 s17  }
0x1dd: {  	[smem:s17+$0x180] =	sst @!p2 s15  }
0x1de: {  	s15 =	simm.s32 @!p2 $0xFFFFFFFF;
	s16 =	sadd.s32 @!p1 s18, s16;
	[smem:s17+$0x200] =	sst @!p2 s19  }
0x1df: {  	[smem:s14] =	sst @!p2 s15;
	s14 =	sshrl.u32 @!p1 s16, $0x1F;
	s16 =	sshra.s32 @!p1 s16, $0x1  }
0x1e0: {  	s18 =	simm.s32 $0x42;
	s21 =	sld @!p1 [smem:s17+$0x180];
	s16 =	sadd.s32 @!p1 s14, s16  }
0x1e1: {  	s14 =	sadd.s32 @!p2 $0x1, s17;
	s20 =	sld [smem:$0x41];
	s22 =	smul.u32 @!p1 $0x9, s16  }
0x1e2: {  	s19 =	simm.s32 @!p1 $0x8000;
	s15 =	simm.s32 $0x41;
	s14 =	smov.u32 @p2 s17  }
0x1e3: {  	s16 =	simm.s32 @!p1 $0x400;
	s21 =	sshll.u32 @!p1 s21, $0x12;
	s17 =	ssub.s32 @!p1 s17, s22  }
0x1e4: {  	s23 =	sld [smem:s20+$0x80];
	s21 =	sor.u32 @!p1 s5, s21;
	s24 =	sshll.u32 @!p1 s17, $0xF  }
0x1e5: {  	s22 =	sadd.s32 @!p1 $0x1, s17;
	s17 =	sshrl.u32 @!p1 s21, $0x3;
	s25 =	sshra.s32 @!p1 s24, $0x2  }
0x1e6: {  	s21 =	simm.s32 $0x41;
	s24 =	sadd.s32 @!p1 s1, s17;
	s17 =	simm.s32 $0x2C1  }
.LBB2_12:
0x1e7: {  	s26 =	smov.u32 s14;
	p2 =	sgt.s32 s23, $0xFFFFFFFF;
	s25 =	sor.u32 @!p1 $0x80, s25  }
0x1e8: {  	s28 =	smov.u32 s18;
	s18 =	sadd.s32 $0x1, s18;
	s29 =	smov.u32 s14  }
0x1e9: {  	p3 =	sgt.s32 @!p2 s14, $0x7;
	s14 =	sadd.s32 @!p2 $0x1, s14;
	s30 =	sld @p2 [smem:s23+$0x200]  }
0x1ea: {  	[tilespmem:s25], [sflag:s22] =	stream.strided.gather @!p1 [hbm4b:s24+s16], $0x2000, s19, s16, $0x38;
	[tilespmem:$0x14080] =	vst v63  }
0x1eb: {  	p0 =	sne.s32 s18, $0x50;
	s14 =	smov.u32 @p2 s26  }
0x1ec: {  	[smem:s17] =	sst @p2 s30  }
0x1ed: {  	p1 =	por p3, p2;
	[smem:s23+$0x200] =	sst @p2 s15  }
0x1ee: {  	s22 =	smulhi.u32 @!p1 $0x38E38E39, s29;
	s16 =	sshra.s32 @!p1 s29, $0x1F;
	[smem:s20+$0x80] =	sst @!p2 s29  }
0x1ef: {  	[smem:s29+$0x180] =	sst @!p2 s20;
	s20 =	smul.u32 @!p1 $0x38E38E39, s16;
	s16 =	simm.s32 @!p1 $0x400  }
0x1f0: {  	s19 =	simm.s32 @!p1 $0x8000;
	[smem:s29+$0x200] =	sst @!p2 s15;
	s15 =	simm.s32 @!p2 $0xFFFFFFFF  }
0x1f1: {  	[smem:s17] =	sst @!p2 s15;
	s15 =	sadd.s32 @!p1 s20, s22  }
0x1f2: {  	s21 =	sadd.s32 $0x1, s21;
	s23 =	sshrl.u32 @!p1 s15, $0x1F;
	s15 =	sshra.s32 @!p1 s15, $0x1  }
0x1f3: {  	s22 =	sld @!p1 [smem:s29+$0x180];
	s23 =	sadd.s32 @!p1 s23, s15  }
0x1f4: {  	s20 =	sld [smem:s21+$0x0];
	s15 =	smov.u32 s28;
	s24 =	smul.u32 @!p1 $0x9, s23  }
.Ltmp7:
0x1f5: {  	(pc) =	sbr.rel @p0 .LBB2_12-.Ltmp7, $4  }
0x1f6: {  	s22 =	sshll.u32 @!p1 s22, $0x12  }
0x1f7: {  	s23 =	sld [smem:s20+$0x80];
	s25 =	sor.u32 @!p1 s5, s22;
	s22 =	ssub.s32 @!p1 s29, s24  }
0x1f8: {  	s24 =	sshll.u32 @!p1 s22, $0xF;
	s22 =	sadd.s32 @!p1 $0x1, s22;
	s26 =	sshrl.u32 @!p1 s25, $0x3  }
0x1f9: {  	s17 =	sadd.s32 $0x1, s17;
	s25 =	sshra.s32 @!p1 s24, $0x2;
	s24 =	sadd.s32 @!p1 s1, s26  }
0x1fa: {  	p0 =	sgt.s32 s23, $0xFFFFFFFF  }
0x1fb: {  	s18 =	sld @p0 [smem:s23+$0x200];
	_ =	sdelay $0x1  }
0x1fc: {  	p2 =	sgt.s32 @!p0 s14, $0x7  }
0x1fd: {  	p2 =	por p2, p0;
	[smem:s17] =	sst @p0 s18  }
0x1fe: {  	s21 =	sshra.s32 @!p2 s14, $0x1F;
	s18 =	smulhi.u32 @!p2 $0x38E38E39, s14;
	[smem:s23+$0x200] =	sst @p0 s15  }
0x1ff: {  	s21 =	smul.u32 @!p2 $0x38E38E39, s21;
	[smem:s20+$0x80] =	sst @!p0 s14  }
0x200: {  	[smem:s14+$0x180] =	sst @!p0 s20  }
0x201: {  	s18 =	sadd.s32 @!p2 s21, s18;
	[smem:s14+$0x200] =	sst @!p0 s15;
	s15 =	simm.s32 @!p0 $0xFFFFFFFF  }
0x202: {  	[smem:s17] =	sst @!p0 s15;
	s15 =	sshrl.u32 @!p2 s18, $0x1F;
	s17 =	sshra.s32 @!p2 s18, $0x1  }
0x203: {  	s18 =	sld @!p2 [smem:s14+$0x180];
	s15 =	sadd.s32 @!p2 s15, s17  }
0x204: {  	s17 =	sor.u32 @!p1 $0x80, s25;
	s15 =	smul.u32 @!p2 $0x9, s15  }
0x205: {  	[tilespmem:s17], [sflag:s22] =	stream.strided.gather @!p1 [hbm4b:s24+s16], $0x2000, s19, s16, $0x38;
	[tilespmem:$0x14080] =	vst v63  }
0x206: {  	s16 =	sshll.u32 @!p2 s18, $0x12;
	s15 =	ssub.s32 @!p2 s14, s15  }
0x207: {  	s17 =	simm.s32 @!p2 $0x400;
	s16 =	sor.u32 @!p2 s5, s16;
	s18 =	sshll.u32 @!p2 s15, $0xF  }
0x208: {  	s19 =	simm.s32 @!p2 $0x8000;
	s16 =	sshrl.u32 @!p2 s16, $0x3;
	s18 =	sshra.s32 @!p2 s18, $0x2  }
0x209: {  	s15 =	sadd.s32 @!p2 $0x1, s15;
	s16 =	sadd.s32 @!p2 s1, s16;
	s18 =	sor.u32 @!p2 $0x80, s18  }
0x20a: {  	[tilespmem:s18], [sflag:s15] =	stream.strided.gather @!p2 [hbm4b:s16+s17], $0x2000, s19, s17, $0x38;
	[tilespmem:$0x14080] =	vst v63  }
0x20b: {  	v1 =	vld [tilespmem:$0x50];
	_ =	sdelay $0x4  }
0x20c: {  	v2 =	vnsel vm0, $0x0, v1  }
0x20d: {  	v3 =	vsel vm1, $0x0, v1;
	v2 =	vxor.u32 $0x80000000, v2  }
0x20e: {  	(xrf0) =	vmax.scan.msk.u32 $0xffff, v2;
	v2 =	vxor.u32 $0x80000000, v3;
	v3 =	vsel vm2, $0x0, v1  }
0x20f: {  	(xrf0) =	vmax.scan.msk.u32 $0xffff, v2;
	v2 =	vxor.u32 $0x80000000, v3;
	v3 =	vsel vm3, $0x0, v1  }
0x210: {  	(xrf0) =	vmax.scan.msk.u32 $0xffff, v2;
	v2 =	vxor.u32 $0x80000000, v3;
	v3 =	vsel vm4, $0x0, v1  }
0x211: {  	(xrf0) =	vmax.scan.msk.u32 $0xffff, v2;
	v2 =	vxor.u32 $0x80000000, v3;
	v3 =	vsel vm5, $0x0, v1  }
0x212: {  	(xrf0) =	vmax.scan.msk.u32 $0xffff, v2;
	v2 =	vxor.u32 $0x80000000, v3;
	v3 =	vsel vm6, $0x0, v1  }
0x213: {  	(xrf0) =	vmax.scan.msk.u32 $0xffff, v2;
	v2 =	vxor.u32 $0x80000000, v3;
	v3 =	vsel vm7, $0x0, v1  }
0x214: {  	v4, _, _ =	vpop (xrf0);
	(xrf0) =	vmax.scan.msk.u32 $0xffff, v2;
	v2 =	vxor.u32 $0x80000000, v3;
	v3 =	vsel vm8, $0x0, v1  }
0x215: {  	v57, _, _ =	vpop (xrf0);
	(xrf0) =	vmax.scan.msk.u32 $0xffff, v2;
	v2 =	vxor.u32 $0x80000000, v3;
	v3 =	vsel vm9, $0x0, v1  }
0x216: {  	(v2sf) =	vpush v4, $0xF;
	v58, _, _ =	vpop (xrf0);
	(xrf0) =	vmax.scan.msk.u32 $0xffff, v2;
	v2 =	vxor.u32 $0x80000000, v3;
	v3 =	vsel vm10, $0x0, v1  }
0x217: {  	(v2sf) =	vpush v57, $0xF;
	v59, _, _ =	vpop (xrf0);
	(xrf0) =	vmax.scan.msk.u32 $0xffff, v2;
	v2 =	vxor.u32 $0x80000000, v3;
	v3 =	vsel vm11, $0x0, v1  }
0x218: {  	(v2sf) =	vpush v58, $0xF;
	v60, _, _ =	vpop (xrf0);
	(xrf0) =	vmax.scan.msk.u32 $0xffff, v2;
	v2 =	vxor.u32 $0x80000000, v3;
	v3 =	vsel vm12, $0x0, v1  }
0x219: {  	(v2sf) =	vpush v59, $0xF;
	v61, _, _ =	vpop (xrf0);
	(xrf0) =	vmax.scan.msk.u32 $0xffff, v2;
	v2 =	vxor.u32 $0x80000000, v3;
	v3 =	vsel vm13, $0x0, v1  }
0x21a: {  	(v2sf) =	vpush v60, $0xF;
	v62, _, _ =	vpop (xrf0);
	(xrf0) =	vmax.scan.msk.u32 $0xffff, v2;
	v2 =	vxor.u32 $0x80000000, v3;
	v3 =	vsel vm14, $0x0, v1  }
0x21b: {  	(v2sf) =	vpush v61, $0xF;
	v1 =	vsel vm15, $0x0, v1;
	v63, _, _ =	vpop (xrf0);
	(xrf0) =	vmax.scan.msk.u32 $0xffff, v2;
	v2 =	vxor.u32 $0x80000000, v3  }
0x21c: {  	(v2sf) =	vpush v62, $0xF;
	v1 =	vxor.u32 $0x80000000, v1  }
0x21d: {  	(v2sf) =	vpush v63, $0xF;
	v3, _, _ =	vpop (xrf0);
	(xrf0) =	vmax.scan.msk.u32 $0xffff, v2  }
0x21e: {  	(v2sf) =	vpush v3, $0xF;
	v2, _, _ =	vpop (xrf0);
	(xrf0) =	vmax.scan.msk.u32 $0xffff, v1  }
0x21f: {  	v1, _, _ =	vpop (xrf0);
	(v2sf) =	vpush v2, $0xF  }
0x220: {  	v2, _, _ =	vpop (xrf0);
	(v2sf) =	vpush v1, $0xF  }
0x221: {  	v1, _, _ =	vpop (xrf0);
	(v2sf) =	vpush v2, $0xF  }
0x222: {  	v2, _, _ =	vpop (xrf0);
	(v2sf) =	vpush v1, $0xF  }
0x223: {  	v1, _, _ =	vpop (xrf0);
	(v2sf) =	vpush v2, $0xF  }
0x224: {  	(v2sf) =	vpush v1, $0xF;
	v1, _, _ =	vpop (xrf0)  }
0x225: {  	s29 =	spop (v2sf);
	(v2sf) =	vpush v1, $0xF  }
0x226: {  	s30 =	spop (v2sf);
	s15 =	sxor.u32 $0x80000000, s29  }
0x227: {  	s31 =	spop (v2sf);
	[smem:$0x50] =	sst s15;
	s16 =	sxor.u32 $0x80000000, s30  }
0x228: {  	s18 =	spop (v2sf);
	[smem:$0x51] =	sst s16;
	s19 =	sxor.u32 $0x80000000, s31  }
0x229: {  	s20 =	spop (v2sf);
	[smem:$0x52] =	sst s19;
	s21 =	sxor.u32 $0x80000000, s18  }
0x22a: {  	s22 =	spop (v2sf);
	[smem:$0x53] =	sst s21;
	s23 =	sxor.u32 $0x80000000, s20  }
0x22b: {  	s24 =	spop (v2sf);
	[smem:$0x54] =	sst s23;
	s25 =	sxor.u32 $0x80000000, s22  }
0x22c: {  	s26 =	spop (v2sf);
	[smem:$0x55] =	sst s25;
	s28 =	sxor.u32 $0x80000000, s24  }
0x22d: {  	[smem:$0x56] =	sst s28;
	s30 =	sxor.u32 $0x80000000, s26;
	s29 =	spop (v2sf)  }
0x22e: {  	[smem:$0x57] =	sst s30;
	s31 =	spop (v2sf);
	s17 =	sxor.u32 $0x80000000, s29  }
0x22f: {  	s18 =	spop (v2sf);
	[smem:$0x58] =	sst s17;
	s19 =	sxor.u32 $0x80000000, s31  }
0x230: {  	s20 =	spop (v2sf);
	[smem:$0x59] =	sst s19;
	s21 =	sxor.u32 $0x80000000, s18  }
0x231: {  	s22 =	spop (v2sf);
	[smem:$0x5A] =	sst s21;
	s23 =	sxor.u32 $0x80000000, s20  }
0x232: {  	s24 =	spop (v2sf);
	[smem:$0x5B] =	sst s23;
	s25 =	sxor.u32 $0x80000000, s22  }
0x233: {  	s26 =	spop (v2sf);
	[smem:$0x5C] =	sst s25;
	s28 =	sxor.u32 $0x80000000, s24  }
0x234: {  	[smem:$0x5D] =	sst s28;
	s29 =	sxor.u32 $0x80000000, s26;
	s30 =	spop (v2sf)  }
0x235: {  	[smem:$0x5E] =	sst s29;
	s31 =	sxor.u32 $0x80000000, s30  }
0x236: {  	[smem:$0x5F] =	sst s31  }
0x237: {  	s15 =	sld [smem:$0x50];
	_ =	sdelay $0x2  }
0x238: {  	s16 =	sld [smem:s15+$0x80];
	_ =	sdelay $0x2  }
0x239: {  	p2 =	sgt.s32 s16, $0xFFFFFFFF  }
0x23a: {  	s17 =	sadd.s32 @!p0 $0x1, s14;
	s18 =	sld @p2 [smem:s16+$0x200]  }
0x23b: {  	s17 =	smov.u32 @p0 s14  }
0x23c: {  	s14 =	simm.s32 $0x2D0;
	p0 =	sgt.s32 @!p2 s17, $0x7  }
0x23d: {  	s19 =	simm.s32 $0x50;
	p1 =	por p0, p2;
	[smem:s14] =	sst @p2 s18  }
0x23e: {  	s18 =	sshra.s32 @!p1 s17, $0x1F;
	[smem:s16+$0x200] =	sst @p2 s19;
	s16 =	smulhi.u32 @!p1 $0x38E38E39, s17  }
0x23f: {  	s18 =	smul.u32 @!p1 $0x38E38E39, s18;
	[smem:s15+$0x80] =	sst @!p2 s17  }
0x240: {  	[smem:s17+$0x180] =	sst @!p2 s15  }
0x241: {  	s15 =	simm.s32 @!p2 $0xFFFFFFFF;
	s16 =	sadd.s32 @!p1 s18, s16;
	[smem:s17+$0x200] =	sst @!p2 s19  }
0x242: {  	[smem:s14] =	sst @!p2 s15;
	s14 =	sshrl.u32 @!p1 s16, $0x1F;
	s16 =	sshra.s32 @!p1 s16, $0x1  }
0x243: {  	s18 =	simm.s32 $0x52;
	s21 =	sld @!p1 [smem:s17+$0x180];
	s16 =	sadd.s32 @!p1 s14, s16  }
0x244: {  	s14 =	sadd.s32 @!p2 $0x1, s17;
	s20 =	sld [smem:$0x51];
	s22 =	smul.u32 @!p1 $0x9, s16  }
0x245: {  	s19 =	simm.s32 @!p1 $0x8000;
	s15 =	simm.s32 $0x51;
	s14 =	smov.u32 @p2 s17  }
0x246: {  	s16 =	simm.s32 @!p1 $0x400;
	s21 =	sshll.u32 @!p1 s21, $0x12;
	s17 =	ssub.s32 @!p1 s17, s22  }
0x247: {  	s23 =	sld [smem:s20+$0x80];
	s21 =	sor.u32 @!p1 s5, s21;
	s24 =	sshll.u32 @!p1 s17, $0xF  }
0x248: {  	s22 =	sadd.s32 @!p1 $0x1, s17;
	s17 =	sshrl.u32 @!p1 s21, $0x3;
	s25 =	sshra.s32 @!p1 s24, $0x2  }
0x249: {  	s21 =	simm.s32 $0x51;
	s24 =	sadd.s32 @!p1 s1, s17;
	s17 =	simm.s32 $0x2D1  }
.LBB2_14:
0x24a: {  	s26 =	smov.u32 s14;
	p2 =	sgt.s32 s23, $0xFFFFFFFF;
	s25 =	sor.u32 @!p1 $0x80, s25  }
0x24b: {  	s28 =	smov.u32 s18;
	s18 =	sadd.s32 $0x1, s18;
	s29 =	smov.u32 s14  }
0x24c: {  	p3 =	sgt.s32 @!p2 s14, $0x7;
	s14 =	sadd.s32 @!p2 $0x1, s14;
	s30 =	sld @p2 [smem:s23+$0x200]  }
0x24d: {  	[tilespmem:s25], [sflag:s22] =	stream.strided.gather @!p1 [hbm4b:s24+s16], $0x2000, s19, s16, $0x38;
	[tilespmem:$0x14080] =	vst v63  }
0x24e: {  	p0 =	sne.s32 s18, $0x60;
	s14 =	smov.u32 @p2 s26  }
0x24f: {  	[smem:s17] =	sst @p2 s30  }
0x250: {  	p1 =	por p3, p2;
	[smem:s23+$0x200] =	sst @p2 s15  }
0x251: {  	s22 =	smulhi.u32 @!p1 $0x38E38E39, s29;
	s16 =	sshra.s32 @!p1 s29, $0x1F;
	[smem:s20+$0x80] =	sst @!p2 s29  }
0x252: {  	[smem:s29+$0x180] =	sst @!p2 s20;
	s20 =	smul.u32 @!p1 $0x38E38E39, s16;
	s16 =	simm.s32 @!p1 $0x400  }
0x253: {  	s19 =	simm.s32 @!p1 $0x8000;
	[smem:s29+$0x200] =	sst @!p2 s15;
	s15 =	simm.s32 @!p2 $0xFFFFFFFF  }
0x254: {  	[smem:s17] =	sst @!p2 s15;
	s15 =	sadd.s32 @!p1 s20, s22  }
0x255: {  	s21 =	sadd.s32 $0x1, s21;
	s23 =	sshrl.u32 @!p1 s15, $0x1F;
	s15 =	sshra.s32 @!p1 s15, $0x1  }
0x256: {  	s22 =	sld @!p1 [smem:s29+$0x180];
	s23 =	sadd.s32 @!p1 s23, s15  }
0x257: {  	s20 =	sld [smem:s21+$0x0];
	s15 =	smov.u32 s28;
	s24 =	smul.u32 @!p1 $0x9, s23  }
.Ltmp8:
0x258: {  	(pc) =	sbr.rel @p0 .LBB2_14-.Ltmp8, $4  }
0x259: {  	s22 =	sshll.u32 @!p1 s22, $0x12  }
0x25a: {  	s23 =	sld [smem:s20+$0x80];
	s25 =	sor.u32 @!p1 s5, s22;
	s22 =	ssub.s32 @!p1 s29, s24  }
0x25b: {  	s24 =	sshll.u32 @!p1 s22, $0xF;
	s22 =	sadd.s32 @!p1 $0x1, s22;
	s26 =	sshrl.u32 @!p1 s25, $0x3  }
0x25c: {  	s17 =	sadd.s32 $0x1, s17;
	s25 =	sshra.s32 @!p1 s24, $0x2;
	s24 =	sadd.s32 @!p1 s1, s26  }
0x25d: {  	p0 =	sgt.s32 s23, $0xFFFFFFFF  }
0x25e: {  	s18 =	sld @p0 [smem:s23+$0x200];
	_ =	sdelay $0x1  }
0x25f: {  	p2 =	sgt.s32 @!p0 s14, $0x7  }
0x260: {  	p2 =	por p2, p0;
	[smem:s17] =	sst @p0 s18  }
0x261: {  	s21 =	sshra.s32 @!p2 s14, $0x1F;
	s18 =	smulhi.u32 @!p2 $0x38E38E39, s14;
	[smem:s23+$0x200] =	sst @p0 s15  }
0x262: {  	s21 =	smul.u32 @!p2 $0x38E38E39, s21;
	[smem:s20+$0x80] =	sst @!p0 s14  }
0x263: {  	[smem:s14+$0x180] =	sst @!p0 s20  }
0x264: {  	s18 =	sadd.s32 @!p2 s21, s18;
	[smem:s14+$0x200] =	sst @!p0 s15;
	s15 =	simm.s32 @!p0 $0xFFFFFFFF  }
0x265: {  	[smem:s17] =	sst @!p0 s15;
	s15 =	sshrl.u32 @!p2 s18, $0x1F;
	s17 =	sshra.s32 @!p2 s18, $0x1  }
0x266: {  	s18 =	sld @!p2 [smem:s14+$0x180];
	s15 =	sadd.s32 @!p2 s15, s17  }
0x267: {  	s17 =	sor.u32 @!p1 $0x80, s25;
	s15 =	smul.u32 @!p2 $0x9, s15  }
0x268: {  	[tilespmem:s17], [sflag:s22] =	stream.strided.gather @!p1 [hbm4b:s24+s16], $0x2000, s19, s16, $0x38;
	[tilespmem:$0x14080] =	vst v63  }
0x269: {  	s16 =	sshll.u32 @!p2 s18, $0x12;
	s15 =	ssub.s32 @!p2 s14, s15  }
0x26a: {  	s17 =	simm.s32 @!p2 $0x400;
	s16 =	sor.u32 @!p2 s5, s16;
	s18 =	sshll.u32 @!p2 s15, $0xF  }
0x26b: {  	s19 =	simm.s32 @!p2 $0x8000;
	s16 =	sshrl.u32 @!p2 s16, $0x3;
	s18 =	sshra.s32 @!p2 s18, $0x2  }
0x26c: {  	s15 =	sadd.s32 @!p2 $0x1, s15;
	s16 =	sadd.s32 @!p2 s1, s16;
	s18 =	sor.u32 @!p2 $0x80, s18  }
0x26d: {  	[tilespmem:s18], [sflag:s15] =	stream.strided.gather @!p2 [hbm4b:s16+s17], $0x2000, s19, s17, $0x38;
	[tilespmem:$0x14080] =	vst v63  }
0x26e: {  	v1 =	vld [tilespmem:$0x60];
	_ =	sdelay $0x4  }
0x26f: {  	v2 =	vnsel vm0, $0x0, v1  }
0x270: {  	v3 =	vsel vm1, $0x0, v1;
	v2 =	vxor.u32 $0x80000000, v2  }
0x271: {  	(xrf0) =	vmax.scan.msk.u32 $0xffff, v2;
	v2 =	vxor.u32 $0x80000000, v3;
	v3 =	vsel vm2, $0x0, v1  }
0x272: {  	(xrf0) =	vmax.scan.msk.u32 $0xffff, v2;
	v2 =	vxor.u32 $0x80000000, v3;
	v3 =	vsel vm3, $0x0, v1  }
0x273: {  	(xrf0) =	vmax.scan.msk.u32 $0xffff, v2;
	v2 =	vxor.u32 $0x80000000, v3;
	v3 =	vsel vm4, $0x0, v1  }
0x274: {  	(xrf0) =	vmax.scan.msk.u32 $0xffff, v2;
	v2 =	vxor.u32 $0x80000000, v3;
	v3 =	vsel vm5, $0x0, v1  }
0x275: {  	(xrf0) =	vmax.scan.msk.u32 $0xffff, v2;
	v2 =	vxor.u32 $0x80000000, v3;
	v3 =	vsel vm6, $0x0, v1  }
0x276: {  	(xrf0) =	vmax.scan.msk.u32 $0xffff, v2;
	v2 =	vxor.u32 $0x80000000, v3;
	v3 =	vsel vm7, $0x0, v1  }
0x277: {  	v4, _, _ =	vpop (xrf0);
	(xrf0) =	vmax.scan.msk.u32 $0xffff, v2;
	v2 =	vxor.u32 $0x80000000, v3;
	v3 =	vsel vm8, $0x0, v1  }
0x278: {  	v57, _, _ =	vpop (xrf0);
	(xrf0) =	vmax.scan.msk.u32 $0xffff, v2;
	v2 =	vxor.u32 $0x80000000, v3;
	v3 =	vsel vm9, $0x0, v1  }
0x279: {  	(v2sf) =	vpush v4, $0xF;
	v58, _, _ =	vpop (xrf0);
	(xrf0) =	vmax.scan.msk.u32 $0xffff, v2;
	v2 =	vxor.u32 $0x80000000, v3;
	v3 =	vsel vm10, $0x0, v1  }
0x27a: {  	(v2sf) =	vpush v57, $0xF;
	v59, _, _ =	vpop (xrf0);
	(xrf0) =	vmax.scan.msk.u32 $0xffff, v2;
	v2 =	vxor.u32 $0x80000000, v3;
	v3 =	vsel vm11, $0x0, v1  }
0x27b: {  	(v2sf) =	vpush v58, $0xF;
	v60, _, _ =	vpop (xrf0);
	(xrf0) =	vmax.scan.msk.u32 $0xffff, v2;
	v2 =	vxor.u32 $0x80000000, v3;
	v3 =	vsel vm12, $0x0, v1  }
0x27c: {  	(v2sf) =	vpush v59, $0xF;
	v61, _, _ =	vpop (xrf0);
	(xrf0) =	vmax.scan.msk.u32 $0xffff, v2;
	v2 =	vxor.u32 $0x80000000, v3;
	v3 =	vsel vm13, $0x0, v1  }
0x27d: {  	(v2sf) =	vpush v60, $0xF;
	v62, _, _ =	vpop (xrf0);
	(xrf0) =	vmax.scan.msk.u32 $0xffff, v2;
	v2 =	vxor.u32 $0x80000000, v3;
	v3 =	vsel vm14, $0x0, v1  }
0x27e: {  	(v2sf) =	vpush v61, $0xF;
	v1 =	vsel vm15, $0x0, v1;
	v63, _, _ =	vpop (xrf0);
	(xrf0) =	vmax.scan.msk.u32 $0xffff, v2;
	v2 =	vxor.u32 $0x80000000, v3  }
0x27f: {  	(v2sf) =	vpush v62, $0xF;
	v1 =	vxor.u32 $0x80000000, v1  }
0x280: {  	(v2sf) =	vpush v63, $0xF;
	v3, _, _ =	vpop (xrf0);
	(xrf0) =	vmax.scan.msk.u32 $0xffff, v2  }
0x281: {  	(v2sf) =	vpush v3, $0xF;
	v2, _, _ =	vpop (xrf0);
	(xrf0) =	vmax.scan.msk.u32 $0xffff, v1  }
0x282: {  	v1, _, _ =	vpop (xrf0);
	(v2sf) =	vpush v2, $0xF  }
0x283: {  	v2, _, _ =	vpop (xrf0);
	(v2sf) =	vpush v1, $0xF  }
0x284: {  	v1, _, _ =	vpop (xrf0);
	(v2sf) =	vpush v2, $0xF  }
0x285: {  	v2, _, _ =	vpop (xrf0);
	(v2sf) =	vpush v1, $0xF  }
0x286: {  	v1, _, _ =	vpop (xrf0);
	(v2sf) =	vpush v2, $0xF  }
0x287: {  	(v2sf) =	vpush v1, $0xF;
	v1, _, _ =	vpop (xrf0)  }
0x288: {  	s29 =	spop (v2sf);
	(v2sf) =	vpush v1, $0xF  }
0x289: {  	s30 =	spop (v2sf);
	s15 =	sxor.u32 $0x80000000, s29  }
0x28a: {  	s31 =	spop (v2sf);
	[smem:$0x60] =	sst s15;
	s16 =	sxor.u32 $0x80000000, s30  }
0x28b: {  	s18 =	spop (v2sf);
	[smem:$0x61] =	sst s16;
	s19 =	sxor.u32 $0x80000000, s31  }
0x28c: {  	s20 =	spop (v2sf);
	[smem:$0x62] =	sst s19;
	s21 =	sxor.u32 $0x80000000, s18  }
0x28d: {  	s22 =	spop (v2sf);
	[smem:$0x63] =	sst s21;
	s23 =	sxor.u32 $0x80000000, s20  }
0x28e: {  	s24 =	spop (v2sf);
	[smem:$0x64] =	sst s23;
	s25 =	sxor.u32 $0x80000000, s22  }
0x28f: {  	s26 =	spop (v2sf);
	[smem:$0x65] =	sst s25;
	s28 =	sxor.u32 $0x80000000, s24  }
0x290: {  	[smem:$0x66] =	sst s28;
	s30 =	sxor.u32 $0x80000000, s26;
	s29 =	spop (v2sf)  }
0x291: {  	[smem:$0x67] =	sst s30;
	s31 =	spop (v2sf);
	s17 =	sxor.u32 $0x80000000, s29  }
0x292: {  	s18 =	spop (v2sf);
	[smem:$0x68] =	sst s17;
	s19 =	sxor.u32 $0x80000000, s31  }
0x293: {  	s20 =	spop (v2sf);
	[smem:$0x69] =	sst s19;
	s21 =	sxor.u32 $0x80000000, s18  }
0x294: {  	s22 =	spop (v2sf);
	[smem:$0x6A] =	sst s21;
	s23 =	sxor.u32 $0x80000000, s20  }
0x295: {  	s24 =	spop (v2sf);
	[smem:$0x6B] =	sst s23;
	s25 =	sxor.u32 $0x80000000, s22  }
0x296: {  	s26 =	spop (v2sf);
	[smem:$0x6C] =	sst s25;
	s28 =	sxor.u32 $0x80000000, s24  }
0x297: {  	[smem:$0x6D] =	sst s28;
	s29 =	sxor.u32 $0x80000000, s26;
	s30 =	spop (v2sf)  }
0x298: {  	[smem:$0x6E] =	sst s29;
	s31 =	sxor.u32 $0x80000000, s30  }
0x299: {  	[smem:$0x6F] =	sst s31  }
0x29a: {  	s15 =	sld [smem:$0x60];
	_ =	sdelay $0x2  }
0x29b: {  	s16 =	sld [smem:s15+$0x80];
	_ =	sdelay $0x2  }
0x29c: {  	p2 =	sgt.s32 s16, $0xFFFFFFFF  }
0x29d: {  	s17 =	sadd.s32 @!p0 $0x1, s14;
	s18 =	sld @p2 [smem:s16+$0x200]  }
0x29e: {  	s17 =	smov.u32 @p0 s14  }
0x29f: {  	s14 =	simm.s32 $0x2E0;
	p0 =	sgt.s32 @!p2 s17, $0x7  }
0x2a0: {  	s19 =	simm.s32 $0x60;
	p1 =	por p0, p2;
	[smem:s14] =	sst @p2 s18  }
0x2a1: {  	s18 =	sshra.s32 @!p1 s17, $0x1F;
	[smem:s16+$0x200] =	sst @p2 s19;
	s16 =	smulhi.u32 @!p1 $0x38E38E39, s17  }
0x2a2: {  	s18 =	smul.u32 @!p1 $0x38E38E39, s18;
	[smem:s15+$0x80] =	sst @!p2 s17  }
0x2a3: {  	[smem:s17+$0x180] =	sst @!p2 s15  }
0x2a4: {  	s15 =	simm.s32 @!p2 $0xFFFFFFFF;
	s16 =	sadd.s32 @!p1 s18, s16;
	[smem:s17+$0x200] =	sst @!p2 s19  }
0x2a5: {  	[smem:s14] =	sst @!p2 s15;
	s14 =	sshrl.u32 @!p1 s16, $0x1F;
	s16 =	sshra.s32 @!p1 s16, $0x1  }
0x2a6: {  	s18 =	simm.s32 $0x62;
	s21 =	sld @!p1 [smem:s17+$0x180];
	s16 =	sadd.s32 @!p1 s14, s16  }
0x2a7: {  	s14 =	sadd.s32 @!p2 $0x1, s17;
	s20 =	sld [smem:$0x61];
	s22 =	smul.u32 @!p1 $0x9, s16  }
0x2a8: {  	s19 =	simm.s32 @!p1 $0x8000;
	s15 =	simm.s32 $0x61;
	s14 =	smov.u32 @p2 s17  }
0x2a9: {  	s16 =	simm.s32 @!p1 $0x400;
	s21 =	sshll.u32 @!p1 s21, $0x12;
	s17 =	ssub.s32 @!p1 s17, s22  }
0x2aa: {  	s23 =	sld [smem:s20+$0x80];
	s21 =	sor.u32 @!p1 s5, s21;
	s24 =	sshll.u32 @!p1 s17, $0xF  }
0x2ab: {  	s22 =	sadd.s32 @!p1 $0x1, s17;
	s17 =	sshrl.u32 @!p1 s21, $0x3;
	s25 =	sshra.s32 @!p1 s24, $0x2  }
0x2ac: {  	s21 =	simm.s32 $0x61;
	s24 =	sadd.s32 @!p1 s1, s17;
	s17 =	simm.s32 $0x2E1  }
.LBB2_16:
0x2ad: {  	s26 =	smov.u32 s14;
	p2 =	sgt.s32 s23, $0xFFFFFFFF;
	s25 =	sor.u32 @!p1 $0x80, s25  }
0x2ae: {  	s28 =	smov.u32 s18;
	s18 =	sadd.s32 $0x1, s18;
	s29 =	smov.u32 s14  }
0x2af: {  	p3 =	sgt.s32 @!p2 s14, $0x7;
	s14 =	sadd.s32 @!p2 $0x1, s14;
	s30 =	sld @p2 [smem:s23+$0x200]  }
0x2b0: {  	[tilespmem:s25], [sflag:s22] =	stream.strided.gather @!p1 [hbm4b:s24+s16], $0x2000, s19, s16, $0x38;
	[tilespmem:$0x14080] =	vst v63  }
0x2b1: {  	p0 =	sne.s32 s18, $0x70;
	s14 =	smov.u32 @p2 s26  }
0x2b2: {  	[smem:s17] =	sst @p2 s30  }
0x2b3: {  	p1 =	por p3, p2;
	[smem:s23+$0x200] =	sst @p2 s15  }
0x2b4: {  	s22 =	smulhi.u32 @!p1 $0x38E38E39, s29;
	s16 =	sshra.s32 @!p1 s29, $0x1F;
	[smem:s20+$0x80] =	sst @!p2 s29  }
0x2b5: {  	[smem:s29+$0x180] =	sst @!p2 s20;
	s20 =	smul.u32 @!p1 $0x38E38E39, s16;
	s16 =	simm.s32 @!p1 $0x400  }
0x2b6: {  	s19 =	simm.s32 @!p1 $0x8000;
	[smem:s29+$0x200] =	sst @!p2 s15;
	s15 =	simm.s32 @!p2 $0xFFFFFFFF  }
0x2b7: {  	[smem:s17] =	sst @!p2 s15;
	s15 =	sadd.s32 @!p1 s20, s22  }
0x2b8: {  	s21 =	sadd.s32 $0x1, s21;
	s23 =	sshrl.u32 @!p1 s15, $0x1F;
	s15 =	sshra.s32 @!p1 s15, $0x1  }
0x2b9: {  	s22 =	sld @!p1 [smem:s29+$0x180];
	s23 =	sadd.s32 @!p1 s23, s15  }
0x2ba: {  	s20 =	sld [smem:s21+$0x0];
	s15 =	smov.u32 s28;
	s24 =	smul.u32 @!p1 $0x9, s23  }
.Ltmp9:
0x2bb: {  	(pc) =	sbr.rel @p0 .LBB2_16-.Ltmp9, $4  }
0x2bc: {  	s22 =	sshll.u32 @!p1 s22, $0x12  }
0x2bd: {  	s23 =	sld [smem:s20+$0x80];
	s25 =	sor.u32 @!p1 s5, s22;
	s22 =	ssub.s32 @!p1 s29, s24  }
0x2be: {  	s24 =	sshll.u32 @!p1 s22, $0xF;
	s22 =	sadd.s32 @!p1 $0x1, s22;
	s26 =	sshrl.u32 @!p1 s25, $0x3  }
0x2bf: {  	s17 =	sadd.s32 $0x1, s17;
	s25 =	sshra.s32 @!p1 s24, $0x2;
	s24 =	sadd.s32 @!p1 s1, s26  }
0x2c0: {  	p0 =	sgt.s32 s23, $0xFFFFFFFF  }
0x2c1: {  	s18 =	sld @p0 [smem:s23+$0x200];
	_ =	sdelay $0x1  }
0x2c2: {  	p2 =	sgt.s32 @!p0 s14, $0x7  }
0x2c3: {  	p2 =	por p2, p0;
	[smem:s17] =	sst @p0 s18  }
0x2c4: {  	s21 =	sshra.s32 @!p2 s14, $0x1F;
	s18 =	smulhi.u32 @!p2 $0x38E38E39, s14;
	[smem:s23+$0x200] =	sst @p0 s15  }
0x2c5: {  	s21 =	smul.u32 @!p2 $0x38E38E39, s21;
	[smem:s20+$0x80] =	sst @!p0 s14  }
0x2c6: {  	[smem:s14+$0x180] =	sst @!p0 s20  }
0x2c7: {  	s18 =	sadd.s32 @!p2 s21, s18;
	[smem:s14+$0x200] =	sst @!p0 s15;
	s15 =	simm.s32 @!p0 $0xFFFFFFFF  }
0x2c8: {  	[smem:s17] =	sst @!p0 s15;
	s15 =	sshrl.u32 @!p2 s18, $0x1F;
	s17 =	sshra.s32 @!p2 s18, $0x1  }
0x2c9: {  	s18 =	sld @!p2 [smem:s14+$0x180];
	s15 =	sadd.s32 @!p2 s15, s17  }
0x2ca: {  	s17 =	sor.u32 @!p1 $0x80, s25;
	s15 =	smul.u32 @!p2 $0x9, s15  }
0x2cb: {  	[tilespmem:s17], [sflag:s22] =	stream.strided.gather @!p1 [hbm4b:s24+s16], $0x2000, s19, s16, $0x38;
	[tilespmem:$0x14080] =	vst v63  }
0x2cc: {  	s16 =	sshll.u32 @!p2 s18, $0x12;
	s15 =	ssub.s32 @!p2 s14, s15  }
0x2cd: {  	s17 =	simm.s32 @!p2 $0x400;
	s16 =	sor.u32 @!p2 s5, s16;
	s18 =	sshll.u32 @!p2 s15, $0xF  }
0x2ce: {  	s19 =	simm.s32 @!p2 $0x8000;
	s16 =	sshrl.u32 @!p2 s16, $0x3;
	s18 =	sshra.s32 @!p2 s18, $0x2  }
0x2cf: {  	s15 =	sadd.s32 @!p2 $0x1, s15;
	s16 =	sadd.s32 @!p2 s1, s16;
	s18 =	sor.u32 @!p2 $0x80, s18  }
0x2d0: {  	[tilespmem:s18], [sflag:s15] =	stream.strided.gather @!p2 [hbm4b:s16+s17], $0x2000, s19, s17, $0x38;
	[tilespmem:$0x14080] =	vst v63  }
0x2d1: {  	v1 =	vld [tilespmem:$0x70];
	_ =	sdelay $0x4  }
0x2d2: {  	v2 =	vnsel vm0, $0x0, v1  }
0x2d3: {  	v3 =	vsel vm1, $0x0, v1;
	v2 =	vxor.u32 $0x80000000, v2  }
0x2d4: {  	(xrf0) =	vmax.scan.msk.u32 $0xffff, v2;
	v2 =	vxor.u32 $0x80000000, v3;
	v3 =	vsel vm2, $0x0, v1  }
0x2d5: {  	(xrf0) =	vmax.scan.msk.u32 $0xffff, v2;
	v2 =	vxor.u32 $0x80000000, v3;
	v3 =	vsel vm3, $0x0, v1  }
0x2d6: {  	(xrf0) =	vmax.scan.msk.u32 $0xffff, v2;
	v2 =	vxor.u32 $0x80000000, v3;
	v3 =	vsel vm4, $0x0, v1  }
0x2d7: {  	(xrf0) =	vmax.scan.msk.u32 $0xffff, v2;
	v2 =	vxor.u32 $0x80000000, v3;
	v3 =	vsel vm5, $0x0, v1  }
0x2d8: {  	(xrf0) =	vmax.scan.msk.u32 $0xffff, v2;
	v2 =	vxor.u32 $0x80000000, v3;
	v3 =	vsel vm6, $0x0, v1  }
0x2d9: {  	(xrf0) =	vmax.scan.msk.u32 $0xffff, v2;
	v2 =	vxor.u32 $0x80000000, v3;
	v3 =	vsel vm7, $0x0, v1  }
0x2da: {  	v4, _, _ =	vpop (xrf0);
	(xrf0) =	vmax.scan.msk.u32 $0xffff, v2;
	v2 =	vxor.u32 $0x80000000, v3;
	v3 =	vsel vm8, $0x0, v1  }
0x2db: {  	v57, _, _ =	vpop (xrf0);
	(xrf0) =	vmax.scan.msk.u32 $0xffff, v2;
	v2 =	vxor.u32 $0x80000000, v3;
	v3 =	vsel vm9, $0x0, v1  }
0x2dc: {  	(v2sf) =	vpush v4, $0xF;
	v58, _, _ =	vpop (xrf0);
	(xrf0) =	vmax.scan.msk.u32 $0xffff, v2;
	v2 =	vxor.u32 $0x80000000, v3;
	v3 =	vsel vm10, $0x0, v1  }
0x2dd: {  	(v2sf) =	vpush v57, $0xF;
	v59, _, _ =	vpop (xrf0);
	(xrf0) =	vmax.scan.msk.u32 $0xffff, v2;
	v2 =	vxor.u32 $0x80000000, v3;
	v3 =	vsel vm11, $0x0, v1  }
0x2de: {  	(v2sf) =	vpush v58, $0xF;
	v60, _, _ =	vpop (xrf0);
	(xrf0) =	vmax.scan.msk.u32 $0xffff, v2;
	v2 =	vxor.u32 $0x80000000, v3;
	v3 =	vsel vm12, $0x0, v1  }
0x2df: {  	(v2sf) =	vpush v59, $0xF;
	v61, _, _ =	vpop (xrf0);
	(xrf0) =	vmax.scan.msk.u32 $0xffff, v2;
	v2 =	vxor.u32 $0x80000000, v3;
	v3 =	vsel vm13, $0x0, v1  }
0x2e0: {  	(v2sf) =	vpush v60, $0xF;
	v62, _, _ =	vpop (xrf0);
	(xrf0) =	vmax.scan.msk.u32 $0xffff, v2;
	v2 =	vxor.u32 $0x80000000, v3;
	v3 =	vsel vm14, $0x0, v1  }
0x2e1: {  	(v2sf) =	vpush v61, $0xF;
	v63, _, _ =	vpop (xrf0);
	(xrf0) =	vmax.scan.msk.u32 $0xffff, v2;
	v2 =	vxor.u32 $0x80000000, v3  }
0x2e2: {  	v1 =	vsel vm15, $0x0, v1;
	(v2sf) =	vpush v62, $0xF  }
0x2e3: {  	v1 =	vxor.u32 $0x80000000, v1;
	(v2sf) =	vpush v63, $0xF;
	v3, _, _ =	vpop (xrf0);
	(xrf0) =	vmax.scan.msk.u32 $0xffff, v2  }
0x2e4: {  	v2, _, _ =	vpop (xrf0);
	(v2sf) =	vpush v3, $0xF;
	(xrf0) =	vmax.scan.msk.u32 $0xffff, v1  }
0x2e5: {  	(v2sf) =	vpush v2, $0xF;
	v2, _, _ =	vpop (xrf0)  }
0x2e6: {  	v1, _, _ =	vpop (xrf0);
	(v2sf) =	vpush v2, $0xF  }
0x2e7: {  	v2, _, _ =	vpop (xrf0);
	(v2sf) =	vpush v1, $0xF  }
0x2e8: {  	v1, _, _ =	vpop (xrf0);
	(v2sf) =	vpush v2, $0xF  }
0x2e9: {  	v2, _, _ =	vpop (xrf0);
	(v2sf) =	vpush v1, $0xF  }
0x2ea: {  	(v2sf) =	vpush v2, $0xF;
	v1, _, _ =	vpop (xrf0)  }
0x2eb: {  	s25 =	spop (v2sf);
	(v2sf) =	vpush v1, $0xF  }
0x2ec: {  	s26 =	spop (v2sf);
	s15 =	sxor.u32 $0x80000000, s25  }
0x2ed: {  	s28 =	spop (v2sf);
	[smem:$0x70] =	sst s15;
	s30 =	sxor.u32 $0x80000000, s26  }
0x2ee: {  	s29 =	spop (v2sf);
	[smem:$0x71] =	sst s30;
	s19 =	sxor.u32 $0x80000000, s28  }
0x2ef: {  	s31 =	spop (v2sf);
	[smem:$0x72] =	sst s19;
	s21 =	sxor.u32 $0x80000000, s29  }
0x2f0: {  	s20 =	spop (v2sf);
	[smem:$0x73] =	sst s21;
	s23 =	sxor.u32 $0x80000000, s31  }
0x2f1: {  	s22 =	spop (v2sf);
	[smem:$0x74] =	sst s23;
	s25 =	sxor.u32 $0x80000000, s20  }
0x2f2: {  	s24 =	spop (v2sf);
	[smem:$0x75] =	sst s25;
	s28 =	sxor.u32 $0x80000000, s22  }
0x2f3: {  	[smem:$0x76] =	sst s28;
	s30 =	sxor.u32 $0x80000000, s24;
	s26 =	spop (v2sf)  }
0x2f4: {  	[smem:$0x77] =	sst s30;
	s29 =	spop (v2sf);
	s17 =	sxor.u32 $0x80000000, s26  }
0x2f5: {  	s31 =	spop (v2sf);
	[smem:$0x78] =	sst s17;
	s20 =	sxor.u32 $0x80000000, s29  }
0x2f6: {  	s19 =	spop (v2sf);
	[smem:$0x79] =	sst s20;
	s22 =	sxor.u32 $0x80000000, s31  }
0x2f7: {  	s21 =	spop (v2sf);
	[smem:$0x7A] =	sst s22;
	s24 =	sxor.u32 $0x80000000, s19  }
0x2f8: {  	s23 =	spop (v2sf);
	[smem:$0x7B] =	sst s24;
	s26 =	sxor.u32 $0x80000000, s21  }
0x2f9: {  	s25 =	spop (v2sf);
	[smem:$0x7C] =	sst s26;
	s28 =	sxor.u32 $0x80000000, s23  }
0x2fa: {  	[smem:$0x7D] =	sst s28;
	s29 =	sxor.u32 $0x80000000, s25;
	s30 =	spop (v2sf)  }
0x2fb: {  	[smem:$0x7E] =	sst s29;
	s31 =	sxor.u32 $0x80000000, s30  }
0x2fc: {  	[smem:$0x7F] =	sst s31  }
0x2fd: {  	s16 =	sld [smem:$0x70];
	_ =	sdelay $0x2  }
0x2fe: {  	s18 =	sld [smem:s16+$0x80];
	_ =	sdelay $0x2  }
0x2ff: {  	p1 =	sgt.s32 s18, $0xFFFFFFFF  }
0x300: {  	s17 =	sadd.s32 @!p0 $0x1, s14;
	s19 =	sld @p1 [smem:s18+$0x200]  }
0x301: {  	s17 =	smov.u32 @p0 s14  }
0x302: {  	s14 =	simm.s32 $0x2F0;
	p0 =	sgt.s32 @!p1 s17, $0x7  }
0x303: {  	s15 =	simm.s32 $0x70;
	p0 =	por p0, p1;
	[smem:s14] =	sst @p1 s19  }
0x304: {  	s19 =	sshra.s32 @!p0 s17, $0x1F;
	[smem:s18+$0x200] =	sst @p1 s15;
	s18 =	smulhi.u32 @!p0 $0x38E38E39, s17  }
0x305: {  	s19 =	smul.u32 @!p0 $0x38E38E39, s19;
	[smem:s16+$0x80] =	sst @!p1 s17  }
0x306: {  	[smem:s17+$0x180] =	sst @!p1 s16  }
0x307: {  	s16 =	sadd.s32 @!p0 s19, s18;
	[smem:s17+$0x200] =	sst @!p1 s15;
	s15 =	simm.s32 @!p1 $0xFFFFFFFF  }
0x308: {  	[smem:s14] =	sst @!p1 s15;
	s14 =	sshrl.u32 @!p0 s16, $0x1F;
	s16 =	sshra.s32 @!p0 s16, $0x1  }
0x309: {  	s18 =	simm.s32 $0x72;
	s21 =	sld @!p0 [smem:s17+$0x180];
	s16 =	sadd.s32 @!p0 s14, s16  }
0x30a: {  	s14 =	sadd.s32 @!p1 $0x1, s17;
	s20 =	sld [smem:$0x71];
	s22 =	smul.u32 @!p0 $0x9, s16  }
0x30b: {  	s19 =	simm.s32 @!p0 $0x8000;
	s15 =	simm.s32 $0x71;
	s14 =	smov.u32 @p1 s17  }
0x30c: {  	s16 =	simm.s32 @!p0 $0x400;
	s21 =	sshll.u32 @!p0 s21, $0x12;
	s17 =	ssub.s32 @!p0 s17, s22  }
0x30d: {  	s23 =	sld [smem:s20+$0x80];
	s21 =	sor.u32 @!p0 s5, s21;
	s24 =	sshll.u32 @!p0 s17, $0xF  }
0x30e: {  	s22 =	sadd.s32 @!p0 $0x1, s17;
	s17 =	sshrl.u32 @!p0 s21, $0x3;
	s25 =	sshra.s32 @!p0 s24, $0x2  }
0x30f: {  	s21 =	simm.s32 $0x71;
	s24 =	sadd.s32 @!p0 s1, s17;
	s17 =	simm.s32 $0x2F1  }
.LBB2_18:
0x310: {  	s26 =	smov.u32 s14;
	p2 =	sgt.s32 s23, $0xFFFFFFFF;
	s25 =	sor.u32 @!p0 $0x80, s25  }
0x311: {  	s28 =	smov.u32 s18;
	s18 =	sadd.s32 $0x1, s18;
	s29 =	smov.u32 s14  }
0x312: {  	p3 =	sgt.s32 @!p2 s14, $0x7;
	s14 =	sadd.s32 @!p2 $0x1, s14;
	s30 =	sld @p2 [smem:s23+$0x200]  }
0x313: {  	[tilespmem:s25], [sflag:s22] =	stream.strided.gather @!p0 [hbm4b:s24+s16], $0x2000, s19, s16, $0x38;
	[tilespmem:$0x14080] =	vst v63  }
0x314: {  	p1 =	seq.s32 s18, $0x80;
	s14 =	smov.u32 @p2 s26  }
0x315: {  	[smem:s17] =	sst @p2 s30  }
0x316: {  	p0 =	por p3, p2;
	[smem:s23+$0x200] =	sst @p2 s15  }
0x317: {  	s22 =	smulhi.u32 @!p0 $0x38E38E39, s29;
	s16 =	sshra.s32 @!p0 s29, $0x1F;
	[smem:s20+$0x80] =	sst @!p2 s29  }
0x318: {  	[smem:s29+$0x180] =	sst @!p2 s20;
	s20 =	smul.u32 @!p0 $0x38E38E39, s16;
	s16 =	simm.s32 @!p0 $0x400  }
0x319: {  	s19 =	simm.s32 @!p0 $0x8000;
	[smem:s29+$0x200] =	sst @!p2 s15;
	s15 =	simm.s32 @!p2 $0xFFFFFFFF  }
0x31a: {  	[smem:s17] =	sst @!p2 s15;
	s15 =	sadd.s32 @!p0 s20, s22  }
0x31b: {  	s21 =	sadd.s32 $0x1, s21;
	s23 =	sshrl.u32 @!p0 s15, $0x1F;
	s15 =	sshra.s32 @!p0 s15, $0x1  }
0x31c: {  	s22 =	sld @!p0 [smem:s29+$0x180];
	s23 =	sadd.s32 @!p0 s23, s15  }
0x31d: {  	s20 =	sld [smem:s21+$0x0];
	s15 =	smov.u32 s28;
	s24 =	smul.u32 @!p0 $0x9, s23  }
.Ltmp10:
0x31e: {  	(pc) =	sbr.rel @!p1 .LBB2_18-.Ltmp10, $4  }
0x31f: {  	s22 =	sshll.u32 @!p0 s22, $0x12  }
0x320: {  	s23 =	sld [smem:s20+$0x80];
	s25 =	sor.u32 @!p0 s5, s22;
	s22 =	ssub.s32 @!p0 s29, s24  }
0x321: {  	s24 =	sshll.u32 @!p0 s22, $0xF;
	s22 =	sadd.s32 @!p0 $0x1, s22;
	s26 =	sshrl.u32 @!p0 s25, $0x3  }
0x322: {  	s17 =	sadd.s32 $0x1, s17;
	s25 =	sshra.s32 @!p0 s24, $0x2;
	s24 =	sadd.s32 @!p0 s1, s26  }
0x323: {  	p1 =	sgt.s32 s23, $0xFFFFFFFF  }
0x324: {  	s18 =	sld @p1 [smem:s23+$0x200];
	_ =	sdelay $0x1  }
0x325: {  	p2 =	sgt.s32 @!p1 s14, $0x7  }
0x326: {  	p2 =	por p2, p1;
	[smem:s17] =	sst @p1 s18  }
0x327: {  	s21 =	sshra.s32 @!p2 s14, $0x1F;
	s18 =	smulhi.u32 @!p2 $0x38E38E39, s14;
	[smem:s23+$0x200] =	sst @p1 s15  }
0x328: {  	s21 =	smul.u32 @!p2 $0x38E38E39, s21;
	[smem:s20+$0x80] =	sst @!p1 s14  }
0x329: {  	[smem:s14+$0x180] =	sst @!p1 s20  }
0x32a: {  	s18 =	sadd.s32 @!p2 s21, s18;
	[smem:s14+$0x200] =	sst @!p1 s15;
	s15 =	simm.s32 @!p1 $0xFFFFFFFF  }
0x32b: {  	[smem:s17] =	sst @!p1 s15;
	s15 =	sshrl.u32 @!p2 s18, $0x1F;
	s17 =	sshra.s32 @!p2 s18, $0x1  }
0x32c: {  	s18 =	sld @!p2 [smem:s14+$0x180];
	s15 =	sadd.s32 @!p2 s15, s17  }
0x32d: {  	s17 =	sor.u32 @!p0 $0x80, s25;
	s15 =	smul.u32 @!p2 $0x9, s15  }
0x32e: {  	[tilespmem:s17], [sflag:s22] =	stream.strided.gather @!p0 [hbm4b:s24+s16], $0x2000, s19, s16, $0x38;
	[tilespmem:$0x14080] =	vst v63  }
0x32f: {  	s16 =	sshll.u32 @!p2 s18, $0x12;
	s15 =	ssub.s32 @!p2 s14, s15  }
0x330: {  	s17 =	simm.s32 @!p2 $0x400;
	s16 =	sor.u32 @!p2 s5, s16;
	s18 =	sshll.u32 @!p2 s15, $0xF  }
0x331: {  	s19 =	simm.s32 @!p2 $0x8000;
	s16 =	sshrl.u32 @!p2 s16, $0x3;
	s18 =	sshra.s32 @!p2 s18, $0x2  }
0x332: {  	s15 =	sadd.s32 @!p2 $0x1, s15;
	s16 =	sadd.s32 @!p2 s1, s16;
	s18 =	sor.u32 @!p2 $0x80, s18  }
0x333: {  	[tilespmem:s18], [sflag:s15] =	stream.strided.gather @!p2 [hbm4b:s16+s17], $0x2000, s19, s17, $0x38;
	[tilespmem:$0x14080] =	vst v63  }
0x334: {  	s15 =	sadd.s32 @!p1 $0x1, s14  }
0x335: {  	s15 =	smov.u32 @p1 s14  }
0x336: {  	p0 =	sgt.s32 s15, $0x0  }
.Ltmp11:
0x337: {  	_ = 	snop;
	(pc) =	sbr.rel @p0 .LBB2_20-.Ltmp11, $4  }
.Ltmp12:
0x338: {  	_ = 	snop;
	(pc) =	sbr.rel @!p0 .LBB2_24-.Ltmp12, $4  }
0x339: {  	_ = 	snop  }
0x33a: {  	_ = 	snop  }
0x33b: {  	s14 =	simm.s32 $0x0  }
0x33c: {  	_ = 	snop  }
.LBB2_23:
0x33d: {  	s14 =	sadd.s32 $0x1, s14  }
0x33e: {  	p0 =	sne.s32 s14, s15  }
.Ltmp13:
0x33f: {  	_ = 	snop;
	(pc) =	sbr.rel @!p0 .LBB2_24-.Ltmp13, $1  }
0x340: {  	_ =	sdelay $0x3  }
.LBB2_20:
0x341: {  	s16 =	smulhi.u32 $0x38E38E39, s14;
	_ =	sdelay $0x1  }
0x342: {  	s18 =	sadd.s32 $0x8, s14;
	s16 =	sshrl.u32 s16, $0x1  }
0x343: {  	p0 =	sge.s32 s18, s15;
	s16 =	smul.u32 $0x9, s16  }
0x344: {  	s19 =	smulhi.u32 @!p0 $0x38E38E39, s18;
	s17 =	sshra.s32 @!p0 s18, $0x1F  }
0x345: {  	s20 =	smul.u32 @!p0 $0x38E38E39, s17;
	s17 =	ssub.s32 s14, s16  }
0x346: {  	s16 =	sadd.s32 $0x1, s17  }
0x347: {  	s19 =	sadd.s32 @!p0 s20, s19;
	_ =	swait.ge [sflag:s16], $0x2000  }
0x348: {  	s20 =	sshrl.u32 @!p0 s19, $0x1F;
	s19 =	sshra.s32 @!p0 s19, $0x1;
	[sflag:s16] =	ssyncset.done $0x0  }
0x349: {  	s19 =	sadd.s32 @!p0 s20, s19;
	[sflag:s16] =	ssyncadd.s32 $0xFFFFE000  }
0x34a: {  	s16 =	smul.u32 @!p0 $0x9, s19;
	s19 =	sld @!p0 [smem:s18+$0x180]  }
0x34b: {  	_ =	sdelay $0x1  }
0x34c: {  	s21 =	simm.s32 @!p0 $0x400;
	s16 =	ssub.s32 @!p0 s18, s16;
	s19 =	sshll.u32 @!p0 s19, $0x12  }
0x34d: {  	s18 =	sshll.u32 @!p0 s16, $0xF;
	s20 =	sadd.s32 @!p0 $0x1, s16;
	s19 =	sor.u32 @!p0 s5, s19  }
0x34e: {  	s16 =	sld [smem:s14+$0x200];
	s18 =	sshra.s32 @!p0 s18, $0x2;
	s19 =	sshrl.u32 @!p0 s19, $0x3  }
0x34f: {  	s22 =	simm.s32 @!p0 $0x8000;
	s18 =	sor.u32 @!p0 $0x80, s18;
	s19 =	sadd.s32 @!p0 s1, s19  }
0x350: {  	[tilespmem:s18], [sflag:s20] =	stream.strided.gather @!p0 [hbm4b:s19+s21], $0x2000, s22, s21, $0x38;
	[tilespmem:$0x14080] =	vst v63  }
0x351: {  	p0 =	slt.s32 s16, $0x0  }
.Ltmp14:
0x352: {  	_ = 	snop;
	(pc) =	sbr.rel @p0 .LBB2_23-.Ltmp14, $1  }
0x353: {  	_ =	sdelay $0x3  }
0x354: {  	s17 =	sshll.u32 s17, $0xD  }
0x355: {  	s17 =	sor.u32 $0x80, s17  }
.LBB2_22:
0x356: {  	v1 =	vmov s16  }
0x357: {  	v1 =	vand.u32 $0x7FFFFFFF, v1  }
0x358: {  	v2 =	vadd.s32 v0, v1;
	_ =	sdelay $0x4  }
0x359: {  	v4 =	vor.u32 $0x800, v0;
	v3 =	vld.idx.msk [tilespmem:v2+s17+$0x0], $0xffff  }
0x35a: {  	v4 =	vadd.s32 v4, v1;
	_ =	sdelay $0x3  }
0x35b: {  	[tilespmem:v2+s10+$0x0] =	vst.idx.msk $0xffff, v3  }
0x35c: {  	v3 =	vor.u32 $0x1000, v0;
	v2 =	vld.idx.msk [tilespmem:v4+s17+$0x0], $0xffff  }
0x35d: {  	v3 =	vadd.s32 v3, v1;
	_ =	sdelay $0x3  }
0x35e: {  	[tilespmem:v4+s10+$0x0] =	vst.idx.msk $0xffff, v2  }
0x35f: {  	v63 =	vor.u32 $0x1800, v0;
	v2 =	vld.idx.msk [tilespmem:v3+s17+$0x0], $0xffff  }
0x360: {  	v1 =	vadd.s32 v63, v1;
	_ =	sdelay $0x1  }
0x361: {  	s16 =	sld [smem:s16+$0x280];
	_ =	sdelay $0x1  }
0x362: {  	[tilespmem:v3+s10+$0x0] =	vst.idx.msk $0xffff, v2  }
0x363: {  	p0 =	sgt.s32 s16, $0xFFFFFFFF;
	v2 =	vld.idx.msk [tilespmem:v1+s17+$0x0], $0xffff  }
.Ltmp15:
0x364: {  	_ = 	snop;
	(pc) =	sbr.rel @p0 .LBB2_22-.Ltmp15, $2  }
0x365: {  	_ =	sdelay $0x2  }
0x366: {  	[tilespmem:v1+s10+$0x0] =	vst.idx.msk $0xffff, v2  }
.Ltmp16:
0x367: {  	_ = 	snop;
	(pc) =	sbr.rel .LBB2_23-.Ltmp16, $1  }
0x368: {  	_ =	sdelay $0x3  }
.LBB2_25:
0x369: {  	_ =	sfence.sel $0x180000  }
0x36a: {  	[bflag:$0x0] =	sbarrier.arrive $0xFFFF  }
0x36b: {  	p0 =	sne.s32 s2, $0x0;
	_ =	strace $0x90000047  }
0x36c: {  	s0 =	sadd.s32 @!p0 $0x100000, s0;
	[bflag:$0x2] =	sbarrier.arrive $0xFFFF  }
0x36d: {  	[sflag:s0] =	ssyncadd.tile.s32 @!p0 $0x1;
	_ =	shalt  }
.Lfunc_end2:
_tile_overlayer_lowered:
.L_overlay_start_2:
0x36e: {  	(tag) =	ssettag $0x2  }
0x36f: {  	s0 =	rddreg [dreg:$0x0];
	s2 =	stileid.u32  }
0x370: {  	s1 =	rddreg [dreg:$0x1];
	p0 =	sne.s32 s2, $0x0  }
0x371: {  	s3 =	rddreg [dreg:$0x2];
	[bflag:$0x3] =	sbarrier.arrive $0xFFFF;
	s2 =	simm.s32 @!p0 $0x1C0A  }
0x372: {  	[timem:s3], [sflag:s2] =	dma.local @!p0 [hbm:s0], s1  }
0x373: {  	s0 =	simm.s32 @!p0 $0xA  }
0x374: {  	_ =	swait.ge @!p0 [sflag:s0], s1  }
0x375: {  	s1 =	ssub.s32 @!p0 $0x0, s1;
	[sflag:s0] =	ssyncset.done @!p0 $0x0  }
0x376: {  	[sflag:s0] =	ssyncadd.s32 @!p0 s1  }
0x377: {  	[bflag:$0x3] =	sbarrier.arrive $0xFFFF  }
0x378: {  	_ =	shalt  }

</sc_bundles>
